<compile_context>
chip_gen: v7x
topology: tpu7x:2x2x1
jax: 0.10.2.dev20260603
libtpu: 0.0.44.dev20260713+nightly
codegen_flags: <defaults>
</compile_context>

<pallas_src>
import functools

import jax
import jax.numpy as jnp
from jax import lax
from jax.experimental import pallas as pl
from jax.experimental.pallas import tpu as pltpu
from jax.experimental.pallas import tpu_sc as plsc

N = 10000
NP = 10240
DF = 256
HALF = 128
E = 160000
EP = 163840
NS = 16
L = 16
NPT = NP // NS
EPT = EP // NS
KE = 64
CH2 = 64
CPB = 16
NCH = EPT // KE
KD = 128
NCHD = EPT // KD
GD = 64

_i32 = jnp.int32
_f32 = jnp.float32


def _sigmoid16(v):
    return 1.0 / (1.0 + jnp.exp(-v))


def _zero_vec(ref, n):
    z = jnp.zeros((L,), _f32)

    def body(i, _):
        ref[pl.ds(i * L, L)] = z
        return 0

    lax.fori_loop(0, n // L, body, 0)


@functools.partial(
    pl.kernel,
    out_type=jax.ShapeDtypeStruct((NP,), _f32),
    mesh=plsc.VectorSubcoreMesh(
        core_axis_name="c", subcore_axis_name="s", num_cores=1),
    compiler_params=pltpu.CompilerParams(needs_layout_passes=False),
    scratch_types=[
        pltpu.VMEM((NCHD, KD), _i32),
        pltpu.VMEM((NCHD, KD), _f32),
        pltpu.VMEM((NPT,), _f32),
        pltpu.VMEM_SHARED((NP,), _f32),
        pltpu.SemaphoreType.DMA,
    ],
)
def _deg_kernel(col2_hbm, ew2_hbm, deg_hbm, colblk, ewblk, zv, acc_sh, sems):
    s = lax.axis_index("s")
    nbase = s * NPT
    _zero_vec(zv, NPT)
    pltpu.sync_copy(zv, acc_sh.at[pl.ds(nbase, NPT)])
    chunk0 = s * NCHD
    pltpu.sync_copy(col2_hbm.at[pl.ds(chunk0, NCHD)], colblk)
    pltpu.sync_copy(ew2_hbm.at[pl.ds(chunk0, NCHD)], ewblk)
    plsc.subcore_barrier()

    qd = 8

    def chunk(k, _):
        pltpu.async_copy(ewblk.at[k], acc_sh.at[colblk.at[k]], sems, add=True)

        @pl.when(k >= qd)
        def _():
            pltpu.make_async_copy(
                ewblk.at[k - qd], acc_sh.at[colblk.at[k - qd]], sems).wait()

        return 0

    lax.fori_loop(0, NCHD, chunk, 0)

    def drain(k, _):
        kk = NCHD - qd + k
        pltpu.make_async_copy(
            ewblk.at[kk], acc_sh.at[colblk.at[kk]], sems).wait()
        return 0

    lax.fori_loop(0, qd, drain, 0)
    plsc.subcore_barrier()
    pltpu.sync_copy(acc_sh.at[pl.ds(nbase, NPT)], zv)
    pltpu.sync_copy(zv, deg_hbm.at[pl.ds(nbase, NPT)])


def _dis(deg_e):
    def body(d_ref, o_ref):
        o_ref[...] = lax.rsqrt(d_ref[...] + 1.0)

    out = pl.pallas_call(
        body,
        out_shape=jax.ShapeDtypeStruct((NP // 128, 128), _f32),
    )(deg_e.reshape(NP // 128, 128))
    return out.reshape(NP)


def _mm(xp, W1, disc):
    def body(x_ref, w_ref, d_ref, o_ref):
        o_ref[...] = d_ref[...] * jnp.dot(
            x_ref[...], w_ref[...], preferred_element_type=_f32)

    rb = 512
    return pl.pallas_call(
        body,
        grid=(2, NP // rb),
        in_specs=[
            pl.BlockSpec((rb, DF), lambda p, i: (i, 0)),
            pl.BlockSpec((DF, HALF), lambda p, i: (0, p)),
            pl.BlockSpec((rb, 1), lambda p, i: (i, 0)),
        ],
        out_specs=pl.BlockSpec((rb, HALF), lambda p, i: (p * (NP // rb) + i, 0)),
        out_shape=jax.ShapeDtypeStruct((2 * NP, HALF), _f32),
    )(xp, W1, disc)


@functools.partial(
    pl.kernel,
    out_type=jax.ShapeDtypeStruct((2, NP, HALF), _f32),
    mesh=plsc.VectorSubcoreMesh(
        core_axis_name="c", subcore_axis_name="s", num_cores=2),
    compiler_params=pltpu.CompilerParams(needs_layout_passes=False),
    scratch_types=[
        pltpu.VMEM((CPB, KE), _i32),
        pltpu.VMEM((2, CPB, KE), _i32),
        pltpu.VMEM((CPB, KE), _f32),
        [pltpu.VMEM((KE,), _i32)] * 4,
        [pltpu.VMEM((KE,), _f32)] * 4,
        [pltpu.VMEM((KE, HALF), _f32)] * 4,
        pltpu.VMEM((HALF,), _f32),
        pltpu.VMEM((NPT,), _f32),
        pltpu.VMEM_SHARED((NP, HALF), _f32),
        [pltpu.SemaphoreType.DMA] * 4,
        [pltpu.SemaphoreType.DMA] * 4,
    ],
)
def _agg1_kernel(row2_hbm, col2_hbm, ew2_hbm, h_hbm, dis_hbm, b1_hbm, out_hbm,
                 rowblk, colblk, ewblk, rv, sv, rows,
                 b1v, disown, acc_sh, semg, sems):
    c = lax.axis_index("c")
    s = lax.axis_index("s")
    nbase = s * NPT
    shift = c * NP
    chunk0 = s * NCH

    def load_block(blk):
        bp = lax.rem(blk, 2)
        r0 = chunk0 + blk * CPB
        pltpu.sync_copy(row2_hbm.at[pl.ds(r0, CPB)], rowblk)
        pltpu.sync_copy(ew2_hbm.at[pl.ds(r0, CPB)], ewblk)
        pltpu.sync_copy(col2_hbm.at[pl.ds(r0, CPB)], colblk.at[bp])

    def prep(m, i):
        kr = lax.rem(m, CPB)
        for g in range(KE // L):
            sl = pl.ds(g * L, L)
            rv[i][sl] = rowblk[kr, sl] + shift
            sv[i][sl] = ewblk[kr, sl]

    def fire_gather(m, i):
        pltpu.async_copy(h_hbm.at[rv[i]], rows[i], semg[i])

    def wait_gather(m, i):
        pltpu.make_async_copy(h_hbm.at[rv[i]], rows[i], semg[i]).wait()

    def scale(i):
        def eb(p, _):
            for o in range(2):
                e = 2 * p + o
                sb = plsc.load_gather(sv[i], [jnp.full((L,), e, _i32)])
                for j in range(HALF // L):
                    sl = pl.ds(j * L, L)
                    rows[i][e, sl] = rows[i][e, sl] * sb
            return 0

        lax.fori_loop(0, KE // 2, eb, 0)

    def scat_refs(m, i):
        bp = lax.rem(m // CPB, 2)
        kr = lax.rem(m, CPB)
        return rows[i], acc_sh.at[colblk.at[bp, kr]]

    def fire_scatter(m, i):
        srf, drf = scat_refs(m, i)
        pltpu.async_copy(srf, drf, sems[i], add=True)

    def wait_scatter(m, i):
        srf, drf = scat_refs(m, i)
        pltpu.make_async_copy(srf, drf, sems[i]).wait()

    pltpu.sync_copy(dis_hbm.at[pl.ds(nbase, NPT)], disown)
    pltpu.sync_copy(b1_hbm.at[pl.ds(c * HALF, HALF)], b1v)

    def zrow(i, _):
        for j in range(HALF // L):
            rows[0][i, pl.ds(j * L, L)] = jnp.zeros((L,), _f32)
        return 0

    lax.fori_loop(0, KE, zrow, 0)
    for t in range(NPT // KE):
        pltpu.sync_copy(rows[0], acc_sh.at[pl.ds(nbase + t * KE, KE)])
    plsc.subcore_barrier()

    load_block(0)
    prep(0, 0)
    fire_gather(0, 0)
    prep(1, 1)
    fire_gather(1, 1)

    def sub(m, i):
        wait_gather(m, i)
        scale(i)
        fire_scatter(m, i)
        i2 = (i + 2) % 4

        @pl.when(m + 2 <= NCH - 1)
        def _():
            @pl.when(lax.rem(m + 2, CPB) == 0)
            def _():
                load_block((m + 2) // CPB)

            prep(m + 2, i2)

            @pl.when(m >= 2)
            def _():
                wait_scatter(m - 2, i2)

            fire_gather(m + 2, i2)

        @pl.when(jnp.logical_and(m + 2 > NCH - 1, m >= 2))
        def _():
            wait_scatter(m - 2, i2)

    def quad(q, _):
        m = 4 * q
        for i in range(4):
            sub(m + i, i)
        return 0

    lax.fori_loop(0, NCH // 4, quad, 0)
    wait_scatter(NCH - 2, (NCH - 2) % 4)
    wait_scatter(NCH - 1, (NCH - 1) % 4)
    plsc.subcore_barrier()

    def post(t, _):
        node0 = nbase + t * CH2
        pltpu.sync_copy(acc_sh.at[pl.ds(node0, CH2)], rows[0])
        pltpu.sync_copy(h_hbm.at[pl.ds(shift + node0, CH2)], rows[1])

        def ebody(e, _):
            db = plsc.load_gather(disown, [jnp.full((L,), t * CH2 + e, _i32)])
            for j in range(HALF // L):
                sl2 = pl.ds(j * L, L)
                v = (rows[0][e, sl2] + rows[1][e, sl2]) * db + b1v[sl2]
                rows[0][e, sl2] = _sigmoid16(v)
            return 0

        lax.fori_loop(0, CH2, ebody, 0)
        pltpu.sync_copy(rows[0], out_hbm.at[c, pl.ds(node0, CH2)])
        return 0

    lax.fori_loop(0, NPT // CH2, post, 0)


@functools.partial(
    pl.kernel,
    out_type=[jax.ShapeDtypeStruct((2, NP), _f32),
              jax.ShapeDtypeStruct((NP,), _f32)],
    mesh=plsc.VectorSubcoreMesh(
        core_axis_name="c", subcore_axis_name="s", num_cores=2),
    compiler_params=pltpu.CompilerParams(needs_layout_passes=False),
    scratch_types=[
        pltpu.VMEM((GD, HALF), _f32),
        pltpu.VMEM((GD, HALF), _f32),
        pltpu.VMEM((HALF,), _f32),
        pltpu.VMEM((HALF,), _f32),
        pltpu.VMEM((NPT,), _f32),
        pltpu.VMEM((NPT,), _f32),
        pltpu.VMEM((NPT,), _f32),
        pltpu.VMEM((NP,), _f32),
        pltpu.VMEM((NCHD, KD), _i32),
        pltpu.VMEM((NCHD, KD), _i32),
        pltpu.VMEM((NCHD, KD), _f32),
        pltpu.VMEM((8, KD), _f32),
        pltpu.VMEM_SHARED((NP,), _f32),
        pltpu.VMEM_SHARED((NP,), _f32),
        pltpu.SemaphoreType.DMA,
    ],
)
def _agg2_kernel(h1_hbm, w2_hbm, row2_hbm, col2_hbm, ew2_hbm, dis_hbm,
                 z2p_hbm, g2_hbm, ha, hb, w2a, w2b, degv, disown, gv,
                 g_full, rowblk, colblk, ewblk, valr, g_sh, acc_sh, sems):
    cc = lax.axis_index("c")
    s = lax.axis_index("s")
    nbase = s * NPT
    iota = lax.iota(_i32, L)

    pltpu.sync_copy(w2_hbm.at[pl.ds(0, HALF)], w2a)
    pltpu.sync_copy(w2_hbm.at[pl.ds(HALF, HALF)], w2b)
    pltpu.sync_copy(dis_hbm.at[pl.ds(nbase, NPT)], disown)
    chunk0 = s * NCHD
    pltpu.sync_copy(row2_hbm.at[pl.ds(chunk0, NCHD)], rowblk)
    pltpu.sync_copy(col2_hbm.at[pl.ds(chunk0, NCHD)], colblk)
    pltpu.sync_copy(ew2_hbm.at[pl.ds(chunk0, NCHD)], ewblk)

    _zero_vec(degv, NPT)
    pltpu.sync_copy(degv, acc_sh.at[pl.ds(nbase, NPT)])

    def blk(t, _):
        off0 = t * GD
        n0 = nbase + off0
        pltpu.sync_copy(h1_hbm.at[0, pl.ds(n0, GD)], ha)
        pltpu.sync_copy(h1_hbm.at[1, pl.ds(n0, GD)], hb)

        def grp(gi, _):
            off = gi * L

            def jb(jq, acc):
                for o in range(4):
                    j = 4 * jq + o
                    jj = jnp.full((L,), j, _i32)
                    acc = acc + plsc.load_gather(
                        ha, [off + iota, jj]) * plsc.load_gather(w2a, [jj])
                    acc = acc + plsc.load_gather(
                        hb, [off + iota, jj]) * plsc.load_gather(w2b, [jj])
                return acc

            acc = lax.fori_loop(0, HALF // 4, jb, jnp.zeros((L,), _f32))
            o2 = off0 + off
            gv[pl.ds(o2, L)] = acc * plsc.load_gather(disown, [o2 + iota])
            return 0

        lax.fori_loop(0, GD // L, grp, 0)
        return 0

    lax.fori_loop(0, NPT // GD, blk, 0)
    pltpu.sync_copy(gv, g_sh.at[pl.ds(nbase, NPT)])
    plsc.subcore_barrier()
    pltpu.sync_copy(g_sh, g_full)

    qd = 8
    khalf = NCHD // 2
    k0 = cc * khalf

    def chunk(k2, _):
        k = k0 + k2
        kq = lax.rem(k2, qd)

        @pl.when(k2 >= qd)
        def _():
            pltpu.make_async_copy(
                valr.at[kq], acc_sh.at[colblk.at[k - qd]], sems).wait()

        for g in range(KD // L):
            sl = pl.ds(g * L, L)
            valr[kq, sl] = ewblk[k, sl] * plsc.load_gather(
                g_full, [rowblk[k, sl]])
        pltpu.async_copy(valr.at[kq], acc_sh.at[colblk.at[k]], sems, add=True)
        return 0

    lax.fori_loop(0, khalf, chunk, 0)

    def drain(k2, _):
        kk = k0 + khalf - qd + k2
        pltpu.make_async_copy(
            valr.at[lax.rem(khalf - qd + k2, qd)],
            acc_sh.at[colblk.at[kk]], sems).wait()
        return 0

    lax.fori_loop(0, qd, drain, 0)
    plsc.subcore_barrier()

    pltpu.sync_copy(acc_sh.at[pl.ds(nbase, NPT)], degv)
    pltpu.sync_copy(degv, z2p_hbm.at[cc, pl.ds(nbase, NPT)])

    @pl.when(cc == 0)
    def _():
        pltpu.sync_copy(gv, g2_hbm.at[pl.ds(nbase, NPT)])


def _fin(z2p, g2, dis, b2):
    def body(p_ref, g_ref, d_ref, b_ref, o_ref):
        z = d_ref[...] * (p_ref[0] + p_ref[1] + g_ref[...]) + b_ref[...]
        o_ref[...] = jax.nn.sigmoid(z)

    out = pl.pallas_call(
        body,
        out_shape=jax.ShapeDtypeStruct((NP // 128, 128), _f32),
    )(z2p.reshape(2, NP // 128, 128), g2.reshape(NP // 128, 128),
      dis.reshape(NP // 128, 128), b2.reshape(1, 1))
    return out.reshape(NP)


def kernel(x, edge_index, edge_attr, W1, b1, W2, b2):
    row = edge_index[0].astype(_i32)
    col = edge_index[1].astype(_i32)
    ew = jnp.squeeze(edge_attr, axis=-1)
    npad = EP - E
    spread = (jnp.arange(npad, dtype=_i32) * 13) % N
    rowp = jnp.concatenate([row, spread])
    colp = jnp.concatenate([col, spread])
    ewp = jnp.concatenate([ew, jnp.zeros((npad,), _f32)])
    r128, c128, w128 = (a.reshape(-1, KD) for a in (rowp, colp, ewp))
    xp = jnp.pad(x, ((0, NP - N), (0, 0)))
    deg_e = _deg_kernel(c128, w128)
    dis = _dis(deg_e)
    h = _mm(xp, W1, dis[:, None])
    r64, c64, w64 = (a.reshape(-1, KE) for a in (rowp, colp, ewp))
    h1 = _agg1_kernel(r64, c64, w64, h, dis, b1)
    z2p, g2 = _agg2_kernel(h1, W2[:, 0], r128, c128, w128, dis)
    out = _fin(z2p, g2, dis, b2)
    return out[:N, None]

# --- scband reference (transcript-rebuilt; emitter-appended) ---
"""Pipeline reference for scband-discriminator-45621142618388 (READ-ONLY COPY).

The authoritative reference and input builder live on the scoring server;
editing this copy changes nothing except your own understanding.
"""

import jax, jax.numpy as jnp
import numpy as np

N_NODES = 10000
D = 256  # N_TARGET_NODES
E = 160000


def gcn_conv(x, edge_index, edge_weight, W, b):
    # Faithful PyG GCNConv: add self-loops (weight 1), symmetric normalization,
    # linear transform, scatter-add aggregation at target nodes, bias.
    N = x.shape[0]
    row = edge_index[0]
    col = edge_index[1]
    loop = jnp.arange(N, dtype=edge_index.dtype)
    row = jnp.concatenate([row, loop])
    col = jnp.concatenate([col, loop])
    ew = jnp.concatenate([edge_weight, jnp.ones((N,), dtype=x.dtype)])
    deg = jnp.zeros((N,), dtype=x.dtype).at[col].add(ew)
    deg_inv_sqrt = jnp.where(deg > 0, deg ** -0.5, 0.0)
    norm = deg_inv_sqrt[row] * ew * deg_inv_sqrt[col]
    h = x @ W
    msg = h[row] * norm[:, None]
    out = jnp.zeros((N, h.shape[1]), dtype=x.dtype).at[col].add(msg)
    return out + b


def setup_inputs(seed: int = 0) -> dict:
    key = jax.random.key(seed)
    k1, k2, k3, k4, k5 = jax.random.split(key, 5)
    x = jax.random.normal(k1, (N_NODES, D), dtype=jnp.float32)
    edge_index = jax.random.randint(k2, (2, E), 0, N_NODES, dtype=jnp.int64)
    edge_attr = jax.random.uniform(k3, (E, 1), dtype=jnp.float32)
    W1 = jax.random.normal(k4, (D, D), dtype=jnp.float32) * 0.05
    b1 = jnp.zeros((D,), dtype=jnp.float32)
    W2 = jax.random.normal(k5, (D, 1), dtype=jnp.float32) * 0.05
    b2 = jnp.zeros((1,), dtype=jnp.float32)
    return {"x": x, "edge_index": edge_index, "edge_attr": edge_attr,
            "W1": W1, "b1": b1, "W2": W2, "b2": b2}


def reference(x, edge_index, edge_attr, W1, b1, W2, b2):
    # edge_attr.squeeze() -> edge weights [E]
    ew = jnp.squeeze(edge_attr, axis=-1)
    h = jax.nn.sigmoid(gcn_conv(x, edge_index, ew, W1, b1))
    # F.dropout in eval mode == identity
    out = jax.nn.sigmoid(gcn_conv(h, edge_index, ew, W2, b2))
    return out  # [N_NODES, 1]

if __name__ == "__main__":
    import jax
    _d = setup_inputs()
    print(jax.jit(kernel)(*tuple(_d.values())))

</pallas_src>

<mosaic_0001>
#map = affine_map<(d0, d1) -> (0, 0)>
#map1 = affine_map<(d0, d1) -> (0)>
module attributes {stable_mosaic.version = 14 : i64} {
  func.func @_deg_kernel(%arg0: i32, %arg1: i32, %arg2: memref<1280x128xi32, #tpu.memory_space<hbm>>, %arg3: memref<1280x128xf32, #tpu.memory_space<hbm>>, %arg4: memref<10240xf32, #tpu.memory_space<hbm>>, %arg5: memref<80x128xi32, #tpu.memory_space<vmem>>, %arg6: memref<80x128xf32, #tpu.memory_space<vmem>>, %arg7: memref<640xf32, #tpu.memory_space<vmem>>, %arg8: memref<10240xf32, #tpu.memory_space<vmem_shared>>, %arg9: memref<!tpu.dma_semaphore, #tpu.memory_space<semaphore_mem>>) attributes {dimension_semantics = [#tpu.dimension_semantics<core_parallel>, #tpu.dimension_semantics<subcore_parallel>], iteration_bounds = array<i64: 1, 16>, scalar_prefetch = 0 : i64, scratch_operands = 5 : i64, tpu.core_type = #tpu.core_type<sc_vector_subcore>, window_params = [{transform_indices = #map}, {transform_indices = #map}, {transform_indices = #map1}]} {
    %mul3A = arith.constant 640 : i32
    %mul3A_0 = arith.muli %arg1, %mul3A : i32
    %broadcast_in_dim3A = arith.constant 0.000000e+00 : f32
    %broadcast_in_dim3A_1 = vector.broadcast %broadcast_in_dim3A : f32 to vector<16xf32>
    %scan3A = arith.constant 0 : i32
    %scan3A_2 = arith.constant 0 : i32
    %scan3A_3 = arith.constant 40 : i32
    %scan3A_4 = arith.addi %scan3A_2, %scan3A_3 : i32
    %scan3A_5 = arith.constant 1 : i32
    %scan3A_6 = scf.for %scan3A_25 = %scan3A_2 to %scan3A_4 step %scan3A_5 iter_args(%scan3A_26 = %scan3A) -> (i32)  : i32 {
      %mul3A_27 = arith.constant 16 : i32
      %mul3A_28 = arith.muli %scan3A_25, %mul3A_27 : i32
      %swap3A = arith.index_cast %mul3A_28 : i32 to index
      %swap3A_29 = tpu.vector_load %arg7[%swap3A] {strides = array<i32>} : memref<640xf32, #tpu.memory_space<vmem>>, vector<16xf32>,
      tpu.vector_store %arg7[%swap3A], %broadcast_in_dim3A_1 {strides = array<i32>} : memref<640xf32, #tpu.memory_space<vmem>>, vector<16xf32>,
      %scan3A_30 = arith.constant 0 : i32
      scf.yield %scan3A_30 : i32
    }
    %scan3A_7 = arith.constant 40 : i32
    "tpu.region"() ({
      %run_scoped3A = tpu.sem_alloc : memref<!tpu.dma_semaphore, #tpu.memory_space<semaphore_mem>>
      %dma_start3A = tpu.memref_slice %arg8[%mul3A_0] : memref<10240xf32, #tpu.memory_space<vmem_shared>> -> memref<640xf32, #tpu.memory_space<vmem_shared>>
      %dma_start3A_25 = tpu.memref_slice %arg8[%mul3A_0] : memref<10240xf32, #tpu.memory_space<vmem_shared>> -> memref<640xf32, #tpu.memory_space<vmem_shared>>
      tpu.enqueue_dma source(%arg7 : memref<640xf32, #tpu.memory_space<vmem>>) target(%dma_start3A_25 : memref<640xf32, #tpu.memory_space<vmem_shared>>) target_semaphore(%run_scoped3A : memref<!tpu.dma_semaphore, #tpu.memory_space<semaphore_mem>>)
      %dma_wait3A = tpu.memref_slice %arg8[%mul3A_0] : memref<10240xf32, #tpu.memory_space<vmem_shared>> -> memref<640xf32, #tpu.memory_space<vmem_shared>>
      %dma_wait3A_26 = tpu.memref_slice %arg8[%mul3A_0] : memref<10240xf32, #tpu.memory_space<vmem_shared>> -> memref<640xf32, #tpu.memory_space<vmem_shared>>
      tpu.wait_dma2 semaphore(%run_scoped3A : memref<!tpu.dma_semaphore, #tpu.memory_space<semaphore_mem>>) src(%arg7 : memref<640xf32, #tpu.memory_space<vmem>>) dst(%dma_wait3A_26 : memref<640xf32, #tpu.memory_space<vmem_shared>>)
      tpu.yield
    }) : () -> ()
    %mul3A_8 = arith.constant 80 : i32
    %mul3A_9 = arith.muli %arg1, %mul3A_8 : i32
    "tpu.region"() ({
      %run_scoped3A = tpu.sem_alloc : memref<!tpu.dma_semaphore, #tpu.memory_space<semaphore_mem>>
      %dma_start3A = arith.constant 0 : i32
      %dma_start3A_25 = tpu.memref_slice %arg2[%mul3A_9, %dma_start3A] : memref<1280x128xi32, #tpu.memory_space<hbm>> -> memref<80x128xi32, #tpu.memory_space<hbm>>
      %dma_start3A_26 = arith.constant 0 : i32
      %dma_start3A_27 = tpu.memref_slice %arg2[%mul3A_9, %dma_start3A_26] : memref<1280x128xi32, #tpu.memory_space<hbm>> -> memref<80x128xi32, #tpu.memory_space<hbm>>
      tpu.enqueue_dma source(%dma_start3A_27 : memref<80x128xi32, #tpu.memory_space<hbm>>) target(%arg5 : memref<80x128xi32, #tpu.memory_space<vmem>>) target_semaphore(%run_scoped3A : memref<!tpu.dma_semaphore, #tpu.memory_space<semaphore_mem>>)
      %dma_wait3A = arith.constant 0 : i32
      %dma_wait3A_28 = tpu.memref_slice %arg2[%mul3A_9, %dma_wait3A] : memref<1280x128xi32, #tpu.memory_space<hbm>> -> memref<80x128xi32, #tpu.memory_space<hbm>>
      %dma_wait3A_29 = arith.constant 0 : i32
      %dma_wait3A_30 = tpu.memref_slice %arg2[%mul3A_9, %dma_wait3A_29] : memref<1280x128xi32, #tpu.memory_space<hbm>> -> memref<80x128xi32, #tpu.memory_space<hbm>>
      tpu.wait_dma2 semaphore(%run_scoped3A : memref<!tpu.dma_semaphore, #tpu.memory_space<semaphore_mem>>) src(%dma_wait3A_30 : memref<80x128xi32, #tpu.memory_space<hbm>>) dst(%arg5 : memref<80x128xi32, #tpu.memory_space<vmem>>)
      tpu.yield
    }) : () -> ()
    "tpu.region"() ({
      %run_scoped3A = tpu.sem_alloc : memref<!tpu.dma_semaphore, #tpu.memory_space<semaphore_mem>>
      %dma_start3A = arith.constant 0 : i32
      %dma_start3A_25 = tpu.memref_slice %arg3[%mul3A_9, %dma_start3A] : memref<1280x128xf32, #tpu.memory_space<hbm>> -> memref<80x128xf32, #tpu.memory_space<hbm>>
      %dma_start3A_26 = arith.constant 0 : i32
      %dma_start3A_27 = tpu.memref_slice %arg3[%mul3A_9, %dma_start3A_26] : memref<1280x128xf32, #tpu.memory_space<hbm>> -> memref<80x128xf32, #tpu.memory_space<hbm>>
      tpu.enqueue_dma source(%dma_start3A_27 : memref<80x128xf32, #tpu.memory_space<hbm>>) target(%arg6 : memref<80x128xf32, #tpu.memory_space<vmem>>) target_semaphore(%run_scoped3A : memref<!tpu.dma_semaphore, #tpu.memory_space<semaphore_mem>>)
      %dma_wait3A = arith.constant 0 : i32
      %dma_wait3A_28 = tpu.memref_slice %arg3[%mul3A_9, %dma_wait3A] : memref<1280x128xf32, #tpu.memory_space<hbm>> -> memref<80x128xf32, #tpu.memory_space<hbm>>
      %dma_wait3A_29 = arith.constant 0 : i32
      %dma_wait3A_30 = tpu.memref_slice %arg3[%mul3A_9, %dma_wait3A_29] : memref<1280x128xf32, #tpu.memory_space<hbm>> -> memref<80x128xf32, #tpu.memory_space<hbm>>
      tpu.wait_dma2 semaphore(%run_scoped3A : memref<!tpu.dma_semaphore, #tpu.memory_space<semaphore_mem>>) src(%dma_wait3A_30 : memref<80x128xf32, #tpu.memory_space<hbm>>) dst(%arg6 : memref<80x128xf32, #tpu.memory_space<vmem>>)
      tpu.yield
    }) : () -> ()
    %barrier3A = arith.constant 0 : index
    tpu.barrier barrier_id(%barrier3A)
    %scan3A_10 = arith.constant 0 : i32
    %scan3A_11 = arith.constant 0 : i32
    %scan3A_12 = arith.constant 80 : i32
    %scan3A_13 = arith.addi %scan3A_11, %scan3A_12 : i32
    %scan3A_14 = arith.constant 1 : i32
    %scan3A_15 = scf.for %scan3A_25 = %scan3A_11 to %scan3A_13 step %scan3A_14 iter_args(%scan3A_26 = %scan3A_10) -> (i32)  : i32 {
      %dma_start3A = arith.constant 0 : i32
      %dma_start3A_27 = tpu.memref_slice %arg6[%scan3A_25, %dma_start3A] : memref<80x128xf32, #tpu.memory_space<vmem>> -> memref<1x128xf32, #tpu.memory_space<vmem>>
      %dma_start3A_28 = tpu.memref_squeeze %dma_start3A_27 : memref<1x128xf32, #tpu.memory_space<vmem>> -> memref<128xf32, #tpu.memory_space<vmem>>
      %dma_start3A_29 = arith.constant 0 : i32
      %dma_start3A_30 = tpu.memref_slice %arg5[%scan3A_25, %dma_start3A_29] : memref<80x128xi32, #tpu.memory_space<vmem>> -> memref<1x128xi32, #tpu.memory_space<vmem>>
      %dma_start3A_31 = tpu.memref_squeeze %dma_start3A_30 : memref<1x128xi32, #tpu.memory_space<vmem>> -> memref<128xi32, #tpu.memory_space<vmem>>
      %dma_start3A_32 = arith.constant 0 : i32
      %dma_start3A_33 = tpu.memref_slice %arg8[%dma_start3A_32] : memref<10240xf32, #tpu.memory_space<vmem_shared>> -> memref<10240xf32, #tpu.memory_space<vmem_shared>>
      tpu.enqueue_indirect_dma source(%dma_start3A_28 : memref<128xf32, #tpu.memory_space<vmem>>) target(%dma_start3A_33 : memref<10240xf32, #tpu.memory_space<vmem_shared>>) offsets(%dma_start3A_31 : memref<128xi32, #tpu.memory_space<vmem>>) semaphore(%arg9 : memref<!tpu.dma_semaphore, #tpu.memory_space<semaphore_mem>>) {add = true}
      %ge3A = arith.constant 8 : i32
      %ge3A_34 = arith.cmpi sge, %scan3A_25, %ge3A : i32
      %convert_element_type3A = arith.extui %ge3A_34 : i1 to i32
      %cond3A = arith.constant 0 : i32
      %cond3A_35 = arith.cmpi ne, %convert_element_type3A, %cond3A : i32
      scf.if %cond3A_35 {
        %sub3A = arith.constant 8 : i32
        %sub3A_37 = arith.subi %scan3A_25, %sub3A : i32
        %sub3A_38 = arith.constant 8 : i32
        %sub3A_39 = arith.subi %scan3A_25, %sub3A_38 : i32
        %dma_wait3A = arith.constant 0 : i32
        %dma_wait3A_40 = tpu.memref_slice %arg6[%sub3A_37, %dma_wait3A] : memref<80x128xf32, #tpu.memory_space<vmem>> -> memref<1x128xf32, #tpu.memory_space<vmem>>
        %dma_wait3A_41 = tpu.memref_squeeze %dma_wait3A_40 : memref<1x128xf32, #tpu.memory_space<vmem>> -> memref<128xf32, #tpu.memory_space<vmem>>
        %dma_wait3A_42 = arith.constant 0 : i32
        %dma_wait3A_43 = tpu.memref_slice %arg5[%sub3A_39, %dma_wait3A_42] : memref<80x128xi32, #tpu.memory_space<vmem>> -> memref<1x128xi32, #tpu.memory_space<vmem>>
        %dma_wait3A_44 = tpu.memref_squeeze %dma_wait3A_43 : memref<1x128xi32, #tpu.memory_space<vmem>> -> memref<128xi32, #tpu.memory_space<vmem>>
        %dma_wait3A_45 = arith.constant 0 : i32
        %dma_wait3A_46 = tpu.memref_slice %arg8[%dma_wait3A_45] : memref<10240xf32, #tpu.memory_space<vmem_shared>> -> memref<10240xf32, #tpu.memory_space<vmem_shared>>
        tpu.wait_indirect_dma semaphore(%arg9 : memref<!tpu.dma_semaphore, #tpu.memory_space<semaphore_mem>>) src(%dma_wait3A_41 : memref<128xf32, #tpu.memory_space<vmem>>) dst(%dma_wait3A_46 : memref<10240xf32, #tpu.memory_space<vmem_shared>>)
      } else {
      }
      %scan3A_36 = arith.constant 0 : i32
      scf.yield %scan3A_36 : i32
    }
    %scan3A_16 = arith.constant 80 : i32
    %scan3A_17 = arith.constant 0 : i32
    %scan3A_18 = arith.constant 0 : i32
    %scan3A_19 = arith.constant 8 : i32
    %scan3A_20 = arith.addi %scan3A_18, %scan3A_19 : i32
    %scan3A_21 = arith.constant 1 : i32
    %scan3A_22 = scf.for %scan3A_25 = %scan3A_18 to %scan3A_20 step %scan3A_21 iter_args(%scan3A_26 = %scan3A_17) -> (i32)  : i32 {
      %add3A = arith.constant 72 : i32
      %add3A_27 = arith.addi %add3A, %scan3A_25 : i32
      %dma_wait3A = arith.constant 0 : i32
      %dma_wait3A_28 = tpu.memref_slice %arg6[%add3A_27, %dma_wait3A] : memref<80x128xf32, #tpu.memory_space<vmem>> -> memref<1x128xf32, #tpu.memory_space<vmem>>
      %dma_wait3A_29 = tpu.memref_squeeze %dma_wait3A_28 : memref<1x128xf32, #tpu.memory_space<vmem>> -> memref<128xf32, #tpu.memory_space<vmem>>
      %dma_wait3A_30 = arith.constant 0 : i32
      %dma_wait3A_31 = tpu.memref_slice %arg5[%add3A_27, %dma_wait3A_30] : memref<80x128xi32, #tpu.memory_space<vmem>> -> memref<1x128xi32, #tpu.memory_space<vmem>>
      %dma_wait3A_32 = tpu.memref_squeeze %dma_wait3A_31 : memref<1x128xi32, #tpu.memory_space<vmem>> -> memref<128xi32, #tpu.memory_space<vmem>>
      %dma_wait3A_33 = arith.constant 0 : i32
      %dma_wait3A_34 = tpu.memref_slice %arg8[%dma_wait3A_33] : memref<10240xf32, #tpu.memory_space<vmem_shared>> -> memref<10240xf32, #tpu.memory_space<vmem_shared>>
      tpu.wait_indirect_dma semaphore(%arg9 : memref<!tpu.dma_semaphore, #tpu.memory_space<semaphore_mem>>) src(%dma_wait3A_29 : memref<128xf32, #tpu.memory_space<vmem>>) dst(%dma_wait3A_34 : memref<10240xf32, #tpu.memory_space<vmem_shared>>)
      %scan3A_35 = arith.constant 0 : i32
      scf.yield %scan3A_35 : i32
    }
    %scan3A_23 = arith.constant 8 : i32
    %barrier3A_24 = arith.constant 0 : index
    tpu.barrier barrier_id(%barrier3A_24)
    "tpu.region"() ({
      %run_scoped3A = tpu.sem_alloc : memref<!tpu.dma_semaphore, #tpu.memory_space<semaphore_mem>>
      %dma_start3A = tpu.memref_slice %arg8[%mul3A_0] : memref<10240xf32, #tpu.memory_space<vmem_shared>> -> memref<640xf32, #tpu.memory_space<vmem_shared>>
      %dma_start3A_25 = tpu.memref_slice %arg8[%mul3A_0] : memref<10240xf32, #tpu.memory_space<vmem_shared>> -> memref<640xf32, #tpu.memory_space<vmem_shared>>
      tpu.enqueue_dma source(%dma_start3A_25 : memref<640xf32, #tpu.memory_space<vmem_shared>>) target(%arg7 : memref<640xf32, #tpu.memory_space<vmem>>) target_semaphore(%run_scoped3A : memref<!tpu.dma_semaphore, #tpu.memory_space<semaphore_mem>>)
      %dma_wait3A = tpu.memref_slice %arg8[%mul3A_0] : memref<10240xf32, #tpu.memory_space<vmem_shared>> -> memref<640xf32, #tpu.memory_space<vmem_shared>>
      %dma_wait3A_26 = tpu.memref_slice %arg8[%mul3A_0] : memref<10240xf32, #tpu.memory_space<vmem_shared>> -> memref<640xf32, #tpu.memory_space<vmem_shared>>
      tpu.wait_dma2 semaphore(%run_scoped3A : memref<!tpu.dma_semaphore, #tpu.memory_space<semaphore_mem>>) src(%dma_wait3A_26 : memref<640xf32, #tpu.memory_space<vmem_shared>>) dst(%arg7 : memref<640xf32, #tpu.memory_space<vmem>>)
      tpu.yield
    }) : () -> ()
    "tpu.region"() ({
      %run_scoped3A = tpu.sem_alloc : memref<!tpu.dma_semaphore, #tpu.memory_space<semaphore_mem>>
      %dma_start3A = tpu.memref_slice %arg4[%mul3A_0] : memref<10240xf32, #tpu.memory_space<hbm>> -> memref<640xf32, #tpu.memory_space<hbm>>
      %dma_start3A_25 = tpu.memref_slice %arg4[%mul3A_0] : memref<10240xf32, #tpu.memory_space<hbm>> -> memref<640xf32, #tpu.memory_space<hbm>>
      tpu.enqueue_dma source(%arg7 : memref<640xf32, #tpu.memory_space<vmem>>) target(%dma_start3A_25 : memref<640xf32, #tpu.memory_space<hbm>>) target_semaphore(%run_scoped3A : memref<!tpu.dma_semaphore, #tpu.memory_space<semaphore_mem>>)
      %dma_wait3A = tpu.memref_slice %arg4[%mul3A_0] : memref<10240xf32, #tpu.memory_space<hbm>> -> memref<640xf32, #tpu.memory_space<hbm>>
      %dma_wait3A_26 = tpu.memref_slice %arg4[%mul3A_0] : memref<10240xf32, #tpu.memory_space<hbm>> -> memref<640xf32, #tpu.memory_space<hbm>>
      tpu.wait_dma2 semaphore(%run_scoped3A : memref<!tpu.dma_semaphore, #tpu.memory_space<semaphore_mem>>) src(%arg7 : memref<640xf32, #tpu.memory_space<vmem>>) dst(%dma_wait3A_26 : memref<640xf32, #tpu.memory_space<hbm>>)
      tpu.yield
    }) : () -> ()
    return
  }
}

#map = affine_map<(d0, d1) -> (0, 0, 0)>
#map1 = affine_map<(d0, d1) -> (0)>
#map2 = affine_map<(d0, d1) -> (0, 0)>
module attributes {stable_mosaic.version = 14 : i64} {
  func.func @_agg2_kernel(%arg0: i32, %arg1: i32, %arg2: memref<2x10240x128xf32, #tpu.memory_space<hbm>>, %arg3: memref<256xf32, #tpu.memory_space<hbm>>, %arg4: memref<1280x128xi32, #tpu.memory_space<hbm>>, %arg5: memref<1280x128xi32, #tpu.memory_space<hbm>>, %arg6: memref<1280x128xf32, #tpu.memory_space<hbm>>, %arg7: memref<10240xf32, #tpu.memory_space<hbm>>, %arg8: memref<2x10240xf32, #tpu.memory_space<hbm>>, %arg9: memref<10240xf32, #tpu.memory_space<hbm>>, %arg10: memref<64x128xf32, #tpu.memory_space<vmem>>, %arg11: memref<64x128xf32, #tpu.memory_space<vmem>>, %arg12: memref<128xf32, #tpu.memory_space<vmem>>, %arg13: memref<128xf32, #tpu.memory_space<vmem>>, %arg14: memref<640xf32, #tpu.memory_space<vmem>>, %arg15: memref<640xf32, #tpu.memory_space<vmem>>, %arg16: memref<640xf32, #tpu.memory_space<vmem>>, %arg17: memref<10240xf32, #tpu.memory_space<vmem>>, %arg18: memref<80x128xi32, #tpu.memory_space<vmem>>, %arg19: memref<80x128xi32, #tpu.memory_space<vmem>>, %arg20: memref<80x128xf32, #tpu.memory_space<vmem>>, %arg21: memref<8x128xf32, #tpu.memory_space<vmem>>, %arg22: memref<10240xf32, #tpu.memory_space<vmem_shared>>, %arg23: memref<10240xf32, #tpu.memory_space<vmem_shared>>, %arg24: memref<!tpu.dma_semaphore, #tpu.memory_space<semaphore_mem>>) attributes {dimension_semantics = [#tpu.dimension_semantics<core_parallel>, #tpu.dimension_semantics<subcore_parallel>], iteration_bounds = array<i64: 2, 16>, scalar_prefetch = 0 : i64, scratch_operands = 15 : i64, tpu.core_type = #tpu.core_type<sc_vector_subcore>, window_params = [{transform_indices = #map}, {transform_indices = #map1}, {transform_indices = #map2}, {transform_indices = #map2}, {transform_indices = #map2}, {transform_indices = #map1}, {transform_indices = #map2}, {transform_indices = #map1}]} {
    %mul3A = arith.constant 640 : i32
    %mul3A_0 = arith.muli %arg1, %mul3A : i32
    %iota3A = tpu.iota {dimensions = array<i32: 0>} : vector<16xi32>
    "tpu.region"() ({
      %run_scoped3A = tpu.sem_alloc : memref<!tpu.dma_semaphore, #tpu.memory_space<semaphore_mem>>
      %dma_start3A = arith.constant 0 : i32
      %dma_start3A_36 = tpu.memref_slice %arg3[%dma_start3A] : memref<256xf32, #tpu.memory_space<hbm>> -> memref<128xf32, #tpu.memory_space<hbm>>
      %dma_start3A_37 = arith.constant 0 : i32
      %dma_start3A_38 = tpu.memref_slice %arg3[%dma_start3A_37] : memref<256xf32, #tpu.memory_space<hbm>> -> memref<128xf32, #tpu.memory_space<hbm>>
      tpu.enqueue_dma source(%dma_start3A_38 : memref<128xf32, #tpu.memory_space<hbm>>) target(%arg12 : memref<128xf32, #tpu.memory_space<vmem>>) target_semaphore(%run_scoped3A : memref<!tpu.dma_semaphore, #tpu.memory_space<semaphore_mem>>)
      %dma_wait3A = arith.constant 0 : i32
      %dma_wait3A_39 = tpu.memref_slice %arg3[%dma_wait3A] : memref<256xf32, #tpu.memory_space<hbm>> -> memref<128xf32, #tpu.memory_space<hbm>>
      %dma_wait3A_40 = arith.constant 0 : i32
      %dma_wait3A_41 = tpu.memref_slice %arg3[%dma_wait3A_40] : memref<256xf32, #tpu.memory_space<hbm>> -> memref<128xf32, #tpu.memory_space<hbm>>
      tpu.wait_dma2 semaphore(%run_scoped3A : memref<!tpu.dma_semaphore, #tpu.memory_space<semaphore_mem>>) src(%dma_wait3A_41 : memref<128xf32, #tpu.memory_space<hbm>>) dst(%arg12 : memref<128xf32, #tpu.memory_space<vmem>>)
      tpu.yield
    }) : () -> ()
    "tpu.region"() ({
      %run_scoped3A = tpu.sem_alloc : memref<!tpu.dma_semaphore, #tpu.memory_space<semaphore_mem>>
      %dma_start3A = arith.constant 128 : i32
      %dma_start3A_36 = tpu.memref_slice %arg3[%dma_start3A] : memref<256xf32, #tpu.memory_space<hbm>> -> memref<128xf32, #tpu.memory_space<hbm>>
      %dma_start3A_37 = arith.constant 128 : i32
      %dma_start3A_38 = tpu.memref_slice %arg3[%dma_start3A_37] : memref<256xf32, #tpu.memory_space<hbm>> -> memref<128xf32, #tpu.memory_space<hbm>>
      tpu.enqueue_dma source(%dma_start3A_38 : memref<128xf32, #tpu.memory_space<hbm>>) target(%arg13 : memref<128xf32, #tpu.memory_space<vmem>>) target_semaphore(%run_scoped3A : memref<!tpu.dma_semaphore, #tpu.memory_space<semaphore_mem>>)
      %dma_wait3A = arith.constant 128 : i32
      %dma_wait3A_39 = tpu.memref_slice %arg3[%dma_wait3A] : memref<256xf32, #tpu.memory_space<hbm>> -> memref<128xf32, #tpu.memory_space<hbm>>
      %dma_wait3A_40 = arith.constant 128 : i32
      %dma_wait3A_41 = tpu.memref_slice %arg3[%dma_wait3A_40] : memref<256xf32, #tpu.memory_space<hbm>> -> memref<128xf32, #tpu.memory_space<hbm>>
      tpu.wait_dma2 semaphore(%run_scoped3A : memref<!tpu.dma_semaphore, #tpu.memory_space<semaphore_mem>>) src(%dma_wait3A_41 : memref<128xf32, #tpu.memory_space<hbm>>) dst(%arg13 : memref<128xf32, #tpu.memory_space<vmem>>)
      tpu.yield
    }) : () -> ()
    "tpu.region"() ({
      %run_scoped3A = tpu.sem_alloc : memref<!tpu.dma_semaphore, #tpu.memory_space<semaphore_mem>>
      %dma_start3A = tpu.memref_slice %arg7[%mul3A_0] : memref<10240xf32, #tpu.memory_space<hbm>> -> memref<640xf32, #tpu.memory_space<hbm>>
      %dma_start3A_36 = tpu.memref_slice %arg7[%mul3A_0] : memref<10240xf32, #tpu.memory_space<hbm>> -> memref<640xf32, #tpu.memory_space<hbm>>
      tpu.enqueue_dma source(%dma_start3A_36 : memref<640xf32, #tpu.memory_space<hbm>>) target(%arg15 : memref<640xf32, #tpu.memory_space<vmem>>) target_semaphore(%run_scoped3A : memref<!tpu.dma_semaphore, #tpu.memory_space<semaphore_mem>>)
      %dma_wait3A = tpu.memref_slice %arg7[%mul3A_0] : memref<10240xf32, #tpu.memory_space<hbm>> -> memref<640xf32, #tpu.memory_space<hbm>>
      %dma_wait3A_37 = tpu.memref_slice %arg7[%mul3A_0] : memref<10240xf32, #tpu.memory_space<hbm>> -> memref<640xf32, #tpu.memory_space<hbm>>
      tpu.wait_dma2 semaphore(%run_scoped3A : memref<!tpu.dma_semaphore, #tpu.memory_space<semaphore_mem>>) src(%dma_wait3A_37 : memref<640xf32, #tpu.memory_space<hbm>>) dst(%arg15 : memref<640xf32, #tpu.memory_space<vmem>>)
      tpu.yield
    }) : () -> ()
    %mul3A_1 = arith.constant 80 : i32
    %mul3A_2 = arith.muli %arg1, %mul3A_1 : i32
    "tpu.region"() ({
      %run_scoped3A = tpu.sem_alloc : memref<!tpu.dma_semaphore, #tpu.memory_space<semaphore_mem>>
      %dma_start3A = arith.constant 0 : i32
      %dma_start3A_36 = tpu.memref_slice %arg4[%mul3A_2, %dma_start3A] : memref<1280x128xi32, #tpu.memory_space<hbm>> -> memref<80x128xi32, #tpu.memory_space<hbm>>
      %dma_start3A_37 = arith.constant 0 : i32
      %dma_start3A_38 = tpu.memref_slice %arg4[%mul3A_2, %dma_start3A_37] : memref<1280x128xi32, #tpu.memory_space<hbm>> -> memref<80x128xi32, #tpu.memory_space<hbm>>
      tpu.enqueue_dma source(%dma_start3A_38 : memref<80x128xi32, #tpu.memory_space<hbm>>) target(%arg18 : memref<80x128xi32, #tpu.memory_space<vmem>>) target_semaphore(%run_scoped3A : memref<!tpu.dma_semaphore, #tpu.memory_space<semaphore_mem>>)
      %dma_wait3A = arith.constant 0 : i32
      %dma_wait3A_39 = tpu.memref_slice %arg4[%mul3A_2, %dma_wait3A] : memref<1280x128xi32, #tpu.memory_space<hbm>> -> memref<80x128xi32, #tpu.memory_space<hbm>>
      %dma_wait3A_40 = arith.constant 0 : i32
      %dma_wait3A_41 = tpu.memref_slice %arg4[%mul3A_2, %dma_wait3A_40] : memref<1280x128xi32, #tpu.memory_space<hbm>> -> memref<80x128xi32, #tpu.memory_space<hbm>>
      tpu.wait_dma2 semaphore(%run_scoped3A : memref<!tpu.dma_semaphore, #tpu.memory_space<semaphore_mem>>) src(%dma_wait3A_41 : memref<80x128xi32, #tpu.memory_space<hbm>>) dst(%arg18 : memref<80x128xi32, #tpu.memory_space<vmem>>)
      tpu.yield
    }) : () -> ()
    "tpu.region"() ({
      %run_scoped3A = tpu.sem_alloc : memref<!tpu.dma_semaphore, #tpu.memory_space<semaphore_mem>>
      %dma_start3A = arith.constant 0 : i32
      %dma_start3A_36 = tpu.memref_slice %arg5[%mul3A_2, %dma_start3A] : memref<1280x128xi32, #tpu.memory_space<hbm>> -> memref<80x128xi32, #tpu.memory_space<hbm>>
      %dma_start3A_37 = arith.constant 0 : i32
      %dma_start3A_38 = tpu.memref_slice %arg5[%mul3A_2, %dma_start3A_37] : memref<1280x128xi32, #tpu.memory_space<hbm>> -> memref<80x128xi32, #tpu.memory_space<hbm>>
      tpu.enqueue_dma source(%dma_start3A_38 : memref<80x128xi32, #tpu.memory_space<hbm>>) target(%arg19 : memref<80x128xi32, #tpu.memory_space<vmem>>) target_semaphore(%run_scoped3A : memref<!tpu.dma_semaphore, #tpu.memory_space<semaphore_mem>>)
      %dma_wait3A = arith.constant 0 : i32
      %dma_wait3A_39 = tpu.memref_slice %arg5[%mul3A_2, %dma_wait3A] : memref<1280x128xi32, #tpu.memory_space<hbm>> -> memref<80x128xi32, #tpu.memory_space<hbm>>
      %dma_wait3A_40 = arith.constant 0 : i32
      %dma_wait3A_41 = tpu.memref_slice %arg5[%mul3A_2, %dma_wait3A_40] : memref<1280x128xi32, #tpu.memory_space<hbm>> -> memref<80x128xi32, #tpu.memory_space<hbm>>
      tpu.wait_dma2 semaphore(%run_scoped3A : memref<!tpu.dma_semaphore, #tpu.memory_space<semaphore_mem>>) src(%dma_wait3A_41 : memref<80x128xi32, #tpu.memory_space<hbm>>) dst(%arg19 : memref<80x128xi32, #tpu.memory_space<vmem>>)
      tpu.yield
    }) : () -> ()
    "tpu.region"() ({
      %run_scoped3A = tpu.sem_alloc : memref<!tpu.dma_semaphore, #tpu.memory_space<semaphore_mem>>
      %dma_start3A = arith.constant 0 : i32
      %dma_start3A_36 = tpu.memref_slice %arg6[%mul3A_2, %dma_start3A] : memref<1280x128xf32, #tpu.memory_space<hbm>> -> memref<80x128xf32, #tpu.memory_space<hbm>>
      %dma_start3A_37 = arith.constant 0 : i32
      %dma_start3A_38 = tpu.memref_slice %arg6[%mul3A_2, %dma_start3A_37] : memref<1280x128xf32, #tpu.memory_space<hbm>> -> memref<80x128xf32, #tpu.memory_space<hbm>>
      tpu.enqueue_dma source(%dma_start3A_38 : memref<80x128xf32, #tpu.memory_space<hbm>>) target(%arg20 : memref<80x128xf32, #tpu.memory_space<vmem>>) target_semaphore(%run_scoped3A : memref<!tpu.dma_semaphore, #tpu.memory_space<semaphore_mem>>)
      %dma_wait3A = arith.constant 0 : i32
      %dma_wait3A_39 = tpu.memref_slice %arg6[%mul3A_2, %dma_wait3A] : memref<1280x128xf32, #tpu.memory_space<hbm>> -> memref<80x128xf32, #tpu.memory_space<hbm>>
      %dma_wait3A_40 = arith.constant 0 : i32
      %dma_wait3A_41 = tpu.memref_slice %arg6[%mul3A_2, %dma_wait3A_40] : memref<1280x128xf32, #tpu.memory_space<hbm>> -> memref<80x128xf32, #tpu.memory_space<hbm>>
      tpu.wait_dma2 semaphore(%run_scoped3A : memref<!tpu.dma_semaphore, #tpu.memory_space<semaphore_mem>>) src(%dma_wait3A_41 : memref<80x128xf32, #tpu.memory_space<hbm>>) dst(%arg20 : memref<80x128xf32, #tpu.memory_space<vmem>>)
      tpu.yield
    }) : () -> ()
    %broadcast_in_dim3A = arith.constant 0.000000e+00 : f32
    %broadcast_in_dim3A_3 = vector.broadcast %broadcast_in_dim3A : f32 to vector<16xf32>
    %scan3A = arith.constant 0 : i32
    %scan3A_4 = arith.constant 0 : i32
    %scan3A_5 = arith.constant 40 : i32
    %scan3A_6 = arith.addi %scan3A_4, %scan3A_5 : i32
    %scan3A_7 = arith.constant 1 : i32
    %scan3A_8 = scf.for %scan3A_36 = %scan3A_4 to %scan3A_6 step %scan3A_7 iter_args(%scan3A_37 = %scan3A) -> (i32)  : i32 {
      %mul3A_38 = arith.constant 16 : i32
      %mul3A_39 = arith.muli %scan3A_36, %mul3A_38 : i32
      %swap3A = arith.index_cast %mul3A_39 : i32 to index
      %swap3A_40 = tpu.vector_load %arg14[%swap3A] {strides = array<i32>} : memref<640xf32, #tpu.memory_space<vmem>>, vector<16xf32>,
      tpu.vector_store %arg14[%swap3A], %broadcast_in_dim3A_3 {strides = array<i32>} : memref<640xf32, #tpu.memory_space<vmem>>, vector<16xf32>,
      %scan3A_41 = arith.constant 0 : i32
      scf.yield %scan3A_41 : i32
    }
    %scan3A_9 = arith.constant 40 : i32
    "tpu.region"() ({
      %run_scoped3A = tpu.sem_alloc : memref<!tpu.dma_semaphore, #tpu.memory_space<semaphore_mem>>
      %dma_start3A = tpu.memref_slice %arg23[%mul3A_0] : memref<10240xf32, #tpu.memory_space<vmem_shared>> -> memref<640xf32, #tpu.memory_space<vmem_shared>>
      %dma_start3A_36 = tpu.memref_slice %arg23[%mul3A_0] : memref<10240xf32, #tpu.memory_space<vmem_shared>> -> memref<640xf32, #tpu.memory_space<vmem_shared>>
      tpu.enqueue_dma source(%arg14 : memref<640xf32, #tpu.memory_space<vmem>>) target(%dma_start3A_36 : memref<640xf32, #tpu.memory_space<vmem_shared>>) target_semaphore(%run_scoped3A : memref<!tpu.dma_semaphore, #tpu.memory_space<semaphore_mem>>)
      %dma_wait3A = tpu.memref_slice %arg23[%mul3A_0] : memref<10240xf32, #tpu.memory_space<vmem_shared>> -> memref<640xf32, #tpu.memory_space<vmem_shared>>
      %dma_wait3A_37 = tpu.memref_slice %arg23[%mul3A_0] : memref<10240xf32, #tpu.memory_space<vmem_shared>> -> memref<640xf32, #tpu.memory_space<vmem_shared>>
      tpu.wait_dma2 semaphore(%run_scoped3A : memref<!tpu.dma_semaphore, #tpu.memory_space<semaphore_mem>>) src(%arg14 : memref<640xf32, #tpu.memory_space<vmem>>) dst(%dma_wait3A_37 : memref<640xf32, #tpu.memory_space<vmem_shared>>)
      tpu.yield
    }) : () -> ()
    %scan3A_10 = arith.constant 0 : i32
    %scan3A_11 = arith.constant 0 : i32
    %scan3A_12 = arith.constant 10 : i32
    %scan3A_13 = arith.addi %scan3A_11, %scan3A_12 : i32
    %scan3A_14 = arith.constant 1 : i32
    %scan3A_15 = scf.for %scan3A_36 = %scan3A_11 to %scan3A_13 step %scan3A_14 iter_args(%scan3A_37 = %scan3A_10) -> (i32)  : i32 {
      %mul3A_38 = arith.constant 64 : i32
      %mul3A_39 = arith.muli %scan3A_36, %mul3A_38 : i32
      %add3A = arith.addi %mul3A_0, %mul3A_39 : i32
      %run_scoped3A = arith.constant 0 : i32
      "tpu.region"() ({
        %run_scoped3A_49 = tpu.sem_alloc : memref<!tpu.dma_semaphore, #tpu.memory_space<semaphore_mem>>
        %dma_start3A = arith.constant 0 : i32
        %dma_start3A_50 = tpu.memref_slice %arg2[%run_scoped3A, %add3A, %dma_start3A] : memref<2x10240x128xf32, #tpu.memory_space<hbm>> -> memref<1x64x128xf32, #tpu.memory_space<hbm>>
        %dma_start3A_51 = tpu.memref_squeeze %dma_start3A_50 : memref<1x64x128xf32, #tpu.memory_space<hbm>> -> memref<64x128xf32, #tpu.memory_space<hbm>>
        %dma_start3A_52 = arith.constant 0 : i32
        %dma_start3A_53 = tpu.memref_slice %arg2[%run_scoped3A, %add3A, %dma_start3A_52] : memref<2x10240x128xf32, #tpu.memory_space<hbm>> -> memref<1x64x128xf32, #tpu.memory_space<hbm>>
        %dma_start3A_54 = tpu.memref_squeeze %dma_start3A_53 : memref<1x64x128xf32, #tpu.memory_space<hbm>> -> memref<64x128xf32, #tpu.memory_space<hbm>>
        tpu.enqueue_dma source(%dma_start3A_54 : memref<64x128xf32, #tpu.memory_space<hbm>>) target(%arg10 : memref<64x128xf32, #tpu.memory_space<vmem>>) target_semaphore(%run_scoped3A_49 : memref<!tpu.dma_semaphore, #tpu.memory_space<semaphore_mem>>)
        %dma_wait3A = arith.constant 0 : i32
        %dma_wait3A_55 = tpu.memref_slice %arg2[%run_scoped3A, %add3A, %dma_wait3A] : memref<2x10240x128xf32, #tpu.memory_space<hbm>> -> memref<1x64x128xf32, #tpu.memory_space<hbm>>
        %dma_wait3A_56 = tpu.memref_squeeze %dma_wait3A_55 : memref<1x64x128xf32, #tpu.memory_space<hbm>> -> memref<64x128xf32, #tpu.memory_space<hbm>>
        %dma_wait3A_57 = arith.constant 0 : i32
        %dma_wait3A_58 = tpu.memref_slice %arg2[%run_scoped3A, %add3A, %dma_wait3A_57] : memref<2x10240x128xf32, #tpu.memory_space<hbm>> -> memref<1x64x128xf32, #tpu.memory_space<hbm>>
        %dma_wait3A_59 = tpu.memref_squeeze %dma_wait3A_58 : memref<1x64x128xf32, #tpu.memory_space<hbm>> -> memref<64x128xf32, #tpu.memory_space<hbm>>
        tpu.wait_dma2 semaphore(%run_scoped3A_49 : memref<!tpu.dma_semaphore, #tpu.memory_space<semaphore_mem>>) src(%dma_wait3A_59 : memref<64x128xf32, #tpu.memory_space<hbm>>) dst(%arg10 : memref<64x128xf32, #tpu.memory_space<vmem>>)
        tpu.yield
      }) : () -> ()
      %run_scoped3A_40 = arith.constant 1 : i32
      "tpu.region"() ({
        %run_scoped3A_49 = tpu.sem_alloc : memref<!tpu.dma_semaphore, #tpu.memory_space<semaphore_mem>>
        %dma_start3A = arith.constant 0 : i32
        %dma_start3A_50 = tpu.memref_slice %arg2[%run_scoped3A_40, %add3A, %dma_start3A] : memref<2x10240x128xf32, #tpu.memory_space<hbm>> -> memref<1x64x128xf32, #tpu.memory_space<hbm>>
        %dma_start3A_51 = tpu.memref_squeeze %dma_start3A_50 : memref<1x64x128xf32, #tpu.memory_space<hbm>> -> memref<64x128xf32, #tpu.memory_space<hbm>>
        %dma_start3A_52 = arith.constant 0 : i32
        %dma_start3A_53 = tpu.memref_slice %arg2[%run_scoped3A_40, %add3A, %dma_start3A_52] : memref<2x10240x128xf32, #tpu.memory_space<hbm>> -> memref<1x64x128xf32, #tpu.memory_space<hbm>>
        %dma_start3A_54 = tpu.memref_squeeze %dma_start3A_53 : memref<1x64x128xf32, #tpu.memory_space<hbm>> -> memref<64x128xf32, #tpu.memory_space<hbm>>
        tpu.enqueue_dma source(%dma_start3A_54 : memref<64x128xf32, #tpu.memory_space<hbm>>) target(%arg11 : memref<64x128xf32, #tpu.memory_space<vmem>>) target_semaphore(%run_scoped3A_49 : memref<!tpu.dma_semaphore, #tpu.memory_space<semaphore_mem>>)
        %dma_wait3A = arith.constant 0 : i32
        %dma_wait3A_55 = tpu.memref_slice %arg2[%run_scoped3A_40, %add3A, %dma_wait3A] : memref<2x10240x128xf32, #tpu.memory_space<hbm>> -> memref<1x64x128xf32, #tpu.memory_space<hbm>>
        %dma_wait3A_56 = tpu.memref_squeeze %dma_wait3A_55 : memref<1x64x128xf32, #tpu.memory_space<hbm>> -> memref<64x128xf32, #tpu.memory_space<hbm>>
        %dma_wait3A_57 = arith.constant 0 : i32
        %dma_wait3A_58 = tpu.memref_slice %arg2[%run_scoped3A_40, %add3A, %dma_wait3A_57] : memref<2x10240x128xf32, #tpu.memory_space<hbm>> -> memref<1x64x128xf32, #tpu.memory_space<hbm>>
        %dma_wait3A_59 = tpu.memref_squeeze %dma_wait3A_58 : memref<1x64x128xf32, #tpu.memory_space<hbm>> -> memref<64x128xf32, #tpu.memory_space<hbm>>
        tpu.wait_dma2 semaphore(%run_scoped3A_49 : memref<!tpu.dma_semaphore, #tpu.memory_space<semaphore_mem>>) src(%dma_wait3A_59 : memref<64x128xf32, #tpu.memory_space<hbm>>) dst(%arg11 : memref<64x128xf32, #tpu.memory_space<vmem>>)
        tpu.yield
      }) : () -> ()
      %scan3A_41 = arith.constant 0 : i32
      %scan3A_42 = arith.constant 0 : i32
      %scan3A_43 = arith.constant 4 : i32
      %scan3A_44 = arith.addi %scan3A_42, %scan3A_43 : i32
      %scan3A_45 = arith.constant 1 : i32
      %scan3A_46 = scf.for %scan3A_49 = %scan3A_42 to %scan3A_44 step %scan3A_45 iter_args(%scan3A_50 = %scan3A_41) -> (i32)  : i32 {
        %mul3A_51 = arith.constant 16 : i32
        %mul3A_52 = arith.muli %scan3A_49, %mul3A_51 : i32
        %broadcast_in_dim3A_53 = arith.constant 0.000000e+00 : f32
        %broadcast_in_dim3A_54 = vector.broadcast %broadcast_in_dim3A_53 : f32 to vector<16xf32>
        %scan3A_55 = arith.constant 0 : i32
        %scan3A_56 = arith.constant 32 : i32
        %scan3A_57 = arith.addi %scan3A_55, %scan3A_56 : i32
        %scan3A_58 = arith.constant 1 : i32
        %scan3A_59 = scf.for %scan3A_67 = %scan3A_55 to %scan3A_57 step %scan3A_58 iter_args(%scan3A_68 = %broadcast_in_dim3A_54) -> (vector<16xf32>)  : i32 {
          %mul3A_69 = arith.constant 4 : i32
          %mul3A_70 = arith.muli %mul3A_69, %scan3A_67 : i32
          %add3A_71 = arith.constant 0 : i32
          %add3A_72 = arith.addi %mul3A_70, %add3A_71 : i32
          %broadcast_in_dim3A_73 = vector.broadcast %add3A_72 : i32 to vector<16xi32>
          %add3A_74 = vector.broadcast %mul3A_52 : i32 to vector<16xi32>
          %add3A_75 = arith.addi %add3A_74, %iota3A : vector<16xi32>
          %gather3A_76 = tpu.vector_load_idx %arg10[%add3A_75, %broadcast_in_dim3A_73] : memref<64x128xf32, #tpu.memory_space<vmem>>[vector<16xi32>, vector<16xi32>], vector<16xf32>,
          %gather3A_77 = tpu.vector_load_idx %arg12[%broadcast_in_dim3A_73] : memref<128xf32, #tpu.memory_space<vmem>>[vector<16xi32>], vector<16xf32>,
          %mul3A_78 = arith.mulf %gather3A_76, %gather3A_77 : vector<16xf32>
          %add3A_79 = arith.addf %scan3A_68, %mul3A_78 : vector<16xf32>
          %add3A_80 = vector.broadcast %mul3A_52 : i32 to vector<16xi32>
          %add3A_81 = arith.addi %add3A_80, %iota3A : vector<16xi32>
          %gather3A_82 = tpu.vector_load_idx %arg11[%add3A_81, %broadcast_in_dim3A_73] : memref<64x128xf32, #tpu.memory_space<vmem>>[vector<16xi32>, vector<16xi32>], vector<16xf32>,
          %gather3A_83 = tpu.vector_load_idx %arg13[%broadcast_in_dim3A_73] : memref<128xf32, #tpu.memory_space<vmem>>[vector<16xi32>], vector<16xf32>,
          %mul3A_84 = arith.mulf %gather3A_82, %gather3A_83 : vector<16xf32>
          %add3A_85 = arith.addf %add3A_79, %mul3A_84 : vector<16xf32>
          %mul3A_86 = arith.constant 4 : i32
          %mul3A_87 = arith.muli %mul3A_86, %scan3A_67 : i32
          %add3A_88 = arith.constant 1 : i32
          %add3A_89 = arith.addi %mul3A_87, %add3A_88 : i32
          %broadcast_in_dim3A_90 = vector.broadcast %add3A_89 : i32 to vector<16xi32>
          %add3A_91 = vector.broadcast %mul3A_52 : i32 to vector<16xi32>
          %add3A_92 = arith.addi %add3A_91, %iota3A : vector<16xi32>
          %gather3A_93 = tpu.vector_load_idx %arg10[%add3A_92, %broadcast_in_dim3A_90] : memref<64x128xf32, #tpu.memory_space<vmem>>[vector<16xi32>, vector<16xi32>], vector<16xf32>,
          %gather3A_94 = tpu.vector_load_idx %arg12[%broadcast_in_dim3A_90] : memref<128xf32, #tpu.memory_space<vmem>>[vector<16xi32>], vector<16xf32>,
          %mul3A_95 = arith.mulf %gather3A_93, %gather3A_94 : vector<16xf32>
          %add3A_96 = arith.addf %add3A_85, %mul3A_95 : vector<16xf32>
          %add3A_97 = vector.broadcast %mul3A_52 : i32 to vector<16xi32>
          %add3A_98 = arith.addi %add3A_97, %iota3A : vector<16xi32>
          %gather3A_99 = tpu.vector_load_idx %arg11[%add3A_98, %broadcast_in_dim3A_90] : memref<64x128xf32, #tpu.memory_space<vmem>>[vector<16xi32>, vector<16xi32>], vector<16xf32>,
          %gather3A_100 = tpu.vector_load_idx %arg13[%broadcast_in_dim3A_90] : memref<128xf32, #tpu.memory_space<vmem>>[vector<16xi32>], vector<16xf32>,
          %mul3A_101 = arith.mulf %gather3A_99, %gather3A_100 : vector<16xf32>
          %add3A_102 = arith.addf %add3A_96, %mul3A_101 : vector<16xf32>
          %mul3A_103 = arith.constant 4 : i32
          %mul3A_104 = arith.muli %mul3A_103, %scan3A_67 : i32
          %add3A_105 = arith.constant 2 : i32
          %add3A_106 = arith.addi %mul3A_104, %add3A_105 : i32
          %broadcast_in_dim3A_107 = vector.broadcast %add3A_106 : i32 to vector<16xi32>
          %add3A_108 = vector.broadcast %mul3A_52 : i32 to vector<16xi32>
          %add3A_109 = arith.addi %add3A_108, %iota3A : vector<16xi32>
          %gather3A_110 = tpu.vector_load_idx %arg10[%add3A_109, %broadcast_in_dim3A_107] : memref<64x128xf32, #tpu.memory_space<vmem>>[vector<16xi32>, vector<16xi32>], vector<16xf32>,
          %gather3A_111 = tpu.vector_load_idx %arg12[%broadcast_in_dim3A_107] : memref<128xf32, #tpu.memory_space<vmem>>[vector<16xi32>], vector<16xf32>,
          %mul3A_112 = arith.mulf %gather3A_110, %gather3A_111 : vector<16xf32>
          %add3A_113 = arith.addf %add3A_102, %mul3A_112 : vector<16xf32>
          %add3A_114 = vector.broadcast %mul3A_52 : i32 to vector<16xi32>
          %add3A_115 = arith.addi %add3A_114, %iota3A : vector<16xi32>
          %gather3A_116 = tpu.vector_load_idx %arg11[%add3A_115, %broadcast_in_dim3A_107] : memref<64x128xf32, #tpu.memory_space<vmem>>[vector<16xi32>, vector<16xi32>], vector<16xf32>,
          %gather3A_117 = tpu.vector_load_idx %arg13[%broadcast_in_dim3A_107] : memref<128xf32, #tpu.memory_space<vmem>>[vector<16xi32>], vector<16xf32>,
          %mul3A_118 = arith.mulf %gather3A_116, %gather3A_117 : vector<16xf32>
          %add3A_119 = arith.addf %add3A_113, %mul3A_118 : vector<16xf32>
          %mul3A_120 = arith.constant 4 : i32
          %mul3A_121 = arith.muli %mul3A_120, %scan3A_67 : i32
          %add3A_122 = arith.constant 3 : i32
          %add3A_123 = arith.addi %mul3A_121, %add3A_122 : i32
          %broadcast_in_dim3A_124 = vector.broadcast %add3A_123 : i32 to vector<16xi32>
          %add3A_125 = vector.broadcast %mul3A_52 : i32 to vector<16xi32>
          %add3A_126 = arith.addi %add3A_125, %iota3A : vector<16xi32>
          %gather3A_127 = tpu.vector_load_idx %arg10[%add3A_126, %broadcast_in_dim3A_124] : memref<64x128xf32, #tpu.memory_space<vmem>>[vector<16xi32>, vector<16xi32>], vector<16xf32>,
          %gather3A_128 = tpu.vector_load_idx %arg12[%broadcast_in_dim3A_124] : memref<128xf32, #tpu.memory_space<vmem>>[vector<16xi32>], vector<16xf32>,
          %mul3A_129 = arith.mulf %gather3A_127, %gather3A_128 : vector<16xf32>
          %add3A_130 = arith.addf %add3A_119, %mul3A_129 : vector<16xf32>
          %add3A_131 = vector.broadcast %mul3A_52 : i32 to vector<16xi32>
          %add3A_132 = arith.addi %add3A_131, %iota3A : vector<16xi32>
          %gather3A_133 = tpu.vector_load_idx %arg11[%add3A_132, %broadcast_in_dim3A_124] : memref<64x128xf32, #tpu.memory_space<vmem>>[vector<16xi32>, vector<16xi32>], vector<16xf32>,
          %gather3A_134 = tpu.vector_load_idx %arg13[%broadcast_in_dim3A_124] : memref<128xf32, #tpu.memory_space<vmem>>[vector<16xi32>], vector<16xf32>,
          %mul3A_135 = arith.mulf %gather3A_133, %gather3A_134 : vector<16xf32>
          %add3A_136 = arith.addf %add3A_130, %mul3A_135 : vector<16xf32>
          scf.yield %add3A_136 : vector<16xf32>
        }
        %scan3A_60 = arith.constant 32 : i32
        %add3A_61 = arith.addi %mul3A_39, %mul3A_52 : i32
        %add3A_62 = vector.broadcast %add3A_61 : i32 to vector<16xi32>
        %add3A_63 = arith.addi %add3A_62, %iota3A : vector<16xi32>
        %gather3A = tpu.vector_load_idx %arg15[%add3A_63] : memref<640xf32, #tpu.memory_space<vmem>>[vector<16xi32>], vector<16xf32>,
        %mul3A_64 = arith.mulf %scan3A_59, %gather3A : vector<16xf32>
        %swap3A = arith.index_cast %add3A_61 : i32 to index
        %swap3A_65 = tpu.vector_load %arg16[%swap3A] {strides = array<i32>} : memref<640xf32, #tpu.memory_space<vmem>>, vector<16xf32>,
        tpu.vector_store %arg16[%swap3A], %mul3A_64 {strides = array<i32>} : memref<640xf32, #tpu.memory_space<vmem>>, vector<16xf32>,
        %scan3A_66 = arith.constant 0 : i32
        scf.yield %scan3A_66 : i32
      }
      %scan3A_47 = arith.constant 4 : i32
      %scan3A_48 = arith.constant 0 : i32
      scf.yield %scan3A_48 : i32
    }
    %scan3A_16 = arith.constant 10 : i32
    "tpu.region"() ({
      %run_scoped3A = tpu.sem_alloc : memref<!tpu.dma_semaphore, #tpu.memory_space<semaphore_mem>>
      %dma_start3A = tpu.memref_slice %arg22[%mul3A_0] : memref<10240xf32, #tpu.memory_space<vmem_shared>> -> memref<640xf32, #tpu.memory_space<vmem_shared>>
      %dma_start3A_36 = tpu.memref_slice %arg22[%mul3A_0] : memref<10240xf32, #tpu.memory_space<vmem_shared>> -> memref<640xf32, #tpu.memory_space<vmem_shared>>
      tpu.enqueue_dma source(%arg16 : memref<640xf32, #tpu.memory_space<vmem>>) target(%dma_start3A_36 : memref<640xf32, #tpu.memory_space<vmem_shared>>) target_semaphore(%run_scoped3A : memref<!tpu.dma_semaphore, #tpu.memory_space<semaphore_mem>>)
      %dma_wait3A = tpu.memref_slice %arg22[%mul3A_0] : memref<10240xf32, #tpu.memory_space<vmem_shared>> -> memref<640xf32, #tpu.memory_space<vmem_shared>>
      %dma_wait3A_37 = tpu.memref_slice %arg22[%mul3A_0] : memref<10240xf32, #tpu.memory_space<vmem_shared>> -> memref<640xf32, #tpu.memory_space<vmem_shared>>
      tpu.wait_dma2 semaphore(%run_scoped3A : memref<!tpu.dma_semaphore, #tpu.memory_space<semaphore_mem>>) src(%arg16 : memref<640xf32, #tpu.memory_space<vmem>>) dst(%dma_wait3A_37 : memref<640xf32, #tpu.memory_space<vmem_shared>>)
      tpu.yield
    }) : () -> ()
    %barrier3A = arith.constant 0 : index
    tpu.barrier barrier_id(%barrier3A)
    "tpu.region"() ({
      %run_scoped3A = tpu.sem_alloc : memref<!tpu.dma_semaphore, #tpu.memory_space<semaphore_mem>>
      tpu.enqueue_dma source(%arg22 : memref<10240xf32, #tpu.memory_space<vmem_shared>>) target(%arg17 : memref<10240xf32, #tpu.memory_space<vmem>>) target_semaphore(%run_scoped3A : memref<!tpu.dma_semaphore, #tpu.memory_space<semaphore_mem>>)
      tpu.wait_dma2 semaphore(%run_scoped3A : memref<!tpu.dma_semaphore, #tpu.memory_space<semaphore_mem>>) src(%arg22 : memref<10240xf32, #tpu.memory_space<vmem_shared>>) dst(%arg17 : memref<10240xf32, #tpu.memory_space<vmem>>)
      tpu.yield
    }) : () -> ()
    %mul3A_17 = arith.constant 40 : i32
    %mul3A_18 = arith.muli %arg0, %mul3A_17 : i32
    %scan3A_19 = arith.constant 0 : i32
    %scan3A_20 = arith.constant 0 : i32
    %scan3A_21 = arith.constant 40 : i32
    %scan3A_22 = arith.addi %scan3A_20, %scan3A_21 : i32
    %scan3A_23 = arith.constant 1 : i32
    %scan3A_24 = scf.for %scan3A_36 = %scan3A_20 to %scan3A_22 step %scan3A_23 iter_args(%scan3A_37 = %scan3A_19) -> (i32)  : i32 {
      %add3A = arith.addi %mul3A_18, %scan3A_36 : i32
      %rem3A = arith.constant 8 : i32
      %rem3A_38 = arith.remsi %scan3A_36, %rem3A : i32
      %ge3A = arith.constant 8 : i32
      %ge3A_39 = arith.cmpi sge, %scan3A_36, %ge3A : i32
      %convert_element_type3A_40 = arith.extui %ge3A_39 : i1 to i32
      %cond3A_41 = arith.constant 0 : i32
      %cond3A_42 = arith.cmpi ne, %convert_element_type3A_40, %cond3A_41 : i32
      scf.if %cond3A_42 {
        %sub3A = arith.constant 8 : i32
        %sub3A_136 = arith.subi %add3A, %sub3A : i32
        %dma_wait3A = arith.constant 0 : i32
        %dma_wait3A_137 = tpu.memref_slice %arg21[%rem3A_38, %dma_wait3A] : memref<8x128xf32, #tpu.memory_space<vmem>> -> memref<1x128xf32, #tpu.memory_space<vmem>>
        %dma_wait3A_138 = tpu.memref_squeeze %dma_wait3A_137 : memref<1x128xf32, #tpu.memory_space<vmem>> -> memref<128xf32, #tpu.memory_space<vmem>>
        %dma_wait3A_139 = arith.constant 0 : i32
        %dma_wait3A_140 = tpu.memref_slice %arg19[%sub3A_136, %dma_wait3A_139] : memref<80x128xi32, #tpu.memory_space<vmem>> -> memref<1x128xi32, #tpu.memory_space<vmem>>
        %dma_wait3A_141 = tpu.memref_squeeze %dma_wait3A_140 : memref<1x128xi32, #tpu.memory_space<vmem>> -> memref<128xi32, #tpu.memory_space<vmem>>
        %dma_wait3A_142 = arith.constant 0 : i32
        %dma_wait3A_143 = tpu.memref_slice %arg23[%dma_wait3A_142] : memref<10240xf32, #tpu.memory_space<vmem_shared>> -> memref<10240xf32, #tpu.memory_space<vmem_shared>>
        tpu.wait_indirect_dma semaphore(%arg24 : memref<!tpu.dma_semaphore, #tpu.memory_space<semaphore_mem>>) src(%dma_wait3A_138 : memref<128xf32, #tpu.memory_space<vmem>>) dst(%dma_wait3A_143 : memref<10240xf32, #tpu.memory_space<vmem_shared>>)
      } else {
      }
      %get3A = arith.index_cast %add3A : i32 to index
      %get3A_43 = arith.constant 0 : index
      %get3A_44 = tpu.vector_load %arg20[%get3A, %get3A_43] {strides = array<i32>} : memref<80x128xf32, #tpu.memory_space<vmem>>, vector<16xf32>,
      %get3A_45 = arith.index_cast %add3A : i32 to index
      %get3A_46 = arith.constant 0 : index
      %get3A_47 = tpu.vector_load %arg18[%get3A_45, %get3A_46] {strides = array<i32>} : memref<80x128xi32, #tpu.memory_space<vmem>>, vector<16xi32>,
      %gather3A = tpu.vector_load_idx %arg17[%get3A_47] : memref<10240xf32, #tpu.memory_space<vmem>>[vector<16xi32>], vector<16xf32>,
      %mul3A_48 = arith.mulf %get3A_44, %gather3A : vector<16xf32>
      %swap3A = arith.index_cast %rem3A_38 : i32 to index
      %swap3A_49 = arith.constant 0 : index
      %swap3A_50 = tpu.vector_load %arg21[%swap3A, %swap3A_49] {strides = array<i32>} : memref<8x128xf32, #tpu.memory_space<vmem>>, vector<16xf32>,
      tpu.vector_store %arg21[%swap3A, %swap3A_49], %mul3A_48 {strides = array<i32>} : memref<8x128xf32, #tpu.memory_space<vmem>>, vector<16xf32>,
      %get3A_51 = arith.index_cast %add3A : i32 to index
      %get3A_52 = arith.constant 16 : index
      %get3A_53 = tpu.vector_load %arg20[%get3A_51, %get3A_52] {strides = array<i32>} : memref<80x128xf32, #tpu.memory_space<vmem>>, vector<16xf32>,
      %get3A_54 = arith.index_cast %add3A : i32 to index
      %get3A_55 = arith.constant 16 : index
      %get3A_56 = tpu.vector_load %arg18[%get3A_54, %get3A_55] {strides = array<i32>} : memref<80x128xi32, #tpu.memory_space<vmem>>, vector<16xi32>,
      %gather3A_57 = tpu.vector_load_idx %arg17[%get3A_56] : memref<10240xf32, #tpu.memory_space<vmem>>[vector<16xi32>], vector<16xf32>,
      %mul3A_58 = arith.mulf %get3A_53, %gather3A_57 : vector<16xf32>
      %swap3A_59 = arith.index_cast %rem3A_38 : i32 to index
      %swap3A_60 = arith.constant 16 : index
      %swap3A_61 = tpu.vector_load %arg21[%swap3A_59, %swap3A_60] {strides = array<i32>} : memref<8x128xf32, #tpu.memory_space<vmem>>, vector<16xf32>,
      tpu.vector_store %arg21[%swap3A_59, %swap3A_60], %mul3A_58 {strides = array<i32>} : memref<8x128xf32, #tpu.memory_space<vmem>>, vector<16xf32>,
      %get3A_62 = arith.index_cast %add3A : i32 to index
      %get3A_63 = arith.constant 32 : index
      %get3A_64 = tpu.vector_load %arg20[%get3A_62, %get3A_63] {strides = array<i32>} : memref<80x128xf32, #tpu.memory_space<vmem>>, vector<16xf32>,
      %get3A_65 = arith.index_cast %add3A : i32 to index
      %get3A_66 = arith.constant 32 : index
      %get3A_67 = tpu.vector_load %arg18[%get3A_65, %get3A_66] {strides = array<i32>} : memref<80x128xi32, #tpu.memory_space<vmem>>, vector<16xi32>,
      %gather3A_68 = tpu.vector_load_idx %arg17[%get3A_67] : memref<10240xf32, #tpu.memory_space<vmem>>[vector<16xi32>], vector<16xf32>,
      %mul3A_69 = arith.mulf %get3A_64, %gather3A_68 : vector<16xf32>
      %swap3A_70 = arith.index_cast %rem3A_38 : i32 to index
      %swap3A_71 = arith.constant 32 : index
      %swap3A_72 = tpu.vector_load %arg21[%swap3A_70, %swap3A_71] {strides = array<i32>} : memref<8x128xf32, #tpu.memory_space<vmem>>, vector<16xf32>,
      tpu.vector_store %arg21[%swap3A_70, %swap3A_71], %mul3A_69 {strides = array<i32>} : memref<8x128xf32, #tpu.memory_space<vmem>>, vector<16xf32>,
      %get3A_73 = arith.index_cast %add3A : i32 to index
      %get3A_74 = arith.constant 48 : index
      %get3A_75 = tpu.vector_load %arg20[%get3A_73, %get3A_74] {strides = array<i32>} : memref<80x128xf32, #tpu.memory_space<vmem>>, vector<16xf32>,
      %get3A_76 = arith.index_cast %add3A : i32 to index
      %get3A_77 = arith.constant 48 : index
      %get3A_78 = tpu.vector_load %arg18[%get3A_76, %get3A_77] {strides = array<i32>} : memref<80x128xi32, #tpu.memory_space<vmem>>, vector<16xi32>,
      %gather3A_79 = tpu.vector_load_idx %arg17[%get3A_78] : memref<10240xf32, #tpu.memory_space<vmem>>[vector<16xi32>], vector<16xf32>,
      %mul3A_80 = arith.mulf %get3A_75, %gather3A_79 : vector<16xf32>
      %swap3A_81 = arith.index_cast %rem3A_38 : i32 to index
      %swap3A_82 = arith.constant 48 : index
      %swap3A_83 = tpu.vector_load %arg21[%swap3A_81, %swap3A_82] {strides = array<i32>} : memref<8x128xf32, #tpu.memory_space<vmem>>, vector<16xf32>,
      tpu.vector_store %arg21[%swap3A_81, %swap3A_82], %mul3A_80 {strides = array<i32>} : memref<8x128xf32, #tpu.memory_space<vmem>>, vector<16xf32>,
      %get3A_84 = arith.index_cast %add3A : i32 to index
      %get3A_85 = arith.constant 64 : index
      %get3A_86 = tpu.vector_load %arg20[%get3A_84, %get3A_85] {strides = array<i32>} : memref<80x128xf32, #tpu.memory_space<vmem>>, vector<16xf32>,
      %get3A_87 = arith.index_cast %add3A : i32 to index
      %get3A_88 = arith.constant 64 : index
      %get3A_89 = tpu.vector_load %arg18[%get3A_87, %get3A_88] {strides = array<i32>} : memref<80x128xi32, #tpu.memory_space<vmem>>, vector<16xi32>,
      %gather3A_90 = tpu.vector_load_idx %arg17[%get3A_89] : memref<10240xf32, #tpu.memory_space<vmem>>[vector<16xi32>], vector<16xf32>,
      %mul3A_91 = arith.mulf %get3A_86, %gather3A_90 : vector<16xf32>
      %swap3A_92 = arith.index_cast %rem3A_38 : i32 to index
      %swap3A_93 = arith.constant 64 : index
      %swap3A_94 = tpu.vector_load %arg21[%swap3A_92, %swap3A_93] {strides = array<i32>} : memref<8x128xf32, #tpu.memory_space<vmem>>, vector<16xf32>,
      tpu.vector_store %arg21[%swap3A_92, %swap3A_93], %mul3A_91 {strides = array<i32>} : memref<8x128xf32, #tpu.memory_space<vmem>>, vector<16xf32>,
      %get3A_95 = arith.index_cast %add3A : i32 to index
      %get3A_96 = arith.constant 80 : index
      %get3A_97 = tpu.vector_load %arg20[%get3A_95, %get3A_96] {strides = array<i32>} : memref<80x128xf32, #tpu.memory_space<vmem>>, vector<16xf32>,
      %get3A_98 = arith.index_cast %add3A : i32 to index
      %get3A_99 = arith.constant 80 : index
      %get3A_100 = tpu.vector_load %arg18[%get3A_98, %get3A_99] {strides = array<i32>} : memref<80x128xi32, #tpu.memory_space<vmem>>, vector<16xi32>,
      %gather3A_101 = tpu.vector_load_idx %arg17[%get3A_100] : memref<10240xf32, #tpu.memory_space<vmem>>[vector<16xi32>], vector<16xf32>,
      %mul3A_102 = arith.mulf %get3A_97, %gather3A_101 : vector<16xf32>
      %swap3A_103 = arith.index_cast %rem3A_38 : i32 to index
      %swap3A_104 = arith.constant 80 : index
      %swap3A_105 = tpu.vector_load %arg21[%swap3A_103, %swap3A_104] {strides = array<i32>} : memref<8x128xf32, #tpu.memory_space<vmem>>, vector<16xf32>,
      tpu.vector_store %arg21[%swap3A_103, %swap3A_104], %mul3A_102 {strides = array<i32>} : memref<8x128xf32, #tpu.memory_space<vmem>>, vector<16xf32>,
      %get3A_106 = arith.index_cast %add3A : i32 to index
      %get3A_107 = arith.constant 96 : index
      %get3A_108 = tpu.vector_load %arg20[%get3A_106, %get3A_107] {strides = array<i32>} : memref<80x128xf32, #tpu.memory_space<vmem>>, vector<16xf32>,
      %get3A_109 = arith.index_cast %add3A : i32 to index
      %get3A_110 = arith.constant 96 : index
      %get3A_111 = tpu.vector_load %arg18[%get3A_109, %get3A_110] {strides = array<i32>} : memref<80x128xi32, #tpu.memory_space<vmem>>, vector<16xi32>,
      %gather3A_112 = tpu.vector_load_idx %arg17[%get3A_111] : memref<10240xf32, #tpu.memory_space<vmem>>[vector<16xi32>], vector<16xf32>,
      %mul3A_113 = arith.mulf %get3A_108, %gather3A_112 : vector<16xf32>
      %swap3A_114 = arith.index_cast %rem3A_38 : i32 to index
      %swap3A_115 = arith.constant 96 : index
      %swap3A_116 = tpu.vector_load %arg21[%swap3A_114, %swap3A_115] {strides = array<i32>} : memref<8x128xf32, #tpu.memory_space<vmem>>, vector<16xf32>,
      tpu.vector_store %arg21[%swap3A_114, %swap3A_115], %mul3A_113 {strides = array<i32>} : memref<8x128xf32, #tpu.memory_space<vmem>>, vector<16xf32>,
      %get3A_117 = arith.index_cast %add3A : i32 to index
      %get3A_118 = arith.constant 112 : index
      %get3A_119 = tpu.vector_load %arg20[%get3A_117, %get3A_118] {strides = array<i32>} : memref<80x128xf32, #tpu.memory_space<vmem>>, vector<16xf32>,
      %get3A_120 = arith.index_cast %add3A : i32 to index
      %get3A_121 = arith.constant 112 : index
      %get3A_122 = tpu.vector_load %arg18[%get3A_120, %get3A_121] {strides = array<i32>} : memref<80x128xi32, #tpu.memory_space<vmem>>, vector<16xi32>,
      %gather3A_123 = tpu.vector_load_idx %arg17[%get3A_122] : memref<10240xf32, #tpu.memory_space<vmem>>[vector<16xi32>], vector<16xf32>,
      %mul3A_124 = arith.mulf %get3A_119, %gather3A_123 : vector<16xf32>
      %swap3A_125 = arith.index_cast %rem3A_38 : i32 to index
      %swap3A_126 = arith.constant 112 : index
      %swap3A_127 = tpu.vector_load %arg21[%swap3A_125, %swap3A_126] {strides = array<i32>} : memref<8x128xf32, #tpu.memory_space<vmem>>, vector<16xf32>,
      tpu.vector_store %arg21[%swap3A_125, %swap3A_126], %mul3A_124 {strides = array<i32>} : memref<8x128xf32, #tpu.memory_space<vmem>>, vector<16xf32>,
      %dma_start3A = arith.constant 0 : i32
      %dma_start3A_128 = tpu.memref_slice %arg21[%rem3A_38, %dma_start3A] : memref<8x128xf32, #tpu.memory_space<vmem>> -> memref<1x128xf32, #tpu.memory_space<vmem>>
      %dma_start3A_129 = tpu.memref_squeeze %dma_start3A_128 : memref<1x128xf32, #tpu.memory_space<vmem>> -> memref<128xf32, #tpu.memory_space<vmem>>
      %dma_start3A_130 = arith.constant 0 : i32
      %dma_start3A_131 = tpu.memref_slice %arg19[%add3A, %dma_start3A_130] : memref<80x128xi32, #tpu.memory_space<vmem>> -> memref<1x128xi32, #tpu.memory_space<vmem>>
      %dma_start3A_132 = tpu.memref_squeeze %dma_start3A_131 : memref<1x128xi32, #tpu.memory_space<vmem>> -> memref<128xi32, #tpu.memory_space<vmem>>
      %dma_start3A_133 = arith.constant 0 : i32
      %dma_start3A_134 = tpu.memref_slice %arg23[%dma_start3A_133] : memref<10240xf32, #tpu.memory_space<vmem_shared>> -> memref<10240xf32, #tpu.memory_space<vmem_shared>>
      tpu.enqueue_indirect_dma source(%dma_start3A_129 : memref<128xf32, #tpu.memory_space<vmem>>) target(%dma_start3A_134 : memref<10240xf32, #tpu.memory_space<vmem_shared>>) offsets(%dma_start3A_132 : memref<128xi32, #tpu.memory_space<vmem>>) semaphore(%arg24 : memref<!tpu.dma_semaphore, #tpu.memory_space<semaphore_mem>>) {add = true}
      %scan3A_135 = arith.constant 0 : i32
      scf.yield %scan3A_135 : i32
    }
    %scan3A_25 = arith.constant 40 : i32
    %scan3A_26 = arith.constant 0 : i32
    %scan3A_27 = arith.constant 0 : i32
    %scan3A_28 = arith.constant 8 : i32
    %scan3A_29 = arith.addi %scan3A_27, %scan3A_28 : i32
    %scan3A_30 = arith.constant 1 : i32
    %scan3A_31 = scf.for %scan3A_36 = %scan3A_27 to %scan3A_29 step %scan3A_30 iter_args(%scan3A_37 = %scan3A_26) -> (i32)  : i32 {
      %add3A = arith.constant 40 : i32
      %add3A_38 = arith.addi %mul3A_18, %add3A : i32
      %sub3A = arith.constant 8 : i32
      %sub3A_39 = arith.subi %add3A_38, %sub3A : i32
      %add3A_40 = arith.addi %sub3A_39, %scan3A_36 : i32
      %add3A_41 = arith.constant 32 : i32
      %add3A_42 = arith.addi %add3A_41, %scan3A_36 : i32
      %rem3A = arith.constant 8 : i32
      %rem3A_43 = arith.remsi %add3A_42, %rem3A : i32
      %dma_wait3A = arith.constant 0 : i32
      %dma_wait3A_44 = tpu.memref_slice %arg21[%rem3A_43, %dma_wait3A] : memref<8x128xf32, #tpu.memory_space<vmem>> -> memref<1x128xf32, #tpu.memory_space<vmem>>
      %dma_wait3A_45 = tpu.memref_squeeze %dma_wait3A_44 : memref<1x128xf32, #tpu.memory_space<vmem>> -> memref<128xf32, #tpu.memory_space<vmem>>
      %dma_wait3A_46 = arith.constant 0 : i32
      %dma_wait3A_47 = tpu.memref_slice %arg19[%add3A_40, %dma_wait3A_46] : memref<80x128xi32, #tpu.memory_space<vmem>> -> memref<1x128xi32, #tpu.memory_space<vmem>>
      %dma_wait3A_48 = tpu.memref_squeeze %dma_wait3A_47 : memref<1x128xi32, #tpu.memory_space<vmem>> -> memref<128xi32, #tpu.memory_space<vmem>>
      %dma_wait3A_49 = arith.constant 0 : i32
      %dma_wait3A_50 = tpu.memref_slice %arg23[%dma_wait3A_49] : memref<10240xf32, #tpu.memory_space<vmem_shared>> -> memref<10240xf32, #tpu.memory_space<vmem_shared>>
      tpu.wait_indirect_dma semaphore(%arg24 : memref<!tpu.dma_semaphore, #tpu.memory_space<semaphore_mem>>) src(%dma_wait3A_45 : memref<128xf32, #tpu.memory_space<vmem>>) dst(%dma_wait3A_50 : memref<10240xf32, #tpu.memory_space<vmem_shared>>)
      %scan3A_51 = arith.constant 0 : i32
      scf.yield %scan3A_51 : i32
    }
    %scan3A_32 = arith.constant 8 : i32
    %barrier3A_33 = arith.constant 0 : index
    tpu.barrier barrier_id(%barrier3A_33)
    "tpu.region"() ({
      %run_scoped3A = tpu.sem_alloc : memref<!tpu.dma_semaphore, #tpu.memory_space<semaphore_mem>>
      %dma_start3A = tpu.memref_slice %arg23[%mul3A_0] : memref<10240xf32, #tpu.memory_space<vmem_shared>> -> memref<640xf32, #tpu.memory_space<vmem_shared>>
      %dma_start3A_36 = tpu.memref_slice %arg23[%mul3A_0] : memref<10240xf32, #tpu.memory_space<vmem_shared>> -> memref<640xf32, #tpu.memory_space<vmem_shared>>
      tpu.enqueue_dma source(%dma_start3A_36 : memref<640xf32, #tpu.memory_space<vmem_shared>>) target(%arg14 : memref<640xf32, #tpu.memory_space<vmem>>) target_semaphore(%run_scoped3A : memref<!tpu.dma_semaphore, #tpu.memory_space<semaphore_mem>>)
      %dma_wait3A = tpu.memref_slice %arg23[%mul3A_0] : memref<10240xf32, #tpu.memory_space<vmem_shared>> -> memref<640xf32, #tpu.memory_space<vmem_shared>>
      %dma_wait3A_37 = tpu.memref_slice %arg23[%mul3A_0] : memref<10240xf32, #tpu.memory_space<vmem_shared>> -> memref<640xf32, #tpu.memory_space<vmem_shared>>
      tpu.wait_dma2 semaphore(%run_scoped3A : memref<!tpu.dma_semaphore, #tpu.memory_space<semaphore_mem>>) src(%dma_wait3A_37 : memref<640xf32, #tpu.memory_space<vmem_shared>>) dst(%arg14 : memref<640xf32, #tpu.memory_space<vmem>>)
      tpu.yield
    }) : () -> ()
    "tpu.region"() ({
      %run_scoped3A = tpu.sem_alloc : memref<!tpu.dma_semaphore, #tpu.memory_space<semaphore_mem>>
      %dma_start3A = tpu.memref_slice %arg8[%arg0, %mul3A_0] : memref<2x10240xf32, #tpu.memory_space<hbm>> -> memref<1x640xf32, #tpu.memory_space<hbm>>
      %dma_start3A_36 = tpu.memref_squeeze %dma_start3A : memref<1x640xf32, #tpu.memory_space<hbm>> -> memref<640xf32, #tpu.memory_space<hbm>>
      %dma_start3A_37 = tpu.memref_slice %arg8[%arg0, %mul3A_0] : memref<2x10240xf32, #tpu.memory_space<hbm>> -> memref<1x640xf32, #tpu.memory_space<hbm>>
      %dma_start3A_38 = tpu.memref_squeeze %dma_start3A_37 : memref<1x640xf32, #tpu.memory_space<hbm>> -> memref<640xf32, #tpu.memory_space<hbm>>
      tpu.enqueue_dma source(%arg14 : memref<640xf32, #tpu.memory_space<vmem>>) target(%dma_start3A_38 : memref<640xf32, #tpu.memory_space<hbm>>) target_semaphore(%run_scoped3A : memref<!tpu.dma_semaphore, #tpu.memory_space<semaphore_mem>>)
      %dma_wait3A = tpu.memref_slice %arg8[%arg0, %mul3A_0] : memref<2x10240xf32, #tpu.memory_space<hbm>> -> memref<1x640xf32, #tpu.memory_space<hbm>>
      %dma_wait3A_39 = tpu.memref_squeeze %dma_wait3A : memref<1x640xf32, #tpu.memory_space<hbm>> -> memref<640xf32, #tpu.memory_space<hbm>>
      %dma_wait3A_40 = tpu.memref_slice %arg8[%arg0, %mul3A_0] : memref<2x10240xf32, #tpu.memory_space<hbm>> -> memref<1x640xf32, #tpu.memory_space<hbm>>
      %dma_wait3A_41 = tpu.memref_squeeze %dma_wait3A_40 : memref<1x640xf32, #tpu.memory_space<hbm>> -> memref<640xf32, #tpu.memory_space<hbm>>
      tpu.wait_dma2 semaphore(%run_scoped3A : memref<!tpu.dma_semaphore, #tpu.memory_space<semaphore_mem>>) src(%arg14 : memref<640xf32, #tpu.memory_space<vmem>>) dst(%dma_wait3A_41 : memref<640xf32, #tpu.memory_space<hbm>>)
      tpu.yield
    }) : () -> ()
    %eq3A = arith.constant 0 : i32
    %eq3A_34 = arith.cmpi eq, %arg0, %eq3A : i32
    %convert_element_type3A = arith.extui %eq3A_34 : i1 to i32
    %cond3A = arith.constant 0 : i32
    %cond3A_35 = arith.cmpi ne, %convert_element_type3A, %cond3A : i32
    scf.if %cond3A_35 {
      "tpu.region"() ({
        %run_scoped3A = tpu.sem_alloc : memref<!tpu.dma_semaphore, #tpu.memory_space<semaphore_mem>>
        %dma_start3A = tpu.memref_slice %arg9[%mul3A_0] : memref<10240xf32, #tpu.memory_space<hbm>> -> memref<640xf32, #tpu.memory_space<hbm>>
        %dma_start3A_36 = tpu.memref_slice %arg9[%mul3A_0] : memref<10240xf32, #tpu.memory_space<hbm>> -> memref<640xf32, #tpu.memory_space<hbm>>
        tpu.enqueue_dma source(%arg16 : memref<640xf32, #tpu.memory_space<vmem>>) target(%dma_start3A_36 : memref<640xf32, #tpu.memory_space<hbm>>) target_semaphore(%run_scoped3A : memref<!tpu.dma_semaphore, #tpu.memory_space<semaphore_mem>>)
        %dma_wait3A = tpu.memref_slice %arg9[%mul3A_0] : memref<10240xf32, #tpu.memory_space<hbm>> -> memref<640xf32, #tpu.memory_space<hbm>>
        %dma_wait3A_37 = tpu.memref_slice %arg9[%mul3A_0] : memref<10240xf32, #tpu.memory_space<hbm>> -> memref<640xf32, #tpu.memory_space<hbm>>
        tpu.wait_dma2 semaphore(%run_scoped3A : memref<!tpu.dma_semaphore, #tpu.memory_space<semaphore_mem>>) src(%arg16 : memref<640xf32, #tpu.memory_space<vmem>>) dst(%dma_wait3A_37 : memref<640xf32, #tpu.memory_space<hbm>>)
        tpu.yield
      }) : () -> ()
    } else {
    }
    return
  }
}

#map = affine_map<(d0, d1) -> (0, 0)>
#map1 = affine_map<(d0, d1) -> (0)>
#map2 = affine_map<(d0, d1) -> (0, 0, 0)>
module attributes {stable_mosaic.version = 14 : i64} {
  func.func @_agg1_kernel(%arg0: i32, %arg1: i32, %arg2: memref<2560x64xi32, #tpu.memory_space<hbm>>, %arg3: memref<2560x64xi32, #tpu.memory_space<hbm>>, %arg4: memref<2560x64xf32, #tpu.memory_space<hbm>>, %arg5: memref<20480x128xf32, #tpu.memory_space<hbm>>, %arg6: memref<10240xf32, #tpu.memory_space<hbm>>, %arg7: memref<256xf32, #tpu.memory_space<hbm>>, %arg8: memref<2x10240x128xf32, #tpu.memory_space<hbm>>, %arg9: memref<16x64xi32, #tpu.memory_space<vmem>>, %arg10: memref<2x16x64xi32, #tpu.memory_space<vmem>>, %arg11: memref<16x64xf32, #tpu.memory_space<vmem>>, %arg12: memref<64xi32, #tpu.memory_space<vmem>>, %arg13: memref<64xi32, #tpu.memory_space<vmem>>, %arg14: memref<64xi32, #tpu.memory_space<vmem>>, %arg15: memref<64xi32, #tpu.memory_space<vmem>>, %arg16: memref<64xf32, #tpu.memory_space<vmem>>, %arg17: memref<64xf32, #tpu.memory_space<vmem>>, %arg18: memref<64xf32, #tpu.memory_space<vmem>>, %arg19: memref<64xf32, #tpu.memory_space<vmem>>, %arg20: memref<64x128xf32, #tpu.memory_space<vmem>>, %arg21: memref<64x128xf32, #tpu.memory_space<vmem>>, %arg22: memref<64x128xf32, #tpu.memory_space<vmem>>, %arg23: memref<64x128xf32, #tpu.memory_space<vmem>>, %arg24: memref<128xf32, #tpu.memory_space<vmem>>, %arg25: memref<640xf32, #tpu.memory_space<vmem>>, %arg26: memref<10240x128xf32, #tpu.memory_space<vmem_shared>>, %arg27: memref<!tpu.dma_semaphore, #tpu.memory_space<semaphore_mem>>, %arg28: memref<!tpu.dma_semaphore, #tpu.memory_space<semaphore_mem>>, %arg29: memref<!tpu.dma_semaphore, #tpu.memory_space<semaphore_mem>>, %arg30: memref<!tpu.dma_semaphore, #tpu.memory_space<semaphore_mem>>, %arg31: memref<!tpu.dma_semaphore, #tpu.memory_space<semaphore_mem>>, %arg32: memref<!tpu.dma_semaphore, #tpu.memory_space<semaphore_mem>>, %arg33: memref<!tpu.dma_semaphore, #tpu.memory_space<semaphore_mem>>, %arg34: memref<!tpu.dma_semaphore, #tpu.memory_space<semaphore_mem>>) attributes {dimension_semantics = [#tpu.dimension_semantics<core_parallel>, #tpu.dimension_semantics<subcore_parallel>], iteration_bounds = array<i64: 2, 16>, scalar_prefetch = 0 : i64, scratch_operands = 26 : i64, tpu.core_type = #tpu.core_type<sc_vector_subcore>, window_params = [{transform_indices = #map}, {transform_indices = #map}, {transform_indices = #map}, {transform_indices = #map}, {transform_indices = #map1}, {transform_indices = #map1}, {transform_indices = #map2}]} {
    %mul3A = arith.constant 640 : i32
    %mul3A_0 = arith.muli %arg1, %mul3A : i32
    %mul3A_1 = arith.constant 10240 : i32
    %mul3A_2 = arith.muli %arg0, %mul3A_1 : i32
    %mul3A_3 = arith.constant 160 : i32
    %mul3A_4 = arith.muli %arg1, %mul3A_3 : i32
    "tpu.region"() ({
      %run_scoped3A = tpu.sem_alloc : memref<!tpu.dma_semaphore, #tpu.memory_space<semaphore_mem>>
      %dma_start3A_179 = tpu.memref_slice %arg6[%mul3A_0] : memref<10240xf32, #tpu.memory_space<hbm>> -> memref<640xf32, #tpu.memory_space<hbm>>
      %dma_start3A_180 = tpu.memref_slice %arg6[%mul3A_0] : memref<10240xf32, #tpu.memory_space<hbm>> -> memref<640xf32, #tpu.memory_space<hbm>>
      tpu.enqueue_dma source(%dma_start3A_180 : memref<640xf32, #tpu.memory_space<hbm>>) target(%arg25 : memref<640xf32, #tpu.memory_space<vmem>>) target_semaphore(%run_scoped3A : memref<!tpu.dma_semaphore, #tpu.memory_space<semaphore_mem>>)
      %dma_wait3A_181 = tpu.memref_slice %arg6[%mul3A_0] : memref<10240xf32, #tpu.memory_space<hbm>> -> memref<640xf32, #tpu.memory_space<hbm>>
      %dma_wait3A_182 = tpu.memref_slice %arg6[%mul3A_0] : memref<10240xf32, #tpu.memory_space<hbm>> -> memref<640xf32, #tpu.memory_space<hbm>>
      tpu.wait_dma2 semaphore(%run_scoped3A : memref<!tpu.dma_semaphore, #tpu.memory_space<semaphore_mem>>) src(%dma_wait3A_182 : memref<640xf32, #tpu.memory_space<hbm>>) dst(%arg25 : memref<640xf32, #tpu.memory_space<vmem>>)
      tpu.yield
    }) : () -> ()
    %mul3A_5 = arith.constant 128 : i32
    %mul3A_6 = arith.muli %arg0, %mul3A_5 : i32
    "tpu.region"() ({
      %run_scoped3A = tpu.sem_alloc : memref<!tpu.dma_semaphore, #tpu.memory_space<semaphore_mem>>
      %dma_start3A_179 = tpu.memref_slice %arg7[%mul3A_6] : memref<256xf32, #tpu.memory_space<hbm>> -> memref<128xf32, #tpu.memory_space<hbm>>
      %dma_start3A_180 = tpu.memref_slice %arg7[%mul3A_6] : memref<256xf32, #tpu.memory_space<hbm>> -> memref<128xf32, #tpu.memory_space<hbm>>
      tpu.enqueue_dma source(%dma_start3A_180 : memref<128xf32, #tpu.memory_space<hbm>>) target(%arg24 : memref<128xf32, #tpu.memory_space<vmem>>) target_semaphore(%run_scoped3A : memref<!tpu.dma_semaphore, #tpu.memory_space<semaphore_mem>>)
      %dma_wait3A_181 = tpu.memref_slice %arg7[%mul3A_6] : memref<256xf32, #tpu.memory_space<hbm>> -> memref<128xf32, #tpu.memory_space<hbm>>
      %dma_wait3A_182 = tpu.memref_slice %arg7[%mul3A_6] : memref<256xf32, #tpu.memory_space<hbm>> -> memref<128xf32, #tpu.memory_space<hbm>>
      tpu.wait_dma2 semaphore(%run_scoped3A : memref<!tpu.dma_semaphore, #tpu.memory_space<semaphore_mem>>) src(%dma_wait3A_182 : memref<128xf32, #tpu.memory_space<hbm>>) dst(%arg24 : memref<128xf32, #tpu.memory_space<vmem>>)
      tpu.yield
    }) : () -> ()
    %scan3A = arith.constant 0 : i32
    %scan3A_7 = arith.constant 0 : i32
    %scan3A_8 = arith.constant 64 : i32
    %scan3A_9 = arith.addi %scan3A_7, %scan3A_8 : i32
    %scan3A_10 = arith.constant 1 : i32
    %scan3A_11 = scf.for %scan3A_179 = %scan3A_7 to %scan3A_9 step %scan3A_10 iter_args(%scan3A_180 = %scan3A) -> (i32)  : i32 {
      %broadcast_in_dim3A = arith.constant 0.000000e+00 : f32
      %broadcast_in_dim3A_181 = vector.broadcast %broadcast_in_dim3A : f32 to vector<16xf32>
      %swap3A_182 = arith.index_cast %scan3A_179 : i32 to index
      %swap3A_183 = arith.constant 0 : index
      %swap3A_184 = tpu.vector_load %arg20[%swap3A_182, %swap3A_183] {strides = array<i32>} : memref<64x128xf32, #tpu.memory_space<vmem>>, vector<16xf32>,
      tpu.vector_store %arg20[%swap3A_182, %swap3A_183], %broadcast_in_dim3A_181 {strides = array<i32>} : memref<64x128xf32, #tpu.memory_space<vmem>>, vector<16xf32>,
      %broadcast_in_dim3A_185 = arith.constant 0.000000e+00 : f32
      %broadcast_in_dim3A_186 = vector.broadcast %broadcast_in_dim3A_185 : f32 to vector<16xf32>
      %swap3A_187 = arith.index_cast %scan3A_179 : i32 to index
      %swap3A_188 = arith.constant 16 : index
      %swap3A_189 = tpu.vector_load %arg20[%swap3A_187, %swap3A_188] {strides = array<i32>} : memref<64x128xf32, #tpu.memory_space<vmem>>, vector<16xf32>,
      tpu.vector_store %arg20[%swap3A_187, %swap3A_188], %broadcast_in_dim3A_186 {strides = array<i32>} : memref<64x128xf32, #tpu.memory_space<vmem>>, vector<16xf32>,
      %broadcast_in_dim3A_190 = arith.constant 0.000000e+00 : f32
      %broadcast_in_dim3A_191 = vector.broadcast %broadcast_in_dim3A_190 : f32 to vector<16xf32>
      %swap3A_192 = arith.index_cast %scan3A_179 : i32 to index
      %swap3A_193 = arith.constant 32 : index
      %swap3A_194 = tpu.vector_load %arg20[%swap3A_192, %swap3A_193] {strides = array<i32>} : memref<64x128xf32, #tpu.memory_space<vmem>>, vector<16xf32>,
      tpu.vector_store %arg20[%swap3A_192, %swap3A_193], %broadcast_in_dim3A_191 {strides = array<i32>} : memref<64x128xf32, #tpu.memory_space<vmem>>, vector<16xf32>,
      %broadcast_in_dim3A_195 = arith.constant 0.000000e+00 : f32
      %broadcast_in_dim3A_196 = vector.broadcast %broadcast_in_dim3A_195 : f32 to vector<16xf32>
      %swap3A_197 = arith.index_cast %scan3A_179 : i32 to index
      %swap3A_198 = arith.constant 48 : index
      %swap3A_199 = tpu.vector_load %arg20[%swap3A_197, %swap3A_198] {strides = array<i32>} : memref<64x128xf32, #tpu.memory_space<vmem>>, vector<16xf32>,
      tpu.vector_store %arg20[%swap3A_197, %swap3A_198], %broadcast_in_dim3A_196 {strides = array<i32>} : memref<64x128xf32, #tpu.memory_space<vmem>>, vector<16xf32>,
      %broadcast_in_dim3A_200 = arith.constant 0.000000e+00 : f32
      %broadcast_in_dim3A_201 = vector.broadcast %broadcast_in_dim3A_200 : f32 to vector<16xf32>
      %swap3A_202 = arith.index_cast %scan3A_179 : i32 to index
      %swap3A_203 = arith.constant 64 : index
      %swap3A_204 = tpu.vector_load %arg20[%swap3A_202, %swap3A_203] {strides = array<i32>} : memref<64x128xf32, #tpu.memory_space<vmem>>, vector<16xf32>,
      tpu.vector_store %arg20[%swap3A_202, %swap3A_203], %broadcast_in_dim3A_201 {strides = array<i32>} : memref<64x128xf32, #tpu.memory_space<vmem>>, vector<16xf32>,
      %broadcast_in_dim3A_205 = arith.constant 0.000000e+00 : f32
      %broadcast_in_dim3A_206 = vector.broadcast %broadcast_in_dim3A_205 : f32 to vector<16xf32>
      %swap3A_207 = arith.index_cast %scan3A_179 : i32 to index
      %swap3A_208 = arith.constant 80 : index
      %swap3A_209 = tpu.vector_load %arg20[%swap3A_207, %swap3A_208] {strides = array<i32>} : memref<64x128xf32, #tpu.memory_space<vmem>>, vector<16xf32>,
      tpu.vector_store %arg20[%swap3A_207, %swap3A_208], %broadcast_in_dim3A_206 {strides = array<i32>} : memref<64x128xf32, #tpu.memory_space<vmem>>, vector<16xf32>,
      %broadcast_in_dim3A_210 = arith.constant 0.000000e+00 : f32
      %broadcast_in_dim3A_211 = vector.broadcast %broadcast_in_dim3A_210 : f32 to vector<16xf32>
      %swap3A_212 = arith.index_cast %scan3A_179 : i32 to index
      %swap3A_213 = arith.constant 96 : index
      %swap3A_214 = tpu.vector_load %arg20[%swap3A_212, %swap3A_213] {strides = array<i32>} : memref<64x128xf32, #tpu.memory_space<vmem>>, vector<16xf32>,
      tpu.vector_store %arg20[%swap3A_212, %swap3A_213], %broadcast_in_dim3A_211 {strides = array<i32>} : memref<64x128xf32, #tpu.memory_space<vmem>>, vector<16xf32>,
      %broadcast_in_dim3A_215 = arith.constant 0.000000e+00 : f32
      %broadcast_in_dim3A_216 = vector.broadcast %broadcast_in_dim3A_215 : f32 to vector<16xf32>
      %swap3A_217 = arith.index_cast %scan3A_179 : i32 to index
      %swap3A_218 = arith.constant 112 : index
      %swap3A_219 = tpu.vector_load %arg20[%swap3A_217, %swap3A_218] {strides = array<i32>} : memref<64x128xf32, #tpu.memory_space<vmem>>, vector<16xf32>,
      tpu.vector_store %arg20[%swap3A_217, %swap3A_218], %broadcast_in_dim3A_216 {strides = array<i32>} : memref<64x128xf32, #tpu.memory_space<vmem>>, vector<16xf32>,
      %scan3A_220 = arith.constant 0 : i32
      scf.yield %scan3A_220 : i32
    }
    %scan3A_12 = arith.constant 64 : i32
    %add3A = arith.constant 0 : i32
    %add3A_13 = arith.addi %mul3A_0, %add3A : i32
    "tpu.region"() ({
      %run_scoped3A = tpu.sem_alloc : memref<!tpu.dma_semaphore, #tpu.memory_space<semaphore_mem>>
      %dma_start3A_179 = arith.constant 0 : i32
      %dma_start3A_180 = tpu.memref_slice %arg26[%add3A_13, %dma_start3A_179] : memref<10240x128xf32, #tpu.memory_space<vmem_shared>> -> memref<64x128xf32, #tpu.memory_space<vmem_shared>>
      %dma_start3A_181 = arith.constant 0 : i32
      %dma_start3A_182 = tpu.memref_slice %arg26[%add3A_13, %dma_start3A_181] : memref<10240x128xf32, #tpu.memory_space<vmem_shared>> -> memref<64x128xf32, #tpu.memory_space<vmem_shared>>
      tpu.enqueue_dma source(%arg20 : memref<64x128xf32, #tpu.memory_space<vmem>>) target(%dma_start3A_182 : memref<64x128xf32, #tpu.memory_space<vmem_shared>>) target_semaphore(%run_scoped3A : memref<!tpu.dma_semaphore, #tpu.memory_space<semaphore_mem>>)
      %dma_wait3A_183 = arith.constant 0 : i32
      %dma_wait3A_184 = tpu.memref_slice %arg26[%add3A_13, %dma_wait3A_183] : memref<10240x128xf32, #tpu.memory_space<vmem_shared>> -> memref<64x128xf32, #tpu.memory_space<vmem_shared>>
      %dma_wait3A_185 = arith.constant 0 : i32
      %dma_wait3A_186 = tpu.memref_slice %arg26[%add3A_13, %dma_wait3A_185] : memref<10240x128xf32, #tpu.memory_space<vmem_shared>> -> memref<64x128xf32, #tpu.memory_space<vmem_shared>>
      tpu.wait_dma2 semaphore(%run_scoped3A : memref<!tpu.dma_semaphore, #tpu.memory_space<semaphore_mem>>) src(%arg20 : memref<64x128xf32, #tpu.memory_space<vmem>>) dst(%dma_wait3A_186 : memref<64x128xf32, #tpu.memory_space<vmem_shared>>)
      tpu.yield
    }) : () -> ()
    %add3A_14 = arith.constant 64 : i32
    %add3A_15 = arith.addi %mul3A_0, %add3A_14 : i32
    "tpu.region"() ({
      %run_scoped3A = tpu.sem_alloc : memref<!tpu.dma_semaphore, #tpu.memory_space<semaphore_mem>>
      %dma_start3A_179 = arith.constant 0 : i32
      %dma_start3A_180 = tpu.memref_slice %arg26[%add3A_15, %dma_start3A_179] : memref<10240x128xf32, #tpu.memory_space<vmem_shared>> -> memref<64x128xf32, #tpu.memory_space<vmem_shared>>
      %dma_start3A_181 = arith.constant 0 : i32
      %dma_start3A_182 = tpu.memref_slice %arg26[%add3A_15, %dma_start3A_181] : memref<10240x128xf32, #tpu.memory_space<vmem_shared>> -> memref<64x128xf32, #tpu.memory_space<vmem_shared>>
      tpu.enqueue_dma source(%arg20 : memref<64x128xf32, #tpu.memory_space<vmem>>) target(%dma_start3A_182 : memref<64x128xf32, #tpu.memory_space<vmem_shared>>) target_semaphore(%run_scoped3A : memref<!tpu.dma_semaphore, #tpu.memory_space<semaphore_mem>>)
      %dma_wait3A_183 = arith.constant 0 : i32
      %dma_wait3A_184 = tpu.memref_slice %arg26[%add3A_15, %dma_wait3A_183] : memref<10240x128xf32, #tpu.memory_space<vmem_shared>> -> memref<64x128xf32, #tpu.memory_space<vmem_shared>>
      %dma_wait3A_185 = arith.constant 0 : i32
      %dma_wait3A_186 = tpu.memref_slice %arg26[%add3A_15, %dma_wait3A_185] : memref<10240x128xf32, #tpu.memory_space<vmem_shared>> -> memref<64x128xf32, #tpu.memory_space<vmem_shared>>
      tpu.wait_dma2 semaphore(%run_scoped3A : memref<!tpu.dma_semaphore, #tpu.memory_space<semaphore_mem>>) src(%arg20 : memref<64x128xf32, #tpu.memory_space<vmem>>) dst(%dma_wait3A_186 : memref<64x128xf32, #tpu.memory_space<vmem_shared>>)
      tpu.yield
    }) : () -> ()
    %add3A_16 = arith.constant 128 : i32
    %add3A_17 = arith.addi %mul3A_0, %add3A_16 : i32
    "tpu.region"() ({
      %run_scoped3A = tpu.sem_alloc : memref<!tpu.dma_semaphore, #tpu.memory_space<semaphore_mem>>
      %dma_start3A_179 = arith.constant 0 : i32
      %dma_start3A_180 = tpu.memref_slice %arg26[%add3A_17, %dma_start3A_179] : memref<10240x128xf32, #tpu.memory_space<vmem_shared>> -> memref<64x128xf32, #tpu.memory_space<vmem_shared>>
      %dma_start3A_181 = arith.constant 0 : i32
      %dma_start3A_182 = tpu.memref_slice %arg26[%add3A_17, %dma_start3A_181] : memref<10240x128xf32, #tpu.memory_space<vmem_shared>> -> memref<64x128xf32, #tpu.memory_space<vmem_shared>>
      tpu.enqueue_dma source(%arg20 : memref<64x128xf32, #tpu.memory_space<vmem>>) target(%dma_start3A_182 : memref<64x128xf32, #tpu.memory_space<vmem_shared>>) target_semaphore(%run_scoped3A : memref<!tpu.dma_semaphore, #tpu.memory_space<semaphore_mem>>)
      %dma_wait3A_183 = arith.constant 0 : i32
      %dma_wait3A_184 = tpu.memref_slice %arg26[%add3A_17, %dma_wait3A_183] : memref<10240x128xf32, #tpu.memory_space<vmem_shared>> -> memref<64x128xf32, #tpu.memory_space<vmem_shared>>
      %dma_wait3A_185 = arith.constant 0 : i32
      %dma_wait3A_186 = tpu.memref_slice %arg26[%add3A_17, %dma_wait3A_185] : memref<10240x128xf32, #tpu.memory_space<vmem_shared>> -> memref<64x128xf32, #tpu.memory_space<vmem_shared>>
      tpu.wait_dma2 semaphore(%run_scoped3A : memref<!tpu.dma_semaphore, #tpu.memory_space<semaphore_mem>>) src(%arg20 : memref<64x128xf32, #tpu.memory_space<vmem>>) dst(%dma_wait3A_186 : memref<64x128xf32, #tpu.memory_space<vmem_shared>>)
      tpu.yield
    }) : () -> ()
    %add3A_18 = arith.constant 192 : i32
    %add3A_19 = arith.addi %mul3A_0, %add3A_18 : i32
    "tpu.region"() ({
      %run_scoped3A = tpu.sem_alloc : memref<!tpu.dma_semaphore, #tpu.memory_space<semaphore_mem>>
      %dma_start3A_179 = arith.constant 0 : i32
      %dma_start3A_180 = tpu.memref_slice %arg26[%add3A_19, %dma_start3A_179] : memref<10240x128xf32, #tpu.memory_space<vmem_shared>> -> memref<64x128xf32, #tpu.memory_space<vmem_shared>>
      %dma_start3A_181 = arith.constant 0 : i32
      %dma_start3A_182 = tpu.memref_slice %arg26[%add3A_19, %dma_start3A_181] : memref<10240x128xf32, #tpu.memory_space<vmem_shared>> -> memref<64x128xf32, #tpu.memory_space<vmem_shared>>
      tpu.enqueue_dma source(%arg20 : memref<64x128xf32, #tpu.memory_space<vmem>>) target(%dma_start3A_182 : memref<64x128xf32, #tpu.memory_space<vmem_shared>>) target_semaphore(%run_scoped3A : memref<!tpu.dma_semaphore, #tpu.memory_space<semaphore_mem>>)
      %dma_wait3A_183 = arith.constant 0 : i32
      %dma_wait3A_184 = tpu.memref_slice %arg26[%add3A_19, %dma_wait3A_183] : memref<10240x128xf32, #tpu.memory_space<vmem_shared>> -> memref<64x128xf32, #tpu.memory_space<vmem_shared>>
      %dma_wait3A_185 = arith.constant 0 : i32
      %dma_wait3A_186 = tpu.memref_slice %arg26[%add3A_19, %dma_wait3A_185] : memref<10240x128xf32, #tpu.memory_space<vmem_shared>> -> memref<64x128xf32, #tpu.memory_space<vmem_shared>>
      tpu.wait_dma2 semaphore(%run_scoped3A : memref<!tpu.dma_semaphore, #tpu.memory_space<semaphore_mem>>) src(%arg20 : memref<64x128xf32, #tpu.memory_space<vmem>>) dst(%dma_wait3A_186 : memref<64x128xf32, #tpu.memory_space<vmem_shared>>)
      tpu.yield
    }) : () -> ()
    %add3A_20 = arith.constant 256 : i32
    %add3A_21 = arith.addi %mul3A_0, %add3A_20 : i32
    "tpu.region"() ({
      %run_scoped3A = tpu.sem_alloc : memref<!tpu.dma_semaphore, #tpu.memory_space<semaphore_mem>>
      %dma_start3A_179 = arith.constant 0 : i32
      %dma_start3A_180 = tpu.memref_slice %arg26[%add3A_21, %dma_start3A_179] : memref<10240x128xf32, #tpu.memory_space<vmem_shared>> -> memref<64x128xf32, #tpu.memory_space<vmem_shared>>
      %dma_start3A_181 = arith.constant 0 : i32
      %dma_start3A_182 = tpu.memref_slice %arg26[%add3A_21, %dma_start3A_181] : memref<10240x128xf32, #tpu.memory_space<vmem_shared>> -> memref<64x128xf32, #tpu.memory_space<vmem_shared>>
      tpu.enqueue_dma source(%arg20 : memref<64x128xf32, #tpu.memory_space<vmem>>) target(%dma_start3A_182 : memref<64x128xf32, #tpu.memory_space<vmem_shared>>) target_semaphore(%run_scoped3A : memref<!tpu.dma_semaphore, #tpu.memory_space<semaphore_mem>>)
      %dma_wait3A_183 = arith.constant 0 : i32
      %dma_wait3A_184 = tpu.memref_slice %arg26[%add3A_21, %dma_wait3A_183] : memref<10240x128xf32, #tpu.memory_space<vmem_shared>> -> memref<64x128xf32, #tpu.memory_space<vmem_shared>>
      %dma_wait3A_185 = arith.constant 0 : i32
      %dma_wait3A_186 = tpu.memref_slice %arg26[%add3A_21, %dma_wait3A_185] : memref<10240x128xf32, #tpu.memory_space<vmem_shared>> -> memref<64x128xf32, #tpu.memory_space<vmem_shared>>
      tpu.wait_dma2 semaphore(%run_scoped3A : memref<!tpu.dma_semaphore, #tpu.memory_space<semaphore_mem>>) src(%arg20 : memref<64x128xf32, #tpu.memory_space<vmem>>) dst(%dma_wait3A_186 : memref<64x128xf32, #tpu.memory_space<vmem_shared>>)
      tpu.yield
    }) : () -> ()
    %add3A_22 = arith.constant 320 : i32
    %add3A_23 = arith.addi %mul3A_0, %add3A_22 : i32
    "tpu.region"() ({
      %run_scoped3A = tpu.sem_alloc : memref<!tpu.dma_semaphore, #tpu.memory_space<semaphore_mem>>
      %dma_start3A_179 = arith.constant 0 : i32
      %dma_start3A_180 = tpu.memref_slice %arg26[%add3A_23, %dma_start3A_179] : memref<10240x128xf32, #tpu.memory_space<vmem_shared>> -> memref<64x128xf32, #tpu.memory_space<vmem_shared>>
      %dma_start3A_181 = arith.constant 0 : i32
      %dma_start3A_182 = tpu.memref_slice %arg26[%add3A_23, %dma_start3A_181] : memref<10240x128xf32, #tpu.memory_space<vmem_shared>> -> memref<64x128xf32, #tpu.memory_space<vmem_shared>>
      tpu.enqueue_dma source(%arg20 : memref<64x128xf32, #tpu.memory_space<vmem>>) target(%dma_start3A_182 : memref<64x128xf32, #tpu.memory_space<vmem_shared>>) target_semaphore(%run_scoped3A : memref<!tpu.dma_semaphore, #tpu.memory_space<semaphore_mem>>)
      %dma_wait3A_183 = arith.constant 0 : i32
      %dma_wait3A_184 = tpu.memref_slice %arg26[%add3A_23, %dma_wait3A_183] : memref<10240x128xf32, #tpu.memory_space<vmem_shared>> -> memref<64x128xf32, #tpu.memory_space<vmem_shared>>
      %dma_wait3A_185 = arith.constant 0 : i32
      %dma_wait3A_186 = tpu.memref_slice %arg26[%add3A_23, %dma_wait3A_185] : memref<10240x128xf32, #tpu.memory_space<vmem_shared>> -> memref<64x128xf32, #tpu.memory_space<vmem_shared>>
      tpu.wait_dma2 semaphore(%run_scoped3A : memref<!tpu.dma_semaphore, #tpu.memory_space<semaphore_mem>>) src(%arg20 : memref<64x128xf32, #tpu.memory_space<vmem>>) dst(%dma_wait3A_186 : memref<64x128xf32, #tpu.memory_space<vmem_shared>>)
      tpu.yield
    }) : () -> ()
    %add3A_24 = arith.constant 384 : i32
    %add3A_25 = arith.addi %mul3A_0, %add3A_24 : i32
    "tpu.region"() ({
      %run_scoped3A = tpu.sem_alloc : memref<!tpu.dma_semaphore, #tpu.memory_space<semaphore_mem>>
      %dma_start3A_179 = arith.constant 0 : i32
      %dma_start3A_180 = tpu.memref_slice %arg26[%add3A_25, %dma_start3A_179] : memref<10240x128xf32, #tpu.memory_space<vmem_shared>> -> memref<64x128xf32, #tpu.memory_space<vmem_shared>>
      %dma_start3A_181 = arith.constant 0 : i32
      %dma_start3A_182 = tpu.memref_slice %arg26[%add3A_25, %dma_start3A_181] : memref<10240x128xf32, #tpu.memory_space<vmem_shared>> -> memref<64x128xf32, #tpu.memory_space<vmem_shared>>
      tpu.enqueue_dma source(%arg20 : memref<64x128xf32, #tpu.memory_space<vmem>>) target(%dma_start3A_182 : memref<64x128xf32, #tpu.memory_space<vmem_shared>>) target_semaphore(%run_scoped3A : memref<!tpu.dma_semaphore, #tpu.memory_space<semaphore_mem>>)
      %dma_wait3A_183 = arith.constant 0 : i32
      %dma_wait3A_184 = tpu.memref_slice %arg26[%add3A_25, %dma_wait3A_183] : memref<10240x128xf32, #tpu.memory_space<vmem_shared>> -> memref<64x128xf32, #tpu.memory_space<vmem_shared>>
      %dma_wait3A_185 = arith.constant 0 : i32
      %dma_wait3A_186 = tpu.memref_slice %arg26[%add3A_25, %dma_wait3A_185] : memref<10240x128xf32, #tpu.memory_space<vmem_shared>> -> memref<64x128xf32, #tpu.memory_space<vmem_shared>>
      tpu.wait_dma2 semaphore(%run_scoped3A : memref<!tpu.dma_semaphore, #tpu.memory_space<semaphore_mem>>) src(%arg20 : memref<64x128xf32, #tpu.memory_space<vmem>>) dst(%dma_wait3A_186 : memref<64x128xf32, #tpu.memory_space<vmem_shared>>)
      tpu.yield
    }) : () -> ()
    %add3A_26 = arith.constant 448 : i32
    %add3A_27 = arith.addi %mul3A_0, %add3A_26 : i32
    "tpu.region"() ({
      %run_scoped3A = tpu.sem_alloc : memref<!tpu.dma_semaphore, #tpu.memory_space<semaphore_mem>>
      %dma_start3A_179 = arith.constant 0 : i32
      %dma_start3A_180 = tpu.memref_slice %arg26[%add3A_27, %dma_start3A_179] : memref<10240x128xf32, #tpu.memory_space<vmem_shared>> -> memref<64x128xf32, #tpu.memory_space<vmem_shared>>
      %dma_start3A_181 = arith.constant 0 : i32
      %dma_start3A_182 = tpu.memref_slice %arg26[%add3A_27, %dma_start3A_181] : memref<10240x128xf32, #tpu.memory_space<vmem_shared>> -> memref<64x128xf32, #tpu.memory_space<vmem_shared>>
      tpu.enqueue_dma source(%arg20 : memref<64x128xf32, #tpu.memory_space<vmem>>) target(%dma_start3A_182 : memref<64x128xf32, #tpu.memory_space<vmem_shared>>) target_semaphore(%run_scoped3A : memref<!tpu.dma_semaphore, #tpu.memory_space<semaphore_mem>>)
      %dma_wait3A_183 = arith.constant 0 : i32
      %dma_wait3A_184 = tpu.memref_slice %arg26[%add3A_27, %dma_wait3A_183] : memref<10240x128xf32, #tpu.memory_space<vmem_shared>> -> memref<64x128xf32, #tpu.memory_space<vmem_shared>>
      %dma_wait3A_185 = arith.constant 0 : i32
      %dma_wait3A_186 = tpu.memref_slice %arg26[%add3A_27, %dma_wait3A_185] : memref<10240x128xf32, #tpu.memory_space<vmem_shared>> -> memref<64x128xf32, #tpu.memory_space<vmem_shared>>
      tpu.wait_dma2 semaphore(%run_scoped3A : memref<!tpu.dma_semaphore, #tpu.memory_space<semaphore_mem>>) src(%arg20 : memref<64x128xf32, #tpu.memory_space<vmem>>) dst(%dma_wait3A_186 : memref<64x128xf32, #tpu.memory_space<vmem_shared>>)
      tpu.yield
    }) : () -> ()
    %add3A_28 = arith.constant 512 : i32
    %add3A_29 = arith.addi %mul3A_0, %add3A_28 : i32
    "tpu.region"() ({
      %run_scoped3A = tpu.sem_alloc : memref<!tpu.dma_semaphore, #tpu.memory_space<semaphore_mem>>
      %dma_start3A_179 = arith.constant 0 : i32
      %dma_start3A_180 = tpu.memref_slice %arg26[%add3A_29, %dma_start3A_179] : memref<10240x128xf32, #tpu.memory_space<vmem_shared>> -> memref<64x128xf32, #tpu.memory_space<vmem_shared>>
      %dma_start3A_181 = arith.constant 0 : i32
      %dma_start3A_182 = tpu.memref_slice %arg26[%add3A_29, %dma_start3A_181] : memref<10240x128xf32, #tpu.memory_space<vmem_shared>> -> memref<64x128xf32, #tpu.memory_space<vmem_shared>>
      tpu.enqueue_dma source(%arg20 : memref<64x128xf32, #tpu.memory_space<vmem>>) target(%dma_start3A_182 : memref<64x128xf32, #tpu.memory_space<vmem_shared>>) target_semaphore(%run_scoped3A : memref<!tpu.dma_semaphore, #tpu.memory_space<semaphore_mem>>)
      %dma_wait3A_183 = arith.constant 0 : i32
      %dma_wait3A_184 = tpu.memref_slice %arg26[%add3A_29, %dma_wait3A_183] : memref<10240x128xf32, #tpu.memory_space<vmem_shared>> -> memref<64x128xf32, #tpu.memory_space<vmem_shared>>
      %dma_wait3A_185 = arith.constant 0 : i32
      %dma_wait3A_186 = tpu.memref_slice %arg26[%add3A_29, %dma_wait3A_185] : memref<10240x128xf32, #tpu.memory_space<vmem_shared>> -> memref<64x128xf32, #tpu.memory_space<vmem_shared>>
      tpu.wait_dma2 semaphore(%run_scoped3A : memref<!tpu.dma_semaphore, #tpu.memory_space<semaphore_mem>>) src(%arg20 : memref<64x128xf32, #tpu.memory_space<vmem>>) dst(%dma_wait3A_186 : memref<64x128xf32, #tpu.memory_space<vmem_shared>>)
      tpu.yield
    }) : () -> ()
    %add3A_30 = arith.constant 576 : i32
    %add3A_31 = arith.addi %mul3A_0, %add3A_30 : i32
    "tpu.region"() ({
      %run_scoped3A = tpu.sem_alloc : memref<!tpu.dma_semaphore, #tpu.memory_space<semaphore_mem>>
      %dma_start3A_179 = arith.constant 0 : i32
      %dma_start3A_180 = tpu.memref_slice %arg26[%add3A_31, %dma_start3A_179] : memref<10240x128xf32, #tpu.memory_space<vmem_shared>> -> memref<64x128xf32, #tpu.memory_space<vmem_shared>>
      %dma_start3A_181 = arith.constant 0 : i32
      %dma_start3A_182 = tpu.memref_slice %arg26[%add3A_31, %dma_start3A_181] : memref<10240x128xf32, #tpu.memory_space<vmem_shared>> -> memref<64x128xf32, #tpu.memory_space<vmem_shared>>
      tpu.enqueue_dma source(%arg20 : memref<64x128xf32, #tpu.memory_space<vmem>>) target(%dma_start3A_182 : memref<64x128xf32, #tpu.memory_space<vmem_shared>>) target_semaphore(%run_scoped3A : memref<!tpu.dma_semaphore, #tpu.memory_space<semaphore_mem>>)
      %dma_wait3A_183 = arith.constant 0 : i32
      %dma_wait3A_184 = tpu.memref_slice %arg26[%add3A_31, %dma_wait3A_183] : memref<10240x128xf32, #tpu.memory_space<vmem_shared>> -> memref<64x128xf32, #tpu.memory_space<vmem_shared>>
      %dma_wait3A_185 = arith.constant 0 : i32
      %dma_wait3A_186 = tpu.memref_slice %arg26[%add3A_31, %dma_wait3A_185] : memref<10240x128xf32, #tpu.memory_space<vmem_shared>> -> memref<64x128xf32, #tpu.memory_space<vmem_shared>>
      tpu.wait_dma2 semaphore(%run_scoped3A : memref<!tpu.dma_semaphore, #tpu.memory_space<semaphore_mem>>) src(%arg20 : memref<64x128xf32, #tpu.memory_space<vmem>>) dst(%dma_wait3A_186 : memref<64x128xf32, #tpu.memory_space<vmem_shared>>)
      tpu.yield
    }) : () -> ()
    %barrier3A = arith.constant 0 : index
    tpu.barrier barrier_id(%barrier3A)
    %rem3A = arith.constant 0 : i32
    %rem3A_32 = arith.constant 2 : i32
    %rem3A_33 = arith.remsi %rem3A, %rem3A_32 : i32
    %add3A_34 = arith.constant 0 : i32
    %add3A_35 = arith.addi %mul3A_4, %add3A_34 : i32
    "tpu.region"() ({
      %run_scoped3A = tpu.sem_alloc : memref<!tpu.dma_semaphore, #tpu.memory_space<semaphore_mem>>
      %dma_start3A_179 = arith.constant 0 : i32
      %dma_start3A_180 = tpu.memref_slice %arg2[%add3A_35, %dma_start3A_179] : memref<2560x64xi32, #tpu.memory_space<hbm>> -> memref<16x64xi32, #tpu.memory_space<hbm>>
      %dma_start3A_181 = arith.constant 0 : i32
      %dma_start3A_182 = tpu.memref_slice %arg2[%add3A_35, %dma_start3A_181] : memref<2560x64xi32, #tpu.memory_space<hbm>> -> memref<16x64xi32, #tpu.memory_space<hbm>>
      tpu.enqueue_dma source(%dma_start3A_182 : memref<16x64xi32, #tpu.memory_space<hbm>>) target(%arg9 : memref<16x64xi32, #tpu.memory_space<vmem>>) target_semaphore(%run_scoped3A : memref<!tpu.dma_semaphore, #tpu.memory_space<semaphore_mem>>)
      %dma_wait3A_183 = arith.constant 0 : i32
      %dma_wait3A_184 = tpu.memref_slice %arg2[%add3A_35, %dma_wait3A_183] : memref<2560x64xi32, #tpu.memory_space<hbm>> -> memref<16x64xi32, #tpu.memory_space<hbm>>
      %dma_wait3A_185 = arith.constant 0 : i32
      %dma_wait3A_186 = tpu.memref_slice %arg2[%add3A_35, %dma_wait3A_185] : memref<2560x64xi32, #tpu.memory_space<hbm>> -> memref<16x64xi32, #tpu.memory_space<hbm>>
      tpu.wait_dma2 semaphore(%run_scoped3A : memref<!tpu.dma_semaphore, #tpu.memory_space<semaphore_mem>>) src(%dma_wait3A_186 : memref<16x64xi32, #tpu.memory_space<hbm>>) dst(%arg9 : memref<16x64xi32, #tpu.memory_space<vmem>>)
      tpu.yield
    }) : () -> ()
    "tpu.region"() ({
      %run_scoped3A = tpu.sem_alloc : memref<!tpu.dma_semaphore, #tpu.memory_space<semaphore_mem>>
      %dma_start3A_179 = arith.constant 0 : i32
      %dma_start3A_180 = tpu.memref_slice %arg4[%add3A_35, %dma_start3A_179] : memref<2560x64xf32, #tpu.memory_space<hbm>> -> memref<16x64xf32, #tpu.memory_space<hbm>>
      %dma_start3A_181 = arith.constant 0 : i32
      %dma_start3A_182 = tpu.memref_slice %arg4[%add3A_35, %dma_start3A_181] : memref<2560x64xf32, #tpu.memory_space<hbm>> -> memref<16x64xf32, #tpu.memory_space<hbm>>
      tpu.enqueue_dma source(%dma_start3A_182 : memref<16x64xf32, #tpu.memory_space<hbm>>) target(%arg11 : memref<16x64xf32, #tpu.memory_space<vmem>>) target_semaphore(%run_scoped3A : memref<!tpu.dma_semaphore, #tpu.memory_space<semaphore_mem>>)
      %dma_wait3A_183 = arith.constant 0 : i32
      %dma_wait3A_184 = tpu.memref_slice %arg4[%add3A_35, %dma_wait3A_183] : memref<2560x64xf32, #tpu.memory_space<hbm>> -> memref<16x64xf32, #tpu.memory_space<hbm>>
      %dma_wait3A_185 = arith.constant 0 : i32
      %dma_wait3A_186 = tpu.memref_slice %arg4[%add3A_35, %dma_wait3A_185] : memref<2560x64xf32, #tpu.memory_space<hbm>> -> memref<16x64xf32, #tpu.memory_space<hbm>>
      tpu.wait_dma2 semaphore(%run_scoped3A : memref<!tpu.dma_semaphore, #tpu.memory_space<semaphore_mem>>) src(%dma_wait3A_186 : memref<16x64xf32, #tpu.memory_space<hbm>>) dst(%arg11 : memref<16x64xf32, #tpu.memory_space<vmem>>)
      tpu.yield
    }) : () -> ()
    "tpu.region"() ({
      %run_scoped3A = tpu.sem_alloc : memref<!tpu.dma_semaphore, #tpu.memory_space<semaphore_mem>>
      %dma_start3A_179 = arith.constant 0 : i32
      %dma_start3A_180 = arith.constant 0 : i32
      %dma_start3A_181 = tpu.memref_slice %arg10[%rem3A_33, %dma_start3A_179, %dma_start3A_180] : memref<2x16x64xi32, #tpu.memory_space<vmem>> -> memref<1x16x64xi32, #tpu.memory_space<vmem>>
      %dma_start3A_182 = tpu.memref_squeeze %dma_start3A_181 : memref<1x16x64xi32, #tpu.memory_space<vmem>> -> memref<16x64xi32, #tpu.memory_space<vmem>>
      %dma_start3A_183 = arith.constant 0 : i32
      %dma_start3A_184 = tpu.memref_slice %arg3[%add3A_35, %dma_start3A_183] : memref<2560x64xi32, #tpu.memory_space<hbm>> -> memref<16x64xi32, #tpu.memory_space<hbm>>
      %dma_start3A_185 = arith.constant 0 : i32
      %dma_start3A_186 = arith.constant 0 : i32
      %dma_start3A_187 = tpu.memref_slice %arg10[%rem3A_33, %dma_start3A_185, %dma_start3A_186] : memref<2x16x64xi32, #tpu.memory_space<vmem>> -> memref<1x16x64xi32, #tpu.memory_space<vmem>>
      %dma_start3A_188 = tpu.memref_squeeze %dma_start3A_187 : memref<1x16x64xi32, #tpu.memory_space<vmem>> -> memref<16x64xi32, #tpu.memory_space<vmem>>
      %dma_start3A_189 = arith.constant 0 : i32
      %dma_start3A_190 = tpu.memref_slice %arg3[%add3A_35, %dma_start3A_189] : memref<2560x64xi32, #tpu.memory_space<hbm>> -> memref<16x64xi32, #tpu.memory_space<hbm>>
      tpu.enqueue_dma source(%dma_start3A_190 : memref<16x64xi32, #tpu.memory_space<hbm>>) target(%dma_start3A_188 : memref<16x64xi32, #tpu.memory_space<vmem>>) target_semaphore(%run_scoped3A : memref<!tpu.dma_semaphore, #tpu.memory_space<semaphore_mem>>)
      %dma_wait3A_191 = arith.constant 0 : i32
      %dma_wait3A_192 = arith.constant 0 : i32
      %dma_wait3A_193 = tpu.memref_slice %arg10[%rem3A_33, %dma_wait3A_191, %dma_wait3A_192] : memref<2x16x64xi32, #tpu.memory_space<vmem>> -> memref<1x16x64xi32, #tpu.memory_space<vmem>>
      %dma_wait3A_194 = tpu.memref_squeeze %dma_wait3A_193 : memref<1x16x64xi32, #tpu.memory_space<vmem>> -> memref<16x64xi32, #tpu.memory_space<vmem>>
      %dma_wait3A_195 = arith.constant 0 : i32
      %dma_wait3A_196 = tpu.memref_slice %arg3[%add3A_35, %dma_wait3A_195] : memref<2560x64xi32, #tpu.memory_space<hbm>> -> memref<16x64xi32, #tpu.memory_space<hbm>>
      %dma_wait3A_197 = arith.constant 0 : i32
      %dma_wait3A_198 = arith.constant 0 : i32
      %dma_wait3A_199 = tpu.memref_slice %arg10[%rem3A_33, %dma_wait3A_197, %dma_wait3A_198] : memref<2x16x64xi32, #tpu.memory_space<vmem>> -> memref<1x16x64xi32, #tpu.memory_space<vmem>>
      %dma_wait3A_200 = tpu.memref_squeeze %dma_wait3A_199 : memref<1x16x64xi32, #tpu.memory_space<vmem>> -> memref<16x64xi32, #tpu.memory_space<vmem>>
      %dma_wait3A_201 = arith.constant 0 : i32
      %dma_wait3A_202 = tpu.memref_slice %arg3[%add3A_35, %dma_wait3A_201] : memref<2560x64xi32, #tpu.memory_space<hbm>> -> memref<16x64xi32, #tpu.memory_space<hbm>>
      tpu.wait_dma2 semaphore(%run_scoped3A : memref<!tpu.dma_semaphore, #tpu.memory_space<semaphore_mem>>) src(%dma_wait3A_202 : memref<16x64xi32, #tpu.memory_space<hbm>>) dst(%dma_wait3A_200 : memref<16x64xi32, #tpu.memory_space<vmem>>)
      tpu.yield
    }) : () -> ()
    %rem3A_36 = arith.constant 0 : i32
    %rem3A_37 = arith.constant 16 : i32
    %rem3A_38 = arith.remsi %rem3A_36, %rem3A_37 : i32
    %get3A = arith.index_cast %rem3A_38 : i32 to index
    %get3A_39 = arith.constant 0 : index
    %get3A_40 = tpu.vector_load %arg9[%get3A, %get3A_39] {strides = array<i32>} : memref<16x64xi32, #tpu.memory_space<vmem>>, vector<16xi32>,
    %add3A_41 = vector.broadcast %mul3A_2 : i32 to vector<16xi32>
    %add3A_42 = arith.addi %get3A_40, %add3A_41 : vector<16xi32>
    %swap3A = arith.constant 0 : index
    %swap3A_43 = tpu.vector_load %arg12[%swap3A] {strides = array<i32>} : memref<64xi32, #tpu.memory_space<vmem>>, vector<16xi32>,
    tpu.vector_store %arg12[%swap3A], %add3A_42 {strides = array<i32>} : memref<64xi32, #tpu.memory_space<vmem>>, vector<16xi32>,
    %get3A_44 = arith.index_cast %rem3A_38 : i32 to index
    %get3A_45 = arith.constant 0 : index
    %get3A_46 = tpu.vector_load %arg11[%get3A_44, %get3A_45] {strides = array<i32>} : memref<16x64xf32, #tpu.memory_space<vmem>>, vector<16xf32>,
    %swap3A_47 = arith.constant 0 : index
    %swap3A_48 = tpu.vector_load %arg16[%swap3A_47] {strides = array<i32>} : memref<64xf32, #tpu.memory_space<vmem>>, vector<16xf32>,
    tpu.vector_store %arg16[%swap3A_47], %get3A_46 {strides = array<i32>} : memref<64xf32, #tpu.memory_space<vmem>>, vector<16xf32>,
    %get3A_49 = arith.index_cast %rem3A_38 : i32 to index
    %get3A_50 = arith.constant 16 : index
    %get3A_51 = tpu.vector_load %arg9[%get3A_49, %get3A_50] {strides = array<i32>} : memref<16x64xi32, #tpu.memory_space<vmem>>, vector<16xi32>,
    %add3A_52 = vector.broadcast %mul3A_2 : i32 to vector<16xi32>
    %add3A_53 = arith.addi %get3A_51, %add3A_52 : vector<16xi32>
    %swap3A_54 = arith.constant 16 : index
    %swap3A_55 = tpu.vector_load %arg12[%swap3A_54] {strides = array<i32>} : memref<64xi32, #tpu.memory_space<vmem>>, vector<16xi32>,
    tpu.vector_store %arg12[%swap3A_54], %add3A_53 {strides = array<i32>} : memref<64xi32, #tpu.memory_space<vmem>>, vector<16xi32>,
    %get3A_56 = arith.index_cast %rem3A_38 : i32 to index
    %get3A_57 = arith.constant 16 : index
    %get3A_58 = tpu.vector_load %arg11[%get3A_56, %get3A_57] {strides = array<i32>} : memref<16x64xf32, #tpu.memory_space<vmem>>, vector<16xf32>,
    %swap3A_59 = arith.constant 16 : index
    %swap3A_60 = tpu.vector_load %arg16[%swap3A_59] {strides = array<i32>} : memref<64xf32, #tpu.memory_space<vmem>>, vector<16xf32>,
    tpu.vector_store %arg16[%swap3A_59], %get3A_58 {strides = array<i32>} : memref<64xf32, #tpu.memory_space<vmem>>, vector<16xf32>,
    %get3A_61 = arith.index_cast %rem3A_38 : i32 to index
    %get3A_62 = arith.constant 32 : index
    %get3A_63 = tpu.vector_load %arg9[%get3A_61, %get3A_62] {strides = array<i32>} : memref<16x64xi32, #tpu.memory_space<vmem>>, vector<16xi32>,
    %add3A_64 = vector.broadcast %mul3A_2 : i32 to vector<16xi32>
    %add3A_65 = arith.addi %get3A_63, %add3A_64 : vector<16xi32>
    %swap3A_66 = arith.constant 32 : index
    %swap3A_67 = tpu.vector_load %arg12[%swap3A_66] {strides = array<i32>} : memref<64xi32, #tpu.memory_space<vmem>>, vector<16xi32>,
    tpu.vector_store %arg12[%swap3A_66], %add3A_65 {strides = array<i32>} : memref<64xi32, #tpu.memory_space<vmem>>, vector<16xi32>,
    %get3A_68 = arith.index_cast %rem3A_38 : i32 to index
    %get3A_69 = arith.constant 32 : index
    %get3A_70 = tpu.vector_load %arg11[%get3A_68, %get3A_69] {strides = array<i32>} : memref<16x64xf32, #tpu.memory_space<vmem>>, vector<16xf32>,
    %swap3A_71 = arith.constant 32 : index
    %swap3A_72 = tpu.vector_load %arg16[%swap3A_71] {strides = array<i32>} : memref<64xf32, #tpu.memory_space<vmem>>, vector<16xf32>,
    tpu.vector_store %arg16[%swap3A_71], %get3A_70 {strides = array<i32>} : memref<64xf32, #tpu.memory_space<vmem>>, vector<16xf32>,
    %get3A_73 = arith.index_cast %rem3A_38 : i32 to index
    %get3A_74 = arith.constant 48 : index
    %get3A_75 = tpu.vector_load %arg9[%get3A_73, %get3A_74] {strides = array<i32>} : memref<16x64xi32, #tpu.memory_space<vmem>>, vector<16xi32>,
    %add3A_76 = vector.broadcast %mul3A_2 : i32 to vector<16xi32>
    %add3A_77 = arith.addi %get3A_75, %add3A_76 : vector<16xi32>
    %swap3A_78 = arith.constant 48 : index
    %swap3A_79 = tpu.vector_load %arg12[%swap3A_78] {strides = array<i32>} : memref<64xi32, #tpu.memory_space<vmem>>, vector<16xi32>,
    tpu.vector_store %arg12[%swap3A_78], %add3A_77 {strides = array<i32>} : memref<64xi32, #tpu.memory_space<vmem>>, vector<16xi32>,
    %get3A_80 = arith.index_cast %rem3A_38 : i32 to index
    %get3A_81 = arith.constant 48 : index
    %get3A_82 = tpu.vector_load %arg11[%get3A_80, %get3A_81] {strides = array<i32>} : memref<16x64xf32, #tpu.memory_space<vmem>>, vector<16xf32>,
    %swap3A_83 = arith.constant 48 : index
    %swap3A_84 = tpu.vector_load %arg16[%swap3A_83] {strides = array<i32>} : memref<64xf32, #tpu.memory_space<vmem>>, vector<16xf32>,
    tpu.vector_store %arg16[%swap3A_83], %get3A_82 {strides = array<i32>} : memref<64xf32, #tpu.memory_space<vmem>>, vector<16xf32>,
    %dma_start3A = arith.constant 0 : i32
    %dma_start3A_85 = arith.constant 0 : i32
    %dma_start3A_86 = tpu.memref_slice %arg5[%dma_start3A, %dma_start3A_85] : memref<20480x128xf32, #tpu.memory_space<hbm>> -> memref<20480x128xf32, #tpu.memory_space<hbm>>
    tpu.enqueue_indirect_dma source(%dma_start3A_86 : memref<20480x128xf32, #tpu.memory_space<hbm>>) target(%arg20 : memref<64x128xf32, #tpu.memory_space<vmem>>) offsets(%arg12 : memref<64xi32, #tpu.memory_space<vmem>>) semaphore(%arg27 : memref<!tpu.dma_semaphore, #tpu.memory_space<semaphore_mem>>)
    %rem3A_87 = arith.constant 1 : i32
    %rem3A_88 = arith.constant 16 : i32
    %rem3A_89 = arith.remsi %rem3A_87, %rem3A_88 : i32
    %get3A_90 = arith.index_cast %rem3A_89 : i32 to index
    %get3A_91 = arith.constant 0 : index
    %get3A_92 = tpu.vector_load %arg9[%get3A_90, %get3A_91] {strides = array<i32>} : memref<16x64xi32, #tpu.memory_space<vmem>>, vector<16xi32>,
    %add3A_93 = vector.broadcast %mul3A_2 : i32 to vector<16xi32>
    %add3A_94 = arith.addi %get3A_92, %add3A_93 : vector<16xi32>
    %swap3A_95 = arith.constant 0 : index
    %swap3A_96 = tpu.vector_load %arg13[%swap3A_95] {strides = array<i32>} : memref<64xi32, #tpu.memory_space<vmem>>, vector<16xi32>,
    tpu.vector_store %arg13[%swap3A_95], %add3A_94 {strides = array<i32>} : memref<64xi32, #tpu.memory_space<vmem>>, vector<16xi32>,
    %get3A_97 = arith.index_cast %rem3A_89 : i32 to index
    %get3A_98 = arith.constant 0 : index
    %get3A_99 = tpu.vector_load %arg11[%get3A_97, %get3A_98] {strides = array<i32>} : memref<16x64xf32, #tpu.memory_space<vmem>>, vector<16xf32>,
    %swap3A_100 = arith.constant 0 : index
    %swap3A_101 = tpu.vector_load %arg17[%swap3A_100] {strides = array<i32>} : memref<64xf32, #tpu.memory_space<vmem>>, vector<16xf32>,
    tpu.vector_store %arg17[%swap3A_100], %get3A_99 {strides = array<i32>} : memref<64xf32, #tpu.memory_space<vmem>>, vector<16xf32>,
    %get3A_102 = arith.index_cast %rem3A_89 : i32 to index
    %get3A_103 = arith.constant 16 : index
    %get3A_104 = tpu.vector_load %arg9[%get3A_102, %get3A_103] {strides = array<i32>} : memref<16x64xi32, #tpu.memory_space<vmem>>, vector<16xi32>,
    %add3A_105 = vector.broadcast %mul3A_2 : i32 to vector<16xi32>
    %add3A_106 = arith.addi %get3A_104, %add3A_105 : vector<16xi32>
    %swap3A_107 = arith.constant 16 : index
    %swap3A_108 = tpu.vector_load %arg13[%swap3A_107] {strides = array<i32>} : memref<64xi32, #tpu.memory_space<vmem>>, vector<16xi32>,
    tpu.vector_store %arg13[%swap3A_107], %add3A_106 {strides = array<i32>} : memref<64xi32, #tpu.memory_space<vmem>>, vector<16xi32>,
    %get3A_109 = arith.index_cast %rem3A_89 : i32 to index
    %get3A_110 = arith.constant 16 : index
    %get3A_111 = tpu.vector_load %arg11[%get3A_109, %get3A_110] {strides = array<i32>} : memref<16x64xf32, #tpu.memory_space<vmem>>, vector<16xf32>,
    %swap3A_112 = arith.constant 16 : index
    %swap3A_113 = tpu.vector_load %arg17[%swap3A_112] {strides = array<i32>} : memref<64xf32, #tpu.memory_space<vmem>>, vector<16xf32>,
    tpu.vector_store %arg17[%swap3A_112], %get3A_111 {strides = array<i32>} : memref<64xf32, #tpu.memory_space<vmem>>, vector<16xf32>,
    %get3A_114 = arith.index_cast %rem3A_89 : i32 to index
    %get3A_115 = arith.constant 32 : index
    %get3A_116 = tpu.vector_load %arg9[%get3A_114, %get3A_115] {strides = array<i32>} : memref<16x64xi32, #tpu.memory_space<vmem>>, vector<16xi32>,
    %add3A_117 = vector.broadcast %mul3A_2 : i32 to vector<16xi32>
    %add3A_118 = arith.addi %get3A_116, %add3A_117 : vector<16xi32>
    %swap3A_119 = arith.constant 32 : index
    %swap3A_120 = tpu.vector_load %arg13[%swap3A_119] {strides = array<i32>} : memref<64xi32, #tpu.memory_space<vmem>>, vector<16xi32>,
    tpu.vector_store %arg13[%swap3A_119], %add3A_118 {strides = array<i32>} : memref<64xi32, #tpu.memory_space<vmem>>, vector<16xi32>,
    %get3A_121 = arith.index_cast %rem3A_89 : i32 to index
    %get3A_122 = arith.constant 32 : index
    %get3A_123 = tpu.vector_load %arg11[%get3A_121, %get3A_122] {strides = array<i32>} : memref<16x64xf32, #tpu.memory_space<vmem>>, vector<16xf32>,
    %swap3A_124 = arith.constant 32 : index
    %swap3A_125 = tpu.vector_load %arg17[%swap3A_124] {strides = array<i32>} : memref<64xf32, #tpu.memory_space<vmem>>, vector<16xf32>,
    tpu.vector_store %arg17[%swap3A_124], %get3A_123 {strides = array<i32>} : memref<64xf32, #tpu.memory_space<vmem>>, vector<16xf32>,
    %get3A_126 = arith.index_cast %rem3A_89 : i32 to index
    %get3A_127 = arith.constant 48 : index
    %get3A_128 = tpu.vector_load %arg9[%get3A_126, %get3A_127] {strides = array<i32>} : memref<16x64xi32, #tpu.memory_space<vmem>>, vector<16xi32>,
    %add3A_129 = vector.broadcast %mul3A_2 : i32 to vector<16xi32>
    %add3A_130 = arith.addi %get3A_128, %add3A_129 : vector<16xi32>
    %swap3A_131 = arith.constant 48 : index
    %swap3A_132 = tpu.vector_load %arg13[%swap3A_131] {strides = array<i32>} : memref<64xi32, #tpu.memory_space<vmem>>, vector<16xi32>,
    tpu.vector_store %arg13[%swap3A_131], %add3A_130 {strides = array<i32>} : memref<64xi32, #tpu.memory_space<vmem>>, vector<16xi32>,
    %get3A_133 = arith.index_cast %rem3A_89 : i32 to index
    %get3A_134 = arith.constant 48 : index
    %get3A_135 = tpu.vector_load %arg11[%get3A_133, %get3A_134] {strides = array<i32>} : memref<16x64xf32, #tpu.memory_space<vmem>>, vector<16xf32>,
    %swap3A_136 = arith.constant 48 : index
    %swap3A_137 = tpu.vector_load %arg17[%swap3A_136] {strides = array<i32>} : memref<64xf32, #tpu.memory_space<vmem>>, vector<16xf32>,
    tpu.vector_store %arg17[%swap3A_136], %get3A_135 {strides = array<i32>} : memref<64xf32, #tpu.memory_space<vmem>>, vector<16xf32>,
    %dma_start3A_138 = arith.constant 0 : i32
    %dma_start3A_139 = arith.constant 0 : i32
    %dma_start3A_140 = tpu.memref_slice %arg5[%dma_start3A_138, %dma_start3A_139] : memref<20480x128xf32, #tpu.memory_space<hbm>> -> memref<20480x128xf32, #tpu.memory_space<hbm>>
    tpu.enqueue_indirect_dma source(%dma_start3A_140 : memref<20480x128xf32, #tpu.memory_space<hbm>>) target(%arg21 : memref<64x128xf32, #tpu.memory_space<vmem>>) offsets(%arg13 : memref<64xi32, #tpu.memory_space<vmem>>) semaphore(%arg28 : memref<!tpu.dma_semaphore, #tpu.memory_space<semaphore_mem>>)
    %scan3A_141 = arith.constant 0 : i32
    %scan3A_142 = arith.constant 0 : i32
    %scan3A_143 = arith.constant 40 : i32
    %scan3A_144 = arith.addi %scan3A_142, %scan3A_143 : i32
    %scan3A_145 = arith.constant 1 : i32
    %scan3A_146 = scf.for %scan3A_179 = %scan3A_142 to %scan3A_144 step %scan3A_145 iter_args(%scan3A_180 = %scan3A_141) -> (i32)  : i32 {
      %mul3A_181 = arith.constant 4 : i32
      %mul3A_182 = arith.muli %mul3A_181, %scan3A_179 : i32
      %add3A_183 = arith.constant 0 : i32
      %add3A_184 = arith.addi %mul3A_182, %add3A_183 : i32
      %dma_wait3A_185 = arith.constant 0 : i32
      %dma_wait3A_186 = arith.constant 0 : i32
      %dma_wait3A_187 = tpu.memref_slice %arg5[%dma_wait3A_185, %dma_wait3A_186] : memref<20480x128xf32, #tpu.memory_space<hbm>> -> memref<20480x128xf32, #tpu.memory_space<hbm>>
      tpu.wait_indirect_dma semaphore(%arg27 : memref<!tpu.dma_semaphore, #tpu.memory_space<semaphore_mem>>) src(%dma_wait3A_187 : memref<20480x128xf32, #tpu.memory_space<hbm>>) dst(%arg20 : memref<64x128xf32, #tpu.memory_space<vmem>>)
      %scan3A_188 = arith.constant 0 : i32
      %scan3A_189 = arith.constant 0 : i32
      %scan3A_190 = arith.constant 32 : i32
      %scan3A_191 = arith.addi %scan3A_189, %scan3A_190 : i32
      %scan3A_192 = arith.constant 1 : i32
      %scan3A_193 = scf.for %scan3A_424 = %scan3A_189 to %scan3A_191 step %scan3A_192 iter_args(%scan3A_425 = %scan3A_188) -> (i32)  : i32 {
        %mul3A_426 = arith.constant 2 : i32
        %mul3A_427 = arith.muli %mul3A_426, %scan3A_424 : i32
        %add3A_428 = arith.constant 0 : i32
        %add3A_429 = arith.addi %mul3A_427, %add3A_428 : i32
        %broadcast_in_dim3A = vector.broadcast %add3A_429 : i32 to vector<16xi32>
        %gather3A = tpu.vector_load_idx %arg16[%broadcast_in_dim3A] : memref<64xf32, #tpu.memory_space<vmem>>[vector<16xi32>], vector<16xf32>,
        %get3A_430 = arith.index_cast %add3A_429 : i32 to index
        %get3A_431 = arith.constant 0 : index
        %get3A_432 = tpu.vector_load %arg20[%get3A_430, %get3A_431] {strides = array<i32>} : memref<64x128xf32, #tpu.memory_space<vmem>>, vector<16xf32>,
        %mul3A_433 = arith.mulf %get3A_432, %gather3A : vector<16xf32>
        %swap3A_434 = arith.index_cast %add3A_429 : i32 to index
        %swap3A_435 = arith.constant 0 : index
        %swap3A_436 = tpu.vector_load %arg20[%swap3A_434, %swap3A_435] {strides = array<i32>} : memref<64x128xf32, #tpu.memory_space<vmem>>, vector<16xf32>,
        tpu.vector_store %arg20[%swap3A_434, %swap3A_435], %mul3A_433 {strides = array<i32>} : memref<64x128xf32, #tpu.memory_space<vmem>>, vector<16xf32>,
        %get3A_437 = arith.index_cast %add3A_429 : i32 to index
        %get3A_438 = arith.constant 16 : index
        %get3A_439 = tpu.vector_load %arg20[%get3A_437, %get3A_438] {strides = array<i32>} : memref<64x128xf32, #tpu.memory_space<vmem>>, vector<16xf32>,
        %mul3A_440 = arith.mulf %get3A_439, %gather3A : vector<16xf32>
        %swap3A_441 = arith.index_cast %add3A_429 : i32 to index
        %swap3A_442 = arith.constant 16 : index
        %swap3A_443 = tpu.vector_load %arg20[%swap3A_441, %swap3A_442] {strides = array<i32>} : memref<64x128xf32, #tpu.memory_space<vmem>>, vector<16xf32>,
        tpu.vector_store %arg20[%swap3A_441, %swap3A_442], %mul3A_440 {strides = array<i32>} : memref<64x128xf32, #tpu.memory_space<vmem>>, vector<16xf32>,
        %get3A_444 = arith.index_cast %add3A_429 : i32 to index
        %get3A_445 = arith.constant 32 : index
        %get3A_446 = tpu.vector_load %arg20[%get3A_444, %get3A_445] {strides = array<i32>} : memref<64x128xf32, #tpu.memory_space<vmem>>, vector<16xf32>,
        %mul3A_447 = arith.mulf %get3A_446, %gather3A : vector<16xf32>
        %swap3A_448 = arith.index_cast %add3A_429 : i32 to index
        %swap3A_449 = arith.constant 32 : index
        %swap3A_450 = tpu.vector_load %arg20[%swap3A_448, %swap3A_449] {strides = array<i32>} : memref<64x128xf32, #tpu.memory_space<vmem>>, vector<16xf32>,
        tpu.vector_store %arg20[%swap3A_448, %swap3A_449], %mul3A_447 {strides = array<i32>} : memref<64x128xf32, #tpu.memory_space<vmem>>, vector<16xf32>,
        %get3A_451 = arith.index_cast %add3A_429 : i32 to index
        %get3A_452 = arith.constant 48 : index
        %get3A_453 = tpu.vector_load %arg20[%get3A_451, %get3A_452] {strides = array<i32>} : memref<64x128xf32, #tpu.memory_space<vmem>>, vector<16xf32>,
        %mul3A_454 = arith.mulf %get3A_453, %gather3A : vector<16xf32>
        %swap3A_455 = arith.index_cast %add3A_429 : i32 to index
        %swap3A_456 = arith.constant 48 : index
        %swap3A_457 = tpu.vector_load %arg20[%swap3A_455, %swap3A_456] {strides = array<i32>} : memref<64x128xf32, #tpu.memory_space<vmem>>, vector<16xf32>,
        tpu.vector_store %arg20[%swap3A_455, %swap3A_456], %mul3A_454 {strides = array<i32>} : memref<64x128xf32, #tpu.memory_space<vmem>>, vector<16xf32>,
        %get3A_458 = arith.index_cast %add3A_429 : i32 to index
        %get3A_459 = arith.constant 64 : index
        %get3A_460 = tpu.vector_load %arg20[%get3A_458, %get3A_459] {strides = array<i32>} : memref<64x128xf32, #tpu.memory_space<vmem>>, vector<16xf32>,
        %mul3A_461 = arith.mulf %get3A_460, %gather3A : vector<16xf32>
        %swap3A_462 = arith.index_cast %add3A_429 : i32 to index
        %swap3A_463 = arith.constant 64 : index
        %swap3A_464 = tpu.vector_load %arg20[%swap3A_462, %swap3A_463] {strides = array<i32>} : memref<64x128xf32, #tpu.memory_space<vmem>>, vector<16xf32>,
        tpu.vector_store %arg20[%swap3A_462, %swap3A_463], %mul3A_461 {strides = array<i32>} : memref<64x128xf32, #tpu.memory_space<vmem>>, vector<16xf32>,
        %get3A_465 = arith.index_cast %add3A_429 : i32 to index
        %get3A_466 = arith.constant 80 : index
        %get3A_467 = tpu.vector_load %arg20[%get3A_465, %get3A_466] {strides = array<i32>} : memref<64x128xf32, #tpu.memory_space<vmem>>, vector<16xf32>,
        %mul3A_468 = arith.mulf %get3A_467, %gather3A : vector<16xf32>
        %swap3A_469 = arith.index_cast %add3A_429 : i32 to index
        %swap3A_470 = arith.constant 80 : index
        %swap3A_471 = tpu.vector_load %arg20[%swap3A_469, %swap3A_470] {strides = array<i32>} : memref<64x128xf32, #tpu.memory_space<vmem>>, vector<16xf32>,
        tpu.vector_store %arg20[%swap3A_469, %swap3A_470], %mul3A_468 {strides = array<i32>} : memref<64x128xf32, #tpu.memory_space<vmem>>, vector<16xf32>,
        %get3A_472 = arith.index_cast %add3A_429 : i32 to index
        %get3A_473 = arith.constant 96 : index
        %get3A_474 = tpu.vector_load %arg20[%get3A_472, %get3A_473] {strides = array<i32>} : memref<64x128xf32, #tpu.memory_space<vmem>>, vector<16xf32>,
        %mul3A_475 = arith.mulf %get3A_474, %gather3A : vector<16xf32>
        %swap3A_476 = arith.index_cast %add3A_429 : i32 to index
        %swap3A_477 = arith.constant 96 : index
        %swap3A_478 = tpu.vector_load %arg20[%swap3A_476, %swap3A_477] {strides = array<i32>} : memref<64x128xf32, #tpu.memory_space<vmem>>, vector<16xf32>,
        tpu.vector_store %arg20[%swap3A_476, %swap3A_477], %mul3A_475 {strides = array<i32>} : memref<64x128xf32, #tpu.memory_space<vmem>>, vector<16xf32>,
        %get3A_479 = arith.index_cast %add3A_429 : i32 to index
        %get3A_480 = arith.constant 112 : index
        %get3A_481 = tpu.vector_load %arg20[%get3A_479, %get3A_480] {strides = array<i32>} : memref<64x128xf32, #tpu.memory_space<vmem>>, vector<16xf32>,
        %mul3A_482 = arith.mulf %get3A_481, %gather3A : vector<16xf32>
        %swap3A_483 = arith.index_cast %add3A_429 : i32 to index
        %swap3A_484 = arith.constant 112 : index
        %swap3A_485 = tpu.vector_load %arg20[%swap3A_483, %swap3A_484] {strides = array<i32>} : memref<64x128xf32, #tpu.memory_space<vmem>>, vector<16xf32>,
        tpu.vector_store %arg20[%swap3A_483, %swap3A_484], %mul3A_482 {strides = array<i32>} : memref<64x128xf32, #tpu.memory_space<vmem>>, vector<16xf32>,
        %mul3A_486 = arith.constant 2 : i32
        %mul3A_487 = arith.muli %mul3A_486, %scan3A_424 : i32
        %add3A_488 = arith.constant 1 : i32
        %add3A_489 = arith.addi %mul3A_487, %add3A_488 : i32
        %broadcast_in_dim3A_490 = vector.broadcast %add3A_489 : i32 to vector<16xi32>
        %gather3A_491 = tpu.vector_load_idx %arg16[%broadcast_in_dim3A_490] : memref<64xf32, #tpu.memory_space<vmem>>[vector<16xi32>], vector<16xf32>,
        %get3A_492 = arith.index_cast %add3A_489 : i32 to index
        %get3A_493 = arith.constant 0 : index
        %get3A_494 = tpu.vector_load %arg20[%get3A_492, %get3A_493] {strides = array<i32>} : memref<64x128xf32, #tpu.memory_space<vmem>>, vector<16xf32>,
        %mul3A_495 = arith.mulf %get3A_494, %gather3A_491 : vector<16xf32>
        %swap3A_496 = arith.index_cast %add3A_489 : i32 to index
        %swap3A_497 = arith.constant 0 : index
        %swap3A_498 = tpu.vector_load %arg20[%swap3A_496, %swap3A_497] {strides = array<i32>} : memref<64x128xf32, #tpu.memory_space<vmem>>, vector<16xf32>,
        tpu.vector_store %arg20[%swap3A_496, %swap3A_497], %mul3A_495 {strides = array<i32>} : memref<64x128xf32, #tpu.memory_space<vmem>>, vector<16xf32>,
        %get3A_499 = arith.index_cast %add3A_489 : i32 to index
        %get3A_500 = arith.constant 16 : index
        %get3A_501 = tpu.vector_load %arg20[%get3A_499, %get3A_500] {strides = array<i32>} : memref<64x128xf32, #tpu.memory_space<vmem>>, vector<16xf32>,
        %mul3A_502 = arith.mulf %get3A_501, %gather3A_491 : vector<16xf32>
        %swap3A_503 = arith.index_cast %add3A_489 : i32 to index
        %swap3A_504 = arith.constant 16 : index
        %swap3A_505 = tpu.vector_load %arg20[%swap3A_503, %swap3A_504] {strides = array<i32>} : memref<64x128xf32, #tpu.memory_space<vmem>>, vector<16xf32>,
        tpu.vector_store %arg20[%swap3A_503, %swap3A_504], %mul3A_502 {strides = array<i32>} : memref<64x128xf32, #tpu.memory_space<vmem>>, vector<16xf32>,
        %get3A_506 = arith.index_cast %add3A_489 : i32 to index
        %get3A_507 = arith.constant 32 : index
        %get3A_508 = tpu.vector_load %arg20[%get3A_506, %get3A_507] {strides = array<i32>} : memref<64x128xf32, #tpu.memory_space<vmem>>, vector<16xf32>,
        %mul3A_509 = arith.mulf %get3A_508, %gather3A_491 : vector<16xf32>
        %swap3A_510 = arith.index_cast %add3A_489 : i32 to index
        %swap3A_511 = arith.constant 32 : index
        %swap3A_512 = tpu.vector_load %arg20[%swap3A_510, %swap3A_511] {strides = array<i32>} : memref<64x128xf32, #tpu.memory_space<vmem>>, vector<16xf32>,
        tpu.vector_store %arg20[%swap3A_510, %swap3A_511], %mul3A_509 {strides = array<i32>} : memref<64x128xf32, #tpu.memory_space<vmem>>, vector<16xf32>,
        %get3A_513 = arith.index_cast %add3A_489 : i32 to index
        %get3A_514 = arith.constant 48 : index
        %get3A_515 = tpu.vector_load %arg20[%get3A_513, %get3A_514] {strides = array<i32>} : memref<64x128xf32, #tpu.memory_space<vmem>>, vector<16xf32>,
        %mul3A_516 = arith.mulf %get3A_515, %gather3A_491 : vector<16xf32>
        %swap3A_517 = arith.index_cast %add3A_489 : i32 to index
        %swap3A_518 = arith.constant 48 : index
        %swap3A_519 = tpu.vector_load %arg20[%swap3A_517, %swap3A_518] {strides = array<i32>} : memref<64x128xf32, #tpu.memory_space<vmem>>, vector<16xf32>,
        tpu.vector_store %arg20[%swap3A_517, %swap3A_518], %mul3A_516 {strides = array<i32>} : memref<64x128xf32, #tpu.memory_space<vmem>>, vector<16xf32>,
        %get3A_520 = arith.index_cast %add3A_489 : i32 to index
        %get3A_521 = arith.constant 64 : index
        %get3A_522 = tpu.vector_load %arg20[%get3A_520, %get3A_521] {strides = array<i32>} : memref<64x128xf32, #tpu.memory_space<vmem>>, vector<16xf32>,
        %mul3A_523 = arith.mulf %get3A_522, %gather3A_491 : vector<16xf32>
        %swap3A_524 = arith.index_cast %add3A_489 : i32 to index
        %swap3A_525 = arith.constant 64 : index
        %swap3A_526 = tpu.vector_load %arg20[%swap3A_524, %swap3A_525] {strides = array<i32>} : memref<64x128xf32, #tpu.memory_space<vmem>>, vector<16xf32>,
        tpu.vector_store %arg20[%swap3A_524, %swap3A_525], %mul3A_523 {strides = array<i32>} : memref<64x128xf32, #tpu.memory_space<vmem>>, vector<16xf32>,
        %get3A_527 = arith.index_cast %add3A_489 : i32 to index
        %get3A_528 = arith.constant 80 : index
        %get3A_529 = tpu.vector_load %arg20[%get3A_527, %get3A_528] {strides = array<i32>} : memref<64x128xf32, #tpu.memory_space<vmem>>, vector<16xf32>,
        %mul3A_530 = arith.mulf %get3A_529, %gather3A_491 : vector<16xf32>
        %swap3A_531 = arith.index_cast %add3A_489 : i32 to index
        %swap3A_532 = arith.constant 80 : index
        %swap3A_533 = tpu.vector_load %arg20[%swap3A_531, %swap3A_532] {strides = array<i32>} : memref<64x128xf32, #tpu.memory_space<vmem>>, vector<16xf32>,
        tpu.vector_store %arg20[%swap3A_531, %swap3A_532], %mul3A_530 {strides = array<i32>} : memref<64x128xf32, #tpu.memory_space<vmem>>, vector<16xf32>,
        %get3A_534 = arith.index_cast %add3A_489 : i32 to index
        %get3A_535 = arith.constant 96 : index
        %get3A_536 = tpu.vector_load %arg20[%get3A_534, %get3A_535] {strides = array<i32>} : memref<64x128xf32, #tpu.memory_space<vmem>>, vector<16xf32>,
        %mul3A_537 = arith.mulf %get3A_536, %gather3A_491 : vector<16xf32>
        %swap3A_538 = arith.index_cast %add3A_489 : i32 to index
        %swap3A_539 = arith.constant 96 : index
        %swap3A_540 = tpu.vector_load %arg20[%swap3A_538, %swap3A_539] {strides = array<i32>} : memref<64x128xf32, #tpu.memory_space<vmem>>, vector<16xf32>,
        tpu.vector_store %arg20[%swap3A_538, %swap3A_539], %mul3A_537 {strides = array<i32>} : memref<64x128xf32, #tpu.memory_space<vmem>>, vector<16xf32>,
        %get3A_541 = arith.index_cast %add3A_489 : i32 to index
        %get3A_542 = arith.constant 112 : index
        %get3A_543 = tpu.vector_load %arg20[%get3A_541, %get3A_542] {strides = array<i32>} : memref<64x128xf32, #tpu.memory_space<vmem>>, vector<16xf32>,
        %mul3A_544 = arith.mulf %get3A_543, %gather3A_491 : vector<16xf32>
        %swap3A_545 = arith.index_cast %add3A_489 : i32 to index
        %swap3A_546 = arith.constant 112 : index
        %swap3A_547 = tpu.vector_load %arg20[%swap3A_545, %swap3A_546] {strides = array<i32>} : memref<64x128xf32, #tpu.memory_space<vmem>>, vector<16xf32>,
        tpu.vector_store %arg20[%swap3A_545, %swap3A_546], %mul3A_544 {strides = array<i32>} : memref<64x128xf32, #tpu.memory_space<vmem>>, vector<16xf32>,
        %scan3A_548 = arith.constant 0 : i32
        scf.yield %scan3A_548 : i32
      }
      %scan3A_194 = arith.constant 32 : i32
      %jit3A = arith.constant 16 : i32
      %div3A = arith.divsi %add3A_184, %jit3A : i32
      %sign3A = arith.constant 0 : i32
      %sign3A_195 = arith.cmpi sgt, %add3A_184, %sign3A : i32
      %sign3A_196 = arith.extui %sign3A_195 : i1 to i32
      %sign3A_197 = arith.constant 0 : i32
      %sign3A_198 = arith.cmpi slt, %add3A_184, %sign3A_197 : i32
      %sign3A_199 = arith.extui %sign3A_198 : i1 to i32
      %sign3A_200 = arith.subi %sign3A_196, %sign3A_199 : i32
      %sign3A_201 = arith.constant 0 : i32
      %sign3A_202 = arith.cmpi sgt, %jit3A, %sign3A_201 : i32
      %sign3A_203 = arith.extui %sign3A_202 : i1 to i32
      %sign3A_204 = arith.constant 0 : i32
      %sign3A_205 = arith.cmpi slt, %jit3A, %sign3A_204 : i32
      %sign3A_206 = arith.extui %sign3A_205 : i1 to i32
      %sign3A_207 = arith.subi %sign3A_203, %sign3A_206 : i32
      %ne3A = arith.cmpi ne, %sign3A_200, %sign3A_207 : i32
      %rem3A_208 = arith.remsi %add3A_184, %jit3A : i32
      %ne3A_209 = arith.constant 0 : i32
      %ne3A_210 = arith.cmpi ne, %rem3A_208, %ne3A_209 : i32
      %and3A = arith.andi %ne3A, %ne3A_210 : i1
      %sub3A = arith.constant 1 : i32
      %sub3A_211 = arith.subi %div3A, %sub3A : i32
      %select_n3A = arith.select %and3A, %sub3A_211, %div3A : i32
      %rem3A_212 = arith.constant 2 : i32
      %rem3A_213 = arith.remsi %select_n3A, %rem3A_212 : i32
      %rem3A_214 = arith.constant 16 : i32
      %rem3A_215 = arith.remsi %add3A_184, %rem3A_214 : i32
      %dma_start3A_216 = arith.constant 0 : i32
      %dma_start3A_217 = tpu.memref_slice %arg10[%rem3A_213, %rem3A_215, %dma_start3A_216] : memref<2x16x64xi32, #tpu.memory_space<vmem>> -> memref<1x1x64xi32, #tpu.memory_space<vmem>>
      %dma_start3A_218 = tpu.memref_squeeze %dma_start3A_217 : memref<1x1x64xi32, #tpu.memory_space<vmem>> -> memref<64xi32, #tpu.memory_space<vmem>>
      %dma_start3A_219 = arith.constant 0 : i32
      %dma_start3A_220 = arith.constant 0 : i32
      %dma_start3A_221 = tpu.memref_slice %arg26[%dma_start3A_219, %dma_start3A_220] : memref<10240x128xf32, #tpu.memory_space<vmem_shared>> -> memref<10240x128xf32, #tpu.memory_space<vmem_shared>>
      tpu.enqueue_indirect_dma source(%arg20 : memref<64x128xf32, #tpu.memory_space<vmem>>) target(%dma_start3A_221 : memref<10240x128xf32, #tpu.memory_space<vmem_shared>>) offsets(%dma_start3A_218 : memref<64xi32, #tpu.memory_space<vmem>>) semaphore(%arg31 : memref<!tpu.dma_semaphore, #tpu.memory_space<semaphore_mem>>) {add = true}
      %add3A_222 = arith.constant 2 : i32
      %add3A_223 = arith.addi %add3A_184, %add3A_222 : i32
      %le3A = arith.constant 159 : i32
      %le3A_224 = arith.cmpi sle, %add3A_223, %le3A : i32
      %convert_element_type3A = arith.extui %le3A_224 : i1 to i32
      %cond3A = arith.constant 0 : i32
      %cond3A_225 = arith.cmpi ne, %convert_element_type3A, %cond3A : i32
      scf.if %cond3A_225 {
        %add3A_424 = arith.constant 2 : i32
        %add3A_425 = arith.addi %add3A_184, %add3A_424 : i32
        %rem3A_426 = arith.constant 16 : i32
        %rem3A_427 = arith.remsi %add3A_425, %rem3A_426 : i32
        %eq3A = arith.constant 0 : i32
        %eq3A_428 = arith.cmpi eq, %rem3A_427, %eq3A : i32
        %convert_element_type3A_429 = arith.extui %eq3A_428 : i1 to i32
        %cond3A_430 = arith.constant 0 : i32
        %cond3A_431 = arith.cmpi ne, %convert_element_type3A_429, %cond3A_430 : i32
        scf.if %cond3A_431 {
          %add3A_494 = arith.constant 2 : i32
          %add3A_495 = arith.addi %add3A_184, %add3A_494 : i32
          %jit3A_496 = arith.constant 16 : i32
          %div3A_497 = arith.divsi %add3A_495, %jit3A_496 : i32
          %sign3A_498 = arith.constant 0 : i32
          %sign3A_499 = arith.cmpi sgt, %add3A_495, %sign3A_498 : i32
          %sign3A_500 = arith.extui %sign3A_499 : i1 to i32
          %sign3A_501 = arith.constant 0 : i32
          %sign3A_502 = arith.cmpi slt, %add3A_495, %sign3A_501 : i32
          %sign3A_503 = arith.extui %sign3A_502 : i1 to i32
          %sign3A_504 = arith.subi %sign3A_500, %sign3A_503 : i32
          %sign3A_505 = arith.constant 0 : i32
          %sign3A_506 = arith.cmpi sgt, %jit3A_496, %sign3A_505 : i32
          %sign3A_507 = arith.extui %sign3A_506 : i1 to i32
          %sign3A_508 = arith.constant 0 : i32
          %sign3A_509 = arith.cmpi slt, %jit3A_496, %sign3A_508 : i32
          %sign3A_510 = arith.extui %sign3A_509 : i1 to i32
          %sign3A_511 = arith.subi %sign3A_507, %sign3A_510 : i32
          %ne3A_512 = arith.cmpi ne, %sign3A_504, %sign3A_511 : i32
          %rem3A_513 = arith.remsi %add3A_495, %jit3A_496 : i32
          %ne3A_514 = arith.constant 0 : i32
          %ne3A_515 = arith.cmpi ne, %rem3A_513, %ne3A_514 : i32
          %and3A_516 = arith.andi %ne3A_512, %ne3A_515 : i1
          %sub3A_517 = arith.constant 1 : i32
          %sub3A_518 = arith.subi %div3A_497, %sub3A_517 : i32
          %select_n3A_519 = arith.select %and3A_516, %sub3A_518, %div3A_497 : i32
          %rem3A_520 = arith.constant 2 : i32
          %rem3A_521 = arith.remsi %select_n3A_519, %rem3A_520 : i32
          %mul3A_522 = arith.constant 16 : i32
          %mul3A_523 = arith.muli %select_n3A_519, %mul3A_522 : i32
          %add3A_524 = arith.addi %mul3A_4, %mul3A_523 : i32
          "tpu.region"() ({
            %run_scoped3A = tpu.sem_alloc : memref<!tpu.dma_semaphore, #tpu.memory_space<semaphore_mem>>
            %dma_start3A_525 = arith.constant 0 : i32
            %dma_start3A_526 = tpu.memref_slice %arg2[%add3A_524, %dma_start3A_525] : memref<2560x64xi32, #tpu.memory_space<hbm>> -> memref<16x64xi32, #tpu.memory_space<hbm>>
            %dma_start3A_527 = arith.constant 0 : i32
            %dma_start3A_528 = tpu.memref_slice %arg2[%add3A_524, %dma_start3A_527] : memref<2560x64xi32, #tpu.memory_space<hbm>> -> memref<16x64xi32, #tpu.memory_space<hbm>>
            tpu.enqueue_dma source(%dma_start3A_528 : memref<16x64xi32, #tpu.memory_space<hbm>>) target(%arg9 : memref<16x64xi32, #tpu.memory_space<vmem>>) target_semaphore(%run_scoped3A : memref<!tpu.dma_semaphore, #tpu.memory_space<semaphore_mem>>)
            %dma_wait3A_529 = arith.constant 0 : i32
            %dma_wait3A_530 = tpu.memref_slice %arg2[%add3A_524, %dma_wait3A_529] : memref<2560x64xi32, #tpu.memory_space<hbm>> -> memref<16x64xi32, #tpu.memory_space<hbm>>
            %dma_wait3A_531 = arith.constant 0 : i32
            %dma_wait3A_532 = tpu.memref_slice %arg2[%add3A_524, %dma_wait3A_531] : memref<2560x64xi32, #tpu.memory_space<hbm>> -> memref<16x64xi32, #tpu.memory_space<hbm>>
            tpu.wait_dma2 semaphore(%run_scoped3A : memref<!tpu.dma_semaphore, #tpu.memory_space<semaphore_mem>>) src(%dma_wait3A_532 : memref<16x64xi32, #tpu.memory_space<hbm>>) dst(%arg9 : memref<16x64xi32, #tpu.memory_space<vmem>>)
            tpu.yield
          }) : () -> ()
          "tpu.region"() ({
            %run_scoped3A = tpu.sem_alloc : memref<!tpu.dma_semaphore, #tpu.memory_space<semaphore_mem>>
            %dma_start3A_525 = arith.constant 0 : i32
            %dma_start3A_526 = tpu.memref_slice %arg4[%add3A_524, %dma_start3A_525] : memref<2560x64xf32, #tpu.memory_space<hbm>> -> memref<16x64xf32, #tpu.memory_space<hbm>>
            %dma_start3A_527 = arith.constant 0 : i32
            %dma_start3A_528 = tpu.memref_slice %arg4[%add3A_524, %dma_start3A_527] : memref<2560x64xf32, #tpu.memory_space<hbm>> -> memref<16x64xf32, #tpu.memory_space<hbm>>
            tpu.enqueue_dma source(%dma_start3A_528 : memref<16x64xf32, #tpu.memory_space<hbm>>) target(%arg11 : memref<16x64xf32, #tpu.memory_space<vmem>>) target_semaphore(%run_scoped3A : memref<!tpu.dma_semaphore, #tpu.memory_space<semaphore_mem>>)
            %dma_wait3A_529 = arith.constant 0 : i32
            %dma_wait3A_530 = tpu.memref_slice %arg4[%add3A_524, %dma_wait3A_529] : memref<2560x64xf32, #tpu.memory_space<hbm>> -> memref<16x64xf32, #tpu.memory_space<hbm>>
            %dma_wait3A_531 = arith.constant 0 : i32
            %dma_wait3A_532 = tpu.memref_slice %arg4[%add3A_524, %dma_wait3A_531] : memref<2560x64xf32, #tpu.memory_space<hbm>> -> memref<16x64xf32, #tpu.memory_space<hbm>>
            tpu.wait_dma2 semaphore(%run_scoped3A : memref<!tpu.dma_semaphore, #tpu.memory_space<semaphore_mem>>) src(%dma_wait3A_532 : memref<16x64xf32, #tpu.memory_space<hbm>>) dst(%arg11 : memref<16x64xf32, #tpu.memory_space<vmem>>)
            tpu.yield
          }) : () -> ()
          "tpu.region"() ({
            %run_scoped3A = tpu.sem_alloc : memref<!tpu.dma_semaphore, #tpu.memory_space<semaphore_mem>>
            %dma_start3A_525 = arith.constant 0 : i32
            %dma_start3A_526 = arith.constant 0 : i32
            %dma_start3A_527 = tpu.memref_slice %arg10[%rem3A_521, %dma_start3A_525, %dma_start3A_526] : memref<2x16x64xi32, #tpu.memory_space<vmem>> -> memref<1x16x64xi32, #tpu.memory_space<vmem>>
            %dma_start3A_528 = tpu.memref_squeeze %dma_start3A_527 : memref<1x16x64xi32, #tpu.memory_space<vmem>> -> memref<16x64xi32, #tpu.memory_space<vmem>>
            %dma_start3A_529 = arith.constant 0 : i32
            %dma_start3A_530 = tpu.memref_slice %arg3[%add3A_524, %dma_start3A_529] : memref<2560x64xi32, #tpu.memory_space<hbm>> -> memref<16x64xi32, #tpu.memory_space<hbm>>
            %dma_start3A_531 = arith.constant 0 : i32
            %dma_start3A_532 = arith.constant 0 : i32
            %dma_start3A_533 = tpu.memref_slice %arg10[%rem3A_521, %dma_start3A_531, %dma_start3A_532] : memref<2x16x64xi32, #tpu.memory_space<vmem>> -> memref<1x16x64xi32, #tpu.memory_space<vmem>>
            %dma_start3A_534 = tpu.memref_squeeze %dma_start3A_533 : memref<1x16x64xi32, #tpu.memory_space<vmem>> -> memref<16x64xi32, #tpu.memory_space<vmem>>
            %dma_start3A_535 = arith.constant 0 : i32
            %dma_start3A_536 = tpu.memref_slice %arg3[%add3A_524, %dma_start3A_535] : memref<2560x64xi32, #tpu.memory_space<hbm>> -> memref<16x64xi32, #tpu.memory_space<hbm>>
            tpu.enqueue_dma source(%dma_start3A_536 : memref<16x64xi32, #tpu.memory_space<hbm>>) target(%dma_start3A_534 : memref<16x64xi32, #tpu.memory_space<vmem>>) target_semaphore(%run_scoped3A : memref<!tpu.dma_semaphore, #tpu.memory_space<semaphore_mem>>)
            %dma_wait3A_537 = arith.constant 0 : i32
            %dma_wait3A_538 = arith.constant 0 : i32
            %dma_wait3A_539 = tpu.memref_slice %arg10[%rem3A_521, %dma_wait3A_537, %dma_wait3A_538] : memref<2x16x64xi32, #tpu.memory_space<vmem>> -> memref<1x16x64xi32, #tpu.memory_space<vmem>>
            %dma_wait3A_540 = tpu.memref_squeeze %dma_wait3A_539 : memref<1x16x64xi32, #tpu.memory_space<vmem>> -> memref<16x64xi32, #tpu.memory_space<vmem>>
            %dma_wait3A_541 = arith.constant 0 : i32
            %dma_wait3A_542 = tpu.memref_slice %arg3[%add3A_524, %dma_wait3A_541] : memref<2560x64xi32, #tpu.memory_space<hbm>> -> memref<16x64xi32, #tpu.memory_space<hbm>>
            %dma_wait3A_543 = arith.constant 0 : i32
            %dma_wait3A_544 = arith.constant 0 : i32
            %dma_wait3A_545 = tpu.memref_slice %arg10[%rem3A_521, %dma_wait3A_543, %dma_wait3A_544] : memref<2x16x64xi32, #tpu.memory_space<vmem>> -> memref<1x16x64xi32, #tpu.memory_space<vmem>>
            %dma_wait3A_546 = tpu.memref_squeeze %dma_wait3A_545 : memref<1x16x64xi32, #tpu.memory_space<vmem>> -> memref<16x64xi32, #tpu.memory_space<vmem>>
            %dma_wait3A_547 = arith.constant 0 : i32
            %dma_wait3A_548 = tpu.memref_slice %arg3[%add3A_524, %dma_wait3A_547] : memref<2560x64xi32, #tpu.memory_space<hbm>> -> memref<16x64xi32, #tpu.memory_space<hbm>>
            tpu.wait_dma2 semaphore(%run_scoped3A : memref<!tpu.dma_semaphore, #tpu.memory_space<semaphore_mem>>) src(%dma_wait3A_548 : memref<16x64xi32, #tpu.memory_space<hbm>>) dst(%dma_wait3A_546 : memref<16x64xi32, #tpu.memory_space<vmem>>)
            tpu.yield
          }) : () -> ()
        } else {
        }
        %add3A_432 = arith.constant 2 : i32
        %add3A_433 = arith.addi %add3A_184, %add3A_432 : i32
        %rem3A_434 = arith.constant 16 : i32
        %rem3A_435 = arith.remsi %add3A_433, %rem3A_434 : i32
        %get3A_436 = arith.index_cast %rem3A_435 : i32 to index
        %get3A_437 = arith.constant 0 : index
        %get3A_438 = tpu.vector_load %arg9[%get3A_436, %get3A_437] {strides = array<i32>} : memref<16x64xi32, #tpu.memory_space<vmem>>, vector<16xi32>,
        %add3A_439 = vector.broadcast %mul3A_2 : i32 to vector<16xi32>
        %add3A_440 = arith.addi %get3A_438, %add3A_439 : vector<16xi32>
        %swap3A_441 = arith.constant 0 : index
        %swap3A_442 = tpu.vector_load %arg14[%swap3A_441] {strides = array<i32>} : memref<64xi32, #tpu.memory_space<vmem>>, vector<16xi32>,
        tpu.vector_store %arg14[%swap3A_441], %add3A_440 {strides = array<i32>} : memref<64xi32, #tpu.memory_space<vmem>>, vector<16xi32>,
        %get3A_443 = arith.index_cast %rem3A_435 : i32 to index
        %get3A_444 = arith.constant 0 : index
        %get3A_445 = tpu.vector_load %arg11[%get3A_443, %get3A_444] {strides = array<i32>} : memref<16x64xf32, #tpu.memory_space<vmem>>, vector<16xf32>,
        %swap3A_446 = arith.constant 0 : index
        %swap3A_447 = tpu.vector_load %arg18[%swap3A_446] {strides = array<i32>} : memref<64xf32, #tpu.memory_space<vmem>>, vector<16xf32>,
        tpu.vector_store %arg18[%swap3A_446], %get3A_445 {strides = array<i32>} : memref<64xf32, #tpu.memory_space<vmem>>, vector<16xf32>,
        %get3A_448 = arith.index_cast %rem3A_435 : i32 to index
        %get3A_449 = arith.constant 16 : index
        %get3A_450 = tpu.vector_load %arg9[%get3A_448, %get3A_449] {strides = array<i32>} : memref<16x64xi32, #tpu.memory_space<vmem>>, vector<16xi32>,
        %add3A_451 = vector.broadcast %mul3A_2 : i32 to vector<16xi32>
        %add3A_452 = arith.addi %get3A_450, %add3A_451 : vector<16xi32>
        %swap3A_453 = arith.constant 16 : index
        %swap3A_454 = tpu.vector_load %arg14[%swap3A_453] {strides = array<i32>} : memref<64xi32, #tpu.memory_space<vmem>>, vector<16xi32>,
        tpu.vector_store %arg14[%swap3A_453], %add3A_452 {strides = array<i32>} : memref<64xi32, #tpu.memory_space<vmem>>, vector<16xi32>,
        %get3A_455 = arith.index_cast %rem3A_435 : i32 to index
        %get3A_456 = arith.constant 16 : index
        %get3A_457 = tpu.vector_load %arg11[%get3A_455, %get3A_456] {strides = array<i32>} : memref<16x64xf32, #tpu.memory_space<vmem>>, vector<16xf32>,
        %swap3A_458 = arith.constant 16 : index
        %swap3A_459 = tpu.vector_load %arg18[%swap3A_458] {strides = array<i32>} : memref<64xf32, #tpu.memory_space<vmem>>, vector<16xf32>,
        tpu.vector_store %arg18[%swap3A_458], %get3A_457 {strides = array<i32>} : memref<64xf32, #tpu.memory_space<vmem>>, vector<16xf32>,
        %get3A_460 = arith.index_cast %rem3A_435 : i32 to index
        %get3A_461 = arith.constant 32 : index
        %get3A_462 = tpu.vector_load %arg9[%get3A_460, %get3A_461] {strides = array<i32>} : memref<16x64xi32, #tpu.memory_space<vmem>>, vector<16xi32>,
        %add3A_463 = vector.broadcast %mul3A_2 : i32 to vector<16xi32>
        %add3A_464 = arith.addi %get3A_462, %add3A_463 : vector<16xi32>
        %swap3A_465 = arith.constant 32 : index
        %swap3A_466 = tpu.vector_load %arg14[%swap3A_465] {strides = array<i32>} : memref<64xi32, #tpu.memory_space<vmem>>, vector<16xi32>,
        tpu.vector_store %arg14[%swap3A_465], %add3A_464 {strides = array<i32>} : memref<64xi32, #tpu.memory_space<vmem>>, vector<16xi32>,
        %get3A_467 = arith.index_cast %rem3A_435 : i32 to index
        %get3A_468 = arith.constant 32 : index
        %get3A_469 = tpu.vector_load %arg11[%get3A_467, %get3A_468] {strides = array<i32>} : memref<16x64xf32, #tpu.memory_space<vmem>>, vector<16xf32>,
        %swap3A_470 = arith.constant 32 : index
        %swap3A_471 = tpu.vector_load %arg18[%swap3A_470] {strides = array<i32>} : memref<64xf32, #tpu.memory_space<vmem>>, vector<16xf32>,
        tpu.vector_store %arg18[%swap3A_470], %get3A_469 {strides = array<i32>} : memref<64xf32, #tpu.memory_space<vmem>>, vector<16xf32>,
        %get3A_472 = arith.index_cast %rem3A_435 : i32 to index
        %get3A_473 = arith.constant 48 : index
        %get3A_474 = tpu.vector_load %arg9[%get3A_472, %get3A_473] {strides = array<i32>} : memref<16x64xi32, #tpu.memory_space<vmem>>, vector<16xi32>,
        %add3A_475 = vector.broadcast %mul3A_2 : i32 to vector<16xi32>
        %add3A_476 = arith.addi %get3A_474, %add3A_475 : vector<16xi32>
        %swap3A_477 = arith.constant 48 : index
        %swap3A_478 = tpu.vector_load %arg14[%swap3A_477] {strides = array<i32>} : memref<64xi32, #tpu.memory_space<vmem>>, vector<16xi32>,
        tpu.vector_store %arg14[%swap3A_477], %add3A_476 {strides = array<i32>} : memref<64xi32, #tpu.memory_space<vmem>>, vector<16xi32>,
        %get3A_479 = arith.index_cast %rem3A_435 : i32 to index
        %get3A_480 = arith.constant 48 : index
        %get3A_481 = tpu.vector_load %arg11[%get3A_479, %get3A_480] {strides = array<i32>} : memref<16x64xf32, #tpu.memory_space<vmem>>, vector<16xf32>,
        %swap3A_482 = arith.constant 48 : index
        %swap3A_483 = tpu.vector_load %arg18[%swap3A_482] {strides = array<i32>} : memref<64xf32, #tpu.memory_space<vmem>>, vector<16xf32>,
        tpu.vector_store %arg18[%swap3A_482], %get3A_481 {strides = array<i32>} : memref<64xf32, #tpu.memory_space<vmem>>, vector<16xf32>,
        %ge3A_484 = arith.constant 2 : i32
        %ge3A_485 = arith.cmpi sge, %add3A_184, %ge3A_484 : i32
        %convert_element_type3A_486 = arith.extui %ge3A_485 : i1 to i32
        %cond3A_487 = arith.constant 0 : i32
        %cond3A_488 = arith.cmpi ne, %convert_element_type3A_486, %cond3A_487 : i32
        scf.if %cond3A_488 {
          %sub3A_494 = arith.constant 2 : i32
          %sub3A_495 = arith.subi %add3A_184, %sub3A_494 : i32
          %jit3A_496 = arith.constant 16 : i32
          %div3A_497 = arith.divsi %sub3A_495, %jit3A_496 : i32
          %sign3A_498 = arith.constant 0 : i32
          %sign3A_499 = arith.cmpi sgt, %sub3A_495, %sign3A_498 : i32
          %sign3A_500 = arith.extui %sign3A_499 : i1 to i32
          %sign3A_501 = arith.constant 0 : i32
          %sign3A_502 = arith.cmpi slt, %sub3A_495, %sign3A_501 : i32
          %sign3A_503 = arith.extui %sign3A_502 : i1 to i32
          %sign3A_504 = arith.subi %sign3A_500, %sign3A_503 : i32
          %sign3A_505 = arith.constant 0 : i32
          %sign3A_506 = arith.cmpi sgt, %jit3A_496, %sign3A_505 : i32
          %sign3A_507 = arith.extui %sign3A_506 : i1 to i32
          %sign3A_508 = arith.constant 0 : i32
          %sign3A_509 = arith.cmpi slt, %jit3A_496, %sign3A_508 : i32
          %sign3A_510 = arith.extui %sign3A_509 : i1 to i32
          %sign3A_511 = arith.subi %sign3A_507, %sign3A_510 : i32
          %ne3A_512 = arith.cmpi ne, %sign3A_504, %sign3A_511 : i32
          %rem3A_513 = arith.remsi %sub3A_495, %jit3A_496 : i32
          %ne3A_514 = arith.constant 0 : i32
          %ne3A_515 = arith.cmpi ne, %rem3A_513, %ne3A_514 : i32
          %and3A_516 = arith.andi %ne3A_512, %ne3A_515 : i1
          %sub3A_517 = arith.constant 1 : i32
          %sub3A_518 = arith.subi %div3A_497, %sub3A_517 : i32
          %select_n3A_519 = arith.select %and3A_516, %sub3A_518, %div3A_497 : i32
          %rem3A_520 = arith.constant 2 : i32
          %rem3A_521 = arith.remsi %select_n3A_519, %rem3A_520 : i32
          %rem3A_522 = arith.constant 16 : i32
          %rem3A_523 = arith.remsi %sub3A_495, %rem3A_522 : i32
          %dma_wait3A_524 = arith.constant 0 : i32
          %dma_wait3A_525 = tpu.memref_slice %arg10[%rem3A_521, %rem3A_523, %dma_wait3A_524] : memref<2x16x64xi32, #tpu.memory_space<vmem>> -> memref<1x1x64xi32, #tpu.memory_space<vmem>>
          %dma_wait3A_526 = tpu.memref_squeeze %dma_wait3A_525 : memref<1x1x64xi32, #tpu.memory_space<vmem>> -> memref<64xi32, #tpu.memory_space<vmem>>
          %dma_wait3A_527 = arith.constant 0 : i32
          %dma_wait3A_528 = arith.constant 0 : i32
          %dma_wait3A_529 = tpu.memref_slice %arg26[%dma_wait3A_527, %dma_wait3A_528] : memref<10240x128xf32, #tpu.memory_space<vmem_shared>> -> memref<10240x128xf32, #tpu.memory_space<vmem_shared>>
          tpu.wait_indirect_dma semaphore(%arg33 : memref<!tpu.dma_semaphore, #tpu.memory_space<semaphore_mem>>) src(%arg22 : memref<64x128xf32, #tpu.memory_space<vmem>>) dst(%dma_wait3A_529 : memref<10240x128xf32, #tpu.memory_space<vmem_shared>>)
        } else {
        }
        %add3A_489 = arith.constant 2 : i32
        %add3A_490 = arith.addi %add3A_184, %add3A_489 : i32
        %dma_start3A_491 = arith.constant 0 : i32
        %dma_start3A_492 = arith.constant 0 : i32
        %dma_start3A_493 = tpu.memref_slice %arg5[%dma_start3A_491, %dma_start3A_492] : memref<20480x128xf32, #tpu.memory_space<hbm>> -> memref<20480x128xf32, #tpu.memory_space<hbm>>
        tpu.enqueue_indirect_dma source(%dma_start3A_493 : memref<20480x128xf32, #tpu.memory_space<hbm>>) target(%arg22 : memref<64x128xf32, #tpu.memory_space<vmem>>) offsets(%arg14 : memref<64xi32, #tpu.memory_space<vmem>>) semaphore(%arg29 : memref<!tpu.dma_semaphore, #tpu.memory_space<semaphore_mem>>)
      } else {
      }
      %add3A_226 = arith.constant 2 : i32
      %add3A_227 = arith.addi %add3A_184, %add3A_226 : i32
      %gt3A = arith.constant 159 : i32
      %gt3A_228 = arith.cmpi sgt, %add3A_227, %gt3A : i32
      %ge3A = arith.constant 2 : i32
      %ge3A_229 = arith.cmpi sge, %add3A_184, %ge3A : i32
      %and3A_230 = arith.andi %gt3A_228, %ge3A_229 : i1
      %convert_element_type3A_231 = arith.extui %and3A_230 : i1 to i32
      %cond3A_232 = arith.constant 0 : i32
      %cond3A_233 = arith.cmpi ne, %convert_element_type3A_231, %cond3A_232 : i32
      scf.if %cond3A_233 {
        %sub3A_424 = arith.constant 2 : i32
        %sub3A_425 = arith.subi %add3A_184, %sub3A_424 : i32
        %jit3A_426 = arith.constant 16 : i32
        %div3A_427 = arith.divsi %sub3A_425, %jit3A_426 : i32
        %sign3A_428 = arith.constant 0 : i32
        %sign3A_429 = arith.cmpi sgt, %sub3A_425, %sign3A_428 : i32
        %sign3A_430 = arith.extui %sign3A_429 : i1 to i32
        %sign3A_431 = arith.constant 0 : i32
        %sign3A_432 = arith.cmpi slt, %sub3A_425, %sign3A_431 : i32
        %sign3A_433 = arith.extui %sign3A_432 : i1 to i32
        %sign3A_434 = arith.subi %sign3A_430, %sign3A_433 : i32
        %sign3A_435 = arith.constant 0 : i32
        %sign3A_436 = arith.cmpi sgt, %jit3A_426, %sign3A_435 : i32
        %sign3A_437 = arith.extui %sign3A_436 : i1 to i32
        %sign3A_438 = arith.constant 0 : i32
        %sign3A_439 = arith.cmpi slt, %jit3A_426, %sign3A_438 : i32
        %sign3A_440 = arith.extui %sign3A_439 : i1 to i32
        %sign3A_441 = arith.subi %sign3A_437, %sign3A_440 : i32
        %ne3A_442 = arith.cmpi ne, %sign3A_434, %sign3A_441 : i32
        %rem3A_443 = arith.remsi %sub3A_425, %jit3A_426 : i32
        %ne3A_444 = arith.constant 0 : i32
        %ne3A_445 = arith.cmpi ne, %rem3A_443, %ne3A_444 : i32
        %and3A_446 = arith.andi %ne3A_442, %ne3A_445 : i1
        %sub3A_447 = arith.constant 1 : i32
        %sub3A_448 = arith.subi %div3A_427, %sub3A_447 : i32
        %select_n3A_449 = arith.select %and3A_446, %sub3A_448, %div3A_427 : i32
        %rem3A_450 = arith.constant 2 : i32
        %rem3A_451 = arith.remsi %select_n3A_449, %rem3A_450 : i32
        %rem3A_452 = arith.constant 16 : i32
        %rem3A_453 = arith.remsi %sub3A_425, %rem3A_452 : i32
        %dma_wait3A_454 = arith.constant 0 : i32
        %dma_wait3A_455 = tpu.memref_slice %arg10[%rem3A_451, %rem3A_453, %dma_wait3A_454] : memref<2x16x64xi32, #tpu.memory_space<vmem>> -> memref<1x1x64xi32, #tpu.memory_space<vmem>>
        %dma_wait3A_456 = tpu.memref_squeeze %dma_wait3A_455 : memref<1x1x64xi32, #tpu.memory_space<vmem>> -> memref<64xi32, #tpu.memory_space<vmem>>
        %dma_wait3A_457 = arith.constant 0 : i32
        %dma_wait3A_458 = arith.constant 0 : i32
        %dma_wait3A_459 = tpu.memref_slice %arg26[%dma_wait3A_457, %dma_wait3A_458] : memref<10240x128xf32, #tpu.memory_space<vmem_shared>> -> memref<10240x128xf32, #tpu.memory_space<vmem_shared>>
        tpu.wait_indirect_dma semaphore(%arg33 : memref<!tpu.dma_semaphore, #tpu.memory_space<semaphore_mem>>) src(%arg22 : memref<64x128xf32, #tpu.memory_space<vmem>>) dst(%dma_wait3A_459 : memref<10240x128xf32, #tpu.memory_space<vmem_shared>>)
      } else {
      }
      %add3A_234 = arith.constant 1 : i32
      %add3A_235 = arith.addi %mul3A_182, %add3A_234 : i32
      %dma_wait3A_236 = arith.constant 0 : i32
      %dma_wait3A_237 = arith.constant 0 : i32
      %dma_wait3A_238 = tpu.memref_slice %arg5[%dma_wait3A_236, %dma_wait3A_237] : memref<20480x128xf32, #tpu.memory_space<hbm>> -> memref<20480x128xf32, #tpu.memory_space<hbm>>
      tpu.wait_indirect_dma semaphore(%arg28 : memref<!tpu.dma_semaphore, #tpu.memory_space<semaphore_mem>>) src(%dma_wait3A_238 : memref<20480x128xf32, #tpu.memory_space<hbm>>) dst(%arg21 : memref<64x128xf32, #tpu.memory_space<vmem>>)
      %scan3A_239 = arith.constant 0 : i32
      %scan3A_240 = arith.constant 0 : i32
      %scan3A_241 = arith.constant 32 : i32
      %scan3A_242 = arith.addi %scan3A_240, %scan3A_241 : i32
      %scan3A_243 = arith.constant 1 : i32
      %scan3A_244 = scf.for %scan3A_424 = %scan3A_240 to %scan3A_242 step %scan3A_243 iter_args(%scan3A_425 = %scan3A_239) -> (i32)  : i32 {
        %mul3A_426 = arith.constant 2 : i32
        %mul3A_427 = arith.muli %mul3A_426, %scan3A_424 : i32
        %add3A_428 = arith.constant 0 : i32
        %add3A_429 = arith.addi %mul3A_427, %add3A_428 : i32
        %broadcast_in_dim3A = vector.broadcast %add3A_429 : i32 to vector<16xi32>
        %gather3A = tpu.vector_load_idx %arg17[%broadcast_in_dim3A] : memref<64xf32, #tpu.memory_space<vmem>>[vector<16xi32>], vector<16xf32>,
        %get3A_430 = arith.index_cast %add3A_429 : i32 to index
        %get3A_431 = arith.constant 0 : index
        %get3A_432 = tpu.vector_load %arg21[%get3A_430, %get3A_431] {strides = array<i32>} : memref<64x128xf32, #tpu.memory_space<vmem>>, vector<16xf32>,
        %mul3A_433 = arith.mulf %get3A_432, %gather3A : vector<16xf32>
        %swap3A_434 = arith.index_cast %add3A_429 : i32 to index
        %swap3A_435 = arith.constant 0 : index
        %swap3A_436 = tpu.vector_load %arg21[%swap3A_434, %swap3A_435] {strides = array<i32>} : memref<64x128xf32, #tpu.memory_space<vmem>>, vector<16xf32>,
        tpu.vector_store %arg21[%swap3A_434, %swap3A_435], %mul3A_433 {strides = array<i32>} : memref<64x128xf32, #tpu.memory_space<vmem>>, vector<16xf32>,
        %get3A_437 = arith.index_cast %add3A_429 : i32 to index
        %get3A_438 = arith.constant 16 : index
        %get3A_439 = tpu.vector_load %arg21[%get3A_437, %get3A_438] {strides = array<i32>} : memref<64x128xf32, #tpu.memory_space<vmem>>, vector<16xf32>,
        %mul3A_440 = arith.mulf %get3A_439, %gather3A : vector<16xf32>
        %swap3A_441 = arith.index_cast %add3A_429 : i32 to index
        %swap3A_442 = arith.constant 16 : index
        %swap3A_443 = tpu.vector_load %arg21[%swap3A_441, %swap3A_442] {strides = array<i32>} : memref<64x128xf32, #tpu.memory_space<vmem>>, vector<16xf32>,
        tpu.vector_store %arg21[%swap3A_441, %swap3A_442], %mul3A_440 {strides = array<i32>} : memref<64x128xf32, #tpu.memory_space<vmem>>, vector<16xf32>,
        %get3A_444 = arith.index_cast %add3A_429 : i32 to index
        %get3A_445 = arith.constant 32 : index
        %get3A_446 = tpu.vector_load %arg21[%get3A_444, %get3A_445] {strides = array<i32>} : memref<64x128xf32, #tpu.memory_space<vmem>>, vector<16xf32>,
        %mul3A_447 = arith.mulf %get3A_446, %gather3A : vector<16xf32>
        %swap3A_448 = arith.index_cast %add3A_429 : i32 to index
        %swap3A_449 = arith.constant 32 : index
        %swap3A_450 = tpu.vector_load %arg21[%swap3A_448, %swap3A_449] {strides = array<i32>} : memref<64x128xf32, #tpu.memory_space<vmem>>, vector<16xf32>,
        tpu.vector_store %arg21[%swap3A_448, %swap3A_449], %mul3A_447 {strides = array<i32>} : memref<64x128xf32, #tpu.memory_space<vmem>>, vector<16xf32>,
        %get3A_451 = arith.index_cast %add3A_429 : i32 to index
        %get3A_452 = arith.constant 48 : index
        %get3A_453 = tpu.vector_load %arg21[%get3A_451, %get3A_452] {strides = array<i32>} : memref<64x128xf32, #tpu.memory_space<vmem>>, vector<16xf32>,
        %mul3A_454 = arith.mulf %get3A_453, %gather3A : vector<16xf32>
        %swap3A_455 = arith.index_cast %add3A_429 : i32 to index
        %swap3A_456 = arith.constant 48 : index
        %swap3A_457 = tpu.vector_load %arg21[%swap3A_455, %swap3A_456] {strides = array<i32>} : memref<64x128xf32, #tpu.memory_space<vmem>>, vector<16xf32>,
        tpu.vector_store %arg21[%swap3A_455, %swap3A_456], %mul3A_454 {strides = array<i32>} : memref<64x128xf32, #tpu.memory_space<vmem>>, vector<16xf32>,
        %get3A_458 = arith.index_cast %add3A_429 : i32 to index
        %get3A_459 = arith.constant 64 : index
        %get3A_460 = tpu.vector_load %arg21[%get3A_458, %get3A_459] {strides = array<i32>} : memref<64x128xf32, #tpu.memory_space<vmem>>, vector<16xf32>,
        %mul3A_461 = arith.mulf %get3A_460, %gather3A : vector<16xf32>
        %swap3A_462 = arith.index_cast %add3A_429 : i32 to index
        %swap3A_463 = arith.constant 64 : index
        %swap3A_464 = tpu.vector_load %arg21[%swap3A_462, %swap3A_463] {strides = array<i32>} : memref<64x128xf32, #tpu.memory_space<vmem>>, vector<16xf32>,
        tpu.vector_store %arg21[%swap3A_462, %swap3A_463], %mul3A_461 {strides = array<i32>} : memref<64x128xf32, #tpu.memory_space<vmem>>, vector<16xf32>,
        %get3A_465 = arith.index_cast %add3A_429 : i32 to index
        %get3A_466 = arith.constant 80 : index
        %get3A_467 = tpu.vector_load %arg21[%get3A_465, %get3A_466] {strides = array<i32>} : memref<64x128xf32, #tpu.memory_space<vmem>>, vector<16xf32>,
        %mul3A_468 = arith.mulf %get3A_467, %gather3A : vector<16xf32>
        %swap3A_469 = arith.index_cast %add3A_429 : i32 to index
        %swap3A_470 = arith.constant 80 : index
        %swap3A_471 = tpu.vector_load %arg21[%swap3A_469, %swap3A_470] {strides = array<i32>} : memref<64x128xf32, #tpu.memory_space<vmem>>, vector<16xf32>,
        tpu.vector_store %arg21[%swap3A_469, %swap3A_470], %mul3A_468 {strides = array<i32>} : memref<64x128xf32, #tpu.memory_space<vmem>>, vector<16xf32>,
        %get3A_472 = arith.index_cast %add3A_429 : i32 to index
        %get3A_473 = arith.constant 96 : index
        %get3A_474 = tpu.vector_load %arg21[%get3A_472, %get3A_473] {strides = array<i32>} : memref<64x128xf32, #tpu.memory_space<vmem>>, vector<16xf32>,
        %mul3A_475 = arith.mulf %get3A_474, %gather3A : vector<16xf32>
        %swap3A_476 = arith.index_cast %add3A_429 : i32 to index
        %swap3A_477 = arith.constant 96 : index
        %swap3A_478 = tpu.vector_load %arg21[%swap3A_476, %swap3A_477] {strides = array<i32>} : memref<64x128xf32, #tpu.memory_space<vmem>>, vector<16xf32>,
        tpu.vector_store %arg21[%swap3A_476, %swap3A_477], %mul3A_475 {strides = array<i32>} : memref<64x128xf32, #tpu.memory_space<vmem>>, vector<16xf32>,
        %get3A_479 = arith.index_cast %add3A_429 : i32 to index
        %get3A_480 = arith.constant 112 : index
        %get3A_481 = tpu.vector_load %arg21[%get3A_479, %get3A_480] {strides = array<i32>} : memref<64x128xf32, #tpu.memory_space<vmem>>, vector<16xf32>,
        %mul3A_482 = arith.mulf %get3A_481, %gather3A : vector<16xf32>
        %swap3A_483 = arith.index_cast %add3A_429 : i32 to index
        %swap3A_484 = arith.constant 112 : index
        %swap3A_485 = tpu.vector_load %arg21[%swap3A_483, %swap3A_484] {strides = array<i32>} : memref<64x128xf32, #tpu.memory_space<vmem>>, vector<16xf32>,
        tpu.vector_store %arg21[%swap3A_483, %swap3A_484], %mul3A_482 {strides = array<i32>} : memref<64x128xf32, #tpu.memory_space<vmem>>, vector<16xf32>,
        %mul3A_486 = arith.constant 2 : i32
        %mul3A_487 = arith.muli %mul3A_486, %scan3A_424 : i32
        %add3A_488 = arith.constant 1 : i32
        %add3A_489 = arith.addi %mul3A_487, %add3A_488 : i32
        %broadcast_in_dim3A_490 = vector.broadcast %add3A_489 : i32 to vector<16xi32>
        %gather3A_491 = tpu.vector_load_idx %arg17[%broadcast_in_dim3A_490] : memref<64xf32, #tpu.memory_space<vmem>>[vector<16xi32>], vector<16xf32>,
        %get3A_492 = arith.index_cast %add3A_489 : i32 to index
        %get3A_493 = arith.constant 0 : index
        %get3A_494 = tpu.vector_load %arg21[%get3A_492, %get3A_493] {strides = array<i32>} : memref<64x128xf32, #tpu.memory_space<vmem>>, vector<16xf32>,
        %mul3A_495 = arith.mulf %get3A_494, %gather3A_491 : vector<16xf32>
        %swap3A_496 = arith.index_cast %add3A_489 : i32 to index
        %swap3A_497 = arith.constant 0 : index
        %swap3A_498 = tpu.vector_load %arg21[%swap3A_496, %swap3A_497] {strides = array<i32>} : memref<64x128xf32, #tpu.memory_space<vmem>>, vector<16xf32>,
        tpu.vector_store %arg21[%swap3A_496, %swap3A_497], %mul3A_495 {strides = array<i32>} : memref<64x128xf32, #tpu.memory_space<vmem>>, vector<16xf32>,
        %get3A_499 = arith.index_cast %add3A_489 : i32 to index
        %get3A_500 = arith.constant 16 : index
        %get3A_501 = tpu.vector_load %arg21[%get3A_499, %get3A_500] {strides = array<i32>} : memref<64x128xf32, #tpu.memory_space<vmem>>, vector<16xf32>,
        %mul3A_502 = arith.mulf %get3A_501, %gather3A_491 : vector<16xf32>
        %swap3A_503 = arith.index_cast %add3A_489 : i32 to index
        %swap3A_504 = arith.constant 16 : index
        %swap3A_505 = tpu.vector_load %arg21[%swap3A_503, %swap3A_504] {strides = array<i32>} : memref<64x128xf32, #tpu.memory_space<vmem>>, vector<16xf32>,
        tpu.vector_store %arg21[%swap3A_503, %swap3A_504], %mul3A_502 {strides = array<i32>} : memref<64x128xf32, #tpu.memory_space<vmem>>, vector<16xf32>,
        %get3A_506 = arith.index_cast %add3A_489 : i32 to index
        %get3A_507 = arith.constant 32 : index
        %get3A_508 = tpu.vector_load %arg21[%get3A_506, %get3A_507] {strides = array<i32>} : memref<64x128xf32, #tpu.memory_space<vmem>>, vector<16xf32>,
        %mul3A_509 = arith.mulf %get3A_508, %gather3A_491 : vector<16xf32>
        %swap3A_510 = arith.index_cast %add3A_489 : i32 to index
        %swap3A_511 = arith.constant 32 : index
        %swap3A_512 = tpu.vector_load %arg21[%swap3A_510, %swap3A_511] {strides = array<i32>} : memref<64x128xf32, #tpu.memory_space<vmem>>, vector<16xf32>,
        tpu.vector_store %arg21[%swap3A_510, %swap3A_511], %mul3A_509 {strides = array<i32>} : memref<64x128xf32, #tpu.memory_space<vmem>>, vector<16xf32>,
        %get3A_513 = arith.index_cast %add3A_489 : i32 to index
        %get3A_514 = arith.constant 48 : index
        %get3A_515 = tpu.vector_load %arg21[%get3A_513, %get3A_514] {strides = array<i32>} : memref<64x128xf32, #tpu.memory_space<vmem>>, vector<16xf32>,
        %mul3A_516 = arith.mulf %get3A_515, %gather3A_491 : vector<16xf32>
        %swap3A_517 = arith.index_cast %add3A_489 : i32 to index
        %swap3A_518 = arith.constant 48 : index
        %swap3A_519 = tpu.vector_load %arg21[%swap3A_517, %swap3A_518] {strides = array<i32>} : memref<64x128xf32, #tpu.memory_space<vmem>>, vector<16xf32>,
        tpu.vector_store %arg21[%swap3A_517, %swap3A_518], %mul3A_516 {strides = array<i32>} : memref<64x128xf32, #tpu.memory_space<vmem>>, vector<16xf32>,
        %get3A_520 = arith.index_cast %add3A_489 : i32 to index
        %get3A_521 = arith.constant 64 : index
        %get3A_522 = tpu.vector_load %arg21[%get3A_520, %get3A_521] {strides = array<i32>} : memref<64x128xf32, #tpu.memory_space<vmem>>, vector<16xf32>,
        %mul3A_523 = arith.mulf %get3A_522, %gather3A_491 : vector<16xf32>
        %swap3A_524 = arith.index_cast %add3A_489 : i32 to index
        %swap3A_525 = arith.constant 64 : index
        %swap3A_526 = tpu.vector_load %arg21[%swap3A_524, %swap3A_525] {strides = array<i32>} : memref<64x128xf32, #tpu.memory_space<vmem>>, vector<16xf32>,
        tpu.vector_store %arg21[%swap3A_524, %swap3A_525], %mul3A_523 {strides = array<i32>} : memref<64x128xf32, #tpu.memory_space<vmem>>, vector<16xf32>,
        %get3A_527 = arith.index_cast %add3A_489 : i32 to index
        %get3A_528 = arith.constant 80 : index
        %get3A_529 = tpu.vector_load %arg21[%get3A_527, %get3A_528] {strides = array<i32>} : memref<64x128xf32, #tpu.memory_space<vmem>>, vector<16xf32>,
        %mul3A_530 = arith.mulf %get3A_529, %gather3A_491 : vector<16xf32>
        %swap3A_531 = arith.index_cast %add3A_489 : i32 to index
        %swap3A_532 = arith.constant 80 : index
        %swap3A_533 = tpu.vector_load %arg21[%swap3A_531, %swap3A_532] {strides = array<i32>} : memref<64x128xf32, #tpu.memory_space<vmem>>, vector<16xf32>,
        tpu.vector_store %arg21[%swap3A_531, %swap3A_532], %mul3A_530 {strides = array<i32>} : memref<64x128xf32, #tpu.memory_space<vmem>>, vector<16xf32>,
        %get3A_534 = arith.index_cast %add3A_489 : i32 to index
        %get3A_535 = arith.constant 96 : index
        %get3A_536 = tpu.vector_load %arg21[%get3A_534, %get3A_535] {strides = array<i32>} : memref<64x128xf32, #tpu.memory_space<vmem>>, vector<16xf32>,
        %mul3A_537 = arith.mulf %get3A_536, %gather3A_491 : vector<16xf32>
        %swap3A_538 = arith.index_cast %add3A_489 : i32 to index
        %swap3A_539 = arith.constant 96 : index
        %swap3A_540 = tpu.vector_load %arg21[%swap3A_538, %swap3A_539] {strides = array<i32>} : memref<64x128xf32, #tpu.memory_space<vmem>>, vector<16xf32>,
        tpu.vector_store %arg21[%swap3A_538, %swap3A_539], %mul3A_537 {strides = array<i32>} : memref<64x128xf32, #tpu.memory_space<vmem>>, vector<16xf32>,
        %get3A_541 = arith.index_cast %add3A_489 : i32 to index
        %get3A_542 = arith.constant 112 : index
        %get3A_543 = tpu.vector_load %arg21[%get3A_541, %get3A_542] {strides = array<i32>} : memref<64x128xf32, #tpu.memory_space<vmem>>, vector<16xf32>,
        %mul3A_544 = arith.mulf %get3A_543, %gather3A_491 : vector<16xf32>
        %swap3A_545 = arith.index_cast %add3A_489 : i32 to index
        %swap3A_546 = arith.constant 112 : index
        %swap3A_547 = tpu.vector_load %arg21[%swap3A_545, %swap3A_546] {strides = array<i32>} : memref<64x128xf32, #tpu.memory_space<vmem>>, vector<16xf32>,
        tpu.vector_store %arg21[%swap3A_545, %swap3A_546], %mul3A_544 {strides = array<i32>} : memref<64x128xf32, #tpu.memory_space<vmem>>, vector<16xf32>,
        %scan3A_548 = arith.constant 0 : i32
        scf.yield %scan3A_548 : i32
      }
      %scan3A_245 = arith.constant 32 : i32
      %jit3A_246 = arith.constant 16 : i32
      %div3A_247 = arith.divsi %add3A_235, %jit3A_246 : i32
      %sign3A_248 = arith.constant 0 : i32
      %sign3A_249 = arith.cmpi sgt, %add3A_235, %sign3A_248 : i32
      %sign3A_250 = arith.extui %sign3A_249 : i1 to i32
      %sign3A_251 = arith.constant 0 : i32
      %sign3A_252 = arith.cmpi slt, %add3A_235, %sign3A_251 : i32
      %sign3A_253 = arith.extui %sign3A_252 : i1 to i32
      %sign3A_254 = arith.subi %sign3A_250, %sign3A_253 : i32
      %sign3A_255 = arith.constant 0 : i32
      %sign3A_256 = arith.cmpi sgt, %jit3A_246, %sign3A_255 : i32
      %sign3A_257 = arith.extui %sign3A_256 : i1 to i32
      %sign3A_258 = arith.constant 0 : i32
      %sign3A_259 = arith.cmpi slt, %jit3A_246, %sign3A_258 : i32
      %sign3A_260 = arith.extui %sign3A_259 : i1 to i32
      %sign3A_261 = arith.subi %sign3A_257, %sign3A_260 : i32
      %ne3A_262 = arith.cmpi ne, %sign3A_254, %sign3A_261 : i32
      %rem3A_263 = arith.remsi %add3A_235, %jit3A_246 : i32
      %ne3A_264 = arith.constant 0 : i32
      %ne3A_265 = arith.cmpi ne, %rem3A_263, %ne3A_264 : i32
      %and3A_266 = arith.andi %ne3A_262, %ne3A_265 : i1
      %sub3A_267 = arith.constant 1 : i32
      %sub3A_268 = arith.subi %div3A_247, %sub3A_267 : i32
      %select_n3A_269 = arith.select %and3A_266, %sub3A_268, %div3A_247 : i32
      %rem3A_270 = arith.constant 2 : i32
      %rem3A_271 = arith.remsi %select_n3A_269, %rem3A_270 : i32
      %rem3A_272 = arith.constant 16 : i32
      %rem3A_273 = arith.remsi %add3A_235, %rem3A_272 : i32
      %dma_start3A_274 = arith.constant 0 : i32
      %dma_start3A_275 = tpu.memref_slice %arg10[%rem3A_271, %rem3A_273, %dma_start3A_274] : memref<2x16x64xi32, #tpu.memory_space<vmem>> -> memref<1x1x64xi32, #tpu.memory_space<vmem>>
      %dma_start3A_276 = tpu.memref_squeeze %dma_start3A_275 : memref<1x1x64xi32, #tpu.memory_space<vmem>> -> memref<64xi32, #tpu.memory_space<vmem>>
      %dma_start3A_277 = arith.constant 0 : i32
      %dma_start3A_278 = arith.constant 0 : i32
      %dma_start3A_279 = tpu.memref_slice %arg26[%dma_start3A_277, %dma_start3A_278] : memref<10240x128xf32, #tpu.memory_space<vmem_shared>> -> memref<10240x128xf32, #tpu.memory_space<vmem_shared>>
      tpu.enqueue_indirect_dma source(%arg21 : memref<64x128xf32, #tpu.memory_space<vmem>>) target(%dma_start3A_279 : memref<10240x128xf32, #tpu.memory_space<vmem_shared>>) offsets(%dma_start3A_276 : memref<64xi32, #tpu.memory_space<vmem>>) semaphore(%arg32 : memref<!tpu.dma_semaphore, #tpu.memory_space<semaphore_mem>>) {add = true}
      %add3A_280 = arith.constant 2 : i32
      %add3A_281 = arith.addi %add3A_235, %add3A_280 : i32
      %le3A_282 = arith.constant 159 : i32
      %le3A_283 = arith.cmpi sle, %add3A_281, %le3A_282 : i32
      %convert_element_type3A_284 = arith.extui %le3A_283 : i1 to i32
      %cond3A_285 = arith.constant 0 : i32
      %cond3A_286 = arith.cmpi ne, %convert_element_type3A_284, %cond3A_285 : i32
      scf.if %cond3A_286 {
        %add3A_424 = arith.constant 2 : i32
        %add3A_425 = arith.addi %add3A_235, %add3A_424 : i32
        %rem3A_426 = arith.constant 16 : i32
        %rem3A_427 = arith.remsi %add3A_425, %rem3A_426 : i32
        %eq3A = arith.constant 0 : i32
        %eq3A_428 = arith.cmpi eq, %rem3A_427, %eq3A : i32
        %convert_element_type3A_429 = arith.extui %eq3A_428 : i1 to i32
        %cond3A_430 = arith.constant 0 : i32
        %cond3A_431 = arith.cmpi ne, %convert_element_type3A_429, %cond3A_430 : i32
        scf.if %cond3A_431 {
          %add3A_494 = arith.constant 2 : i32
          %add3A_495 = arith.addi %add3A_235, %add3A_494 : i32
          %jit3A_496 = arith.constant 16 : i32
          %div3A_497 = arith.divsi %add3A_495, %jit3A_496 : i32
          %sign3A_498 = arith.constant 0 : i32
          %sign3A_499 = arith.cmpi sgt, %add3A_495, %sign3A_498 : i32
          %sign3A_500 = arith.extui %sign3A_499 : i1 to i32
          %sign3A_501 = arith.constant 0 : i32
          %sign3A_502 = arith.cmpi slt, %add3A_495, %sign3A_501 : i32
          %sign3A_503 = arith.extui %sign3A_502 : i1 to i32
          %sign3A_504 = arith.subi %sign3A_500, %sign3A_503 : i32
          %sign3A_505 = arith.constant 0 : i32
          %sign3A_506 = arith.cmpi sgt, %jit3A_496, %sign3A_505 : i32
          %sign3A_507 = arith.extui %sign3A_506 : i1 to i32
          %sign3A_508 = arith.constant 0 : i32
          %sign3A_509 = arith.cmpi slt, %jit3A_496, %sign3A_508 : i32
          %sign3A_510 = arith.extui %sign3A_509 : i1 to i32
          %sign3A_511 = arith.subi %sign3A_507, %sign3A_510 : i32
          %ne3A_512 = arith.cmpi ne, %sign3A_504, %sign3A_511 : i32
          %rem3A_513 = arith.remsi %add3A_495, %jit3A_496 : i32
          %ne3A_514 = arith.constant 0 : i32
          %ne3A_515 = arith.cmpi ne, %rem3A_513, %ne3A_514 : i32
          %and3A_516 = arith.andi %ne3A_512, %ne3A_515 : i1
          %sub3A_517 = arith.constant 1 : i32
          %sub3A_518 = arith.subi %div3A_497, %sub3A_517 : i32
          %select_n3A_519 = arith.select %and3A_516, %sub3A_518, %div3A_497 : i32
          %rem3A_520 = arith.constant 2 : i32
          %rem3A_521 = arith.remsi %select_n3A_519, %rem3A_520 : i32
          %mul3A_522 = arith.constant 16 : i32
          %mul3A_523 = arith.muli %select_n3A_519, %mul3A_522 : i32
          %add3A_524 = arith.addi %mul3A_4, %mul3A_523 : i32
          "tpu.region"() ({
            %run_scoped3A = tpu.sem_alloc : memref<!tpu.dma_semaphore, #tpu.memory_space<semaphore_mem>>
            %dma_start3A_525 = arith.constant 0 : i32
            %dma_start3A_526 = tpu.memref_slice %arg2[%add3A_524, %dma_start3A_525] : memref<2560x64xi32, #tpu.memory_space<hbm>> -> memref<16x64xi32, #tpu.memory_space<hbm>>
            %dma_start3A_527 = arith.constant 0 : i32
            %dma_start3A_528 = tpu.memref_slice %arg2[%add3A_524, %dma_start3A_527] : memref<2560x64xi32, #tpu.memory_space<hbm>> -> memref<16x64xi32, #tpu.memory_space<hbm>>
            tpu.enqueue_dma source(%dma_start3A_528 : memref<16x64xi32, #tpu.memory_space<hbm>>) target(%arg9 : memref<16x64xi32, #tpu.memory_space<vmem>>) target_semaphore(%run_scoped3A : memref<!tpu.dma_semaphore, #tpu.memory_space<semaphore_mem>>)
            %dma_wait3A_529 = arith.constant 0 : i32
            %dma_wait3A_530 = tpu.memref_slice %arg2[%add3A_524, %dma_wait3A_529] : memref<2560x64xi32, #tpu.memory_space<hbm>> -> memref<16x64xi32, #tpu.memory_space<hbm>>
            %dma_wait3A_531 = arith.constant 0 : i32
            %dma_wait3A_532 = tpu.memref_slice %arg2[%add3A_524, %dma_wait3A_531] : memref<2560x64xi32, #tpu.memory_space<hbm>> -> memref<16x64xi32, #tpu.memory_space<hbm>>
            tpu.wait_dma2 semaphore(%run_scoped3A : memref<!tpu.dma_semaphore, #tpu.memory_space<semaphore_mem>>) src(%dma_wait3A_532 : memref<16x64xi32, #tpu.memory_space<hbm>>) dst(%arg9 : memref<16x64xi32, #tpu.memory_space<vmem>>)
            tpu.yield
          }) : () -> ()
          "tpu.region"() ({
            %run_scoped3A = tpu.sem_alloc : memref<!tpu.dma_semaphore, #tpu.memory_space<semaphore_mem>>
            %dma_start3A_525 = arith.constant 0 : i32
            %dma_start3A_526 = tpu.memref_slice %arg4[%add3A_524, %dma_start3A_525] : memref<2560x64xf32, #tpu.memory_space<hbm>> -> memref<16x64xf32, #tpu.memory_space<hbm>>
            %dma_start3A_527 = arith.constant 0 : i32
            %dma_start3A_528 = tpu.memref_slice %arg4[%add3A_524, %dma_start3A_527] : memref<2560x64xf32, #tpu.memory_space<hbm>> -> memref<16x64xf32, #tpu.memory_space<hbm>>
            tpu.enqueue_dma source(%dma_start3A_528 : memref<16x64xf32, #tpu.memory_space<hbm>>) target(%arg11 : memref<16x64xf32, #tpu.memory_space<vmem>>) target_semaphore(%run_scoped3A : memref<!tpu.dma_semaphore, #tpu.memory_space<semaphore_mem>>)
            %dma_wait3A_529 = arith.constant 0 : i32
            %dma_wait3A_530 = tpu.memref_slice %arg4[%add3A_524, %dma_wait3A_529] : memref<2560x64xf32, #tpu.memory_space<hbm>> -> memref<16x64xf32, #tpu.memory_space<hbm>>
            %dma_wait3A_531 = arith.constant 0 : i32
            %dma_wait3A_532 = tpu.memref_slice %arg4[%add3A_524, %dma_wait3A_531] : memref<2560x64xf32, #tpu.memory_space<hbm>> -> memref<16x64xf32, #tpu.memory_space<hbm>>
            tpu.wait_dma2 semaphore(%run_scoped3A : memref<!tpu.dma_semaphore, #tpu.memory_space<semaphore_mem>>) src(%dma_wait3A_532 : memref<16x64xf32, #tpu.memory_space<hbm>>) dst(%arg11 : memref<16x64xf32, #tpu.memory_space<vmem>>)
            tpu.yield
          }) : () -> ()
          "tpu.region"() ({
            %run_scoped3A = tpu.sem_alloc : memref<!tpu.dma_semaphore, #tpu.memory_space<semaphore_mem>>
            %dma_start3A_525 = arith.constant 0 : i32
            %dma_start3A_526 = arith.constant 0 : i32
            %dma_start3A_527 = tpu.memref_slice %arg10[%rem3A_521, %dma_start3A_525, %dma_start3A_526] : memref<2x16x64xi32, #tpu.memory_space<vmem>> -> memref<1x16x64xi32, #tpu.memory_space<vmem>>
            %dma_start3A_528 = tpu.memref_squeeze %dma_start3A_527 : memref<1x16x64xi32, #tpu.memory_space<vmem>> -> memref<16x64xi32, #tpu.memory_space<vmem>>
            %dma_start3A_529 = arith.constant 0 : i32
            %dma_start3A_530 = tpu.memref_slice %arg3[%add3A_524, %dma_start3A_529] : memref<2560x64xi32, #tpu.memory_space<hbm>> -> memref<16x64xi32, #tpu.memory_space<hbm>>
            %dma_start3A_531 = arith.constant 0 : i32
            %dma_start3A_532 = arith.constant 0 : i32
            %dma_start3A_533 = tpu.memref_slice %arg10[%rem3A_521, %dma_start3A_531, %dma_start3A_532] : memref<2x16x64xi32, #tpu.memory_space<vmem>> -> memref<1x16x64xi32, #tpu.memory_space<vmem>>
            %dma_start3A_534 = tpu.memref_squeeze %dma_start3A_533 : memref<1x16x64xi32, #tpu.memory_space<vmem>> -> memref<16x64xi32, #tpu.memory_space<vmem>>
            %dma_start3A_535 = arith.constant 0 : i32
            %dma_start3A_536 = tpu.memref_slice %arg3[%add3A_524, %dma_start3A_535] : memref<2560x64xi32, #tpu.memory_space<hbm>> -> memref<16x64xi32, #tpu.memory_space<hbm>>
            tpu.enqueue_dma source(%dma_start3A_536 : memref<16x64xi32, #tpu.memory_space<hbm>>) target(%dma_start3A_534 : memref<16x64xi32, #tpu.memory_space<vmem>>) target_semaphore(%run_scoped3A : memref<!tpu.dma_semaphore, #tpu.memory_space<semaphore_mem>>)
            %dma_wait3A_537 = arith.constant 0 : i32
            %dma_wait3A_538 = arith.constant 0 : i32
            %dma_wait3A_539 = tpu.memref_slice %arg10[%rem3A_521, %dma_wait3A_537, %dma_wait3A_538] : memref<2x16x64xi32, #tpu.memory_space<vmem>> -> memref<1x16x64xi32, #tpu.memory_space<vmem>>
            %dma_wait3A_540 = tpu.memref_squeeze %dma_wait3A_539 : memref<1x16x64xi32, #tpu.memory_space<vmem>> -> memref<16x64xi32, #tpu.memory_space<vmem>>
            %dma_wait3A_541 = arith.constant 0 : i32
            %dma_wait3A_542 = tpu.memref_slice %arg3[%add3A_524, %dma_wait3A_541] : memref<2560x64xi32, #tpu.memory_space<hbm>> -> memref<16x64xi32, #tpu.memory_space<hbm>>
            %dma_wait3A_543 = arith.constant 0 : i32
            %dma_wait3A_544 = arith.constant 0 : i32
            %dma_wait3A_545 = tpu.memref_slice %arg10[%rem3A_521, %dma_wait3A_543, %dma_wait3A_544] : memref<2x16x64xi32, #tpu.memory_space<vmem>> -> memref<1x16x64xi32, #tpu.memory_space<vmem>>
            %dma_wait3A_546 = tpu.memref_squeeze %dma_wait3A_545 : memref<1x16x64xi32, #tpu.memory_space<vmem>> -> memref<16x64xi32, #tpu.memory_space<vmem>>
            %dma_wait3A_547 = arith.constant 0 : i32
            %dma_wait3A_548 = tpu.memref_slice %arg3[%add3A_524, %dma_wait3A_547] : memref<2560x64xi32, #tpu.memory_space<hbm>> -> memref<16x64xi32, #tpu.memory_space<hbm>>
            tpu.wait_dma2 semaphore(%run_scoped3A : memref<!tpu.dma_semaphore, #tpu.memory_space<semaphore_mem>>) src(%dma_wait3A_548 : memref<16x64xi32, #tpu.memory_space<hbm>>) dst(%dma_wait3A_546 : memref<16x64xi32, #tpu.memory_space<vmem>>)
            tpu.yield
          }) : () -> ()
        } else {
        }
        %add3A_432 = arith.constant 2 : i32
        %add3A_433 = arith.addi %add3A_235, %add3A_432 : i32
        %rem3A_434 = arith.constant 16 : i32
        %rem3A_435 = arith.remsi %add3A_433, %rem3A_434 : i32
        %get3A_436 = arith.index_cast %rem3A_435 : i32 to index
        %get3A_437 = arith.constant 0 : index
        %get3A_438 = tpu.vector_load %arg9[%get3A_436, %get3A_437] {strides = array<i32>} : memref<16x64xi32, #tpu.memory_space<vmem>>, vector<16xi32>,
        %add3A_439 = vector.broadcast %mul3A_2 : i32 to vector<16xi32>
        %add3A_440 = arith.addi %get3A_438, %add3A_439 : vector<16xi32>
        %swap3A_441 = arith.constant 0 : index
        %swap3A_442 = tpu.vector_load %arg15[%swap3A_441] {strides = array<i32>} : memref<64xi32, #tpu.memory_space<vmem>>, vector<16xi32>,
        tpu.vector_store %arg15[%swap3A_441], %add3A_440 {strides = array<i32>} : memref<64xi32, #tpu.memory_space<vmem>>, vector<16xi32>,
        %get3A_443 = arith.index_cast %rem3A_435 : i32 to index
        %get3A_444 = arith.constant 0 : index
        %get3A_445 = tpu.vector_load %arg11[%get3A_443, %get3A_444] {strides = array<i32>} : memref<16x64xf32, #tpu.memory_space<vmem>>, vector<16xf32>,
        %swap3A_446 = arith.constant 0 : index
        %swap3A_447 = tpu.vector_load %arg19[%swap3A_446] {strides = array<i32>} : memref<64xf32, #tpu.memory_space<vmem>>, vector<16xf32>,
        tpu.vector_store %arg19[%swap3A_446], %get3A_445 {strides = array<i32>} : memref<64xf32, #tpu.memory_space<vmem>>, vector<16xf32>,
        %get3A_448 = arith.index_cast %rem3A_435 : i32 to index
        %get3A_449 = arith.constant 16 : index
        %get3A_450 = tpu.vector_load %arg9[%get3A_448, %get3A_449] {strides = array<i32>} : memref<16x64xi32, #tpu.memory_space<vmem>>, vector<16xi32>,
        %add3A_451 = vector.broadcast %mul3A_2 : i32 to vector<16xi32>
        %add3A_452 = arith.addi %get3A_450, %add3A_451 : vector<16xi32>
        %swap3A_453 = arith.constant 16 : index
        %swap3A_454 = tpu.vector_load %arg15[%swap3A_453] {strides = array<i32>} : memref<64xi32, #tpu.memory_space<vmem>>, vector<16xi32>,
        tpu.vector_store %arg15[%swap3A_453], %add3A_452 {strides = array<i32>} : memref<64xi32, #tpu.memory_space<vmem>>, vector<16xi32>,
        %get3A_455 = arith.index_cast %rem3A_435 : i32 to index
        %get3A_456 = arith.constant 16 : index
        %get3A_457 = tpu.vector_load %arg11[%get3A_455, %get3A_456] {strides = array<i32>} : memref<16x64xf32, #tpu.memory_space<vmem>>, vector<16xf32>,
        %swap3A_458 = arith.constant 16 : index
        %swap3A_459 = tpu.vector_load %arg19[%swap3A_458] {strides = array<i32>} : memref<64xf32, #tpu.memory_space<vmem>>, vector<16xf32>,
        tpu.vector_store %arg19[%swap3A_458], %get3A_457 {strides = array<i32>} : memref<64xf32, #tpu.memory_space<vmem>>, vector<16xf32>,
        %get3A_460 = arith.index_cast %rem3A_435 : i32 to index
        %get3A_461 = arith.constant 32 : index
        %get3A_462 = tpu.vector_load %arg9[%get3A_460, %get3A_461] {strides = array<i32>} : memref<16x64xi32, #tpu.memory_space<vmem>>, vector<16xi32>,
        %add3A_463 = vector.broadcast %mul3A_2 : i32 to vector<16xi32>
        %add3A_464 = arith.addi %get3A_462, %add3A_463 : vector<16xi32>
        %swap3A_465 = arith.constant 32 : index
        %swap3A_466 = tpu.vector_load %arg15[%swap3A_465] {strides = array<i32>} : memref<64xi32, #tpu.memory_space<vmem>>, vector<16xi32>,
        tpu.vector_store %arg15[%swap3A_465], %add3A_464 {strides = array<i32>} : memref<64xi32, #tpu.memory_space<vmem>>, vector<16xi32>,
        %get3A_467 = arith.index_cast %rem3A_435 : i32 to index
        %get3A_468 = arith.constant 32 : index
        %get3A_469 = tpu.vector_load %arg11[%get3A_467, %get3A_468] {strides = array<i32>} : memref<16x64xf32, #tpu.memory_space<vmem>>, vector<16xf32>,
        %swap3A_470 = arith.constant 32 : index
        %swap3A_471 = tpu.vector_load %arg19[%swap3A_470] {strides = array<i32>} : memref<64xf32, #tpu.memory_space<vmem>>, vector<16xf32>,
        tpu.vector_store %arg19[%swap3A_470], %get3A_469 {strides = array<i32>} : memref<64xf32, #tpu.memory_space<vmem>>, vector<16xf32>,
        %get3A_472 = arith.index_cast %rem3A_435 : i32 to index
        %get3A_473 = arith.constant 48 : index
        %get3A_474 = tpu.vector_load %arg9[%get3A_472, %get3A_473] {strides = array<i32>} : memref<16x64xi32, #tpu.memory_space<vmem>>, vector<16xi32>,
        %add3A_475 = vector.broadcast %mul3A_2 : i32 to vector<16xi32>
        %add3A_476 = arith.addi %get3A_474, %add3A_475 : vector<16xi32>
        %swap3A_477 = arith.constant 48 : index
        %swap3A_478 = tpu.vector_load %arg15[%swap3A_477] {strides = array<i32>} : memref<64xi32, #tpu.memory_space<vmem>>, vector<16xi32>,
        tpu.vector_store %arg15[%swap3A_477], %add3A_476 {strides = array<i32>} : memref<64xi32, #tpu.memory_space<vmem>>, vector<16xi32>,
        %get3A_479 = arith.index_cast %rem3A_435 : i32 to index
        %get3A_480 = arith.constant 48 : index
        %get3A_481 = tpu.vector_load %arg11[%get3A_479, %get3A_480] {strides = array<i32>} : memref<16x64xf32, #tpu.memory_space<vmem>>, vector<16xf32>,
        %swap3A_482 = arith.constant 48 : index
        %swap3A_483 = tpu.vector_load %arg19[%swap3A_482] {strides = array<i32>} : memref<64xf32, #tpu.memory_space<vmem>>, vector<16xf32>,
        tpu.vector_store %arg19[%swap3A_482], %get3A_481 {strides = array<i32>} : memref<64xf32, #tpu.memory_space<vmem>>, vector<16xf32>,
        %ge3A_484 = arith.constant 2 : i32
        %ge3A_485 = arith.cmpi sge, %add3A_235, %ge3A_484 : i32
        %convert_element_type3A_486 = arith.extui %ge3A_485 : i1 to i32
        %cond3A_487 = arith.constant 0 : i32
        %cond3A_488 = arith.cmpi ne, %convert_element_type3A_486, %cond3A_487 : i32
        scf.if %cond3A_488 {
          %sub3A_494 = arith.constant 2 : i32
          %sub3A_495 = arith.subi %add3A_235, %sub3A_494 : i32
          %jit3A_496 = arith.constant 16 : i32
          %div3A_497 = arith.divsi %sub3A_495, %jit3A_496 : i32
          %sign3A_498 = arith.constant 0 : i32
          %sign3A_499 = arith.cmpi sgt, %sub3A_495, %sign3A_498 : i32
          %sign3A_500 = arith.extui %sign3A_499 : i1 to i32
          %sign3A_501 = arith.constant 0 : i32
          %sign3A_502 = arith.cmpi slt, %sub3A_495, %sign3A_501 : i32
          %sign3A_503 = arith.extui %sign3A_502 : i1 to i32
          %sign3A_504 = arith.subi %sign3A_500, %sign3A_503 : i32
          %sign3A_505 = arith.constant 0 : i32
          %sign3A_506 = arith.cmpi sgt, %jit3A_496, %sign3A_505 : i32
          %sign3A_507 = arith.extui %sign3A_506 : i1 to i32
          %sign3A_508 = arith.constant 0 : i32
          %sign3A_509 = arith.cmpi slt, %jit3A_496, %sign3A_508 : i32
          %sign3A_510 = arith.extui %sign3A_509 : i1 to i32
          %sign3A_511 = arith.subi %sign3A_507, %sign3A_510 : i32
          %ne3A_512 = arith.cmpi ne, %sign3A_504, %sign3A_511 : i32
          %rem3A_513 = arith.remsi %sub3A_495, %jit3A_496 : i32
          %ne3A_514 = arith.constant 0 : i32
          %ne3A_515 = arith.cmpi ne, %rem3A_513, %ne3A_514 : i32
          %and3A_516 = arith.andi %ne3A_512, %ne3A_515 : i1
          %sub3A_517 = arith.constant 1 : i32
          %sub3A_518 = arith.subi %div3A_497, %sub3A_517 : i32
          %select_n3A_519 = arith.select %and3A_516, %sub3A_518, %div3A_497 : i32
          %rem3A_520 = arith.constant 2 : i32
          %rem3A_521 = arith.remsi %select_n3A_519, %rem3A_520 : i32
          %rem3A_522 = arith.constant 16 : i32
          %rem3A_523 = arith.remsi %sub3A_495, %rem3A_522 : i32
          %dma_wait3A_524 = arith.constant 0 : i32
          %dma_wait3A_525 = tpu.memref_slice %arg10[%rem3A_521, %rem3A_523, %dma_wait3A_524] : memref<2x16x64xi32, #tpu.memory_space<vmem>> -> memref<1x1x64xi32, #tpu.memory_space<vmem>>
          %dma_wait3A_526 = tpu.memref_squeeze %dma_wait3A_525 : memref<1x1x64xi32, #tpu.memory_space<vmem>> -> memref<64xi32, #tpu.memory_space<vmem>>
          %dma_wait3A_527 = arith.constant 0 : i32
          %dma_wait3A_528 = arith.constant 0 : i32
          %dma_wait3A_529 = tpu.memref_slice %arg26[%dma_wait3A_527, %dma_wait3A_528] : memref<10240x128xf32, #tpu.memory_space<vmem_shared>> -> memref<10240x128xf32, #tpu.memory_space<vmem_shared>>
          tpu.wait_indirect_dma semaphore(%arg34 : memref<!tpu.dma_semaphore, #tpu.memory_space<semaphore_mem>>) src(%arg23 : memref<64x128xf32, #tpu.memory_space<vmem>>) dst(%dma_wait3A_529 : memref<10240x128xf32, #tpu.memory_space<vmem_shared>>)
        } else {
        }
        %add3A_489 = arith.constant 2 : i32
        %add3A_490 = arith.addi %add3A_235, %add3A_489 : i32
        %dma_start3A_491 = arith.constant 0 : i32
        %dma_start3A_492 = arith.constant 0 : i32
        %dma_start3A_493 = tpu.memref_slice %arg5[%dma_start3A_491, %dma_start3A_492] : memref<20480x128xf32, #tpu.memory_space<hbm>> -> memref<20480x128xf32, #tpu.memory_space<hbm>>
        tpu.enqueue_indirect_dma source(%dma_start3A_493 : memref<20480x128xf32, #tpu.memory_space<hbm>>) target(%arg23 : memref<64x128xf32, #tpu.memory_space<vmem>>) offsets(%arg15 : memref<64xi32, #tpu.memory_space<vmem>>) semaphore(%arg30 : memref<!tpu.dma_semaphore, #tpu.memory_space<semaphore_mem>>)
      } else {
      }
      %add3A_287 = arith.constant 2 : i32
      %add3A_288 = arith.addi %add3A_235, %add3A_287 : i32
      %gt3A_289 = arith.constant 159 : i32
      %gt3A_290 = arith.cmpi sgt, %add3A_288, %gt3A_289 : i32
      %ge3A_291 = arith.constant 2 : i32
      %ge3A_292 = arith.cmpi sge, %add3A_235, %ge3A_291 : i32
      %and3A_293 = arith.andi %gt3A_290, %ge3A_292 : i1
      %convert_element_type3A_294 = arith.extui %and3A_293 : i1 to i32
      %cond3A_295 = arith.constant 0 : i32
      %cond3A_296 = arith.cmpi ne, %convert_element_type3A_294, %cond3A_295 : i32
      scf.if %cond3A_296 {
        %sub3A_424 = arith.constant 2 : i32
        %sub3A_425 = arith.subi %add3A_235, %sub3A_424 : i32
        %jit3A_426 = arith.constant 16 : i32
        %div3A_427 = arith.divsi %sub3A_425, %jit3A_426 : i32
        %sign3A_428 = arith.constant 0 : i32
        %sign3A_429 = arith.cmpi sgt, %sub3A_425, %sign3A_428 : i32
        %sign3A_430 = arith.extui %sign3A_429 : i1 to i32
        %sign3A_431 = arith.constant 0 : i32
        %sign3A_432 = arith.cmpi slt, %sub3A_425, %sign3A_431 : i32
        %sign3A_433 = arith.extui %sign3A_432 : i1 to i32
        %sign3A_434 = arith.subi %sign3A_430, %sign3A_433 : i32
        %sign3A_435 = arith.constant 0 : i32
        %sign3A_436 = arith.cmpi sgt, %jit3A_426, %sign3A_435 : i32
        %sign3A_437 = arith.extui %sign3A_436 : i1 to i32
        %sign3A_438 = arith.constant 0 : i32
        %sign3A_439 = arith.cmpi slt, %jit3A_426, %sign3A_438 : i32
        %sign3A_440 = arith.extui %sign3A_439 : i1 to i32
        %sign3A_441 = arith.subi %sign3A_437, %sign3A_440 : i32
        %ne3A_442 = arith.cmpi ne, %sign3A_434, %sign3A_441 : i32
        %rem3A_443 = arith.remsi %sub3A_425, %jit3A_426 : i32
        %ne3A_444 = arith.constant 0 : i32
        %ne3A_445 = arith.cmpi ne, %rem3A_443, %ne3A_444 : i32
        %and3A_446 = arith.andi %ne3A_442, %ne3A_445 : i1
        %sub3A_447 = arith.constant 1 : i32
        %sub3A_448 = arith.subi %div3A_427, %sub3A_447 : i32
        %select_n3A_449 = arith.select %and3A_446, %sub3A_448, %div3A_427 : i32
        %rem3A_450 = arith.constant 2 : i32
        %rem3A_451 = arith.remsi %select_n3A_449, %rem3A_450 : i32
        %rem3A_452 = arith.constant 16 : i32
        %rem3A_453 = arith.remsi %sub3A_425, %rem3A_452 : i32
        %dma_wait3A_454 = arith.constant 0 : i32
        %dma_wait3A_455 = tpu.memref_slice %arg10[%rem3A_451, %rem3A_453, %dma_wait3A_454] : memref<2x16x64xi32, #tpu.memory_space<vmem>> -> memref<1x1x64xi32, #tpu.memory_space<vmem>>
        %dma_wait3A_456 = tpu.memref_squeeze %dma_wait3A_455 : memref<1x1x64xi32, #tpu.memory_space<vmem>> -> memref<64xi32, #tpu.memory_space<vmem>>
        %dma_wait3A_457 = arith.constant 0 : i32
        %dma_wait3A_458 = arith.constant 0 : i32
        %dma_wait3A_459 = tpu.memref_slice %arg26[%dma_wait3A_457, %dma_wait3A_458] : memref<10240x128xf32, #tpu.memory_space<vmem_shared>> -> memref<10240x128xf32, #tpu.memory_space<vmem_shared>>
        tpu.wait_indirect_dma semaphore(%arg34 : memref<!tpu.dma_semaphore, #tpu.memory_space<semaphore_mem>>) src(%arg23 : memref<64x128xf32, #tpu.memory_space<vmem>>) dst(%dma_wait3A_459 : memref<10240x128xf32, #tpu.memory_space<vmem_shared>>)
      } else {
      }
      %add3A_297 = arith.constant 2 : i32
      %add3A_298 = arith.addi %mul3A_182, %add3A_297 : i32
      %dma_wait3A_299 = arith.constant 0 : i32
      %dma_wait3A_300 = arith.constant 0 : i32
      %dma_wait3A_301 = tpu.memref_slice %arg5[%dma_wait3A_299, %dma_wait3A_300] : memref<20480x128xf32, #tpu.memory_space<hbm>> -> memref<20480x128xf32, #tpu.memory_space<hbm>>
      tpu.wait_indirect_dma semaphore(%arg29 : memref<!tpu.dma_semaphore, #tpu.memory_space<semaphore_mem>>) src(%dma_wait3A_301 : memref<20480x128xf32, #tpu.memory_space<hbm>>) dst(%arg22 : memref<64x128xf32, #tpu.memory_space<vmem>>)
      %scan3A_302 = arith.constant 0 : i32
      %scan3A_303 = arith.constant 0 : i32
      %scan3A_304 = arith.constant 32 : i32
      %scan3A_305 = arith.addi %scan3A_303, %scan3A_304 : i32
      %scan3A_306 = arith.constant 1 : i32
      %scan3A_307 = scf.for %scan3A_424 = %scan3A_303 to %scan3A_305 step %scan3A_306 iter_args(%scan3A_425 = %scan3A_302) -> (i32)  : i32 {
        %mul3A_426 = arith.constant 2 : i32
        %mul3A_427 = arith.muli %mul3A_426, %scan3A_424 : i32
        %add3A_428 = arith.constant 0 : i32
        %add3A_429 = arith.addi %mul3A_427, %add3A_428 : i32
        %broadcast_in_dim3A = vector.broadcast %add3A_429 : i32 to vector<16xi32>
        %gather3A = tpu.vector_load_idx %arg18[%broadcast_in_dim3A] : memref<64xf32, #tpu.memory_space<vmem>>[vector<16xi32>], vector<16xf32>,
        %get3A_430 = arith.index_cast %add3A_429 : i32 to index
        %get3A_431 = arith.constant 0 : index
        %get3A_432 = tpu.vector_load %arg22[%get3A_430, %get3A_431] {strides = array<i32>} : memref<64x128xf32, #tpu.memory_space<vmem>>, vector<16xf32>,
        %mul3A_433 = arith.mulf %get3A_432, %gather3A : vector<16xf32>
        %swap3A_434 = arith.index_cast %add3A_429 : i32 to index
        %swap3A_435 = arith.constant 0 : index
        %swap3A_436 = tpu.vector_load %arg22[%swap3A_434, %swap3A_435] {strides = array<i32>} : memref<64x128xf32, #tpu.memory_space<vmem>>, vector<16xf32>,
        tpu.vector_store %arg22[%swap3A_434, %swap3A_435], %mul3A_433 {strides = array<i32>} : memref<64x128xf32, #tpu.memory_space<vmem>>, vector<16xf32>,
        %get3A_437 = arith.index_cast %add3A_429 : i32 to index
        %get3A_438 = arith.constant 16 : index
        %get3A_439 = tpu.vector_load %arg22[%get3A_437, %get3A_438] {strides = array<i32>} : memref<64x128xf32, #tpu.memory_space<vmem>>, vector<16xf32>,
        %mul3A_440 = arith.mulf %get3A_439, %gather3A : vector<16xf32>
        %swap3A_441 = arith.index_cast %add3A_429 : i32 to index
        %swap3A_442 = arith.constant 16 : index
        %swap3A_443 = tpu.vector_load %arg22[%swap3A_441, %swap3A_442] {strides = array<i32>} : memref<64x128xf32, #tpu.memory_space<vmem>>, vector<16xf32>,
        tpu.vector_store %arg22[%swap3A_441, %swap3A_442], %mul3A_440 {strides = array<i32>} : memref<64x128xf32, #tpu.memory_space<vmem>>, vector<16xf32>,
        %get3A_444 = arith.index_cast %add3A_429 : i32 to index
        %get3A_445 = arith.constant 32 : index
        %get3A_446 = tpu.vector_load %arg22[%get3A_444, %get3A_445] {strides = array<i32>} : memref<64x128xf32, #tpu.memory_space<vmem>>, vector<16xf32>,
        %mul3A_447 = arith.mulf %get3A_446, %gather3A : vector<16xf32>
        %swap3A_448 = arith.index_cast %add3A_429 : i32 to index
        %swap3A_449 = arith.constant 32 : index
        %swap3A_450 = tpu.vector_load %arg22[%swap3A_448, %swap3A_449] {strides = array<i32>} : memref<64x128xf32, #tpu.memory_space<vmem>>, vector<16xf32>,
        tpu.vector_store %arg22[%swap3A_448, %swap3A_449], %mul3A_447 {strides = array<i32>} : memref<64x128xf32, #tpu.memory_space<vmem>>, vector<16xf32>,
        %get3A_451 = arith.index_cast %add3A_429 : i32 to index
        %get3A_452 = arith.constant 48 : index
        %get3A_453 = tpu.vector_load %arg22[%get3A_451, %get3A_452] {strides = array<i32>} : memref<64x128xf32, #tpu.memory_space<vmem>>, vector<16xf32>,
        %mul3A_454 = arith.mulf %get3A_453, %gather3A : vector<16xf32>
        %swap3A_455 = arith.index_cast %add3A_429 : i32 to index
        %swap3A_456 = arith.constant 48 : index
        %swap3A_457 = tpu.vector_load %arg22[%swap3A_455, %swap3A_456] {strides = array<i32>} : memref<64x128xf32, #tpu.memory_space<vmem>>, vector<16xf32>,
        tpu.vector_store %arg22[%swap3A_455, %swap3A_456], %mul3A_454 {strides = array<i32>} : memref<64x128xf32, #tpu.memory_space<vmem>>, vector<16xf32>,
        %get3A_458 = arith.index_cast %add3A_429 : i32 to index
        %get3A_459 = arith.constant 64 : index
        %get3A_460 = tpu.vector_load %arg22[%get3A_458, %get3A_459] {strides = array<i32>} : memref<64x128xf32, #tpu.memory_space<vmem>>, vector<16xf32>,
        %mul3A_461 = arith.mulf %get3A_460, %gather3A : vector<16xf32>
        %swap3A_462 = arith.index_cast %add3A_429 : i32 to index
        %swap3A_463 = arith.constant 64 : index
        %swap3A_464 = tpu.vector_load %arg22[%swap3A_462, %swap3A_463] {strides = array<i32>} : memref<64x128xf32, #tpu.memory_space<vmem>>, vector<16xf32>,
        tpu.vector_store %arg22[%swap3A_462, %swap3A_463], %mul3A_461 {strides = array<i32>} : memref<64x128xf32, #tpu.memory_space<vmem>>, vector<16xf32>,
        %get3A_465 = arith.index_cast %add3A_429 : i32 to index
        %get3A_466 = arith.constant 80 : index
        %get3A_467 = tpu.vector_load %arg22[%get3A_465, %get3A_466] {strides = array<i32>} : memref<64x128xf32, #tpu.memory_space<vmem>>, vector<16xf32>,
        %mul3A_468 = arith.mulf %get3A_467, %gather3A : vector<16xf32>
        %swap3A_469 = arith.index_cast %add3A_429 : i32 to index
        %swap3A_470 = arith.constant 80 : index
        %swap3A_471 = tpu.vector_load %arg22[%swap3A_469, %swap3A_470] {strides = array<i32>} : memref<64x128xf32, #tpu.memory_space<vmem>>, vector<16xf32>,
        tpu.vector_store %arg22[%swap3A_469, %swap3A_470], %mul3A_468 {strides = array<i32>} : memref<64x128xf32, #tpu.memory_space<vmem>>, vector<16xf32>,
        %get3A_472 = arith.index_cast %add3A_429 : i32 to index
        %get3A_473 = arith.constant 96 : index
        %get3A_474 = tpu.vector_load %arg22[%get3A_472, %get3A_473] {strides = array<i32>} : memref<64x128xf32, #tpu.memory_space<vmem>>, vector<16xf32>,
        %mul3A_475 = arith.mulf %get3A_474, %gather3A : vector<16xf32>
        %swap3A_476 = arith.index_cast %add3A_429 : i32 to index
        %swap3A_477 = arith.constant 96 : index
        %swap3A_478 = tpu.vector_load %arg22[%swap3A_476, %swap3A_477] {strides = array<i32>} : memref<64x128xf32, #tpu.memory_space<vmem>>, vector<16xf32>,
        tpu.vector_store %arg22[%swap3A_476, %swap3A_477], %mul3A_475 {strides = array<i32>} : memref<64x128xf32, #tpu.memory_space<vmem>>, vector<16xf32>,
        %get3A_479 = arith.index_cast %add3A_429 : i32 to index
        %get3A_480 = arith.constant 112 : index
        %get3A_481 = tpu.vector_load %arg22[%get3A_479, %get3A_480] {strides = array<i32>} : memref<64x128xf32, #tpu.memory_space<vmem>>, vector<16xf32>,
        %mul3A_482 = arith.mulf %get3A_481, %gather3A : vector<16xf32>
        %swap3A_483 = arith.index_cast %add3A_429 : i32 to index
        %swap3A_484 = arith.constant 112 : index
        %swap3A_485 = tpu.vector_load %arg22[%swap3A_483, %swap3A_484] {strides = array<i32>} : memref<64x128xf32, #tpu.memory_space<vmem>>, vector<16xf32>,
        tpu.vector_store %arg22[%swap3A_483, %swap3A_484], %mul3A_482 {strides = array<i32>} : memref<64x128xf32, #tpu.memory_space<vmem>>, vector<16xf32>,
        %mul3A_486 = arith.constant 2 : i32
        %mul3A_487 = arith.muli %mul3A_486, %scan3A_424 : i32
        %add3A_488 = arith.constant 1 : i32
        %add3A_489 = arith.addi %mul3A_487, %add3A_488 : i32
        %broadcast_in_dim3A_490 = vector.broadcast %add3A_489 : i32 to vector<16xi32>
        %gather3A_491 = tpu.vector_load_idx %arg18[%broadcast_in_dim3A_490] : memref<64xf32, #tpu.memory_space<vmem>>[vector<16xi32>], vector<16xf32>,
        %get3A_492 = arith.index_cast %add3A_489 : i32 to index
        %get3A_493 = arith.constant 0 : index
        %get3A_494 = tpu.vector_load %arg22[%get3A_492, %get3A_493] {strides = array<i32>} : memref<64x128xf32, #tpu.memory_space<vmem>>, vector<16xf32>,
        %mul3A_495 = arith.mulf %get3A_494, %gather3A_491 : vector<16xf32>
        %swap3A_496 = arith.index_cast %add3A_489 : i32 to index
        %swap3A_497 = arith.constant 0 : index
        %swap3A_498 = tpu.vector_load %arg22[%swap3A_496, %swap3A_497] {strides = array<i32>} : memref<64x128xf32, #tpu.memory_space<vmem>>, vector<16xf32>,
        tpu.vector_store %arg22[%swap3A_496, %swap3A_497], %mul3A_495 {strides = array<i32>} : memref<64x128xf32, #tpu.memory_space<vmem>>, vector<16xf32>,
        %get3A_499 = arith.index_cast %add3A_489 : i32 to index
        %get3A_500 = arith.constant 16 : index
        %get3A_501 = tpu.vector_load %arg22[%get3A_499, %get3A_500] {strides = array<i32>} : memref<64x128xf32, #tpu.memory_space<vmem>>, vector<16xf32>,
        %mul3A_502 = arith.mulf %get3A_501, %gather3A_491 : vector<16xf32>
        %swap3A_503 = arith.index_cast %add3A_489 : i32 to index
        %swap3A_504 = arith.constant 16 : index
        %swap3A_505 = tpu.vector_load %arg22[%swap3A_503, %swap3A_504] {strides = array<i32>} : memref<64x128xf32, #tpu.memory_space<vmem>>, vector<16xf32>,
        tpu.vector_store %arg22[%swap3A_503, %swap3A_504], %mul3A_502 {strides = array<i32>} : memref<64x128xf32, #tpu.memory_space<vmem>>, vector<16xf32>,
        %get3A_506 = arith.index_cast %add3A_489 : i32 to index
        %get3A_507 = arith.constant 32 : index
        %get3A_508 = tpu.vector_load %arg22[%get3A_506, %get3A_507] {strides = array<i32>} : memref<64x128xf32, #tpu.memory_space<vmem>>, vector<16xf32>,
        %mul3A_509 = arith.mulf %get3A_508, %gather3A_491 : vector<16xf32>
        %swap3A_510 = arith.index_cast %add3A_489 : i32 to index
        %swap3A_511 = arith.constant 32 : index
        %swap3A_512 = tpu.vector_load %arg22[%swap3A_510, %swap3A_511] {strides = array<i32>} : memref<64x128xf32, #tpu.memory_space<vmem>>, vector<16xf32>,
        tpu.vector_store %arg22[%swap3A_510, %swap3A_511], %mul3A_509 {strides = array<i32>} : memref<64x128xf32, #tpu.memory_space<vmem>>, vector<16xf32>,
        %get3A_513 = arith.index_cast %add3A_489 : i32 to index
        %get3A_514 = arith.constant 48 : index
        %get3A_515 = tpu.vector_load %arg22[%get3A_513, %get3A_514] {strides = array<i32>} : memref<64x128xf32, #tpu.memory_space<vmem>>, vector<16xf32>,
        %mul3A_516 = arith.mulf %get3A_515, %gather3A_491 : vector<16xf32>
        %swap3A_517 = arith.index_cast %add3A_489 : i32 to index
        %swap3A_518 = arith.constant 48 : index
        %swap3A_519 = tpu.vector_load %arg22[%swap3A_517, %swap3A_518] {strides = array<i32>} : memref<64x128xf32, #tpu.memory_space<vmem>>, vector<16xf32>,
        tpu.vector_store %arg22[%swap3A_517, %swap3A_518], %mul3A_516 {strides = array<i32>} : memref<64x128xf32, #tpu.memory_space<vmem>>, vector<16xf32>,
        %get3A_520 = arith.index_cast %add3A_489 : i32 to index
        %get3A_521 = arith.constant 64 : index
        %get3A_522 = tpu.vector_load %arg22[%get3A_520, %get3A_521] {strides = array<i32>} : memref<64x128xf32, #tpu.memory_space<vmem>>, vector<16xf32>,
        %mul3A_523 = arith.mulf %get3A_522, %gather3A_491 : vector<16xf32>
        %swap3A_524 = arith.index_cast %add3A_489 : i32 to index
        %swap3A_525 = arith.constant 64 : index
        %swap3A_526 = tpu.vector_load %arg22[%swap3A_524, %swap3A_525] {strides = array<i32>} : memref<64x128xf32, #tpu.memory_space<vmem>>, vector<16xf32>,
        tpu.vector_store %arg22[%swap3A_524, %swap3A_525], %mul3A_523 {strides = array<i32>} : memref<64x128xf32, #tpu.memory_space<vmem>>, vector<16xf32>,
        %get3A_527 = arith.index_cast %add3A_489 : i32 to index
        %get3A_528 = arith.constant 80 : index
        %get3A_529 = tpu.vector_load %arg22[%get3A_527, %get3A_528] {strides = array<i32>} : memref<64x128xf32, #tpu.memory_space<vmem>>, vector<16xf32>,
        %mul3A_530 = arith.mulf %get3A_529, %gather3A_491 : vector<16xf32>
        %swap3A_531 = arith.index_cast %add3A_489 : i32 to index
        %swap3A_532 = arith.constant 80 : index
        %swap3A_533 = tpu.vector_load %arg22[%swap3A_531, %swap3A_532] {strides = array<i32>} : memref<64x128xf32, #tpu.memory_space<vmem>>, vector<16xf32>,
        tpu.vector_store %arg22[%swap3A_531, %swap3A_532], %mul3A_530 {strides = array<i32>} : memref<64x128xf32, #tpu.memory_space<vmem>>, vector<16xf32>,
        %get3A_534 = arith.index_cast %add3A_489 : i32 to index
        %get3A_535 = arith.constant 96 : index
        %get3A_536 = tpu.vector_load %arg22[%get3A_534, %get3A_535] {strides = array<i32>} : memref<64x128xf32, #tpu.memory_space<vmem>>, vector<16xf32>,
        %mul3A_537 = arith.mulf %get3A_536, %gather3A_491 : vector<16xf32>
        %swap3A_538 = arith.index_cast %add3A_489 : i32 to index
        %swap3A_539 = arith.constant 96 : index
        %swap3A_540 = tpu.vector_load %arg22[%swap3A_538, %swap3A_539] {strides = array<i32>} : memref<64x128xf32, #tpu.memory_space<vmem>>, vector<16xf32>,
        tpu.vector_store %arg22[%swap3A_538, %swap3A_539], %mul3A_537 {strides = array<i32>} : memref<64x128xf32, #tpu.memory_space<vmem>>, vector<16xf32>,
        %get3A_541 = arith.index_cast %add3A_489 : i32 to index
        %get3A_542 = arith.constant 112 : index
        %get3A_543 = tpu.vector_load %arg22[%get3A_541, %get3A_542] {strides = array<i32>} : memref<64x128xf32, #tpu.memory_space<vmem>>, vector<16xf32>,
        %mul3A_544 = arith.mulf %get3A_543, %gather3A_491 : vector<16xf32>
        %swap3A_545 = arith.index_cast %add3A_489 : i32 to index
        %swap3A_546 = arith.constant 112 : index
        %swap3A_547 = tpu.vector_load %arg22[%swap3A_545, %swap3A_546] {strides = array<i32>} : memref<64x128xf32, #tpu.memory_space<vmem>>, vector<16xf32>,
        tpu.vector_store %arg22[%swap3A_545, %swap3A_546], %mul3A_544 {strides = array<i32>} : memref<64x128xf32, #tpu.memory_space<vmem>>, vector<16xf32>,
        %scan3A_548 = arith.constant 0 : i32
        scf.yield %scan3A_548 : i32
      }
      %scan3A_308 = arith.constant 32 : i32
      %jit3A_309 = arith.constant 16 : i32
      %div3A_310 = arith.divsi %add3A_298, %jit3A_309 : i32
      %sign3A_311 = arith.constant 0 : i32
      %sign3A_312 = arith.cmpi sgt, %add3A_298, %sign3A_311 : i32
      %sign3A_313 = arith.extui %sign3A_312 : i1 to i32
      %sign3A_314 = arith.constant 0 : i32
      %sign3A_315 = arith.cmpi slt, %add3A_298, %sign3A_314 : i32
      %sign3A_316 = arith.extui %sign3A_315 : i1 to i32
      %sign3A_317 = arith.subi %sign3A_313, %sign3A_316 : i32
      %sign3A_318 = arith.constant 0 : i32
      %sign3A_319 = arith.cmpi sgt, %jit3A_309, %sign3A_318 : i32
      %sign3A_320 = arith.extui %sign3A_319 : i1 to i32
      %sign3A_321 = arith.constant 0 : i32
      %sign3A_322 = arith.cmpi slt, %jit3A_309, %sign3A_321 : i32
      %sign3A_323 = arith.extui %sign3A_322 : i1 to i32
      %sign3A_324 = arith.subi %sign3A_320, %sign3A_323 : i32
      %ne3A_325 = arith.cmpi ne, %sign3A_317, %sign3A_324 : i32
      %rem3A_326 = arith.remsi %add3A_298, %jit3A_309 : i32
      %ne3A_327 = arith.constant 0 : i32
      %ne3A_328 = arith.cmpi ne, %rem3A_326, %ne3A_327 : i32
      %and3A_329 = arith.andi %ne3A_325, %ne3A_328 : i1
      %sub3A_330 = arith.constant 1 : i32
      %sub3A_331 = arith.subi %div3A_310, %sub3A_330 : i32
      %select_n3A_332 = arith.select %and3A_329, %sub3A_331, %div3A_310 : i32
      %rem3A_333 = arith.constant 2 : i32
      %rem3A_334 = arith.remsi %select_n3A_332, %rem3A_333 : i32
      %rem3A_335 = arith.constant 16 : i32
      %rem3A_336 = arith.remsi %add3A_298, %rem3A_335 : i32
      %dma_start3A_337 = arith.constant 0 : i32
      %dma_start3A_338 = tpu.memref_slice %arg10[%rem3A_334, %rem3A_336, %dma_start3A_337] : memref<2x16x64xi32, #tpu.memory_space<vmem>> -> memref<1x1x64xi32, #tpu.memory_space<vmem>>
      %dma_start3A_339 = tpu.memref_squeeze %dma_start3A_338 : memref<1x1x64xi32, #tpu.memory_space<vmem>> -> memref<64xi32, #tpu.memory_space<vmem>>
      %dma_start3A_340 = arith.constant 0 : i32
      %dma_start3A_341 = arith.constant 0 : i32
      %dma_start3A_342 = tpu.memref_slice %arg26[%dma_start3A_340, %dma_start3A_341] : memref<10240x128xf32, #tpu.memory_space<vmem_shared>> -> memref<10240x128xf32, #tpu.memory_space<vmem_shared>>
      tpu.enqueue_indirect_dma source(%arg22 : memref<64x128xf32, #tpu.memory_space<vmem>>) target(%dma_start3A_342 : memref<10240x128xf32, #tpu.memory_space<vmem_shared>>) offsets(%dma_start3A_339 : memref<64xi32, #tpu.memory_space<vmem>>) semaphore(%arg33 : memref<!tpu.dma_semaphore, #tpu.memory_space<semaphore_mem>>) {add = true}
      %add3A_343 = arith.constant 2 : i32
      %add3A_344 = arith.addi %add3A_298, %add3A_343 : i32
      %le3A_345 = arith.constant 159 : i32
      %le3A_346 = arith.cmpi sle, %add3A_344, %le3A_345 : i32
      %convert_element_type3A_347 = arith.extui %le3A_346 : i1 to i32
      %cond3A_348 = arith.constant 0 : i32
      %cond3A_349 = arith.cmpi ne, %convert_element_type3A_347, %cond3A_348 : i32
      scf.if %cond3A_349 {
        %add3A_424 = arith.constant 2 : i32
        %add3A_425 = arith.addi %add3A_298, %add3A_424 : i32
        %rem3A_426 = arith.constant 16 : i32
        %rem3A_427 = arith.remsi %add3A_425, %rem3A_426 : i32
        %eq3A = arith.constant 0 : i32
        %eq3A_428 = arith.cmpi eq, %rem3A_427, %eq3A : i32
        %convert_element_type3A_429 = arith.extui %eq3A_428 : i1 to i32
        %cond3A_430 = arith.constant 0 : i32
        %cond3A_431 = arith.cmpi ne, %convert_element_type3A_429, %cond3A_430 : i32
        scf.if %cond3A_431 {
          %add3A_494 = arith.constant 2 : i32
          %add3A_495 = arith.addi %add3A_298, %add3A_494 : i32
          %jit3A_496 = arith.constant 16 : i32
          %div3A_497 = arith.divsi %add3A_495, %jit3A_496 : i32
          %sign3A_498 = arith.constant 0 : i32
          %sign3A_499 = arith.cmpi sgt, %add3A_495, %sign3A_498 : i32
          %sign3A_500 = arith.extui %sign3A_499 : i1 to i32
          %sign3A_501 = arith.constant 0 : i32
          %sign3A_502 = arith.cmpi slt, %add3A_495, %sign3A_501 : i32
          %sign3A_503 = arith.extui %sign3A_502 : i1 to i32
          %sign3A_504 = arith.subi %sign3A_500, %sign3A_503 : i32
          %sign3A_505 = arith.constant 0 : i32
          %sign3A_506 = arith.cmpi sgt, %jit3A_496, %sign3A_505 : i32
          %sign3A_507 = arith.extui %sign3A_506 : i1 to i32
          %sign3A_508 = arith.constant 0 : i32
          %sign3A_509 = arith.cmpi slt, %jit3A_496, %sign3A_508 : i32
          %sign3A_510 = arith.extui %sign3A_509 : i1 to i32
          %sign3A_511 = arith.subi %sign3A_507, %sign3A_510 : i32
          %ne3A_512 = arith.cmpi ne, %sign3A_504, %sign3A_511 : i32
          %rem3A_513 = arith.remsi %add3A_495, %jit3A_496 : i32
          %ne3A_514 = arith.constant 0 : i32
          %ne3A_515 = arith.cmpi ne, %rem3A_513, %ne3A_514 : i32
          %and3A_516 = arith.andi %ne3A_512, %ne3A_515 : i1
          %sub3A_517 = arith.constant 1 : i32
          %sub3A_518 = arith.subi %div3A_497, %sub3A_517 : i32
          %select_n3A_519 = arith.select %and3A_516, %sub3A_518, %div3A_497 : i32
          %rem3A_520 = arith.constant 2 : i32
          %rem3A_521 = arith.remsi %select_n3A_519, %rem3A_520 : i32
          %mul3A_522 = arith.constant 16 : i32
          %mul3A_523 = arith.muli %select_n3A_519, %mul3A_522 : i32
          %add3A_524 = arith.addi %mul3A_4, %mul3A_523 : i32
          "tpu.region"() ({
            %run_scoped3A = tpu.sem_alloc : memref<!tpu.dma_semaphore, #tpu.memory_space<semaphore_mem>>
            %dma_start3A_525 = arith.constant 0 : i32
            %dma_start3A_526 = tpu.memref_slice %arg2[%add3A_524, %dma_start3A_525] : memref<2560x64xi32, #tpu.memory_space<hbm>> -> memref<16x64xi32, #tpu.memory_space<hbm>>
            %dma_start3A_527 = arith.constant 0 : i32
            %dma_start3A_528 = tpu.memref_slice %arg2[%add3A_524, %dma_start3A_527] : memref<2560x64xi32, #tpu.memory_space<hbm>> -> memref<16x64xi32, #tpu.memory_space<hbm>>
            tpu.enqueue_dma source(%dma_start3A_528 : memref<16x64xi32, #tpu.memory_space<hbm>>) target(%arg9 : memref<16x64xi32, #tpu.memory_space<vmem>>) target_semaphore(%run_scoped3A : memref<!tpu.dma_semaphore, #tpu.memory_space<semaphore_mem>>)
            %dma_wait3A_529 = arith.constant 0 : i32
            %dma_wait3A_530 = tpu.memref_slice %arg2[%add3A_524, %dma_wait3A_529] : memref<2560x64xi32, #tpu.memory_space<hbm>> -> memref<16x64xi32, #tpu.memory_space<hbm>>
            %dma_wait3A_531 = arith.constant 0 : i32
            %dma_wait3A_532 = tpu.memref_slice %arg2[%add3A_524, %dma_wait3A_531] : memref<2560x64xi32, #tpu.memory_space<hbm>> -> memref<16x64xi32, #tpu.memory_space<hbm>>
            tpu.wait_dma2 semaphore(%run_scoped3A : memref<!tpu.dma_semaphore, #tpu.memory_space<semaphore_mem>>) src(%dma_wait3A_532 : memref<16x64xi32, #tpu.memory_space<hbm>>) dst(%arg9 : memref<16x64xi32, #tpu.memory_space<vmem>>)
            tpu.yield
          }) : () -> ()
          "tpu.region"() ({
            %run_scoped3A = tpu.sem_alloc : memref<!tpu.dma_semaphore, #tpu.memory_space<semaphore_mem>>
            %dma_start3A_525 = arith.constant 0 : i32
            %dma_start3A_526 = tpu.memref_slice %arg4[%add3A_524, %dma_start3A_525] : memref<2560x64xf32, #tpu.memory_space<hbm>> -> memref<16x64xf32, #tpu.memory_space<hbm>>
            %dma_start3A_527 = arith.constant 0 : i32
            %dma_start3A_528 = tpu.memref_slice %arg4[%add3A_524, %dma_start3A_527] : memref<2560x64xf32, #tpu.memory_space<hbm>> -> memref<16x64xf32, #tpu.memory_space<hbm>>
            tpu.enqueue_dma source(%dma_start3A_528 : memref<16x64xf32, #tpu.memory_space<hbm>>) target(%arg11 : memref<16x64xf32, #tpu.memory_space<vmem>>) target_semaphore(%run_scoped3A : memref<!tpu.dma_semaphore, #tpu.memory_space<semaphore_mem>>)
            %dma_wait3A_529 = arith.constant 0 : i32
            %dma_wait3A_530 = tpu.memref_slice %arg4[%add3A_524, %dma_wait3A_529] : memref<2560x64xf32, #tpu.memory_space<hbm>> -> memref<16x64xf32, #tpu.memory_space<hbm>>
            %dma_wait3A_531 = arith.constant 0 : i32
            %dma_wait3A_532 = tpu.memref_slice %arg4[%add3A_524, %dma_wait3A_531] : memref<2560x64xf32, #tpu.memory_space<hbm>> -> memref<16x64xf32, #tpu.memory_space<hbm>>
            tpu.wait_dma2 semaphore(%run_scoped3A : memref<!tpu.dma_semaphore, #tpu.memory_space<semaphore_mem>>) src(%dma_wait3A_532 : memref<16x64xf32, #tpu.memory_space<hbm>>) dst(%arg11 : memref<16x64xf32, #tpu.memory_space<vmem>>)
            tpu.yield
          }) : () -> ()
          "tpu.region"() ({
            %run_scoped3A = tpu.sem_alloc : memref<!tpu.dma_semaphore, #tpu.memory_space<semaphore_mem>>
            %dma_start3A_525 = arith.constant 0 : i32
            %dma_start3A_526 = arith.constant 0 : i32
            %dma_start3A_527 = tpu.memref_slice %arg10[%rem3A_521, %dma_start3A_525, %dma_start3A_526] : memref<2x16x64xi32, #tpu.memory_space<vmem>> -> memref<1x16x64xi32, #tpu.memory_space<vmem>>
            %dma_start3A_528 = tpu.memref_squeeze %dma_start3A_527 : memref<1x16x64xi32, #tpu.memory_space<vmem>> -> memref<16x64xi32, #tpu.memory_space<vmem>>
            %dma_start3A_529 = arith.constant 0 : i32
            %dma_start3A_530 = tpu.memref_slice %arg3[%add3A_524, %dma_start3A_529] : memref<2560x64xi32, #tpu.memory_space<hbm>> -> memref<16x64xi32, #tpu.memory_space<hbm>>
            %dma_start3A_531 = arith.constant 0 : i32
            %dma_start3A_532 = arith.constant 0 : i32
            %dma_start3A_533 = tpu.memref_slice %arg10[%rem3A_521, %dma_start3A_531, %dma_start3A_532] : memref<2x16x64xi32, #tpu.memory_space<vmem>> -> memref<1x16x64xi32, #tpu.memory_space<vmem>>
            %dma_start3A_534 = tpu.memref_squeeze %dma_start3A_533 : memref<1x16x64xi32, #tpu.memory_space<vmem>> -> memref<16x64xi32, #tpu.memory_space<vmem>>
            %dma_start3A_535 = arith.constant 0 : i32
            %dma_start3A_536 = tpu.memref_slice %arg3[%add3A_524, %dma_start3A_535] : memref<2560x64xi32, #tpu.memory_space<hbm>> -> memref<16x64xi32, #tpu.memory_space<hbm>>
            tpu.enqueue_dma source(%dma_start3A_536 : memref<16x64xi32, #tpu.memory_space<hbm>>) target(%dma_start3A_534 : memref<16x64xi32, #tpu.memory_space<vmem>>) target_semaphore(%run_scoped3A : memref<!tpu.dma_semaphore, #tpu.memory_space<semaphore_mem>>)
            %dma_wait3A_537 = arith.constant 0 : i32
            %dma_wait3A_538 = arith.constant 0 : i32
            %dma_wait3A_539 = tpu.memref_slice %arg10[%rem3A_521, %dma_wait3A_537, %dma_wait3A_538] : memref<2x16x64xi32, #tpu.memory_space<vmem>> -> memref<1x16x64xi32, #tpu.memory_space<vmem>>
            %dma_wait3A_540 = tpu.memref_squeeze %dma_wait3A_539 : memref<1x16x64xi32, #tpu.memory_space<vmem>> -> memref<16x64xi32, #tpu.memory_space<vmem>>
            %dma_wait3A_541 = arith.constant 0 : i32
            %dma_wait3A_542 = tpu.memref_slice %arg3[%add3A_524, %dma_wait3A_541] : memref<2560x64xi32, #tpu.memory_space<hbm>> -> memref<16x64xi32, #tpu.memory_space<hbm>>
            %dma_wait3A_543 = arith.constant 0 : i32
            %dma_wait3A_544 = arith.constant 0 : i32
            %dma_wait3A_545 = tpu.memref_slice %arg10[%rem3A_521, %dma_wait3A_543, %dma_wait3A_544] : memref<2x16x64xi32, #tpu.memory_space<vmem>> -> memref<1x16x64xi32, #tpu.memory_space<vmem>>
            %dma_wait3A_546 = tpu.memref_squeeze %dma_wait3A_545 : memref<1x16x64xi32, #tpu.memory_space<vmem>> -> memref<16x64xi32, #tpu.memory_space<vmem>>
            %dma_wait3A_547 = arith.constant 0 : i32
            %dma_wait3A_548 = tpu.memref_slice %arg3[%add3A_524, %dma_wait3A_547] : memref<2560x64xi32, #tpu.memory_space<hbm>> -> memref<16x64xi32, #tpu.memory_space<hbm>>
            tpu.wait_dma2 semaphore(%run_scoped3A : memref<!tpu.dma_semaphore, #tpu.memory_space<semaphore_mem>>) src(%dma_wait3A_548 : memref<16x64xi32, #tpu.memory_space<hbm>>) dst(%dma_wait3A_546 : memref<16x64xi32, #tpu.memory_space<vmem>>)
            tpu.yield
          }) : () -> ()
        } else {
        }
        %add3A_432 = arith.constant 2 : i32
        %add3A_433 = arith.addi %add3A_298, %add3A_432 : i32
        %rem3A_434 = arith.constant 16 : i32
        %rem3A_435 = arith.remsi %add3A_433, %rem3A_434 : i32
        %get3A_436 = arith.index_cast %rem3A_435 : i32 to index
        %get3A_437 = arith.constant 0 : index
        %get3A_438 = tpu.vector_load %arg9[%get3A_436, %get3A_437] {strides = array<i32>} : memref<16x64xi32, #tpu.memory_space<vmem>>, vector<16xi32>,
        %add3A_439 = vector.broadcast %mul3A_2 : i32 to vector<16xi32>
        %add3A_440 = arith.addi %get3A_438, %add3A_439 : vector<16xi32>
        %swap3A_441 = arith.constant 0 : index
        %swap3A_442 = tpu.vector_load %arg12[%swap3A_441] {strides = array<i32>} : memref<64xi32, #tpu.memory_space<vmem>>, vector<16xi32>,
        tpu.vector_store %arg12[%swap3A_441], %add3A_440 {strides = array<i32>} : memref<64xi32, #tpu.memory_space<vmem>>, vector<16xi32>,
        %get3A_443 = arith.index_cast %rem3A_435 : i32 to index
        %get3A_444 = arith.constant 0 : index
        %get3A_445 = tpu.vector_load %arg11[%get3A_443, %get3A_444] {strides = array<i32>} : memref<16x64xf32, #tpu.memory_space<vmem>>, vector<16xf32>,
        %swap3A_446 = arith.constant 0 : index
        %swap3A_447 = tpu.vector_load %arg16[%swap3A_446] {strides = array<i32>} : memref<64xf32, #tpu.memory_space<vmem>>, vector<16xf32>,
        tpu.vector_store %arg16[%swap3A_446], %get3A_445 {strides = array<i32>} : memref<64xf32, #tpu.memory_space<vmem>>, vector<16xf32>,
        %get3A_448 = arith.index_cast %rem3A_435 : i32 to index
        %get3A_449 = arith.constant 16 : index
        %get3A_450 = tpu.vector_load %arg9[%get3A_448, %get3A_449] {strides = array<i32>} : memref<16x64xi32, #tpu.memory_space<vmem>>, vector<16xi32>,
        %add3A_451 = vector.broadcast %mul3A_2 : i32 to vector<16xi32>
        %add3A_452 = arith.addi %get3A_450, %add3A_451 : vector<16xi32>
        %swap3A_453 = arith.constant 16 : index
        %swap3A_454 = tpu.vector_load %arg12[%swap3A_453] {strides = array<i32>} : memref<64xi32, #tpu.memory_space<vmem>>, vector<16xi32>,
        tpu.vector_store %arg12[%swap3A_453], %add3A_452 {strides = array<i32>} : memref<64xi32, #tpu.memory_space<vmem>>, vector<16xi32>,
        %get3A_455 = arith.index_cast %rem3A_435 : i32 to index
        %get3A_456 = arith.constant 16 : index
        %get3A_457 = tpu.vector_load %arg11[%get3A_455, %get3A_456] {strides = array<i32>} : memref<16x64xf32, #tpu.memory_space<vmem>>, vector<16xf32>,
        %swap3A_458 = arith.constant 16 : index
        %swap3A_459 = tpu.vector_load %arg16[%swap3A_458] {strides = array<i32>} : memref<64xf32, #tpu.memory_space<vmem>>, vector<16xf32>,
        tpu.vector_store %arg16[%swap3A_458], %get3A_457 {strides = array<i32>} : memref<64xf32, #tpu.memory_space<vmem>>, vector<16xf32>,
        %get3A_460 = arith.index_cast %rem3A_435 : i32 to index
        %get3A_461 = arith.constant 32 : index
        %get3A_462 = tpu.vector_load %arg9[%get3A_460, %get3A_461] {strides = array<i32>} : memref<16x64xi32, #tpu.memory_space<vmem>>, vector<16xi32>,
        %add3A_463 = vector.broadcast %mul3A_2 : i32 to vector<16xi32>
        %add3A_464 = arith.addi %get3A_462, %add3A_463 : vector<16xi32>
        %swap3A_465 = arith.constant 32 : index
        %swap3A_466 = tpu.vector_load %arg12[%swap3A_465] {strides = array<i32>} : memref<64xi32, #tpu.memory_space<vmem>>, vector<16xi32>,
        tpu.vector_store %arg12[%swap3A_465], %add3A_464 {strides = array<i32>} : memref<64xi32, #tpu.memory_space<vmem>>, vector<16xi32>,
        %get3A_467 = arith.index_cast %rem3A_435 : i32 to index
        %get3A_468 = arith.constant 32 : index
        %get3A_469 = tpu.vector_load %arg11[%get3A_467, %get3A_468] {strides = array<i32>} : memref<16x64xf32, #tpu.memory_space<vmem>>, vector<16xf32>,
        %swap3A_470 = arith.constant 32 : index
        %swap3A_471 = tpu.vector_load %arg16[%swap3A_470] {strides = array<i32>} : memref<64xf32, #tpu.memory_space<vmem>>, vector<16xf32>,
        tpu.vector_store %arg16[%swap3A_470], %get3A_469 {strides = array<i32>} : memref<64xf32, #tpu.memory_space<vmem>>, vector<16xf32>,
        %get3A_472 = arith.index_cast %rem3A_435 : i32 to index
        %get3A_473 = arith.constant 48 : index
        %get3A_474 = tpu.vector_load %arg9[%get3A_472, %get3A_473] {strides = array<i32>} : memref<16x64xi32, #tpu.memory_space<vmem>>, vector<16xi32>,
        %add3A_475 = vector.broadcast %mul3A_2 : i32 to vector<16xi32>
        %add3A_476 = arith.addi %get3A_474, %add3A_475 : vector<16xi32>
        %swap3A_477 = arith.constant 48 : index
        %swap3A_478 = tpu.vector_load %arg12[%swap3A_477] {strides = array<i32>} : memref<64xi32, #tpu.memory_space<vmem>>, vector<16xi32>,
        tpu.vector_store %arg12[%swap3A_477], %add3A_476 {strides = array<i32>} : memref<64xi32, #tpu.memory_space<vmem>>, vector<16xi32>,
        %get3A_479 = arith.index_cast %rem3A_435 : i32 to index
        %get3A_480 = arith.constant 48 : index
        %get3A_481 = tpu.vector_load %arg11[%get3A_479, %get3A_480] {strides = array<i32>} : memref<16x64xf32, #tpu.memory_space<vmem>>, vector<16xf32>,
        %swap3A_482 = arith.constant 48 : index
        %swap3A_483 = tpu.vector_load %arg16[%swap3A_482] {strides = array<i32>} : memref<64xf32, #tpu.memory_space<vmem>>, vector<16xf32>,
        tpu.vector_store %arg16[%swap3A_482], %get3A_481 {strides = array<i32>} : memref<64xf32, #tpu.memory_space<vmem>>, vector<16xf32>,
        %ge3A_484 = arith.constant 2 : i32
        %ge3A_485 = arith.cmpi sge, %add3A_298, %ge3A_484 : i32
        %convert_element_type3A_486 = arith.extui %ge3A_485 : i1 to i32
        %cond3A_487 = arith.constant 0 : i32
        %cond3A_488 = arith.cmpi ne, %convert_element_type3A_486, %cond3A_487 : i32
        scf.if %cond3A_488 {
          %sub3A_494 = arith.constant 2 : i32
          %sub3A_495 = arith.subi %add3A_298, %sub3A_494 : i32
          %jit3A_496 = arith.constant 16 : i32
          %div3A_497 = arith.divsi %sub3A_495, %jit3A_496 : i32
          %sign3A_498 = arith.constant 0 : i32
          %sign3A_499 = arith.cmpi sgt, %sub3A_495, %sign3A_498 : i32
          %sign3A_500 = arith.extui %sign3A_499 : i1 to i32
          %sign3A_501 = arith.constant 0 : i32
          %sign3A_502 = arith.cmpi slt, %sub3A_495, %sign3A_501 : i32
          %sign3A_503 = arith.extui %sign3A_502 : i1 to i32
          %sign3A_504 = arith.subi %sign3A_500, %sign3A_503 : i32
          %sign3A_505 = arith.constant 0 : i32
          %sign3A_506 = arith.cmpi sgt, %jit3A_496, %sign3A_505 : i32
          %sign3A_507 = arith.extui %sign3A_506 : i1 to i32
          %sign3A_508 = arith.constant 0 : i32
          %sign3A_509 = arith.cmpi slt, %jit3A_496, %sign3A_508 : i32
          %sign3A_510 = arith.extui %sign3A_509 : i1 to i32
          %sign3A_511 = arith.subi %sign3A_507, %sign3A_510 : i32
          %ne3A_512 = arith.cmpi ne, %sign3A_504, %sign3A_511 : i32
          %rem3A_513 = arith.remsi %sub3A_495, %jit3A_496 : i32
          %ne3A_514 = arith.constant 0 : i32
          %ne3A_515 = arith.cmpi ne, %rem3A_513, %ne3A_514 : i32
          %and3A_516 = arith.andi %ne3A_512, %ne3A_515 : i1
          %sub3A_517 = arith.constant 1 : i32
          %sub3A_518 = arith.subi %div3A_497, %sub3A_517 : i32
          %select_n3A_519 = arith.select %and3A_516, %sub3A_518, %div3A_497 : i32
          %rem3A_520 = arith.constant 2 : i32
          %rem3A_521 = arith.remsi %select_n3A_519, %rem3A_520 : i32
          %rem3A_522 = arith.constant 16 : i32
          %rem3A_523 = arith.remsi %sub3A_495, %rem3A_522 : i32
          %dma_wait3A_524 = arith.constant 0 : i32
          %dma_wait3A_525 = tpu.memref_slice %arg10[%rem3A_521, %rem3A_523, %dma_wait3A_524] : memref<2x16x64xi32, #tpu.memory_space<vmem>> -> memref<1x1x64xi32, #tpu.memory_space<vmem>>
          %dma_wait3A_526 = tpu.memref_squeeze %dma_wait3A_525 : memref<1x1x64xi32, #tpu.memory_space<vmem>> -> memref<64xi32, #tpu.memory_space<vmem>>
          %dma_wait3A_527 = arith.constant 0 : i32
          %dma_wait3A_528 = arith.constant 0 : i32
          %dma_wait3A_529 = tpu.memref_slice %arg26[%dma_wait3A_527, %dma_wait3A_528] : memref<10240x128xf32, #tpu.memory_space<vmem_shared>> -> memref<10240x128xf32, #tpu.memory_space<vmem_shared>>
          tpu.wait_indirect_dma semaphore(%arg31 : memref<!tpu.dma_semaphore, #tpu.memory_space<semaphore_mem>>) src(%arg20 : memref<64x128xf32, #tpu.memory_space<vmem>>) dst(%dma_wait3A_529 : memref<10240x128xf32, #tpu.memory_space<vmem_shared>>)
        } else {
        }
        %add3A_489 = arith.constant 2 : i32
        %add3A_490 = arith.addi %add3A_298, %add3A_489 : i32
        %dma_start3A_491 = arith.constant 0 : i32
        %dma_start3A_492 = arith.constant 0 : i32
        %dma_start3A_493 = tpu.memref_slice %arg5[%dma_start3A_491, %dma_start3A_492] : memref<20480x128xf32, #tpu.memory_space<hbm>> -> memref<20480x128xf32, #tpu.memory_space<hbm>>
        tpu.enqueue_indirect_dma source(%dma_start3A_493 : memref<20480x128xf32, #tpu.memory_space<hbm>>) target(%arg20 : memref<64x128xf32, #tpu.memory_space<vmem>>) offsets(%arg12 : memref<64xi32, #tpu.memory_space<vmem>>) semaphore(%arg27 : memref<!tpu.dma_semaphore, #tpu.memory_space<semaphore_mem>>)
      } else {
      }
      %add3A_350 = arith.constant 2 : i32
      %add3A_351 = arith.addi %add3A_298, %add3A_350 : i32
      %gt3A_352 = arith.constant 159 : i32
      %gt3A_353 = arith.cmpi sgt, %add3A_351, %gt3A_352 : i32
      %ge3A_354 = arith.constant 2 : i32
      %ge3A_355 = arith.cmpi sge, %add3A_298, %ge3A_354 : i32
      %and3A_356 = arith.andi %gt3A_353, %ge3A_355 : i1
      %convert_element_type3A_357 = arith.extui %and3A_356 : i1 to i32
      %cond3A_358 = arith.constant 0 : i32
      %cond3A_359 = arith.cmpi ne, %convert_element_type3A_357, %cond3A_358 : i32
      scf.if %cond3A_359 {
        %sub3A_424 = arith.constant 2 : i32
        %sub3A_425 = arith.subi %add3A_298, %sub3A_424 : i32
        %jit3A_426 = arith.constant 16 : i32
        %div3A_427 = arith.divsi %sub3A_425, %jit3A_426 : i32
        %sign3A_428 = arith.constant 0 : i32
        %sign3A_429 = arith.cmpi sgt, %sub3A_425, %sign3A_428 : i32
        %sign3A_430 = arith.extui %sign3A_429 : i1 to i32
        %sign3A_431 = arith.constant 0 : i32
        %sign3A_432 = arith.cmpi slt, %sub3A_425, %sign3A_431 : i32
        %sign3A_433 = arith.extui %sign3A_432 : i1 to i32
        %sign3A_434 = arith.subi %sign3A_430, %sign3A_433 : i32
        %sign3A_435 = arith.constant 0 : i32
        %sign3A_436 = arith.cmpi sgt, %jit3A_426, %sign3A_435 : i32
        %sign3A_437 = arith.extui %sign3A_436 : i1 to i32
        %sign3A_438 = arith.constant 0 : i32
        %sign3A_439 = arith.cmpi slt, %jit3A_426, %sign3A_438 : i32
        %sign3A_440 = arith.extui %sign3A_439 : i1 to i32
        %sign3A_441 = arith.subi %sign3A_437, %sign3A_440 : i32
        %ne3A_442 = arith.cmpi ne, %sign3A_434, %sign3A_441 : i32
        %rem3A_443 = arith.remsi %sub3A_425, %jit3A_426 : i32
        %ne3A_444 = arith.constant 0 : i32
        %ne3A_445 = arith.cmpi ne, %rem3A_443, %ne3A_444 : i32
        %and3A_446 = arith.andi %ne3A_442, %ne3A_445 : i1
        %sub3A_447 = arith.constant 1 : i32
        %sub3A_448 = arith.subi %div3A_427, %sub3A_447 : i32
        %select_n3A_449 = arith.select %and3A_446, %sub3A_448, %div3A_427 : i32
        %rem3A_450 = arith.constant 2 : i32
        %rem3A_451 = arith.remsi %select_n3A_449, %rem3A_450 : i32
        %rem3A_452 = arith.constant 16 : i32
        %rem3A_453 = arith.remsi %sub3A_425, %rem3A_452 : i32
        %dma_wait3A_454 = arith.constant 0 : i32
        %dma_wait3A_455 = tpu.memref_slice %arg10[%rem3A_451, %rem3A_453, %dma_wait3A_454] : memref<2x16x64xi32, #tpu.memory_space<vmem>> -> memref<1x1x64xi32, #tpu.memory_space<vmem>>
        %dma_wait3A_456 = tpu.memref_squeeze %dma_wait3A_455 : memref<1x1x64xi32, #tpu.memory_space<vmem>> -> memref<64xi32, #tpu.memory_space<vmem>>
        %dma_wait3A_457 = arith.constant 0 : i32
        %dma_wait3A_458 = arith.constant 0 : i32
        %dma_wait3A_459 = tpu.memref_slice %arg26[%dma_wait3A_457, %dma_wait3A_458] : memref<10240x128xf32, #tpu.memory_space<vmem_shared>> -> memref<10240x128xf32, #tpu.memory_space<vmem_shared>>
        tpu.wait_indirect_dma semaphore(%arg31 : memref<!tpu.dma_semaphore, #tpu.memory_space<semaphore_mem>>) src(%arg20 : memref<64x128xf32, #tpu.memory_space<vmem>>) dst(%dma_wait3A_459 : memref<10240x128xf32, #tpu.memory_space<vmem_shared>>)
      } else {
      }
      %add3A_360 = arith.constant 3 : i32
      %add3A_361 = arith.addi %mul3A_182, %add3A_360 : i32
      %dma_wait3A_362 = arith.constant 0 : i32
      %dma_wait3A_363 = arith.constant 0 : i32
      %dma_wait3A_364 = tpu.memref_slice %arg5[%dma_wait3A_362, %dma_wait3A_363] : memref<20480x128xf32, #tpu.memory_space<hbm>> -> memref<20480x128xf32, #tpu.memory_space<hbm>>
      tpu.wait_indirect_dma semaphore(%arg30 : memref<!tpu.dma_semaphore, #tpu.memory_space<semaphore_mem>>) src(%dma_wait3A_364 : memref<20480x128xf32, #tpu.memory_space<hbm>>) dst(%arg23 : memref<64x128xf32, #tpu.memory_space<vmem>>)
      %scan3A_365 = arith.constant 0 : i32
      %scan3A_366 = arith.constant 0 : i32
      %scan3A_367 = arith.constant 32 : i32
      %scan3A_368 = arith.addi %scan3A_366, %scan3A_367 : i32
      %scan3A_369 = arith.constant 1 : i32
      %scan3A_370 = scf.for %scan3A_424 = %scan3A_366 to %scan3A_368 step %scan3A_369 iter_args(%scan3A_425 = %scan3A_365) -> (i32)  : i32 {
        %mul3A_426 = arith.constant 2 : i32
        %mul3A_427 = arith.muli %mul3A_426, %scan3A_424 : i32
        %add3A_428 = arith.constant 0 : i32
        %add3A_429 = arith.addi %mul3A_427, %add3A_428 : i32
        %broadcast_in_dim3A = vector.broadcast %add3A_429 : i32 to vector<16xi32>
        %gather3A = tpu.vector_load_idx %arg19[%broadcast_in_dim3A] : memref<64xf32, #tpu.memory_space<vmem>>[vector<16xi32>], vector<16xf32>,
        %get3A_430 = arith.index_cast %add3A_429 : i32 to index
        %get3A_431 = arith.constant 0 : index
        %get3A_432 = tpu.vector_load %arg23[%get3A_430, %get3A_431] {strides = array<i32>} : memref<64x128xf32, #tpu.memory_space<vmem>>, vector<16xf32>,
        %mul3A_433 = arith.mulf %get3A_432, %gather3A : vector<16xf32>
        %swap3A_434 = arith.index_cast %add3A_429 : i32 to index
        %swap3A_435 = arith.constant 0 : index
        %swap3A_436 = tpu.vector_load %arg23[%swap3A_434, %swap3A_435] {strides = array<i32>} : memref<64x128xf32, #tpu.memory_space<vmem>>, vector<16xf32>,
        tpu.vector_store %arg23[%swap3A_434, %swap3A_435], %mul3A_433 {strides = array<i32>} : memref<64x128xf32, #tpu.memory_space<vmem>>, vector<16xf32>,
        %get3A_437 = arith.index_cast %add3A_429 : i32 to index
        %get3A_438 = arith.constant 16 : index
        %get3A_439 = tpu.vector_load %arg23[%get3A_437, %get3A_438] {strides = array<i32>} : memref<64x128xf32, #tpu.memory_space<vmem>>, vector<16xf32>,
        %mul3A_440 = arith.mulf %get3A_439, %gather3A : vector<16xf32>
        %swap3A_441 = arith.index_cast %add3A_429 : i32 to index
        %swap3A_442 = arith.constant 16 : index
        %swap3A_443 = tpu.vector_load %arg23[%swap3A_441, %swap3A_442] {strides = array<i32>} : memref<64x128xf32, #tpu.memory_space<vmem>>, vector<16xf32>,
        tpu.vector_store %arg23[%swap3A_441, %swap3A_442], %mul3A_440 {strides = array<i32>} : memref<64x128xf32, #tpu.memory_space<vmem>>, vector<16xf32>,
        %get3A_444 = arith.index_cast %add3A_429 : i32 to index
        %get3A_445 = arith.constant 32 : index
        %get3A_446 = tpu.vector_load %arg23[%get3A_444, %get3A_445] {strides = array<i32>} : memref<64x128xf32, #tpu.memory_space<vmem>>, vector<16xf32>,
        %mul3A_447 = arith.mulf %get3A_446, %gather3A : vector<16xf32>
        %swap3A_448 = arith.index_cast %add3A_429 : i32 to index
        %swap3A_449 = arith.constant 32 : index
        %swap3A_450 = tpu.vector_load %arg23[%swap3A_448, %swap3A_449] {strides = array<i32>} : memref<64x128xf32, #tpu.memory_space<vmem>>, vector<16xf32>,
        tpu.vector_store %arg23[%swap3A_448, %swap3A_449], %mul3A_447 {strides = array<i32>} : memref<64x128xf32, #tpu.memory_space<vmem>>, vector<16xf32>,
        %get3A_451 = arith.index_cast %add3A_429 : i32 to index
        %get3A_452 = arith.constant 48 : index
        %get3A_453 = tpu.vector_load %arg23[%get3A_451, %get3A_452] {strides = array<i32>} : memref<64x128xf32, #tpu.memory_space<vmem>>, vector<16xf32>,
        %mul3A_454 = arith.mulf %get3A_453, %gather3A : vector<16xf32>
        %swap3A_455 = arith.index_cast %add3A_429 : i32 to index
        %swap3A_456 = arith.constant 48 : index
        %swap3A_457 = tpu.vector_load %arg23[%swap3A_455, %swap3A_456] {strides = array<i32>} : memref<64x128xf32, #tpu.memory_space<vmem>>, vector<16xf32>,
        tpu.vector_store %arg23[%swap3A_455, %swap3A_456], %mul3A_454 {strides = array<i32>} : memref<64x128xf32, #tpu.memory_space<vmem>>, vector<16xf32>,
        %get3A_458 = arith.index_cast %add3A_429 : i32 to index
        %get3A_459 = arith.constant 64 : index
        %get3A_460 = tpu.vector_load %arg23[%get3A_458, %get3A_459] {strides = array<i32>} : memref<64x128xf32, #tpu.memory_space<vmem>>, vector<16xf32>,
        %mul3A_461 = arith.mulf %get3A_460, %gather3A : vector<16xf32>
        %swap3A_462 = arith.index_cast %add3A_429 : i32 to index
        %swap3A_463 = arith.constant 64 : index
        %swap3A_464 = tpu.vector_load %arg23[%swap3A_462, %swap3A_463] {strides = array<i32>} : memref<64x128xf32, #tpu.memory_space<vmem>>, vector<16xf32>,
        tpu.vector_store %arg23[%swap3A_462, %swap3A_463], %mul3A_461 {strides = array<i32>} : memref<64x128xf32, #tpu.memory_space<vmem>>, vector<16xf32>,
        %get3A_465 = arith.index_cast %add3A_429 : i32 to index
        %get3A_466 = arith.constant 80 : index
        %get3A_467 = tpu.vector_load %arg23[%get3A_465, %get3A_466] {strides = array<i32>} : memref<64x128xf32, #tpu.memory_space<vmem>>, vector<16xf32>,
        %mul3A_468 = arith.mulf %get3A_467, %gather3A : vector<16xf32>
        %swap3A_469 = arith.index_cast %add3A_429 : i32 to index
        %swap3A_470 = arith.constant 80 : index
        %swap3A_471 = tpu.vector_load %arg23[%swap3A_469, %swap3A_470] {strides = array<i32>} : memref<64x128xf32, #tpu.memory_space<vmem>>, vector<16xf32>,
        tpu.vector_store %arg23[%swap3A_469, %swap3A_470], %mul3A_468 {strides = array<i32>} : memref<64x128xf32, #tpu.memory_space<vmem>>, vector<16xf32>,
        %get3A_472 = arith.index_cast %add3A_429 : i32 to index
        %get3A_473 = arith.constant 96 : index
        %get3A_474 = tpu.vector_load %arg23[%get3A_472, %get3A_473] {strides = array<i32>} : memref<64x128xf32, #tpu.memory_space<vmem>>, vector<16xf32>,
        %mul3A_475 = arith.mulf %get3A_474, %gather3A : vector<16xf32>
        %swap3A_476 = arith.index_cast %add3A_429 : i32 to index
        %swap3A_477 = arith.constant 96 : index
        %swap3A_478 = tpu.vector_load %arg23[%swap3A_476, %swap3A_477] {strides = array<i32>} : memref<64x128xf32, #tpu.memory_space<vmem>>, vector<16xf32>,
        tpu.vector_store %arg23[%swap3A_476, %swap3A_477], %mul3A_475 {strides = array<i32>} : memref<64x128xf32, #tpu.memory_space<vmem>>, vector<16xf32>,
        %get3A_479 = arith.index_cast %add3A_429 : i32 to index
        %get3A_480 = arith.constant 112 : index
        %get3A_481 = tpu.vector_load %arg23[%get3A_479, %get3A_480] {strides = array<i32>} : memref<64x128xf32, #tpu.memory_space<vmem>>, vector<16xf32>,
        %mul3A_482 = arith.mulf %get3A_481, %gather3A : vector<16xf32>
        %swap3A_483 = arith.index_cast %add3A_429 : i32 to index
        %swap3A_484 = arith.constant 112 : index
        %swap3A_485 = tpu.vector_load %arg23[%swap3A_483, %swap3A_484] {strides = array<i32>} : memref<64x128xf32, #tpu.memory_space<vmem>>, vector<16xf32>,
        tpu.vector_store %arg23[%swap3A_483, %swap3A_484], %mul3A_482 {strides = array<i32>} : memref<64x128xf32, #tpu.memory_space<vmem>>, vector<16xf32>,
        %mul3A_486 = arith.constant 2 : i32
        %mul3A_487 = arith.muli %mul3A_486, %scan3A_424 : i32
        %add3A_488 = arith.constant 1 : i32
        %add3A_489 = arith.addi %mul3A_487, %add3A_488 : i32
        %broadcast_in_dim3A_490 = vector.broadcast %add3A_489 : i32 to vector<16xi32>
        %gather3A_491 = tpu.vector_load_idx %arg19[%broadcast_in_dim3A_490] : memref<64xf32, #tpu.memory_space<vmem>>[vector<16xi32>], vector<16xf32>,
        %get3A_492 = arith.index_cast %add3A_489 : i32 to index
        %get3A_493 = arith.constant 0 : index
        %get3A_494 = tpu.vector_load %arg23[%get3A_492, %get3A_493] {strides = array<i32>} : memref<64x128xf32, #tpu.memory_space<vmem>>, vector<16xf32>,
        %mul3A_495 = arith.mulf %get3A_494, %gather3A_491 : vector<16xf32>
        %swap3A_496 = arith.index_cast %add3A_489 : i32 to index
        %swap3A_497 = arith.constant 0 : index
        %swap3A_498 = tpu.vector_load %arg23[%swap3A_496, %swap3A_497] {strides = array<i32>} : memref<64x128xf32, #tpu.memory_space<vmem>>, vector<16xf32>,
        tpu.vector_store %arg23[%swap3A_496, %swap3A_497], %mul3A_495 {strides = array<i32>} : memref<64x128xf32, #tpu.memory_space<vmem>>, vector<16xf32>,
        %get3A_499 = arith.index_cast %add3A_489 : i32 to index
        %get3A_500 = arith.constant 16 : index
        %get3A_501 = tpu.vector_load %arg23[%get3A_499, %get3A_500] {strides = array<i32>} : memref<64x128xf32, #tpu.memory_space<vmem>>, vector<16xf32>,
        %mul3A_502 = arith.mulf %get3A_501, %gather3A_491 : vector<16xf32>
        %swap3A_503 = arith.index_cast %add3A_489 : i32 to index
        %swap3A_504 = arith.constant 16 : index
        %swap3A_505 = tpu.vector_load %arg23[%swap3A_503, %swap3A_504] {strides = array<i32>} : memref<64x128xf32, #tpu.memory_space<vmem>>, vector<16xf32>,
        tpu.vector_store %arg23[%swap3A_503, %swap3A_504], %mul3A_502 {strides = array<i32>} : memref<64x128xf32, #tpu.memory_space<vmem>>, vector<16xf32>,
        %get3A_506 = arith.index_cast %add3A_489 : i32 to index
        %get3A_507 = arith.constant 32 : index
        %get3A_508 = tpu.vector_load %arg23[%get3A_506, %get3A_507] {strides = array<i32>} : memref<64x128xf32, #tpu.memory_space<vmem>>, vector<16xf32>,
        %mul3A_509 = arith.mulf %get3A_508, %gather3A_491 : vector<16xf32>
        %swap3A_510 = arith.index_cast %add3A_489 : i32 to index
        %swap3A_511 = arith.constant 32 : index
        %swap3A_512 = tpu.vector_load %arg23[%swap3A_510, %swap3A_511] {strides = array<i32>} : memref<64x128xf32, #tpu.memory_space<vmem>>, vector<16xf32>,
        tpu.vector_store %arg23[%swap3A_510, %swap3A_511], %mul3A_509 {strides = array<i32>} : memref<64x128xf32, #tpu.memory_space<vmem>>, vector<16xf32>,
        %get3A_513 = arith.index_cast %add3A_489 : i32 to index
        %get3A_514 = arith.constant 48 : index
        %get3A_515 = tpu.vector_load %arg23[%get3A_513, %get3A_514] {strides = array<i32>} : memref<64x128xf32, #tpu.memory_space<vmem>>, vector<16xf32>,
        %mul3A_516 = arith.mulf %get3A_515, %gather3A_491 : vector<16xf32>
        %swap3A_517 = arith.index_cast %add3A_489 : i32 to index
        %swap3A_518 = arith.constant 48 : index
        %swap3A_519 = tpu.vector_load %arg23[%swap3A_517, %swap3A_518] {strides = array<i32>} : memref<64x128xf32, #tpu.memory_space<vmem>>, vector<16xf32>,
        tpu.vector_store %arg23[%swap3A_517, %swap3A_518], %mul3A_516 {strides = array<i32>} : memref<64x128xf32, #tpu.memory_space<vmem>>, vector<16xf32>,
        %get3A_520 = arith.index_cast %add3A_489 : i32 to index
        %get3A_521 = arith.constant 64 : index
        %get3A_522 = tpu.vector_load %arg23[%get3A_520, %get3A_521] {strides = array<i32>} : memref<64x128xf32, #tpu.memory_space<vmem>>, vector<16xf32>,
        %mul3A_523 = arith.mulf %get3A_522, %gather3A_491 : vector<16xf32>
        %swap3A_524 = arith.index_cast %add3A_489 : i32 to index
        %swap3A_525 = arith.constant 64 : index
        %swap3A_526 = tpu.vector_load %arg23[%swap3A_524, %swap3A_525] {strides = array<i32>} : memref<64x128xf32, #tpu.memory_space<vmem>>, vector<16xf32>,
        tpu.vector_store %arg23[%swap3A_524, %swap3A_525], %mul3A_523 {strides = array<i32>} : memref<64x128xf32, #tpu.memory_space<vmem>>, vector<16xf32>,
        %get3A_527 = arith.index_cast %add3A_489 : i32 to index
        %get3A_528 = arith.constant 80 : index
        %get3A_529 = tpu.vector_load %arg23[%get3A_527, %get3A_528] {strides = array<i32>} : memref<64x128xf32, #tpu.memory_space<vmem>>, vector<16xf32>,
        %mul3A_530 = arith.mulf %get3A_529, %gather3A_491 : vector<16xf32>
        %swap3A_531 = arith.index_cast %add3A_489 : i32 to index
        %swap3A_532 = arith.constant 80 : index
        %swap3A_533 = tpu.vector_load %arg23[%swap3A_531, %swap3A_532] {strides = array<i32>} : memref<64x128xf32, #tpu.memory_space<vmem>>, vector<16xf32>,
        tpu.vector_store %arg23[%swap3A_531, %swap3A_532], %mul3A_530 {strides = array<i32>} : memref<64x128xf32, #tpu.memory_space<vmem>>, vector<16xf32>,
        %get3A_534 = arith.index_cast %add3A_489 : i32 to index
        %get3A_535 = arith.constant 96 : index
        %get3A_536 = tpu.vector_load %arg23[%get3A_534, %get3A_535] {strides = array<i32>} : memref<64x128xf32, #tpu.memory_space<vmem>>, vector<16xf32>,
        %mul3A_537 = arith.mulf %get3A_536, %gather3A_491 : vector<16xf32>
        %swap3A_538 = arith.index_cast %add3A_489 : i32 to index
        %swap3A_539 = arith.constant 96 : index
        %swap3A_540 = tpu.vector_load %arg23[%swap3A_538, %swap3A_539] {strides = array<i32>} : memref<64x128xf32, #tpu.memory_space<vmem>>, vector<16xf32>,
        tpu.vector_store %arg23[%swap3A_538, %swap3A_539], %mul3A_537 {strides = array<i32>} : memref<64x128xf32, #tpu.memory_space<vmem>>, vector<16xf32>,
        %get3A_541 = arith.index_cast %add3A_489 : i32 to index
        %get3A_542 = arith.constant 112 : index
        %get3A_543 = tpu.vector_load %arg23[%get3A_541, %get3A_542] {strides = array<i32>} : memref<64x128xf32, #tpu.memory_space<vmem>>, vector<16xf32>,
        %mul3A_544 = arith.mulf %get3A_543, %gather3A_491 : vector<16xf32>
        %swap3A_545 = arith.index_cast %add3A_489 : i32 to index
        %swap3A_546 = arith.constant 112 : index
        %swap3A_547 = tpu.vector_load %arg23[%swap3A_545, %swap3A_546] {strides = array<i32>} : memref<64x128xf32, #tpu.memory_space<vmem>>, vector<16xf32>,
        tpu.vector_store %arg23[%swap3A_545, %swap3A_546], %mul3A_544 {strides = array<i32>} : memref<64x128xf32, #tpu.memory_space<vmem>>, vector<16xf32>,
        %scan3A_548 = arith.constant 0 : i32
        scf.yield %scan3A_548 : i32
      }
      %scan3A_371 = arith.constant 32 : i32
      %jit3A_372 = arith.constant 16 : i32
      %div3A_373 = arith.divsi %add3A_361, %jit3A_372 : i32
      %sign3A_374 = arith.constant 0 : i32
      %sign3A_375 = arith.cmpi sgt, %add3A_361, %sign3A_374 : i32
      %sign3A_376 = arith.extui %sign3A_375 : i1 to i32
      %sign3A_377 = arith.constant 0 : i32
      %sign3A_378 = arith.cmpi slt, %add3A_361, %sign3A_377 : i32
      %sign3A_379 = arith.extui %sign3A_378 : i1 to i32
      %sign3A_380 = arith.subi %sign3A_376, %sign3A_379 : i32
      %sign3A_381 = arith.constant 0 : i32
      %sign3A_382 = arith.cmpi sgt, %jit3A_372, %sign3A_381 : i32
      %sign3A_383 = arith.extui %sign3A_382 : i1 to i32
      %sign3A_384 = arith.constant 0 : i32
      %sign3A_385 = arith.cmpi slt, %jit3A_372, %sign3A_384 : i32
      %sign3A_386 = arith.extui %sign3A_385 : i1 to i32
      %sign3A_387 = arith.subi %sign3A_383, %sign3A_386 : i32
      %ne3A_388 = arith.cmpi ne, %sign3A_380, %sign3A_387 : i32
      %rem3A_389 = arith.remsi %add3A_361, %jit3A_372 : i32
      %ne3A_390 = arith.constant 0 : i32
      %ne3A_391 = arith.cmpi ne, %rem3A_389, %ne3A_390 : i32
      %and3A_392 = arith.andi %ne3A_388, %ne3A_391 : i1
      %sub3A_393 = arith.constant 1 : i32
      %sub3A_394 = arith.subi %div3A_373, %sub3A_393 : i32
      %select_n3A_395 = arith.select %and3A_392, %sub3A_394, %div3A_373 : i32
      %rem3A_396 = arith.constant 2 : i32
      %rem3A_397 = arith.remsi %select_n3A_395, %rem3A_396 : i32
      %rem3A_398 = arith.constant 16 : i32
      %rem3A_399 = arith.remsi %add3A_361, %rem3A_398 : i32
      %dma_start3A_400 = arith.constant 0 : i32
      %dma_start3A_401 = tpu.memref_slice %arg10[%rem3A_397, %rem3A_399, %dma_start3A_400] : memref<2x16x64xi32, #tpu.memory_space<vmem>> -> memref<1x1x64xi32, #tpu.memory_space<vmem>>
      %dma_start3A_402 = tpu.memref_squeeze %dma_start3A_401 : memref<1x1x64xi32, #tpu.memory_space<vmem>> -> memref<64xi32, #tpu.memory_space<vmem>>
      %dma_start3A_403 = arith.constant 0 : i32
      %dma_start3A_404 = arith.constant 0 : i32
      %dma_start3A_405 = tpu.memref_slice %arg26[%dma_start3A_403, %dma_start3A_404] : memref<10240x128xf32, #tpu.memory_space<vmem_shared>> -> memref<10240x128xf32, #tpu.memory_space<vmem_shared>>
      tpu.enqueue_indirect_dma source(%arg23 : memref<64x128xf32, #tpu.memory_space<vmem>>) target(%dma_start3A_405 : memref<10240x128xf32, #tpu.memory_space<vmem_shared>>) offsets(%dma_start3A_402 : memref<64xi32, #tpu.memory_space<vmem>>) semaphore(%arg34 : memref<!tpu.dma_semaphore, #tpu.memory_space<semaphore_mem>>) {add = true}
      %add3A_406 = arith.constant 2 : i32
      %add3A_407 = arith.addi %add3A_361, %add3A_406 : i32
      %le3A_408 = arith.constant 159 : i32
      %le3A_409 = arith.cmpi sle, %add3A_407, %le3A_408 : i32
      %convert_element_type3A_410 = arith.extui %le3A_409 : i1 to i32
      %cond3A_411 = arith.constant 0 : i32
      %cond3A_412 = arith.cmpi ne, %convert_element_type3A_410, %cond3A_411 : i32
      scf.if %cond3A_412 {
        %add3A_424 = arith.constant 2 : i32
        %add3A_425 = arith.addi %add3A_361, %add3A_424 : i32
        %rem3A_426 = arith.constant 16 : i32
        %rem3A_427 = arith.remsi %add3A_425, %rem3A_426 : i32
        %eq3A = arith.constant 0 : i32
        %eq3A_428 = arith.cmpi eq, %rem3A_427, %eq3A : i32
        %convert_element_type3A_429 = arith.extui %eq3A_428 : i1 to i32
        %cond3A_430 = arith.constant 0 : i32
        %cond3A_431 = arith.cmpi ne, %convert_element_type3A_429, %cond3A_430 : i32
        scf.if %cond3A_431 {
          %add3A_494 = arith.constant 2 : i32
          %add3A_495 = arith.addi %add3A_361, %add3A_494 : i32
          %jit3A_496 = arith.constant 16 : i32
          %div3A_497 = arith.divsi %add3A_495, %jit3A_496 : i32
          %sign3A_498 = arith.constant 0 : i32
          %sign3A_499 = arith.cmpi sgt, %add3A_495, %sign3A_498 : i32
          %sign3A_500 = arith.extui %sign3A_499 : i1 to i32
          %sign3A_501 = arith.constant 0 : i32
          %sign3A_502 = arith.cmpi slt, %add3A_495, %sign3A_501 : i32
          %sign3A_503 = arith.extui %sign3A_502 : i1 to i32
          %sign3A_504 = arith.subi %sign3A_500, %sign3A_503 : i32
          %sign3A_505 = arith.constant 0 : i32
          %sign3A_506 = arith.cmpi sgt, %jit3A_496, %sign3A_505 : i32
          %sign3A_507 = arith.extui %sign3A_506 : i1 to i32
          %sign3A_508 = arith.constant 0 : i32
          %sign3A_509 = arith.cmpi slt, %jit3A_496, %sign3A_508 : i32
          %sign3A_510 = arith.extui %sign3A_509 : i1 to i32
          %sign3A_511 = arith.subi %sign3A_507, %sign3A_510 : i32
          %ne3A_512 = arith.cmpi ne, %sign3A_504, %sign3A_511 : i32
          %rem3A_513 = arith.remsi %add3A_495, %jit3A_496 : i32
          %ne3A_514 = arith.constant 0 : i32
          %ne3A_515 = arith.cmpi ne, %rem3A_513, %ne3A_514 : i32
          %and3A_516 = arith.andi %ne3A_512, %ne3A_515 : i1
          %sub3A_517 = arith.constant 1 : i32
          %sub3A_518 = arith.subi %div3A_497, %sub3A_517 : i32
          %select_n3A_519 = arith.select %and3A_516, %sub3A_518, %div3A_497 : i32
          %rem3A_520 = arith.constant 2 : i32
          %rem3A_521 = arith.remsi %select_n3A_519, %rem3A_520 : i32
          %mul3A_522 = arith.constant 16 : i32
          %mul3A_523 = arith.muli %select_n3A_519, %mul3A_522 : i32
          %add3A_524 = arith.addi %mul3A_4, %mul3A_523 : i32
          "tpu.region"() ({
            %run_scoped3A = tpu.sem_alloc : memref<!tpu.dma_semaphore, #tpu.memory_space<semaphore_mem>>
            %dma_start3A_525 = arith.constant 0 : i32
            %dma_start3A_526 = tpu.memref_slice %arg2[%add3A_524, %dma_start3A_525] : memref<2560x64xi32, #tpu.memory_space<hbm>> -> memref<16x64xi32, #tpu.memory_space<hbm>>
            %dma_start3A_527 = arith.constant 0 : i32
            %dma_start3A_528 = tpu.memref_slice %arg2[%add3A_524, %dma_start3A_527] : memref<2560x64xi32, #tpu.memory_space<hbm>> -> memref<16x64xi32, #tpu.memory_space<hbm>>
            tpu.enqueue_dma source(%dma_start3A_528 : memref<16x64xi32, #tpu.memory_space<hbm>>) target(%arg9 : memref<16x64xi32, #tpu.memory_space<vmem>>) target_semaphore(%run_scoped3A : memref<!tpu.dma_semaphore, #tpu.memory_space<semaphore_mem>>)
            %dma_wait3A_529 = arith.constant 0 : i32
            %dma_wait3A_530 = tpu.memref_slice %arg2[%add3A_524, %dma_wait3A_529] : memref<2560x64xi32, #tpu.memory_space<hbm>> -> memref<16x64xi32, #tpu.memory_space<hbm>>
            %dma_wait3A_531 = arith.constant 0 : i32
            %dma_wait3A_532 = tpu.memref_slice %arg2[%add3A_524, %dma_wait3A_531] : memref<2560x64xi32, #tpu.memory_space<hbm>> -> memref<16x64xi32, #tpu.memory_space<hbm>>
            tpu.wait_dma2 semaphore(%run_scoped3A : memref<!tpu.dma_semaphore, #tpu.memory_space<semaphore_mem>>) src(%dma_wait3A_532 : memref<16x64xi32, #tpu.memory_space<hbm>>) dst(%arg9 : memref<16x64xi32, #tpu.memory_space<vmem>>)
            tpu.yield
          }) : () -> ()
          "tpu.region"() ({
            %run_scoped3A = tpu.sem_alloc : memref<!tpu.dma_semaphore, #tpu.memory_space<semaphore_mem>>
            %dma_start3A_525 = arith.constant 0 : i32
            %dma_start3A_526 = tpu.memref_slice %arg4[%add3A_524, %dma_start3A_525] : memref<2560x64xf32, #tpu.memory_space<hbm>> -> memref<16x64xf32, #tpu.memory_space<hbm>>
            %dma_start3A_527 = arith.constant 0 : i32
            %dma_start3A_528 = tpu.memref_slice %arg4[%add3A_524, %dma_start3A_527] : memref<2560x64xf32, #tpu.memory_space<hbm>> -> memref<16x64xf32, #tpu.memory_space<hbm>>
            tpu.enqueue_dma source(%dma_start3A_528 : memref<16x64xf32, #tpu.memory_space<hbm>>) target(%arg11 : memref<16x64xf32, #tpu.memory_space<vmem>>) target_semaphore(%run_scoped3A : memref<!tpu.dma_semaphore, #tpu.memory_space<semaphore_mem>>)
            %dma_wait3A_529 = arith.constant 0 : i32
            %dma_wait3A_530 = tpu.memref_slice %arg4[%add3A_524, %dma_wait3A_529] : memref<2560x64xf32, #tpu.memory_space<hbm>> -> memref<16x64xf32, #tpu.memory_space<hbm>>
            %dma_wait3A_531 = arith.constant 0 : i32
            %dma_wait3A_532 = tpu.memref_slice %arg4[%add3A_524, %dma_wait3A_531] : memref<2560x64xf32, #tpu.memory_space<hbm>> -> memref<16x64xf32, #tpu.memory_space<hbm>>
            tpu.wait_dma2 semaphore(%run_scoped3A : memref<!tpu.dma_semaphore, #tpu.memory_space<semaphore_mem>>) src(%dma_wait3A_532 : memref<16x64xf32, #tpu.memory_space<hbm>>) dst(%arg11 : memref<16x64xf32, #tpu.memory_space<vmem>>)
            tpu.yield
          }) : () -> ()
          "tpu.region"() ({
            %run_scoped3A = tpu.sem_alloc : memref<!tpu.dma_semaphore, #tpu.memory_space<semaphore_mem>>
            %dma_start3A_525 = arith.constant 0 : i32
            %dma_start3A_526 = arith.constant 0 : i32
            %dma_start3A_527 = tpu.memref_slice %arg10[%rem3A_521, %dma_start3A_525, %dma_start3A_526] : memref<2x16x64xi32, #tpu.memory_space<vmem>> -> memref<1x16x64xi32, #tpu.memory_space<vmem>>
            %dma_start3A_528 = tpu.memref_squeeze %dma_start3A_527 : memref<1x16x64xi32, #tpu.memory_space<vmem>> -> memref<16x64xi32, #tpu.memory_space<vmem>>
            %dma_start3A_529 = arith.constant 0 : i32
            %dma_start3A_530 = tpu.memref_slice %arg3[%add3A_524, %dma_start3A_529] : memref<2560x64xi32, #tpu.memory_space<hbm>> -> memref<16x64xi32, #tpu.memory_space<hbm>>
            %dma_start3A_531 = arith.constant 0 : i32
            %dma_start3A_532 = arith.constant 0 : i32
            %dma_start3A_533 = tpu.memref_slice %arg10[%rem3A_521, %dma_start3A_531, %dma_start3A_532] : memref<2x16x64xi32, #tpu.memory_space<vmem>> -> memref<1x16x64xi32, #tpu.memory_space<vmem>>
            %dma_start3A_534 = tpu.memref_squeeze %dma_start3A_533 : memref<1x16x64xi32, #tpu.memory_space<vmem>> -> memref<16x64xi32, #tpu.memory_space<vmem>>
            %dma_start3A_535 = arith.constant 0 : i32
            %dma_start3A_536 = tpu.memref_slice %arg3[%add3A_524, %dma_start3A_535] : memref<2560x64xi32, #tpu.memory_space<hbm>> -> memref<16x64xi32, #tpu.memory_space<hbm>>
            tpu.enqueue_dma source(%dma_start3A_536 : memref<16x64xi32, #tpu.memory_space<hbm>>) target(%dma_start3A_534 : memref<16x64xi32, #tpu.memory_space<vmem>>) target_semaphore(%run_scoped3A : memref<!tpu.dma_semaphore, #tpu.memory_space<semaphore_mem>>)
            %dma_wait3A_537 = arith.constant 0 : i32
            %dma_wait3A_538 = arith.constant 0 : i32
            %dma_wait3A_539 = tpu.memref_slice %arg10[%rem3A_521, %dma_wait3A_537, %dma_wait3A_538] : memref<2x16x64xi32, #tpu.memory_space<vmem>> -> memref<1x16x64xi32, #tpu.memory_space<vmem>>
            %dma_wait3A_540 = tpu.memref_squeeze %dma_wait3A_539 : memref<1x16x64xi32, #tpu.memory_space<vmem>> -> memref<16x64xi32, #tpu.memory_space<vmem>>
            %dma_wait3A_541 = arith.constant 0 : i32
            %dma_wait3A_542 = tpu.memref_slice %arg3[%add3A_524, %dma_wait3A_541] : memref<2560x64xi32, #tpu.memory_space<hbm>> -> memref<16x64xi32, #tpu.memory_space<hbm>>
            %dma_wait3A_543 = arith.constant 0 : i32
            %dma_wait3A_544 = arith.constant 0 : i32
            %dma_wait3A_545 = tpu.memref_slice %arg10[%rem3A_521, %dma_wait3A_543, %dma_wait3A_544] : memref<2x16x64xi32, #tpu.memory_space<vmem>> -> memref<1x16x64xi32, #tpu.memory_space<vmem>>
            %dma_wait3A_546 = tpu.memref_squeeze %dma_wait3A_545 : memref<1x16x64xi32, #tpu.memory_space<vmem>> -> memref<16x64xi32, #tpu.memory_space<vmem>>
            %dma_wait3A_547 = arith.constant 0 : i32
            %dma_wait3A_548 = tpu.memref_slice %arg3[%add3A_524, %dma_wait3A_547] : memref<2560x64xi32, #tpu.memory_space<hbm>> -> memref<16x64xi32, #tpu.memory_space<hbm>>
            tpu.wait_dma2 semaphore(%run_scoped3A : memref<!tpu.dma_semaphore, #tpu.memory_space<semaphore_mem>>) src(%dma_wait3A_548 : memref<16x64xi32, #tpu.memory_space<hbm>>) dst(%dma_wait3A_546 : memref<16x64xi32, #tpu.memory_space<vmem>>)
            tpu.yield
          }) : () -> ()
        } else {
        }
        %add3A_432 = arith.constant 2 : i32
        %add3A_433 = arith.addi %add3A_361, %add3A_432 : i32
        %rem3A_434 = arith.constant 16 : i32
        %rem3A_435 = arith.remsi %add3A_433, %rem3A_434 : i32
        %get3A_436 = arith.index_cast %rem3A_435 : i32 to index
        %get3A_437 = arith.constant 0 : index
        %get3A_438 = tpu.vector_load %arg9[%get3A_436, %get3A_437] {strides = array<i32>} : memref<16x64xi32, #tpu.memory_space<vmem>>, vector<16xi32>,
        %add3A_439 = vector.broadcast %mul3A_2 : i32 to vector<16xi32>
        %add3A_440 = arith.addi %get3A_438, %add3A_439 : vector<16xi32>
        %swap3A_441 = arith.constant 0 : index
        %swap3A_442 = tpu.vector_load %arg13[%swap3A_441] {strides = array<i32>} : memref<64xi32, #tpu.memory_space<vmem>>, vector<16xi32>,
        tpu.vector_store %arg13[%swap3A_441], %add3A_440 {strides = array<i32>} : memref<64xi32, #tpu.memory_space<vmem>>, vector<16xi32>,
        %get3A_443 = arith.index_cast %rem3A_435 : i32 to index
        %get3A_444 = arith.constant 0 : index
        %get3A_445 = tpu.vector_load %arg11[%get3A_443, %get3A_444] {strides = array<i32>} : memref<16x64xf32, #tpu.memory_space<vmem>>, vector<16xf32>,
        %swap3A_446 = arith.constant 0 : index
        %swap3A_447 = tpu.vector_load %arg17[%swap3A_446] {strides = array<i32>} : memref<64xf32, #tpu.memory_space<vmem>>, vector<16xf32>,
        tpu.vector_store %arg17[%swap3A_446], %get3A_445 {strides = array<i32>} : memref<64xf32, #tpu.memory_space<vmem>>, vector<16xf32>,
        %get3A_448 = arith.index_cast %rem3A_435 : i32 to index
        %get3A_449 = arith.constant 16 : index
        %get3A_450 = tpu.vector_load %arg9[%get3A_448, %get3A_449] {strides = array<i32>} : memref<16x64xi32, #tpu.memory_space<vmem>>, vector<16xi32>,
        %add3A_451 = vector.broadcast %mul3A_2 : i32 to vector<16xi32>
        %add3A_452 = arith.addi %get3A_450, %add3A_451 : vector<16xi32>
        %swap3A_453 = arith.constant 16 : index
        %swap3A_454 = tpu.vector_load %arg13[%swap3A_453] {strides = array<i32>} : memref<64xi32, #tpu.memory_space<vmem>>, vector<16xi32>,
        tpu.vector_store %arg13[%swap3A_453], %add3A_452 {strides = array<i32>} : memref<64xi32, #tpu.memory_space<vmem>>, vector<16xi32>,
        %get3A_455 = arith.index_cast %rem3A_435 : i32 to index
        %get3A_456 = arith.constant 16 : index
        %get3A_457 = tpu.vector_load %arg11[%get3A_455, %get3A_456] {strides = array<i32>} : memref<16x64xf32, #tpu.memory_space<vmem>>, vector<16xf32>,
        %swap3A_458 = arith.constant 16 : index
        %swap3A_459 = tpu.vector_load %arg17[%swap3A_458] {strides = array<i32>} : memref<64xf32, #tpu.memory_space<vmem>>, vector<16xf32>,
        tpu.vector_store %arg17[%swap3A_458], %get3A_457 {strides = array<i32>} : memref<64xf32, #tpu.memory_space<vmem>>, vector<16xf32>,
        %get3A_460 = arith.index_cast %rem3A_435 : i32 to index
        %get3A_461 = arith.constant 32 : index
        %get3A_462 = tpu.vector_load %arg9[%get3A_460, %get3A_461] {strides = array<i32>} : memref<16x64xi32, #tpu.memory_space<vmem>>, vector<16xi32>,
        %add3A_463 = vector.broadcast %mul3A_2 : i32 to vector<16xi32>
        %add3A_464 = arith.addi %get3A_462, %add3A_463 : vector<16xi32>
        %swap3A_465 = arith.constant 32 : index
        %swap3A_466 = tpu.vector_load %arg13[%swap3A_465] {strides = array<i32>} : memref<64xi32, #tpu.memory_space<vmem>>, vector<16xi32>,
        tpu.vector_store %arg13[%swap3A_465], %add3A_464 {strides = array<i32>} : memref<64xi32, #tpu.memory_space<vmem>>, vector<16xi32>,
        %get3A_467 = arith.index_cast %rem3A_435 : i32 to index
        %get3A_468 = arith.constant 32 : index
        %get3A_469 = tpu.vector_load %arg11[%get3A_467, %get3A_468] {strides = array<i32>} : memref<16x64xf32, #tpu.memory_space<vmem>>, vector<16xf32>,
        %swap3A_470 = arith.constant 32 : index
        %swap3A_471 = tpu.vector_load %arg17[%swap3A_470] {strides = array<i32>} : memref<64xf32, #tpu.memory_space<vmem>>, vector<16xf32>,
        tpu.vector_store %arg17[%swap3A_470], %get3A_469 {strides = array<i32>} : memref<64xf32, #tpu.memory_space<vmem>>, vector<16xf32>,
        %get3A_472 = arith.index_cast %rem3A_435 : i32 to index
        %get3A_473 = arith.constant 48 : index
        %get3A_474 = tpu.vector_load %arg9[%get3A_472, %get3A_473] {strides = array<i32>} : memref<16x64xi32, #tpu.memory_space<vmem>>, vector<16xi32>,
        %add3A_475 = vector.broadcast %mul3A_2 : i32 to vector<16xi32>
        %add3A_476 = arith.addi %get3A_474, %add3A_475 : vector<16xi32>
        %swap3A_477 = arith.constant 48 : index
        %swap3A_478 = tpu.vector_load %arg13[%swap3A_477] {strides = array<i32>} : memref<64xi32, #tpu.memory_space<vmem>>, vector<16xi32>,
        tpu.vector_store %arg13[%swap3A_477], %add3A_476 {strides = array<i32>} : memref<64xi32, #tpu.memory_space<vmem>>, vector<16xi32>,
        %get3A_479 = arith.index_cast %rem3A_435 : i32 to index
        %get3A_480 = arith.constant 48 : index
        %get3A_481 = tpu.vector_load %arg11[%get3A_479, %get3A_480] {strides = array<i32>} : memref<16x64xf32, #tpu.memory_space<vmem>>, vector<16xf32>,
        %swap3A_482 = arith.constant 48 : index
        %swap3A_483 = tpu.vector_load %arg17[%swap3A_482] {strides = array<i32>} : memref<64xf32, #tpu.memory_space<vmem>>, vector<16xf32>,
        tpu.vector_store %arg17[%swap3A_482], %get3A_481 {strides = array<i32>} : memref<64xf32, #tpu.memory_space<vmem>>, vector<16xf32>,
        %ge3A_484 = arith.constant 2 : i32
        %ge3A_485 = arith.cmpi sge, %add3A_361, %ge3A_484 : i32
        %convert_element_type3A_486 = arith.extui %ge3A_485 : i1 to i32
        %cond3A_487 = arith.constant 0 : i32
        %cond3A_488 = arith.cmpi ne, %convert_element_type3A_486, %cond3A_487 : i32
        scf.if %cond3A_488 {
          %sub3A_494 = arith.constant 2 : i32
          %sub3A_495 = arith.subi %add3A_361, %sub3A_494 : i32
          %jit3A_496 = arith.constant 16 : i32
          %div3A_497 = arith.divsi %sub3A_495, %jit3A_496 : i32
          %sign3A_498 = arith.constant 0 : i32
          %sign3A_499 = arith.cmpi sgt, %sub3A_495, %sign3A_498 : i32
          %sign3A_500 = arith.extui %sign3A_499 : i1 to i32
          %sign3A_501 = arith.constant 0 : i32
          %sign3A_502 = arith.cmpi slt, %sub3A_495, %sign3A_501 : i32
          %sign3A_503 = arith.extui %sign3A_502 : i1 to i32
          %sign3A_504 = arith.subi %sign3A_500, %sign3A_503 : i32
          %sign3A_505 = arith.constant 0 : i32
          %sign3A_506 = arith.cmpi sgt, %jit3A_496, %sign3A_505 : i32
          %sign3A_507 = arith.extui %sign3A_506 : i1 to i32
          %sign3A_508 = arith.constant 0 : i32
          %sign3A_509 = arith.cmpi slt, %jit3A_496, %sign3A_508 : i32
          %sign3A_510 = arith.extui %sign3A_509 : i1 to i32
          %sign3A_511 = arith.subi %sign3A_507, %sign3A_510 : i32
          %ne3A_512 = arith.cmpi ne, %sign3A_504, %sign3A_511 : i32
          %rem3A_513 = arith.remsi %sub3A_495, %jit3A_496 : i32
          %ne3A_514 = arith.constant 0 : i32
          %ne3A_515 = arith.cmpi ne, %rem3A_513, %ne3A_514 : i32
          %and3A_516 = arith.andi %ne3A_512, %ne3A_515 : i1
          %sub3A_517 = arith.constant 1 : i32
          %sub3A_518 = arith.subi %div3A_497, %sub3A_517 : i32
          %select_n3A_519 = arith.select %and3A_516, %sub3A_518, %div3A_497 : i32
          %rem3A_520 = arith.constant 2 : i32
          %rem3A_521 = arith.remsi %select_n3A_519, %rem3A_520 : i32
          %rem3A_522 = arith.constant 16 : i32
          %rem3A_523 = arith.remsi %sub3A_495, %rem3A_522 : i32
          %dma_wait3A_524 = arith.constant 0 : i32
          %dma_wait3A_525 = tpu.memref_slice %arg10[%rem3A_521, %rem3A_523, %dma_wait3A_524] : memref<2x16x64xi32, #tpu.memory_space<vmem>> -> memref<1x1x64xi32, #tpu.memory_space<vmem>>
          %dma_wait3A_526 = tpu.memref_squeeze %dma_wait3A_525 : memref<1x1x64xi32, #tpu.memory_space<vmem>> -> memref<64xi32, #tpu.memory_space<vmem>>
          %dma_wait3A_527 = arith.constant 0 : i32
          %dma_wait3A_528 = arith.constant 0 : i32
          %dma_wait3A_529 = tpu.memref_slice %arg26[%dma_wait3A_527, %dma_wait3A_528] : memref<10240x128xf32, #tpu.memory_space<vmem_shared>> -> memref<10240x128xf32, #tpu.memory_space<vmem_shared>>
          tpu.wait_indirect_dma semaphore(%arg32 : memref<!tpu.dma_semaphore, #tpu.memory_space<semaphore_mem>>) src(%arg21 : memref<64x128xf32, #tpu.memory_space<vmem>>) dst(%dma_wait3A_529 : memref<10240x128xf32, #tpu.memory_space<vmem_shared>>)
        } else {
        }
        %add3A_489 = arith.constant 2 : i32
        %add3A_490 = arith.addi %add3A_361, %add3A_489 : i32
        %dma_start3A_491 = arith.constant 0 : i32
        %dma_start3A_492 = arith.constant 0 : i32
        %dma_start3A_493 = tpu.memref_slice %arg5[%dma_start3A_491, %dma_start3A_492] : memref<20480x128xf32, #tpu.memory_space<hbm>> -> memref<20480x128xf32, #tpu.memory_space<hbm>>
        tpu.enqueue_indirect_dma source(%dma_start3A_493 : memref<20480x128xf32, #tpu.memory_space<hbm>>) target(%arg21 : memref<64x128xf32, #tpu.memory_space<vmem>>) offsets(%arg13 : memref<64xi32, #tpu.memory_space<vmem>>) semaphore(%arg28 : memref<!tpu.dma_semaphore, #tpu.memory_space<semaphore_mem>>)
      } else {
      }
      %add3A_413 = arith.constant 2 : i32
      %add3A_414 = arith.addi %add3A_361, %add3A_413 : i32
      %gt3A_415 = arith.constant 159 : i32
      %gt3A_416 = arith.cmpi sgt, %add3A_414, %gt3A_415 : i32
      %ge3A_417 = arith.constant 2 : i32
      %ge3A_418 = arith.cmpi sge, %add3A_361, %ge3A_417 : i32
      %and3A_419 = arith.andi %gt3A_416, %ge3A_418 : i1
      %convert_element_type3A_420 = arith.extui %and3A_419 : i1 to i32
      %cond3A_421 = arith.constant 0 : i32
      %cond3A_422 = arith.cmpi ne, %convert_element_type3A_420, %cond3A_421 : i32
      scf.if %cond3A_422 {
        %sub3A_424 = arith.constant 2 : i32
        %sub3A_425 = arith.subi %add3A_361, %sub3A_424 : i32
        %jit3A_426 = arith.constant 16 : i32
        %div3A_427 = arith.divsi %sub3A_425, %jit3A_426 : i32
        %sign3A_428 = arith.constant 0 : i32
        %sign3A_429 = arith.cmpi sgt, %sub3A_425, %sign3A_428 : i32
        %sign3A_430 = arith.extui %sign3A_429 : i1 to i32
        %sign3A_431 = arith.constant 0 : i32
        %sign3A_432 = arith.cmpi slt, %sub3A_425, %sign3A_431 : i32
        %sign3A_433 = arith.extui %sign3A_432 : i1 to i32
        %sign3A_434 = arith.subi %sign3A_430, %sign3A_433 : i32
        %sign3A_435 = arith.constant 0 : i32
        %sign3A_436 = arith.cmpi sgt, %jit3A_426, %sign3A_435 : i32
        %sign3A_437 = arith.extui %sign3A_436 : i1 to i32
        %sign3A_438 = arith.constant 0 : i32
        %sign3A_439 = arith.cmpi slt, %jit3A_426, %sign3A_438 : i32
        %sign3A_440 = arith.extui %sign3A_439 : i1 to i32
        %sign3A_441 = arith.subi %sign3A_437, %sign3A_440 : i32
        %ne3A_442 = arith.cmpi ne, %sign3A_434, %sign3A_441 : i32
        %rem3A_443 = arith.remsi %sub3A_425, %jit3A_426 : i32
        %ne3A_444 = arith.constant 0 : i32
        %ne3A_445 = arith.cmpi ne, %rem3A_443, %ne3A_444 : i32
        %and3A_446 = arith.andi %ne3A_442, %ne3A_445 : i1
        %sub3A_447 = arith.constant 1 : i32
        %sub3A_448 = arith.subi %div3A_427, %sub3A_447 : i32
        %select_n3A_449 = arith.select %and3A_446, %sub3A_448, %div3A_427 : i32
        %rem3A_450 = arith.constant 2 : i32
        %rem3A_451 = arith.remsi %select_n3A_449, %rem3A_450 : i32
        %rem3A_452 = arith.constant 16 : i32
        %rem3A_453 = arith.remsi %sub3A_425, %rem3A_452 : i32
        %dma_wait3A_454 = arith.constant 0 : i32
        %dma_wait3A_455 = tpu.memref_slice %arg10[%rem3A_451, %rem3A_453, %dma_wait3A_454] : memref<2x16x64xi32, #tpu.memory_space<vmem>> -> memref<1x1x64xi32, #tpu.memory_space<vmem>>
        %dma_wait3A_456 = tpu.memref_squeeze %dma_wait3A_455 : memref<1x1x64xi32, #tpu.memory_space<vmem>> -> memref<64xi32, #tpu.memory_space<vmem>>
        %dma_wait3A_457 = arith.constant 0 : i32
        %dma_wait3A_458 = arith.constant 0 : i32
        %dma_wait3A_459 = tpu.memref_slice %arg26[%dma_wait3A_457, %dma_wait3A_458] : memref<10240x128xf32, #tpu.memory_space<vmem_shared>> -> memref<10240x128xf32, #tpu.memory_space<vmem_shared>>
        tpu.wait_indirect_dma semaphore(%arg32 : memref<!tpu.dma_semaphore, #tpu.memory_space<semaphore_mem>>) src(%arg21 : memref<64x128xf32, #tpu.memory_space<vmem>>) dst(%dma_wait3A_459 : memref<10240x128xf32, #tpu.memory_space<vmem_shared>>)
      } else {
      }
      %scan3A_423 = arith.constant 0 : i32
      scf.yield %scan3A_423 : i32
    }
    %scan3A_147 = arith.constant 40 : i32
    %rem3A_148 = arith.constant 9 : i32
    %rem3A_149 = arith.constant 2 : i32
    %rem3A_150 = arith.remsi %rem3A_148, %rem3A_149 : i32
    %rem3A_151 = arith.constant 158 : i32
    %rem3A_152 = arith.constant 16 : i32
    %rem3A_153 = arith.remsi %rem3A_151, %rem3A_152 : i32
    %dma_wait3A = arith.constant 0 : i32
    %dma_wait3A_154 = tpu.memref_slice %arg10[%rem3A_150, %rem3A_153, %dma_wait3A] : memref<2x16x64xi32, #tpu.memory_space<vmem>> -> memref<1x1x64xi32, #tpu.memory_space<vmem>>
    %dma_wait3A_155 = tpu.memref_squeeze %dma_wait3A_154 : memref<1x1x64xi32, #tpu.memory_space<vmem>> -> memref<64xi32, #tpu.memory_space<vmem>>
    %dma_wait3A_156 = arith.constant 0 : i32
    %dma_wait3A_157 = arith.constant 0 : i32
    %dma_wait3A_158 = tpu.memref_slice %arg26[%dma_wait3A_156, %dma_wait3A_157] : memref<10240x128xf32, #tpu.memory_space<vmem_shared>> -> memref<10240x128xf32, #tpu.memory_space<vmem_shared>>
    tpu.wait_indirect_dma semaphore(%arg33 : memref<!tpu.dma_semaphore, #tpu.memory_space<semaphore_mem>>) src(%arg22 : memref<64x128xf32, #tpu.memory_space<vmem>>) dst(%dma_wait3A_158 : memref<10240x128xf32, #tpu.memory_space<vmem_shared>>)
    %rem3A_159 = arith.constant 9 : i32
    %rem3A_160 = arith.constant 2 : i32
    %rem3A_161 = arith.remsi %rem3A_159, %rem3A_160 : i32
    %rem3A_162 = arith.constant 159 : i32
    %rem3A_163 = arith.constant 16 : i32
    %rem3A_164 = arith.remsi %rem3A_162, %rem3A_163 : i32
    %dma_wait3A_165 = arith.constant 0 : i32
    %dma_wait3A_166 = tpu.memref_slice %arg10[%rem3A_161, %rem3A_164, %dma_wait3A_165] : memref<2x16x64xi32, #tpu.memory_space<vmem>> -> memref<1x1x64xi32, #tpu.memory_space<vmem>>
    %dma_wait3A_167 = tpu.memref_squeeze %dma_wait3A_166 : memref<1x1x64xi32, #tpu.memory_space<vmem>> -> memref<64xi32, #tpu.memory_space<vmem>>
    %dma_wait3A_168 = arith.constant 0 : i32
    %dma_wait3A_169 = arith.constant 0 : i32
    %dma_wait3A_170 = tpu.memref_slice %arg26[%dma_wait3A_168, %dma_wait3A_169] : memref<10240x128xf32, #tpu.memory_space<vmem_shared>> -> memref<10240x128xf32, #tpu.memory_space<vmem_shared>>
    tpu.wait_indirect_dma semaphore(%arg34 : memref<!tpu.dma_semaphore, #tpu.memory_space<semaphore_mem>>) src(%arg23 : memref<64x128xf32, #tpu.memory_space<vmem>>) dst(%dma_wait3A_170 : memref<10240x128xf32, #tpu.memory_space<vmem_shared>>)
    %barrier3A_171 = arith.constant 0 : index
    tpu.barrier barrier_id(%barrier3A_171)
    %scan3A_172 = arith.constant 0 : i32
    %scan3A_173 = arith.constant 0 : i32
    %scan3A_174 = arith.constant 10 : i32
    %scan3A_175 = arith.addi %scan3A_173, %scan3A_174 : i32
    %scan3A_176 = arith.constant 1 : i32
    %scan3A_177 = scf.for %scan3A_179 = %scan3A_173 to %scan3A_175 step %scan3A_176 iter_args(%scan3A_180 = %scan3A_172) -> (i32)  : i32 {
      %mul3A_181 = arith.constant 64 : i32
      %mul3A_182 = arith.muli %scan3A_179, %mul3A_181 : i32
      %add3A_183 = arith.addi %mul3A_0, %mul3A_182 : i32
      "tpu.region"() ({
        %run_scoped3A = tpu.sem_alloc : memref<!tpu.dma_semaphore, #tpu.memory_space<semaphore_mem>>
        %dma_start3A_193 = arith.constant 0 : i32
        %dma_start3A_194 = tpu.memref_slice %arg26[%add3A_183, %dma_start3A_193] : memref<10240x128xf32, #tpu.memory_space<vmem_shared>> -> memref<64x128xf32, #tpu.memory_space<vmem_shared>>
        %dma_start3A_195 = arith.constant 0 : i32
        %dma_start3A_196 = tpu.memref_slice %arg26[%add3A_183, %dma_start3A_195] : memref<10240x128xf32, #tpu.memory_space<vmem_shared>> -> memref<64x128xf32, #tpu.memory_space<vmem_shared>>
        tpu.enqueue_dma source(%dma_start3A_196 : memref<64x128xf32, #tpu.memory_space<vmem_shared>>) target(%arg20 : memref<64x128xf32, #tpu.memory_space<vmem>>) target_semaphore(%run_scoped3A : memref<!tpu.dma_semaphore, #tpu.memory_space<semaphore_mem>>)
        %dma_wait3A_197 = arith.constant 0 : i32
        %dma_wait3A_198 = tpu.memref_slice %arg26[%add3A_183, %dma_wait3A_197] : memref<10240x128xf32, #tpu.memory_space<vmem_shared>> -> memref<64x128xf32, #tpu.memory_space<vmem_shared>>
        %dma_wait3A_199 = arith.constant 0 : i32
        %dma_wait3A_200 = tpu.memref_slice %arg26[%add3A_183, %dma_wait3A_199] : memref<10240x128xf32, #tpu.memory_space<vmem_shared>> -> memref<64x128xf32, #tpu.memory_space<vmem_shared>>
        tpu.wait_dma2 semaphore(%run_scoped3A : memref<!tpu.dma_semaphore, #tpu.memory_space<semaphore_mem>>) src(%dma_wait3A_200 : memref<64x128xf32, #tpu.memory_space<vmem_shared>>) dst(%arg20 : memref<64x128xf32, #tpu.memory_space<vmem>>)
        tpu.yield
      }) : () -> ()
      %add3A_184 = arith.addi %mul3A_2, %add3A_183 : i32
      "tpu.region"() ({
        %run_scoped3A = tpu.sem_alloc : memref<!tpu.dma_semaphore, #tpu.memory_space<semaphore_mem>>
        %dma_start3A_193 = arith.constant 0 : i32
        %dma_start3A_194 = tpu.memref_slice %arg5[%add3A_184, %dma_start3A_193] : memref<20480x128xf32, #tpu.memory_space<hbm>> -> memref<64x128xf32, #tpu.memory_space<hbm>>
        %dma_start3A_195 = arith.constant 0 : i32
        %dma_start3A_196 = tpu.memref_slice %arg5[%add3A_184, %dma_start3A_195] : memref<20480x128xf32, #tpu.memory_space<hbm>> -> memref<64x128xf32, #tpu.memory_space<hbm>>
        tpu.enqueue_dma source(%dma_start3A_196 : memref<64x128xf32, #tpu.memory_space<hbm>>) target(%arg21 : memref<64x128xf32, #tpu.memory_space<vmem>>) target_semaphore(%run_scoped3A : memref<!tpu.dma_semaphore, #tpu.memory_space<semaphore_mem>>)
        %dma_wait3A_197 = arith.constant 0 : i32
        %dma_wait3A_198 = tpu.memref_slice %arg5[%add3A_184, %dma_wait3A_197] : memref<20480x128xf32, #tpu.memory_space<hbm>> -> memref<64x128xf32, #tpu.memory_space<hbm>>
        %dma_wait3A_199 = arith.constant 0 : i32
        %dma_wait3A_200 = tpu.memref_slice %arg5[%add3A_184, %dma_wait3A_199] : memref<20480x128xf32, #tpu.memory_space<hbm>> -> memref<64x128xf32, #tpu.memory_space<hbm>>
        tpu.wait_dma2 semaphore(%run_scoped3A : memref<!tpu.dma_semaphore, #tpu.memory_space<semaphore_mem>>) src(%dma_wait3A_200 : memref<64x128xf32, #tpu.memory_space<hbm>>) dst(%arg21 : memref<64x128xf32, #tpu.memory_space<vmem>>)
        tpu.yield
      }) : () -> ()
      %scan3A_185 = arith.constant 0 : i32
      %scan3A_186 = arith.constant 0 : i32
      %scan3A_187 = arith.constant 64 : i32
      %scan3A_188 = arith.addi %scan3A_186, %scan3A_187 : i32
      %scan3A_189 = arith.constant 1 : i32
      %scan3A_190 = scf.for %scan3A_193 = %scan3A_186 to %scan3A_188 step %scan3A_189 iter_args(%scan3A_194 = %scan3A_185) -> (i32)  : i32 {
        %mul3A_195 = arith.constant 64 : i32
        %mul3A_196 = arith.muli %scan3A_179, %mul3A_195 : i32
        %add3A_197 = arith.addi %mul3A_196, %scan3A_193 : i32
        %broadcast_in_dim3A = vector.broadcast %add3A_197 : i32 to vector<16xi32>
        %gather3A = tpu.vector_load_idx %arg25[%broadcast_in_dim3A] : memref<640xf32, #tpu.memory_space<vmem>>[vector<16xi32>], vector<16xf32>,
        %get3A_198 = arith.index_cast %scan3A_193 : i32 to index
        %get3A_199 = arith.constant 0 : index
        %get3A_200 = tpu.vector_load %arg20[%get3A_198, %get3A_199] {strides = array<i32>} : memref<64x128xf32, #tpu.memory_space<vmem>>, vector<16xf32>,
        %get3A_201 = arith.index_cast %scan3A_193 : i32 to index
        %get3A_202 = arith.constant 0 : index
        %get3A_203 = tpu.vector_load %arg21[%get3A_201, %get3A_202] {strides = array<i32>} : memref<64x128xf32, #tpu.memory_space<vmem>>, vector<16xf32>,
        %add3A_204 = arith.addf %get3A_200, %get3A_203 : vector<16xf32>
        %mul3A_205 = arith.mulf %add3A_204, %gather3A : vector<16xf32>
        %get3A_206 = arith.constant 0 : index
        %get3A_207 = tpu.vector_load %arg24[%get3A_206] {strides = array<i32>} : memref<128xf32, #tpu.memory_space<vmem>>, vector<16xf32>,
        %add3A_208 = arith.addf %mul3A_205, %get3A_207 : vector<16xf32>
        %neg3A = arith.constant 0.000000e+00 : f32
        %neg3A_209 = vector.broadcast %neg3A : f32 to vector<16xf32>
        %neg3A_210 = arith.subf %neg3A_209, %add3A_208 : vector<16xf32>
        %exp3A = math.exp %neg3A_210 : vector<16xf32>
        %add3A_211 = arith.constant 1.000000e+00 : f32
        %add3A_212 = vector.broadcast %add3A_211 : f32 to vector<16xf32>
        %add3A_213 = arith.addf %add3A_212, %exp3A : vector<16xf32>
        %div3A = arith.constant 1.000000e+00 : f32
        %div3A_214 = vector.broadcast %div3A : f32 to vector<16xf32>
        %div3A_215 = arith.divf %div3A_214, %add3A_213 : vector<16xf32>
        %swap3A_216 = arith.index_cast %scan3A_193 : i32 to index
        %swap3A_217 = arith.constant 0 : index
        %swap3A_218 = tpu.vector_load %arg20[%swap3A_216, %swap3A_217] {strides = array<i32>} : memref<64x128xf32, #tpu.memory_space<vmem>>, vector<16xf32>,
        tpu.vector_store %arg20[%swap3A_216, %swap3A_217], %div3A_215 {strides = array<i32>} : memref<64x128xf32, #tpu.memory_space<vmem>>, vector<16xf32>,
        %get3A_219 = arith.index_cast %scan3A_193 : i32 to index
        %get3A_220 = arith.constant 16 : index
        %get3A_221 = tpu.vector_load %arg20[%get3A_219, %get3A_220] {strides = array<i32>} : memref<64x128xf32, #tpu.memory_space<vmem>>, vector<16xf32>,
        %get3A_222 = arith.index_cast %scan3A_193 : i32 to index
        %get3A_223 = arith.constant 16 : index
        %get3A_224 = tpu.vector_load %arg21[%get3A_222, %get3A_223] {strides = array<i32>} : memref<64x128xf32, #tpu.memory_space<vmem>>, vector<16xf32>,
        %add3A_225 = arith.addf %get3A_221, %get3A_224 : vector<16xf32>
        %mul3A_226 = arith.mulf %add3A_225, %gather3A : vector<16xf32>
        %get3A_227 = arith.constant 16 : index
        %get3A_228 = tpu.vector_load %arg24[%get3A_227] {strides = array<i32>} : memref<128xf32, #tpu.memory_space<vmem>>, vector<16xf32>,
        %add3A_229 = arith.addf %mul3A_226, %get3A_228 : vector<16xf32>
        %neg3A_230 = arith.constant 0.000000e+00 : f32
        %neg3A_231 = vector.broadcast %neg3A_230 : f32 to vector<16xf32>
        %neg3A_232 = arith.subf %neg3A_231, %add3A_229 : vector<16xf32>
        %exp3A_233 = math.exp %neg3A_232 : vector<16xf32>
        %add3A_234 = arith.constant 1.000000e+00 : f32
        %add3A_235 = vector.broadcast %add3A_234 : f32 to vector<16xf32>
        %add3A_236 = arith.addf %add3A_235, %exp3A_233 : vector<16xf32>
        %div3A_237 = arith.constant 1.000000e+00 : f32
        %div3A_238 = vector.broadcast %div3A_237 : f32 to vector<16xf32>
        %div3A_239 = arith.divf %div3A_238, %add3A_236 : vector<16xf32>
        %swap3A_240 = arith.index_cast %scan3A_193 : i32 to index
        %swap3A_241 = arith.constant 16 : index
        %swap3A_242 = tpu.vector_load %arg20[%swap3A_240, %swap3A_241] {strides = array<i32>} : memref<64x128xf32, #tpu.memory_space<vmem>>, vector<16xf32>,
        tpu.vector_store %arg20[%swap3A_240, %swap3A_241], %div3A_239 {strides = array<i32>} : memref<64x128xf32, #tpu.memory_space<vmem>>, vector<16xf32>,
        %get3A_243 = arith.index_cast %scan3A_193 : i32 to index
        %get3A_244 = arith.constant 32 : index
        %get3A_245 = tpu.vector_load %arg20[%get3A_243, %get3A_244] {strides = array<i32>} : memref<64x128xf32, #tpu.memory_space<vmem>>, vector<16xf32>,
        %get3A_246 = arith.index_cast %scan3A_193 : i32 to index
        %get3A_247 = arith.constant 32 : index
        %get3A_248 = tpu.vector_load %arg21[%get3A_246, %get3A_247] {strides = array<i32>} : memref<64x128xf32, #tpu.memory_space<vmem>>, vector<16xf32>,
        %add3A_249 = arith.addf %get3A_245, %get3A_248 : vector<16xf32>
        %mul3A_250 = arith.mulf %add3A_249, %gather3A : vector<16xf32>
        %get3A_251 = arith.constant 32 : index
        %get3A_252 = tpu.vector_load %arg24[%get3A_251] {strides = array<i32>} : memref<128xf32, #tpu.memory_space<vmem>>, vector<16xf32>,
        %add3A_253 = arith.addf %mul3A_250, %get3A_252 : vector<16xf32>
        %neg3A_254 = arith.constant 0.000000e+00 : f32
        %neg3A_255 = vector.broadcast %neg3A_254 : f32 to vector<16xf32>
        %neg3A_256 = arith.subf %neg3A_255, %add3A_253 : vector<16xf32>
        %exp3A_257 = math.exp %neg3A_256 : vector<16xf32>
        %add3A_258 = arith.constant 1.000000e+00 : f32
        %add3A_259 = vector.broadcast %add3A_258 : f32 to vector<16xf32>
        %add3A_260 = arith.addf %add3A_259, %exp3A_257 : vector<16xf32>
        %div3A_261 = arith.constant 1.000000e+00 : f32
        %div3A_262 = vector.broadcast %div3A_261 : f32 to vector<16xf32>
        %div3A_263 = arith.divf %div3A_262, %add3A_260 : vector<16xf32>
        %swap3A_264 = arith.index_cast %scan3A_193 : i32 to index
        %swap3A_265 = arith.constant 32 : index
        %swap3A_266 = tpu.vector_load %arg20[%swap3A_264, %swap3A_265] {strides = array<i32>} : memref<64x128xf32, #tpu.memory_space<vmem>>, vector<16xf32>,
        tpu.vector_store %arg20[%swap3A_264, %swap3A_265], %div3A_263 {strides = array<i32>} : memref<64x128xf32, #tpu.memory_space<vmem>>, vector<16xf32>,
        %get3A_267 = arith.index_cast %scan3A_193 : i32 to index
        %get3A_268 = arith.constant 48 : index
        %get3A_269 = tpu.vector_load %arg20[%get3A_267, %get3A_268] {strides = array<i32>} : memref<64x128xf32, #tpu.memory_space<vmem>>, vector<16xf32>,
        %get3A_270 = arith.index_cast %scan3A_193 : i32 to index
        %get3A_271 = arith.constant 48 : index
        %get3A_272 = tpu.vector_load %arg21[%get3A_270, %get3A_271] {strides = array<i32>} : memref<64x128xf32, #tpu.memory_space<vmem>>, vector<16xf32>,
        %add3A_273 = arith.addf %get3A_269, %get3A_272 : vector<16xf32>
        %mul3A_274 = arith.mulf %add3A_273, %gather3A : vector<16xf32>
        %get3A_275 = arith.constant 48 : index
        %get3A_276 = tpu.vector_load %arg24[%get3A_275] {strides = array<i32>} : memref<128xf32, #tpu.memory_space<vmem>>, vector<16xf32>,
        %add3A_277 = arith.addf %mul3A_274, %get3A_276 : vector<16xf32>
        %neg3A_278 = arith.constant 0.000000e+00 : f32
        %neg3A_279 = vector.broadcast %neg3A_278 : f32 to vector<16xf32>
        %neg3A_280 = arith.subf %neg3A_279, %add3A_277 : vector<16xf32>
        %exp3A_281 = math.exp %neg3A_280 : vector<16xf32>
        %add3A_282 = arith.constant 1.000000e+00 : f32
        %add3A_283 = vector.broadcast %add3A_282 : f32 to vector<16xf32>
        %add3A_284 = arith.addf %add3A_283, %exp3A_281 : vector<16xf32>
        %div3A_285 = arith.constant 1.000000e+00 : f32
        %div3A_286 = vector.broadcast %div3A_285 : f32 to vector<16xf32>
        %div3A_287 = arith.divf %div3A_286, %add3A_284 : vector<16xf32>
        %swap3A_288 = arith.index_cast %scan3A_193 : i32 to index
        %swap3A_289 = arith.constant 48 : index
        %swap3A_290 = tpu.vector_load %arg20[%swap3A_288, %swap3A_289] {strides = array<i32>} : memref<64x128xf32, #tpu.memory_space<vmem>>, vector<16xf32>,
        tpu.vector_store %arg20[%swap3A_288, %swap3A_289], %div3A_287 {strides = array<i32>} : memref<64x128xf32, #tpu.memory_space<vmem>>, vector<16xf32>,
        %get3A_291 = arith.index_cast %scan3A_193 : i32 to index
        %get3A_292 = arith.constant 64 : index
        %get3A_293 = tpu.vector_load %arg20[%get3A_291, %get3A_292] {strides = array<i32>} : memref<64x128xf32, #tpu.memory_space<vmem>>, vector<16xf32>,
        %get3A_294 = arith.index_cast %scan3A_193 : i32 to index
        %get3A_295 = arith.constant 64 : index
        %get3A_296 = tpu.vector_load %arg21[%get3A_294, %get3A_295] {strides = array<i32>} : memref<64x128xf32, #tpu.memory_space<vmem>>, vector<16xf32>,
        %add3A_297 = arith.addf %get3A_293, %get3A_296 : vector<16xf32>
        %mul3A_298 = arith.mulf %add3A_297, %gather3A : vector<16xf32>
        %get3A_299 = arith.constant 64 : index
        %get3A_300 = tpu.vector_load %arg24[%get3A_299] {strides = array<i32>} : memref<128xf32, #tpu.memory_space<vmem>>, vector<16xf32>,
        %add3A_301 = arith.addf %mul3A_298, %get3A_300 : vector<16xf32>
        %neg3A_302 = arith.constant 0.000000e+00 : f32
        %neg3A_303 = vector.broadcast %neg3A_302 : f32 to vector<16xf32>
        %neg3A_304 = arith.subf %neg3A_303, %add3A_301 : vector<16xf32>
        %exp3A_305 = math.exp %neg3A_304 : vector<16xf32>
        %add3A_306 = arith.constant 1.000000e+00 : f32
        %add3A_307 = vector.broadcast %add3A_306 : f32 to vector<16xf32>
        %add3A_308 = arith.addf %add3A_307, %exp3A_305 : vector<16xf32>
        %div3A_309 = arith.constant 1.000000e+00 : f32
        %div3A_310 = vector.broadcast %div3A_309 : f32 to vector<16xf32>
        %div3A_311 = arith.divf %div3A_310, %add3A_308 : vector<16xf32>
        %swap3A_312 = arith.index_cast %scan3A_193 : i32 to index
        %swap3A_313 = arith.constant 64 : index
        %swap3A_314 = tpu.vector_load %arg20[%swap3A_312, %swap3A_313] {strides = array<i32>} : memref<64x128xf32, #tpu.memory_space<vmem>>, vector<16xf32>,
        tpu.vector_store %arg20[%swap3A_312, %swap3A_313], %div3A_311 {strides = array<i32>} : memref<64x128xf32, #tpu.memory_space<vmem>>, vector<16xf32>,
        %get3A_315 = arith.index_cast %scan3A_193 : i32 to index
        %get3A_316 = arith.constant 80 : index
        %get3A_317 = tpu.vector_load %arg20[%get3A_315, %get3A_316] {strides = array<i32>} : memref<64x128xf32, #tpu.memory_space<vmem>>, vector<16xf32>,
        %get3A_318 = arith.index_cast %scan3A_193 : i32 to index
        %get3A_319 = arith.constant 80 : index
        %get3A_320 = tpu.vector_load %arg21[%get3A_318, %get3A_319] {strides = array<i32>} : memref<64x128xf32, #tpu.memory_space<vmem>>, vector<16xf32>,
        %add3A_321 = arith.addf %get3A_317, %get3A_320 : vector<16xf32>
        %mul3A_322 = arith.mulf %add3A_321, %gather3A : vector<16xf32>
        %get3A_323 = arith.constant 80 : index
        %get3A_324 = tpu.vector_load %arg24[%get3A_323] {strides = array<i32>} : memref<128xf32, #tpu.memory_space<vmem>>, vector<16xf32>,
        %add3A_325 = arith.addf %mul3A_322, %get3A_324 : vector<16xf32>
        %neg3A_326 = arith.constant 0.000000e+00 : f32
        %neg3A_327 = vector.broadcast %neg3A_326 : f32 to vector<16xf32>
        %neg3A_328 = arith.subf %neg3A_327, %add3A_325 : vector<16xf32>
        %exp3A_329 = math.exp %neg3A_328 : vector<16xf32>
        %add3A_330 = arith.constant 1.000000e+00 : f32
        %add3A_331 = vector.broadcast %add3A_330 : f32 to vector<16xf32>
        %add3A_332 = arith.addf %add3A_331, %exp3A_329 : vector<16xf32>
        %div3A_333 = arith.constant 1.000000e+00 : f32
        %div3A_334 = vector.broadcast %div3A_333 : f32 to vector<16xf32>
        %div3A_335 = arith.divf %div3A_334, %add3A_332 : vector<16xf32>
        %swap3A_336 = arith.index_cast %scan3A_193 : i32 to index
        %swap3A_337 = arith.constant 80 : index
        %swap3A_338 = tpu.vector_load %arg20[%swap3A_336, %swap3A_337] {strides = array<i32>} : memref<64x128xf32, #tpu.memory_space<vmem>>, vector<16xf32>,
        tpu.vector_store %arg20[%swap3A_336, %swap3A_337], %div3A_335 {strides = array<i32>} : memref<64x128xf32, #tpu.memory_space<vmem>>, vector<16xf32>,
        %get3A_339 = arith.index_cast %scan3A_193 : i32 to index
        %get3A_340 = arith.constant 96 : index
        %get3A_341 = tpu.vector_load %arg20[%get3A_339, %get3A_340] {strides = array<i32>} : memref<64x128xf32, #tpu.memory_space<vmem>>, vector<16xf32>,
        %get3A_342 = arith.index_cast %scan3A_193 : i32 to index
        %get3A_343 = arith.constant 96 : index
        %get3A_344 = tpu.vector_load %arg21[%get3A_342, %get3A_343] {strides = array<i32>} : memref<64x128xf32, #tpu.memory_space<vmem>>, vector<16xf32>,
        %add3A_345 = arith.addf %get3A_341, %get3A_344 : vector<16xf32>
        %mul3A_346 = arith.mulf %add3A_345, %gather3A : vector<16xf32>
        %get3A_347 = arith.constant 96 : index
        %get3A_348 = tpu.vector_load %arg24[%get3A_347] {strides = array<i32>} : memref<128xf32, #tpu.memory_space<vmem>>, vector<16xf32>,
        %add3A_349 = arith.addf %mul3A_346, %get3A_348 : vector<16xf32>
        %neg3A_350 = arith.constant 0.000000e+00 : f32
        %neg3A_351 = vector.broadcast %neg3A_350 : f32 to vector<16xf32>
        %neg3A_352 = arith.subf %neg3A_351, %add3A_349 : vector<16xf32>
        %exp3A_353 = math.exp %neg3A_352 : vector<16xf32>
        %add3A_354 = arith.constant 1.000000e+00 : f32
        %add3A_355 = vector.broadcast %add3A_354 : f32 to vector<16xf32>
        %add3A_356 = arith.addf %add3A_355, %exp3A_353 : vector<16xf32>
        %div3A_357 = arith.constant 1.000000e+00 : f32
        %div3A_358 = vector.broadcast %div3A_357 : f32 to vector<16xf32>
        %div3A_359 = arith.divf %div3A_358, %add3A_356 : vector<16xf32>
        %swap3A_360 = arith.index_cast %scan3A_193 : i32 to index
        %swap3A_361 = arith.constant 96 : index
        %swap3A_362 = tpu.vector_load %arg20[%swap3A_360, %swap3A_361] {strides = array<i32>} : memref<64x128xf32, #tpu.memory_space<vmem>>, vector<16xf32>,
        tpu.vector_store %arg20[%swap3A_360, %swap3A_361], %div3A_359 {strides = array<i32>} : memref<64x128xf32, #tpu.memory_space<vmem>>, vector<16xf32>,
        %get3A_363 = arith.index_cast %scan3A_193 : i32 to index
        %get3A_364 = arith.constant 112 : index
        %get3A_365 = tpu.vector_load %arg20[%get3A_363, %get3A_364] {strides = array<i32>} : memref<64x128xf32, #tpu.memory_space<vmem>>, vector<16xf32>,
        %get3A_366 = arith.index_cast %scan3A_193 : i32 to index
        %get3A_367 = arith.constant 112 : index
        %get3A_368 = tpu.vector_load %arg21[%get3A_366, %get3A_367] {strides = array<i32>} : memref<64x128xf32, #tpu.memory_space<vmem>>, vector<16xf32>,
        %add3A_369 = arith.addf %get3A_365, %get3A_368 : vector<16xf32>
        %mul3A_370 = arith.mulf %add3A_369, %gather3A : vector<16xf32>
        %get3A_371 = arith.constant 112 : index
        %get3A_372 = tpu.vector_load %arg24[%get3A_371] {strides = array<i32>} : memref<128xf32, #tpu.memory_space<vmem>>, vector<16xf32>,
        %add3A_373 = arith.addf %mul3A_370, %get3A_372 : vector<16xf32>
        %neg3A_374 = arith.constant 0.000000e+00 : f32
        %neg3A_375 = vector.broadcast %neg3A_374 : f32 to vector<16xf32>
        %neg3A_376 = arith.subf %neg3A_375, %add3A_373 : vector<16xf32>
        %exp3A_377 = math.exp %neg3A_376 : vector<16xf32>
        %add3A_378 = arith.constant 1.000000e+00 : f32
        %add3A_379 = vector.broadcast %add3A_378 : f32 to vector<16xf32>
        %add3A_380 = arith.addf %add3A_379, %exp3A_377 : vector<16xf32>
        %div3A_381 = arith.constant 1.000000e+00 : f32
        %div3A_382 = vector.broadcast %div3A_381 : f32 to vector<16xf32>
        %div3A_383 = arith.divf %div3A_382, %add3A_380 : vector<16xf32>
        %swap3A_384 = arith.index_cast %scan3A_193 : i32 to index
        %swap3A_385 = arith.constant 112 : index
        %swap3A_386 = tpu.vector_load %arg20[%swap3A_384, %swap3A_385] {strides = array<i32>} : memref<64x128xf32, #tpu.memory_space<vmem>>, vector<16xf32>,
        tpu.vector_store %arg20[%swap3A_384, %swap3A_385], %div3A_383 {strides = array<i32>} : memref<64x128xf32, #tpu.memory_space<vmem>>, vector<16xf32>,
        %scan3A_387 = arith.constant 0 : i32
        scf.yield %scan3A_387 : i32
      }
      %scan3A_191 = arith.constant 64 : i32
      "tpu.region"() ({
        %run_scoped3A = tpu.sem_alloc : memref<!tpu.dma_semaphore, #tpu.memory_space<semaphore_mem>>
        %dma_start3A_193 = arith.constant 0 : i32
        %dma_start3A_194 = tpu.memref_slice %arg8[%arg0, %add3A_183, %dma_start3A_193] : memref<2x10240x128xf32, #tpu.memory_space<hbm>> -> memref<1x64x128xf32, #tpu.memory_space<hbm>>
        %dma_start3A_195 = tpu.memref_squeeze %dma_start3A_194 : memref<1x64x128xf32, #tpu.memory_space<hbm>> -> memref<64x128xf32, #tpu.memory_space<hbm>>
        %dma_start3A_196 = arith.constant 0 : i32
        %dma_start3A_197 = tpu.memref_slice %arg8[%arg0, %add3A_183, %dma_start3A_196] : memref<2x10240x128xf32, #tpu.memory_space<hbm>> -> memref<1x64x128xf32, #tpu.memory_space<hbm>>
        %dma_start3A_198 = tpu.memref_squeeze %dma_start3A_197 : memref<1x64x128xf32, #tpu.memory_space<hbm>> -> memref<64x128xf32, #tpu.memory_space<hbm>>
        tpu.enqueue_dma source(%arg20 : memref<64x128xf32, #tpu.memory_space<vmem>>) target(%dma_start3A_198 : memref<64x128xf32, #tpu.memory_space<hbm>>) target_semaphore(%run_scoped3A : memref<!tpu.dma_semaphore, #tpu.memory_space<semaphore_mem>>)
        %dma_wait3A_199 = arith.constant 0 : i32
        %dma_wait3A_200 = tpu.memref_slice %arg8[%arg0, %add3A_183, %dma_wait3A_199] : memref<2x10240x128xf32, #tpu.memory_space<hbm>> -> memref<1x64x128xf32, #tpu.memory_space<hbm>>
        %dma_wait3A_201 = tpu.memref_squeeze %dma_wait3A_200 : memref<1x64x128xf32, #tpu.memory_space<hbm>> -> memref<64x128xf32, #tpu.memory_space<hbm>>
        %dma_wait3A_202 = arith.constant 0 : i32
        %dma_wait3A_203 = tpu.memref_slice %arg8[%arg0, %add3A_183, %dma_wait3A_202] : memref<2x10240x128xf32, #tpu.memory_space<hbm>> -> memref<1x64x128xf32, #tpu.memory_space<hbm>>
        %dma_wait3A_204 = tpu.memref_squeeze %dma_wait3A_203 : memref<1x64x128xf32, #tpu.memory_space<hbm>> -> memref<64x128xf32, #tpu.memory_space<hbm>>
        tpu.wait_dma2 semaphore(%run_scoped3A : memref<!tpu.dma_semaphore, #tpu.memory_space<semaphore_mem>>) src(%arg20 : memref<64x128xf32, #tpu.memory_space<vmem>>) dst(%dma_wait3A_204 : memref<64x128xf32, #tpu.memory_space<hbm>>)
        tpu.yield
      }) : () -> ()
      %scan3A_192 = arith.constant 0 : i32
      scf.yield %scan3A_192 : i32
    }
    %scan3A_178 = arith.constant 10 : i32
    return
  }
}

module attributes {stable_mosaic.version = 14 : i64} {
  func.func @body(%arg0: memref<80x128xf32, #tpu.memory_space<vmem>>, %arg1: memref<80x128xf32, #tpu.memory_space<vmem>>) attributes {dimension_semantics = [], scalar_prefetch = 0 : i64, scratch_operands = 0 : i64, tpu.core_type = #tpu.core_type<tc>} {
    %get3A = arith.constant 0 : index
    %get3A_0 = arith.constant 0 : index
    %get3A_1 = vector.load %arg0[%get3A, %get3A_0] : memref<80x128xf32, #tpu.memory_space<vmem>>, vector<80x128xf32>
    %add3A = arith.constant 1.000000e+00 : f32
    %add3A_2 = vector.broadcast %add3A : f32 to vector<80x128xf32>
    %add3A_3 = arith.addf %get3A_1, %add3A_2 : vector<80x128xf32>
    %rsqrt3A = math.rsqrt %add3A_3 : vector<80x128xf32>
    %swap3A = arith.constant 0 : index
    %swap3A_4 = arith.constant 0 : index
    %swap3A_5 = vector.load %arg1[%swap3A, %swap3A_4] : memref<80x128xf32, #tpu.memory_space<vmem>>, vector<80x128xf32>
    tpu.vector_store %arg1[%swap3A, %swap3A_4], %rsqrt3A {strides = array<i32>} : memref<80x128xf32, #tpu.memory_space<vmem>>, vector<80x128xf32>,
    return
  }
}

module attributes {stable_mosaic.version = 14 : i64} {
  func.func @body(%arg0: i32, %arg1: i32, %arg2: memref<512x256xf32, #tpu.memory_space<vmem>>, %arg3: memref<256x128xf32, #tpu.memory_space<vmem>>, %arg4: memref<512x1xf32, #tpu.memory_space<vmem>>, %arg5: memref<512x128xf32, #tpu.memory_space<vmem>>) attributes {dimension_semantics = [#tpu.dimension_semantics<arbitrary>, #tpu.dimension_semantics<arbitrary>], iteration_bounds = array<i64: 2, 20>, scalar_prefetch = 0 : i64, scratch_operands = 0 : i64, tpu.core_type = #tpu.core_type<tc>, window_params = [{transform_indices = @transform_0, window_bounds = array<i64: 512, 256>}, {transform_indices = @transform_1, window_bounds = array<i64: 256, 128>}, {transform_indices = @transform_2, window_bounds = array<i64: 512, 1>}, {transform_indices = @transform_3, window_bounds = array<i64: 512, 128>}]} {
    %get3A = arith.constant 0 : index
    %get3A_0 = arith.constant 0 : index
    %get3A_1 = vector.load %arg4[%get3A, %get3A_0] : memref<512x1xf32, #tpu.memory_space<vmem>>, vector<512x1xf32>
    %get3A_2 = arith.constant 0 : index
    %get3A_3 = arith.constant 0 : index
    %get3A_4 = vector.load %arg2[%get3A_2, %get3A_3] : memref<512x256xf32, #tpu.memory_space<vmem>>, vector<512x256xf32>
    %get3A_5 = arith.constant 0 : index
    %get3A_6 = arith.constant 0 : index
    %get3A_7 = vector.load %arg3[%get3A_5, %get3A_6] : memref<256x128xf32, #tpu.memory_space<vmem>>, vector<256x128xf32>
    %dot_general3A = arith.constant dense<0.000000e+00> : vector<512x128xf32>
    %dot_general3A_8 = tpu.matmul %get3A_4, %get3A_7, %dot_general3A {dimension_numbers = #tpu.dot_dimension_numbers<[1], [0], [0], [1], [0, 0, 1, 1], [], []>, transpose_lhs_hint = false} : vector<512x256xf32>, vector<256x128xf32>, vector<512x128xf32> -> vector<512x128xf32>
    %mul3A = vector.broadcast %get3A_1 : vector<512x1xf32> to vector<512x128xf32>
    %mul3A_9 = arith.mulf %mul3A, %dot_general3A_8 : vector<512x128xf32>
    %swap3A = arith.constant 0 : index
    %swap3A_10 = arith.constant 0 : index
    %swap3A_11 = vector.load %arg5[%swap3A, %swap3A_10] : memref<512x128xf32, #tpu.memory_space<vmem>>, vector<512x128xf32>
    tpu.vector_store %arg5[%swap3A, %swap3A_10], %mul3A_9 {strides = array<i32>} : memref<512x128xf32, #tpu.memory_space<vmem>>, vector<512x128xf32>,
    return
  }
  func.func @transform_0(%arg0: i32, %arg1: i32) -> (i32, i32) {
    %c0_i32 = arith.constant 0 : i32
    %c0_i32_0 = arith.constant 0 : i32
    return %arg1, %c0_i32 : i32, i32
  }
  func.func @transform_1(%arg0: i32, %arg1: i32) -> (i32, i32) {
    %c0_i32 = arith.constant 0 : i32
    %c0_i32_0 = arith.constant 0 : i32
    return %c0_i32, %arg0 : i32, i32
  }
  func.func @transform_2(%arg0: i32, %arg1: i32) -> (i32, i32) {
    %c0_i32 = arith.constant 0 : i32
    %c0_i32_0 = arith.constant 0 : i32
    return %arg1, %c0_i32 : i32, i32
  }
  func.func @transform_3(%arg0: i32, %arg1: i32) -> (i32, i32) {
    %mul3A = arith.constant 20 : i32
    %mul3A_0 = arith.muli %arg0, %mul3A : i32
    %add3A = arith.addi %mul3A_0, %arg1 : i32
    %c0_i32 = arith.constant 0 : i32
    %c0_i32_1 = arith.constant 0 : i32
    return %add3A, %c0_i32 : i32, i32
  }
}

module attributes {stable_mosaic.version = 14 : i64} {
  func.func @body(%arg0: memref<2x80x128xf32, #tpu.memory_space<vmem>>, %arg1: memref<80x128xf32, #tpu.memory_space<vmem>>, %arg2: memref<80x128xf32, #tpu.memory_space<vmem>>, %arg3: memref<1x1xf32, #tpu.memory_space<vmem>>, %arg4: memref<80x128xf32, #tpu.memory_space<vmem>>) attributes {dimension_semantics = [], scalar_prefetch = 0 : i64, scratch_operands = 0 : i64, tpu.core_type = #tpu.core_type<tc>} {
    %get3A = arith.constant 0 : index
    %get3A_0 = arith.constant 0 : index
    %get3A_1 = vector.load %arg2[%get3A, %get3A_0] : memref<80x128xf32, #tpu.memory_space<vmem>>, vector<80x128xf32>
    %get3A_2 = arith.constant 0 : index
    %get3A_3 = arith.constant 0 : index
    %get3A_4 = arith.constant 0 : index
    %get3A_5 = vector.load %arg0[%get3A_2, %get3A_3, %get3A_4] : memref<2x80x128xf32, #tpu.memory_space<vmem>>, vector<1x80x128xf32>
    %get3A_6 = vector.shape_cast %get3A_5 : vector<1x80x128xf32> to vector<80x128xf32>
    %get3A_7 = arith.constant 1 : index
    %get3A_8 = arith.constant 0 : index
    %get3A_9 = arith.constant 0 : index
    %get3A_10 = vector.load %arg0[%get3A_7, %get3A_8, %get3A_9] : memref<2x80x128xf32, #tpu.memory_space<vmem>>, vector<1x80x128xf32>
    %get3A_11 = vector.shape_cast %get3A_10 : vector<1x80x128xf32> to vector<80x128xf32>
    %add3A = arith.addf %get3A_6, %get3A_11 : vector<80x128xf32>
    %get3A_12 = arith.constant 0 : index
    %get3A_13 = arith.constant 0 : index
    %get3A_14 = vector.load %arg1[%get3A_12, %get3A_13] : memref<80x128xf32, #tpu.memory_space<vmem>>, vector<80x128xf32>
    %add3A_15 = arith.addf %add3A, %get3A_14 : vector<80x128xf32>
    %mul3A = arith.mulf %get3A_1, %add3A_15 : vector<80x128xf32>
    %get3A_16 = arith.constant 0 : index
    %get3A_17 = arith.constant 0 : index
    %get3A_18 = vector.load %arg3[%get3A_16, %get3A_17] : memref<1x1xf32, #tpu.memory_space<vmem>>, vector<1x1xf32>
    %add3A_19 = vector.broadcast %get3A_18 : vector<1x1xf32> to vector<80x128xf32>
    %add3A_20 = arith.addf %mul3A, %add3A_19 : vector<80x128xf32>
    %logistic3A = arith.negf %add3A_20 : vector<80x128xf32>
    %logistic3A_21 = math.exp %logistic3A : vector<80x128xf32>
    %logistic3A_22 = arith.constant 1.000000e+00 : f32
    %logistic3A_23 = vector.broadcast %logistic3A_22 : f32 to vector<80x128xf32>
    %logistic3A_24 = arith.addf %logistic3A_23, %logistic3A_21 : vector<80x128xf32>
    %logistic3A_25 = arith.divf %logistic3A_23, %logistic3A_24 : vector<80x128xf32>
    %swap3A = arith.constant 0 : index
    %swap3A_26 = arith.constant 0 : index
    %swap3A_27 = vector.load %arg4[%swap3A, %swap3A_26] : memref<80x128xf32, #tpu.memory_space<vmem>>, vector<80x128xf32>
    tpu.vector_store %arg4[%swap3A, %swap3A_26], %logistic3A_25 {strides = array<i32>} : memref<80x128xf32, #tpu.memory_space<vmem>>, vector<80x128xf32>,
    return
  }
}

</mosaic_0001>

<sc_bundles>
// kernel: kernel.11.cloned.1.call-start
scs
__scs_entry_jumppad:
0x0: {  	(pc) =	sbr.rel $0x88, $3  }
0x1: {  	(tag) =	ssettag $0x0;
	lr =	simm.s32 $0x1  }
0x2: {  	[smem:$0x3F9A] =	sst lr;
	_ =	strace $0xD0000000  }
0x3: {  	_ = 	snop  }
0x4: {  	_ = 	snop  }
0x5: {  	_ = 	snop  }
0x6: {  	_ = 	snop  }
0x7: {  	_ = 	snop  }
__scs_overlays_trampoline_lowered:
0x8: {  	[smem:$0x3FA9] =	sst s0  }
0x9: {  	[smem:$0x3FAA] =	sst s1  }
0xa: {  	[smem:$0x3FAB] =	sst s2  }
0xb: {  	[smem:$0x3FAC] =	sst s3  }
0xc: {  	[smem:$0x3FAD] =	sst s4  }
0xd: {  	[smem:$0x3FAE] =	sst s5  }
0xe: {  	[smem:$0x3FAF] =	sst s6  }
0xf: {  	[smem:$0x3FB0] =	sst s7  }
0x10: {  	[smem:$0x3FB1] =	sst s8  }
0x11: {  	[smem:$0x3FB2] =	sst s9;
	s0 =	simm.s32 @!p0 $0x0  }
0x12: {  	s1 =	sld [smem:$0x3F98];
	s0 =	simm.s32 @p0 $0x1  }
0x13: {  	[smem:$0x3FB3] =	sst s0;
	s0 =	simm.s32 @!p1 $0x0  }
0x14: {  	s2 =	sld [smem:$0x3F97];
	s0 =	simm.s32 @p1 $0x1  }
0x15: {  	[smem:$0x3FB4] =	sst s0;
	s0 =	simm.s32 @!p2 $0x0  }
0x16: {  	s3 =	sld [smem:$0x3FDB];
	s0 =	simm.s32 @p2 $0x1  }
0x17: {  	s4 =	simm.s32 $0x1BF5;
	[smem:$0x3FB6] =	sst s0  }
0x18: {  	s0 =	sld [smem:$0x3F99];
	_ =	swait.ge [sflag:s4], $0x0  }
0x19: {  	s7 =	sld [smem:$0x3F9A]  }
0x1a: {  	s8 =	sadd.s32 $0xFFFFE003, lr  }
0x1b: {  	s9 =	sadd.s32 $0xFFFFFEF7, lr;
	s5 =	simm.s32 $0xFFFFFFFF;
	p2 =	slt.u32 s8, $0xFFFFF086  }
0x1c: {  	p1 =	slt.u32 s9, $0xF7A;
	s5 =	simm.s32 @!p2 $0x0  }
0x1d: {  	s5 =	simm.s32 @p1 $0x1;
	p0 =	seq.s32 s7, s2  }
0x1e: {  	s7 =	smul.u32 @!p0 $0xF7A, s2;
	p2 =	seq.s32 @!p0 s5, $0x0  }
0x1f: {  	s9 =	smul.u32 $0xF7A, s1;
	s8 =	simm.s32 @!p0 $0x1BF5;
	p2 =	por !p2, p0  }
0x20: {  	[sflag:s8] =	ssyncset.s32 @!p0 $0xFFFFF086;
	s6 =	sadd.s32 @!p0 s3, s7;
	s7 =	simm.s32 @!p0 $0x108  }
0x21: {  	s3 =	sadd.s32 s3, s9;
	s6 =	sadd.s32 @!p0 $0x88, s6;
	s7 =	simm.s32 @p2 $0x1082  }
0x22: {  	[simem:s7], [sflag:s8] =	dma.local @!p0 [hbm:s6], $0xF7A  }
0x23: {  	s9 =	sor.u32 $0xD0000000, s2;
	s6 =	simm.s32 $0x108;
	_ =	swait.ge @!p0 [sflag:s8], $0x0  }
0x24: {  	s3 =	sadd.s32 $0x88, s3;
	s6 =	simm.s32 @!p1 $0x1082;
	[sflag:s4] =	ssyncset.s32 $0xFFFFF086  }
0x25: {  	[simem:s6], [sflag:s4] =	dma.local [hbm:s3], $0xF7A  }
0x26: {  	[smem:$0x3F9A] =	sst s1;
	(tag) =	ssettag s2;
	_ =	strace s9  }
0x27: {  	s1 =	sld [smem:$0x3FAA]  }
0x28: {  	s2 =	sld [smem:$0x3FAB]  }
0x29: {  	s4 =	sld [smem:$0x3FAD]  }
0x2a: {  	p0 =	seq.s32 s5, $0x0;
	s5 =	sld [smem:$0x3FAE]  }
0x2b: {  	s6 =	sld [smem:$0x3FAF]  }
0x2c: {  	s7 =	sld [smem:$0x3FB0]  }
0x2d: {  	s3 =	simm.s32 $0x108;
	s8 =	sld [smem:$0x3FB1]  }
0x2e: {  	s3 =	simm.s32 @!p0 $0x1082;
	s9 =	sld [smem:$0x3FB2]  }
0x2f: {  	lr =	sadd.s32 s0, s3;
	s0 =	sld [smem:$0x3FA9]  }
0x30: {  	s3 =	sld [smem:$0x3FAC]  }
0x31: {  	[smem:$0x3FB5] =	sst s10  }
0x32: {  	s10 =	sld [smem:$0x3FB3];
	_ =	sdelay $0x3  }
0x33: {  	p0 =	seq.s32 s10, $0x1;
	s10 =	sld [smem:$0x3FB5];
	_ =	sdelay $0x3  }
0x34: {  	[smem:$0x3FB5] =	sst s10  }
0x35: {  	s10 =	sld [smem:$0x3FB4];
	_ =	sdelay $0x3  }
0x36: {  	p1 =	seq.s32 s10, $0x1;
	s10 =	sld [smem:$0x3FB5];
	_ =	sdelay $0x3  }
0x37: {  	[smem:$0x3FB5] =	sst s10  }
0x38: {  	s10 =	sld [smem:$0x3FB6]  }
0x39: {  	_ = 	snop;
	(pc) =	sbr.ind lr, $3  }
0x3a: {  	_ = 	snop  }
0x3b: {  	_ = 	snop  }
0x3c: {  	p2 =	seq.s32 s10, $0x1;
	s10 =	sld [smem:$0x3FB5]  }
0x3d: {  	_ =	shalt  }
0x3e: {  	_ =	shalt  }
0x3f: {  	_ =	shalt  }
0x40: {  	_ =	shalt  }
0x41: {  	_ =	shalt  }
0x42: {  	_ =	shalt  }
0x43: {  	_ =	shalt  }
0x44: {  	_ =	shalt  }
0x45: {  	_ =	shalt  }
0x46: {  	_ =	shalt  }
0x47: {  	_ =	shalt  }
0x48: {  	_ =	shalt  }
0x49: {  	_ =	shalt  }
0x4a: {  	_ =	shalt  }
0x4b: {  	_ =	shalt  }
0x4c: {  	_ =	shalt  }
0x4d: {  	_ =	shalt  }
0x4e: {  	_ =	shalt  }
0x4f: {  	_ =	shalt  }
0x50: {  	_ =	shalt  }
0x51: {  	_ =	shalt  }
0x52: {  	_ =	shalt  }
0x53: {  	_ =	shalt  }
0x54: {  	_ =	shalt  }
0x55: {  	_ =	shalt  }
0x56: {  	_ =	shalt  }
0x57: {  	_ =	shalt  }
0x58: {  	_ =	shalt  }
0x59: {  	_ =	shalt  }
0x5a: {  	_ =	shalt  }
0x5b: {  	_ =	shalt  }
0x5c: {  	_ =	shalt  }
0x5d: {  	_ =	shalt  }
0x5e: {  	_ =	shalt  }
0x5f: {  	_ =	shalt  }
0x60: {  	_ =	shalt  }
0x61: {  	_ =	shalt  }
0x62: {  	_ =	shalt  }
0x63: {  	_ =	shalt  }
0x64: {  	_ =	shalt  }
0x65: {  	_ =	shalt  }
0x66: {  	_ =	shalt  }
0x67: {  	_ =	shalt  }
0x68: {  	_ =	shalt  }
0x69: {  	_ =	shalt  }
0x6a: {  	_ =	shalt  }
0x6b: {  	_ =	shalt  }
0x6c: {  	_ =	shalt  }
0x6d: {  	_ =	shalt  }
0x6e: {  	_ =	shalt  }
0x6f: {  	_ =	shalt  }
0x70: {  	_ =	shalt  }
0x71: {  	_ =	shalt  }
0x72: {  	_ =	shalt  }
0x73: {  	_ =	shalt  }
0x74: {  	_ =	shalt  }
0x75: {  	_ =	shalt  }
0x76: {  	_ =	shalt  }
0x77: {  	_ =	shalt  }
0x78: {  	_ =	shalt  }
0x79: {  	_ =	shalt  }
0x7a: {  	_ =	shalt  }
0x7b: {  	_ =	shalt  }
0x7c: {  	_ =	shalt  }
0x7d: {  	_ =	shalt  }
0x7e: {  	_ =	shalt  }
0x7f: {  	_ =	shalt  }
0x80: {  	_ =	shalt  }
0x81: {  	_ =	shalt  }
0x82: {  	_ =	shalt  }
0x83: {  	_ =	shalt  }
0x84: {  	_ =	shalt  }
0x85: {  	_ =	shalt  }
0x86: {  	_ =	shalt  }
0x87: {  	_ =	shalt  }
.Lfunc_end0:
.L_simem_size_0:
called_computation.1_lowered:
.L_overlay_start_0:
0x88: {  	s2 =	sld [smem:$0x3FD9]  }
0x89: {  	s3 =	sld [smem:$0x3FFE];
	_ =	sdelay $0x1  }
0x8a: {  	s1 =	srdreg.scid  }
0x8b: {  	s0 =	sand.u32 $0x1, s1  }
0x8c: {  	s17 =	sshll.u32 s0, $0xA;
	s2 =	sadd.s32 s3, s2  }
0x8d: {  	s2 =	sadd.s32 s2, s17  }
0x8e: {  	[smem:$0x3FC1] =	sst s2  }
0x8f: {  	_ = 	snop  }
0x90: {  	s2 =	sld [smem:$0x3FC5];
	(tm) =	ssettm $0x1  }
0x91: {  	s18 =	sld [smem:$0x3FFB];
	_ =	sdelay $0x3  }
0x92: {  	_ =	strace s18  }
0x93: {  	s3 =	sld [smem:$0x3FFC];
	_ =	sdelay $0x3  }
0x94: {  	_ =	strace s3  }
0x95: {  	s3 =	sld [smem:$0x3FFD];
	_ =	sdelay $0x3  }
0x96: {  	_ =	strace s3  }
0x97: {  	_ =	strace $0x8FFFFFFF  }
0x98: {  	s19 =	sld [smem:$0x3FDB];
	_ =	sdelay $0x1  }
0x99: {  	s4 =	simm.s32 $_scs_section_size  }
0x9a: {  	s5 =	simm.s32 $_size__tile_overlayer_lowered;
	s6 =	simm.s32 $_tile_overlayer_lowered  }
0x9b: {  	s22 =	simm.s32 $0x1BFF;
	s21 =	sshll.u32 s6, $0x1;
	s3 =	sadd.s32 s4, s19  }
0x9c: {  	s7 =	simm.s32 $0x0;
	s20 =	sshll.u32 s5, $0x1;
	s5 =	sadd.s32 s21, s3  }
0x9d: {  	[timem:s7], [sflag:s22] =	dma.local [hbm:s5], s20  }
0x9e: {  	_ =	swait.ge [sflag:s22], s20  }
0x9f: {  	s4 =	ssub.s32 $0x0, s20;
	[sflag:s22] =	ssyncset.done $0x0  }
0xa0: {  	[sflag:s22] =	ssyncadd.s32 s4;
	_ =	sdelay $0x1  }
0xa1: {  	s23 =	simm.s32 $0x1B8B  }
0xa2: {  	_ =	swait.ge [sflag:s23], $0x1  }
0xa3: {  	[sflag:s23] =	ssyncset.done $0x0  }
0xa4: {  	s25 =	simm.s32 $0x1B8E;
	s24 =	sld [smem:$0x3FFE];
	[sflag:s23] =	ssyncadd.s32 $0xFFFFFFFF  }
0xa5: {  	s26 =	simm.s32 $execute0_lowered;
	[smem:$0x3FD2] =	sst s25  }
0xa6: {  	s5 =	sshll.u32 s26, $0x1;
	_ =	strace $0x80000049;
	[dreg:$0x1] =	wrdreg $0xFFFFFFFF  }
0xa7: {  	s28 =	simm.s32 $_size_execute0_lowered;
	s3 =	sadd.s32 s3, s5;
	[dreg:$0x0] =	wrdreg $0x0  }
0xa8: {  	s5 =	sshll.u32 s28, $0x1;
	[dreg:$0x2] =	wrdreg s3  }
0xa9: {  	[dreg:$0x3] =	wrdreg s5  }
0xaa: {  	[dreg:$0x4] =	wrdreg $0xC0  }
0xab: {  	_ =	task [dreg:s7], $0x5FFFF  }
0xac: {  	[dreg:$0x1] =	wrdreg $0xFFFFFFFF  }
0xad: {  	[dreg:$0x0] =	wrdreg $0x60  }
0xae: {  	[dreg:$0x2] =	wrdreg s24  }
0xaf: {  	[dreg:$0x3] =	wrdreg s2  }
0xb0: {  	[dreg:$0x4] =	wrdreg $0xA7000  }
0xb1: {  	[dreg:$0x5] =	wrdreg $0x9  }
0xb2: {  	_ =	task.clear_ibuf [dreg:s7], $0x6FFFF;
	_ =	strace $0x90000049  }
0xb3: {  	s29 =	simm.s32 $0x9;
	_ =	strace $0x8000004B  }
0xb4: {  	_ =	swait.ge [sflag:s29], $0x1  }
0xb5: {  	[sflag:s29] =	ssyncadd.s32 $0xFFFFFFFF  }
0xb6: {  	_ =	strace $0x9000004B  }
0xb7: {  	_ =	sfence  }
0xb8: {  	s30 =	sld [smem:$0x0];
	_ =	sdelay $0x2  }
0xb9: {  	s31 =	sshll.u32 s1, $0xD;
	s1 =	sshrl.u32 s1, $0x2  }
0xba: {  	s3 =	sand.u32 $0x4000, s31;
	s1 =	sadd.s32 s1, s30  }
0xbb: {  	s0 =	sor.u32 s3, s0;
	s1 =	sshll.u32 s1, $0x11  }
0xbc: {  	s0 =	sor.u32 s1, s0  }
0xbd: {  	s0 =	sadd.s32 $0x8F2B, s0  }
0xbe: {  	[sflag:s0] =	ssyncadd.remote.s32 $0x1  }
0xbf: {  	_ =	sfence.sel $0xFFFF  }
0xc0: {  	[dreg:$0x0] =	wrdreg $0xFFFFFFFF;
	(pc) =	sbr.abs _section_cstart, $3  }
0xc1: {  	[dreg:$0x1] =	wrdreg $0xFFFFFFFF  }
0xc2: {  	_ =	task.clear_ibuf [dreg:s7], $0x2FFFF;
	_ =	strace $0x9FFFFFFF  }
0xc3: {  	(tm) =	ssettm $0x7FFFFFFF  }
tec
execute0_lowered:
.L_overlay_start_1:
0x0: {  	(tag) =	ssettag $0x1  }
0x1: {  	s0 =	rddreg [dreg:$0x0]  }
0x2: {  	s2 =	rddreg [dreg:$0x1]  }
0x3: {  	s1 =	rddreg [dreg:$0x2];
	s3 =	simm.s32 $0x0;
	s9 =	stileid.u32  }
0x4: {  	s24 =	srdreg.scid;
	s30 =	simm.s32 $0xA480;
	[smem:$0x7FF] =	sst s3  }
0x5: {  	s10 =	sadd.s32 $0x1AC00, s0;
	s5 =	smul.u32 $0x280, s9;
	s3 =	sand.u32 $0x1, s24  }
0x6: {  	s12 =	sadd.s32 $0x24C00, s0;
	_ =	strace $0x8000004A;
	[dreg:$0x5] =	wrdreg s10  }
0x7: {  	s16 =	smul.u32 $0xA00, s9;
	s26 =	sshll.u32 s3, $0x4;
	[dreg:$0x7] =	wrdreg s12  }
0x8: {  	s11 =	sadd.s32 $0x10C00, s0;
	[dreg:$0x4] =	wrdreg s5;
	s2 =	sadd.s32 s2, s26  }
0x9: {  	s8 =	sadd.s32 $0x2EC00, s0;
	s22 =	sadd.s32 s10, s16;
	[dreg:$0x9] =	wrdreg s2  }
0xa: {  	s24 =	smul.u32 $0x140000, s3;
	s23 =	sadd.s32 s12, s16;
	[dreg:$0x12] =	wrdreg s22  }
0xb: {  	s7 =	smul.u32 $0x50000, s9;
	s5 =	sshrl.u32 s5, $0x3;
	[dreg:$0x13] =	wrdreg s23  }
0xc: {  	s5 =	sadd.s32 s5, s0;
	s0 =	sadd.s32 $0x7EC00, s0;
	[dreg:$0x15] =	wrdreg s24  }
0xd: {  	s28 =	sshrl.u32 s7, $0x2;
	s2 =	sadd.s32 s11, s16;
	[dreg:$0x6] =	wrdreg s0  }
0xe: {  	s31 =	simm.s32 $0x9;
	s7 =	sadd.s32 s28, s1;
	[dreg:$0x14] =	wrdreg s2  }
0xf: {  	s4 =	ssub.s32 $0x2, s3;
	s5 =	sadd.s32 $0x10600, s5;
	[dreg:$0xa] =	wrdreg s7  }
0x10: {  	s13 =	smul.u32 $0x2800, s3;
	s14 =	sadd.s32 $0x2000, s7;
	[dreg:$0x8] =	wrdreg s5  }
0x11: {  	s29 =	smov.u32 s11;
	s15 =	sadd.s32 $0x4000, s7;
	[dreg:$0xb] =	wrdreg s14  }
0x12: {  	s6 =	sshrl.u32 s4, $0x1;
	s17 =	sadd.s32 $0x6000, s7;
	[dreg:$0xc] =	wrdreg s15  }
0x13: {  	s12 =	simm.s32 $0x1;
	s18 =	sadd.s32 $0x8000, s7;
	[dreg:$0xd] =	wrdreg s17  }
0x14: {  	s25 =	ssub.s32 s4, s6;
	s19 =	sadd.s32 $0xA000, s7;
	[dreg:$0xe] =	wrdreg s18  }
0x15: {  	s28 =	smul.u32 $0x5000, s9;
	s20 =	sadd.s32 $0xC000, s7;
	[dreg:$0xf] =	wrdreg s19  }
0x16: {  	s11 =	simm.s32 $0x4400;
	s21 =	sadd.s32 $0xE000, s7;
	[dreg:$0x10] =	wrdreg s20  }
0x17: {  	s16 =	simm.s32 $0x6400;
	s0 =	smax.u32 s25, $0x1;
	[dreg:$0x11] =	wrdreg s21  }
0x18: {  	s22 =	simm.s32 $0x2300;
	s25 =	sadd.s32 $0x10000, s7;
	[dreg:$0x16] =	wrdreg s0  }
0x19: {  	s24 =	smov.u32 s13;
	s26 =	sadd.s32 $0x12000, s7;
	[dreg:$0x17] =	wrdreg s25  }
0x1a: {  	s4 =	simm.s32 $0x0;
	s2 =	simm.s32 $0x2400;
	[dreg:$0x18] =	wrdreg s26  }
0x1b: {  	[dreg:$0x19] =	wrdreg s28;
	s0 =	simm.s32 $0x40;
	s14 =	simm.s32 $0x2200  }
0x1c: {  	s17 =	simm.s32 $0x2;
	s18 =	simm.s32 $0x2280;
	s20 =	simm.s32 $0x8400  }
0x1d: {  	v1 =	vimm.f32 $0.0e+00;
	v0 =	vmov s13;
	s21 =	simm.s32 $0x3;
	s25 =	simm.s32 $0x4;
	s26 =	simm.s32 $0x2380  }
.LBB2_1:
0x1e: {  	[dreg:$0x1a] =	wrdreg s4  }
0x1f: {  	s3 =	simm.s32 $0x0;
	s23 =	rddreg [dreg:$0x8]  }
0x20: {  	[tilespmem:s30], [sflag:$0x9] =	stream.linear.gather [hbm4b:s23+s3], $0x280, $0x38;
	[tilespmem:$0x1E700] =	vst v63  }
0x21: {  	_ =	swait.ge [sflag:s31], $0x280  }
0x22: {  	[sflag:s31] =	ssyncset.done $0x0  }
0x23: {  	s5 =	simm.s32 $0xA400;
	s28 =	rddreg [dreg:$0x9];
	[sflag:s31] =	ssyncadd.s32 $0xFFFFFD80  }
0x24: {  	[tilespmem:s5], [sflag:$0x9] =	stream.linear.gather [hbm4b:s28+s3], $0x80, $0x38;
	[tilespmem:$0x1E700] =	vst v63  }
0x25: {  	_ =	swait.ge [sflag:s31], $0x80  }
0x26: {  	[sflag:s31] =	ssyncset.done $0x0  }
0x27: {  	s4 =	simm.s32 $0x200;
	s3 =	simm.s32 $0x0;
	[sflag:s31] =	ssyncadd.s32 $0xFFFFFF80  }
.LBB2_2:
0x28: {  	p0 =	sne.s32 s4, $0x7E00;
	[tilespmem:s3+$0x2470] =	vst v1  }
0x29: {  	[tilespmem:s3+$0x2400] =	vst v1  }
0x2a: {  	[tilespmem:s3+$0x2410] =	vst v1  }
.Ltmp0:
0x2b: {  	[tilespmem:s3+$0x2420] =	vst v1;
	(pc) =	sbr.rel @p0 .LBB2_2-.Ltmp0, $4  }
0x2c: {  	[tilespmem:s3+$0x2430] =	vst v1  }
0x2d: {  	[tilespmem:s3+$0x2440] =	vst v1  }
0x2e: {  	[tilespmem:s3+$0x2450] =	vst v1  }
0x2f: {  	[tilespmem:s3+$0x2460] =	vst v1;
	s3 =	sshra.s32 s4, $0x2;
	s4 =	sadd.s32 $0x200, s4  }
0x30: {  	[tilespmem:s3+$0x2470] =	vst v1  }
0x31: {  	[tilespmem:s3+$0x2400] =	vst v1  }
0x32: {  	[tilespmem:s3+$0x2410] =	vst v1  }
0x33: {  	[tilespmem:s3+$0x2420] =	vst v1  }
0x34: {  	[tilespmem:s3+$0x2430] =	vst v1  }
0x35: {  	[tilespmem:s3+$0x2440] =	vst v1  }
0x36: {  	[tilespmem:s3+$0x2450] =	vst v1  }
0x37: {  	[tilespmem:s3+$0x2460] =	vst v1;
	s7 =	rddreg [dreg:$0xa]  }
0x38: {  	[spmem:s7] =	stream.linear.scatter [tilespmem:s2], [sflag:$0x9], $0x2000, $0x38;
	[tilespmem:$0x1E700] =	vst v63  }
0x39: {  	_ =	swait.ge [sflag:s31], $0x2000  }
0x3a: {  	[sflag:s31] =	ssyncset.done $0x0  }
0x3b: {  	s9 =	rddreg [dreg:$0xb];
	[sflag:s31] =	ssyncadd.s32 $0xFFFFE000  }
0x3c: {  	[spmem:s9] =	stream.linear.scatter [tilespmem:s2], [sflag:$0x9], $0x2000, $0x38;
	[tilespmem:$0x1E700] =	vst v63  }
0x3d: {  	_ =	swait.ge [sflag:s31], $0x2000  }
0x3e: {  	[sflag:s31] =	ssyncset.done $0x0  }
0x3f: {  	s10 =	rddreg [dreg:$0xc];
	[sflag:s31] =	ssyncadd.s32 $0xFFFFE000  }
0x40: {  	[spmem:s10] =	stream.linear.scatter [tilespmem:s2], [sflag:$0x9], $0x2000, $0x38;
	[tilespmem:$0x1E700] =	vst v63  }
0x41: {  	_ =	swait.ge [sflag:s31], $0x2000  }
0x42: {  	[sflag:s31] =	ssyncset.done $0x0  }
0x43: {  	s13 =	rddreg [dreg:$0xd];
	[sflag:s31] =	ssyncadd.s32 $0xFFFFE000  }
0x44: {  	[spmem:s13] =	stream.linear.scatter [tilespmem:s2], [sflag:$0x9], $0x2000, $0x38;
	[tilespmem:$0x1E700] =	vst v63  }
0x45: {  	_ =	swait.ge [sflag:s31], $0x2000  }
0x46: {  	[sflag:s31] =	ssyncset.done $0x0  }
0x47: {  	s15 =	rddreg [dreg:$0xe];
	[sflag:s31] =	ssyncadd.s32 $0xFFFFE000  }
0x48: {  	[spmem:s15] =	stream.linear.scatter [tilespmem:s2], [sflag:$0x9], $0x2000, $0x38;
	[tilespmem:$0x1E700] =	vst v63  }
0x49: {  	_ =	swait.ge [sflag:s31], $0x2000  }
0x4a: {  	[sflag:s31] =	ssyncset.done $0x0  }
0x4b: {  	s19 =	rddreg [dreg:$0xf];
	[sflag:s31] =	ssyncadd.s32 $0xFFFFE000  }
0x4c: {  	[spmem:s19] =	stream.linear.scatter [tilespmem:s2], [sflag:$0x9], $0x2000, $0x38;
	[tilespmem:$0x1E700] =	vst v63  }
0x4d: {  	_ =	swait.ge [sflag:s31], $0x2000  }
0x4e: {  	[sflag:s31] =	ssyncset.done $0x0  }
0x4f: {  	s23 =	rddreg [dreg:$0x10];
	[sflag:s31] =	ssyncadd.s32 $0xFFFFE000  }
0x50: {  	[spmem:s23] =	stream.linear.scatter [tilespmem:s2], [sflag:$0x9], $0x2000, $0x38;
	[tilespmem:$0x1E700] =	vst v63  }
0x51: {  	_ =	swait.ge [sflag:s31], $0x2000  }
0x52: {  	[sflag:s31] =	ssyncset.done $0x0  }
0x53: {  	s4 =	rddreg [dreg:$0x11];
	[sflag:s31] =	ssyncadd.s32 $0xFFFFE000  }
0x54: {  	[spmem:s4] =	stream.linear.scatter [tilespmem:s2], [sflag:$0x9], $0x2000, $0x38;
	[tilespmem:$0x1E700] =	vst v63  }
0x55: {  	_ =	swait.ge [sflag:s31], $0x2000  }
0x56: {  	[sflag:s31] =	ssyncset.done $0x0  }
0x57: {  	s5 =	rddreg [dreg:$0x17];
	[sflag:s31] =	ssyncadd.s32 $0xFFFFE000  }
0x58: {  	[spmem:s5] =	stream.linear.scatter [tilespmem:s2], [sflag:$0x9], $0x2000, $0x38;
	[tilespmem:$0x1E700] =	vst v63  }
0x59: {  	_ =	swait.ge [sflag:s31], $0x2000  }
0x5a: {  	[sflag:s31] =	ssyncset.done $0x0  }
0x5b: {  	s6 =	rddreg [dreg:$0x18];
	[sflag:s31] =	ssyncadd.s32 $0xFFFFE000  }
0x5c: {  	[spmem:s6] =	stream.linear.scatter [tilespmem:s2], [sflag:$0x9], $0x2000, $0x38;
	[tilespmem:$0x1E700] =	vst v63  }
0x5d: {  	_ =	swait.ge [sflag:s31], $0x2000  }
0x5e: {  	[sflag:s31] =	ssyncset.done $0x0  }
0x5f: {  	[sflag:s31] =	ssyncadd.s32 $0xFFFFE000  }
0x60: {  	[bflag:$0x0] =	sbarrier.arrive $0xFFFF  }
0x61: {  	s13 =	simm.s32 $0x0;
	s7 =	rddreg [dreg:$0x12]  }
0x62: {  	[tilespmem:s13], [sflag:$0x9] =	stream.linear.gather [hbm4b:s7+s13], $0x800, $0x38;
	[tilespmem:$0x1E700] =	vst v63  }
0x63: {  	_ =	swait.ge [sflag:s31], $0x800  }
0x64: {  	[sflag:s31] =	ssyncset.done $0x0  }
0x65: {  	s4 =	simm.s32 $0x1800;
	s9 =	rddreg [dreg:$0x13];
	[sflag:s31] =	ssyncadd.s32 $0xFFFFF800  }
0x66: {  	[tilespmem:s4], [sflag:$0x9] =	stream.linear.gather [hbm4b:s9+s13], $0x800, $0x38;
	[tilespmem:$0x1E700] =	vst v63  }
0x67: {  	_ =	swait.ge [sflag:s31], $0x800  }
0x68: {  	[sflag:s31] =	ssyncset.done $0x0  }
0x69: {  	s15 =	simm.s32 $0x800;
	s10 =	rddreg [dreg:$0x14];
	[sflag:s31] =	ssyncadd.s32 $0xFFFFF800  }
0x6a: {  	[tilespmem:s15], [sflag:$0x9] =	stream.linear.gather [hbm4b:s10+s13], $0x800, $0x38;
	[tilespmem:$0x1E700] =	vst v63  }
0x6b: {  	_ =	swait.ge [sflag:s31], $0x800  }
0x6c: {  	[sflag:s31] =	ssyncset.done $0x0  }
0x6d: {  	[sflag:s31] =	ssyncadd.s32 $0xFFFFF800  }
0x6e: {  	v2 =	vld [tilespmem:$0x0]  }
0x6f: {  	v3 =	vld [tilespmem:$0x1800]  }
0x70: {  	v4 =	vld [tilespmem:$0x10];
	_ =	sdelay $0x1  }
0x71: {  	v5 =	vld [tilespmem:$0x1810]  }
0x72: {  	v6 =	vld [tilespmem:$0x20]  }
0x73: {  	v7 =	vld [tilespmem:$0x1820];
	v2 =	vadd.s32 v0, v2;
	[tilespmem:$0x2200] =	vst v3  }
0x74: {  	v3 =	vadd.s32 v0, v4;
	[tilespmem:$0x2000] =	vst v2;
	v2 =	vld [tilespmem:$0x30]  }
0x75: {  	[tilespmem:$0x2010] =	vst v3;
	v3 =	vld [tilespmem:$0x1830];
	_ =	sdelay $0x1  }
0x76: {  	[tilespmem:$0x2210] =	vst v5  }
0x77: {  	v58 =	vadd.s32 v0, v6;
	[tilespmem:$0x2220] =	vst v7  }
0x78: {  	[tilespmem:$0x2020] =	vst v58  }
0x79: {  	v2 =	vadd.s32 v0, v2;
	[tilespmem:$0x2230] =	vst v3  }
0x7a: {  	s19 =	simm.s32 $0x2000;
	[tilespmem:$0x2030] =	vst v2  }
0x7b: {  	[tilespmem:s2], [sflag:$0x1] =	stream.indirect.gather [hbm4b:s8+s0], $0x80, s19, s0, $0xb8;
	[tilespmem:$0x1E700] =	vst v63  }
0x7c: {  	v2 =	vld [tilespmem:$0x80]  }
0x7d: {  	v3 =	vld [tilespmem:$0x1880]  }
0x7e: {  	v59 =	vld [tilespmem:$0x90];
	_ =	sdelay $0x1  }
0x7f: {  	v60 =	vld [tilespmem:$0x1890]  }
0x80: {  	v61 =	vld [tilespmem:$0xA0]  }
0x81: {  	v62 =	vld [tilespmem:$0x18A0];
	v2 =	vadd.s32 v0, v2;
	[tilespmem:$0x2280] =	vst v3  }
0x82: {  	v3 =	vadd.s32 v0, v59;
	[tilespmem:$0x2080] =	vst v2;
	v2 =	vld [tilespmem:$0xB0]  }
0x83: {  	[tilespmem:$0x2090] =	vst v3;
	v3 =	vld [tilespmem:$0x18B0];
	_ =	sdelay $0x1  }
0x84: {  	[tilespmem:$0x2290] =	vst v60  }
0x85: {  	v63 =	vadd.s32 v0, v61;
	[tilespmem:$0x22A0] =	vst v62  }
0x86: {  	[tilespmem:$0x20A0] =	vst v63  }
0x87: {  	v2 =	vadd.s32 v0, v2;
	[tilespmem:$0x22B0] =	vst v3  }
0x88: {  	s28 =	simm.s32 $0x0;
	s23 =	simm.s32 $0x2080;
	[tilespmem:$0x20B0] =	vst v2  }
0x89: {  	[tilespmem:s11], [sflag:$0x2] =	stream.indirect.gather [hbm4b:s8+s0], $0x80, s23, s0, $0xb8;
	[tilespmem:$0x1E700] =	vst v63  }
.LBB2_4:
0x8a: {  	v2 =	vmov s13  }
0x8b: {  	v2 =	vand.u32 $0xFFFFFFFE, v2  }
0x8c: {  	v3 =	vbroadcast v2, $0x0;
	_ =	sdelay $0x1  }
0x8d: {  	_ =	swait.ge [sflag:s12], $0x2000  }
0x8e: {  	[sflag:s12] =	ssyncset.done $0x0  }
0x8f: {  	s3 =	simm.s32 $0x2480;
	[sflag:s12] =	ssyncadd.s32 $0xFFFFE000  }
0x90: {  	v6 =	vld [tilespmem:s3+$0xFFFFFFF0]  }
0x91: {  	v7 =	vld.idx.msk [tilespmem:v3+s14+$0x0], $0xffff  }
0x92: {  	v8 =	vld [tilespmem:s3+$0xFFFFFF80]  }
0x93: {  	v9 =	vld [tilespmem:s3+$0xFFFFFFA0]  }
0x94: {  	v5 =	vld [tilespmem:s3+$0xFFFFFFB0]  }
0x95: {  	v4 =	vld [tilespmem:s3+$0xFFFFFFD0]  }
0x96: {  	v11 =	vld [tilespmem:s3+$0xFFFFFF90];
	v6 =	vmul.f32 v6, v7  }
0x97: {  	v10 =	vld [tilespmem:s3+$0xFFFFFFE0];
	v8 =	vmul.f32 v8, v7  }
0x98: {  	v12 =	vld [tilespmem:s3+$0xFFFFFFC0];
	v9 =	vmul.f32 v9, v7;
	[tilespmem:s3+$0xFFFFFFF0] =	vst v6  }
0x99: {  	v5 =	vmul.f32 v5, v7;
	[tilespmem:s3+$0xFFFFFF80] =	vst v8  }
0x9a: {  	s4 =	simm.s32 $0x1;
	v4 =	vmul.f32 v4, v7;
	[tilespmem:s3+$0xFFFFFFA0] =	vst v9  }
0x9b: {  	v6 =	vmul.f32 v11, v7;
	[tilespmem:s3+$0xFFFFFFB0] =	vst v5;
	v8 =	vmov s4  }
0x9c: {  	v2 =	vld [tilespmem:s3+$0x0];
	v5 =	vmul.f32 v10, v7;
	[tilespmem:s3+$0xFFFFFFD0] =	vst v4  }
0x9d: {  	v3 =	vld [tilespmem:s3+$0x10];
	v4 =	vmul.f32 v12, v7;
	[tilespmem:s3+$0xFFFFFF90] =	vst v6  }
0x9e: {  	[tilespmem:s3+$0xFFFFFFE0] =	vst v5;
	v6 =	vld [tilespmem:s3+$0x30]  }
0x9f: {  	[tilespmem:s3+$0xFFFFFFC0] =	vst v4;
	v5 =	vld [tilespmem:s3+$0x70]  }
0xa0: {  	s5 =	simm.s32 $0x2480;
	s4 =	simm.s32 $0x2;
	v4 =	vld.idx.msk [tilespmem:v8+s14+$0x0], $0xffff  }
.LBB2_5:
0xa1: {  	p0 =	sne.s32 s4, $0x3E  }
0xa2: {  	v7 =	vld [tilespmem:s3+$0x20];
	s5 =	sadd.s32 $0x100, s5;
	s6 =	smov.u32 s4;
	s4 =	sadd.s32 $0x2, s4  }
0xa3: {  	v8 =	vld [tilespmem:s3+$0x40]  }
0xa4: {  	v9 =	vld [tilespmem:s3+$0x50]  }
0xa5: {  	v10 =	vld [tilespmem:s3+$0x60];
	_ =	sdelay $0x1  }
0xa6: {  	v2 =	vmul.f32 v2, v4;
	v3 =	vmul.f32 v3, v4  }
0xa7: {  	v6 =	vmul.f32 v6, v4;
	v7 =	vmul.f32 v7, v4  }
0xa8: {  	v11 =	vmov s6;
	v8 =	vmul.f32 v8, v4;
	[tilespmem:s3+$0x0] =	vst v2;
	v9 =	vmul.f32 v9, v4  }
0xa9: {  	v11 =	vand.u32 $0xFFFFFFFE, v11;
	v2 =	vld [tilespmem:s5+$0x0];
	[tilespmem:s3+$0x30] =	vst v6;
	v6 =	vmul.f32 v10, v4;
	v4 =	vmul.f32 v5, v4  }
0xaa: {  	v5 =	vbroadcast v11, $0x0;
	[tilespmem:s3+$0x10] =	vst v3  }
0xab: {  	[tilespmem:s3+$0x70] =	vst v4  }
0xac: {  	v4 =	vld [tilespmem:s5+$0xFFFFFFD0];
	[tilespmem:s3+$0x20] =	vst v7  }
0xad: {  	v7 =	vld [tilespmem:s5+$0xFFFFFFB0];
	[tilespmem:s3+$0x60] =	vst v6  }
0xae: {  	v6 =	vld [tilespmem:s5+$0xFFFFFFE0];
	[tilespmem:s3+$0x40] =	vst v8  }
0xaf: {  	v8 =	vld [tilespmem:s5+$0xFFFFFFF0];
	[tilespmem:s3+$0x50] =	vst v9;
	s3 =	smov.u32 s5  }
0xb0: {  	v5 =	vld.idx.msk [tilespmem:v5+s14+$0x0], $0xffff  }
0xb1: {  	v9 =	vld [tilespmem:s5+$0xFFFFFF80]  }
0xb2: {  	v10 =	vld [tilespmem:s5+$0xFFFFFFA0]  }
0xb3: {  	v11 =	vld [tilespmem:s5+$0xFFFFFF90]  }
0xb4: {  	v12 =	vld [tilespmem:s5+$0xFFFFFFC0]  }
0xb5: {  	v3 =	vld [tilespmem:s5+$0x10]  }
0xb6: {  	v8 =	vmul.f32 v8, v5;
	v9 =	vmul.f32 v9, v5  }
0xb7: {  	v6 =	vmul.f32 v6, v5;
	v10 =	vmul.f32 v10, v5  }
0xb8: {  	v7 =	vmul.f32 v7, v5;
	v11 =	vmul.f32 v11, v5;
	[tilespmem:s5+$0xFFFFFFF0] =	vst v8  }
0xb9: {  	v4 =	vmul.f32 v4, v5;
	[tilespmem:s5+$0xFFFFFF80] =	vst v9;
	v8 =	vmul.f32 v12, v5  }
0xba: {  	s6 =	sadd.s32 $0x1, s6;
	[tilespmem:s5+$0xFFFFFFA0] =	vst v10  }
0xbb: {  	[tilespmem:s5+$0xFFFFFFB0] =	vst v7;
	v7 =	vmov s6  }
.Ltmp1:
0xbc: {  	[tilespmem:s5+$0xFFFFFFD0] =	vst v4;
	(pc) =	sbr.rel @p0 .LBB2_5-.Ltmp1, $4  }
0xbd: {  	[tilespmem:s5+$0xFFFFFF90] =	vst v11  }
0xbe: {  	[tilespmem:s5+$0xFFFFFFE0] =	vst v6;
	v6 =	vld [tilespmem:s5+$0x30]  }
0xbf: {  	[tilespmem:s5+$0xFFFFFFC0] =	vst v8;
	v5 =	vld [tilespmem:s5+$0x70]  }
0xc0: {  	v4 =	vld.idx.msk [tilespmem:v7+s14+$0x0], $0xffff  }
0xc1: {  	_ =	sdelay $0x2  }
0xc2: {  	v7 =	vld [tilespmem:s3+$0x20]  }
0xc3: {  	v8 =	vld [tilespmem:s3+$0x60];
	v2 =	vmul.f32 v2, v4  }
0xc4: {  	v9 =	vld [tilespmem:s3+$0x40];
	v6 =	vmul.f32 v6, v4  }
0xc5: {  	v10 =	vld [tilespmem:s3+$0x50];
	v3 =	vmul.f32 v3, v4;
	[tilespmem:s3+$0x0] =	vst v2  }
0xc6: {  	[tilespmem:s3+$0x30] =	vst v6;
	v2 =	vmul.f32 v5, v4  }
0xc7: {  	v5 =	vmul.f32 v7, v4;
	[tilespmem:s3+$0x10] =	vst v3  }
0xc8: {  	v3 =	vmul.f32 v8, v4;
	[tilespmem:s3+$0x70] =	vst v2  }
0xc9: {  	s4 =	sshll.u32 s28, $0x9;
	v2 =	vmul.f32 v9, v4;
	[tilespmem:s3+$0x20] =	vst v5  }
0xca: {  	s5 =	sand.u32 $0x800, s4;
	v4 =	vmul.f32 v10, v4;
	[tilespmem:s3+$0x60] =	vst v3  }
0xcb: {  	s4 =	sand.u32 $0x600, s4;
	s15 =	sadd.s32 $0x800, s5;
	[tilespmem:s3+$0x40] =	vst v2  }
0xcc: {  	s5 =	sor.u32 s4, s15;
	[tilespmem:s3+$0x50] =	vst v4;
	s3 =	sshll.u32 s28, $0x2  }
0xcd: {  	[spmem:s1] =	stream.indirect.scatter.add.f32 [tilespmem:s2], [sflag:$0x5], $0x80, s5, s0, $0xb8;
	[tilespmem:$0x1E700] =	vst v63  }
0xce: {  	s10 =	sor.u32 $0x2, s3  }
0xcf: {  	s4 =	sshll.u32 s10, $0x7  }
0xd0: {  	s4 =	sand.u32 $0x700, s4  }
0xd1: {  	v2 =	vld [tilespmem:s4+$0x0];
	_ =	sdelay $0x4  }
0xd2: {  	v2 =	vadd.s32 v0, v2  }
0xd3: {  	[tilespmem:$0x2100] =	vst v2  }
0xd4: {  	v2 =	vld [tilespmem:s4+$0x1800];
	_ =	sdelay $0x4  }
0xd5: {  	[tilespmem:$0x2300] =	vst v2  }
0xd6: {  	v2 =	vld [tilespmem:s4+$0x10];
	_ =	sdelay $0x4  }
0xd7: {  	v2 =	vadd.s32 v0, v2  }
0xd8: {  	[tilespmem:$0x2110] =	vst v2  }
0xd9: {  	v2 =	vld [tilespmem:s4+$0x1810];
	_ =	sdelay $0x4  }
0xda: {  	[tilespmem:$0x2310] =	vst v2  }
0xdb: {  	v2 =	vld [tilespmem:s4+$0x20];
	_ =	sdelay $0x4  }
0xdc: {  	v2 =	vadd.s32 v0, v2  }
0xdd: {  	[tilespmem:$0x2120] =	vst v2  }
0xde: {  	v2 =	vld [tilespmem:s4+$0x1820];
	_ =	sdelay $0x4  }
0xdf: {  	[tilespmem:$0x2320] =	vst v2  }
0xe0: {  	v2 =	vld [tilespmem:s4+$0x30];
	_ =	sdelay $0x4  }
0xe1: {  	v2 =	vadd.s32 v0, v2  }
0xe2: {  	[tilespmem:$0x2130] =	vst v2  }
0xe3: {  	v2 =	vld [tilespmem:s4+$0x1830];
	_ =	sdelay $0x3  }
0xe4: {  	p0 =	seq.s32 s28, $0x0  }
0xe5: {  	s19 =	simm.s32 $0x0;
	s6 =	simm.s32 @!p0 $0x7;
	[tilespmem:$0x2330] =	vst v2  }
0xe6: {  	v2 =	vmov s19;
	_ =	swait.ge @!p0 [sflag:s6], $0x2000  }
0xe7: {  	v2 =	vand.u32 $0xFFFFFFFE, v2;
	[sflag:s6] =	ssyncset.done @!p0 $0x0  }
0xe8: {  	s7 =	simm.s32 $0x2100;
	v3 =	vbroadcast v2, $0x0;
	[sflag:s6] =	ssyncadd.s32 @!p0 $0xFFFFE000  }
0xe9: {  	[tilespmem:s16], [sflag:$0x3] =	stream.indirect.gather [hbm4b:s8+s0], $0x80, s7, s0, $0xb8;
	[tilespmem:$0x1E700] =	vst v63  }
0xea: {  	_ =	swait.ge [sflag:s17], $0x2000  }
0xeb: {  	[sflag:s17] =	ssyncset.done $0x0  }
0xec: {  	s19 =	simm.s32 $0x4480;
	[sflag:s17] =	ssyncadd.s32 $0xFFFFE000  }
0xed: {  	v6 =	vld [tilespmem:s19+$0xFFFFFFF0]  }
0xee: {  	v7 =	vld.idx.msk [tilespmem:v3+s18+$0x0], $0xffff  }
0xef: {  	v8 =	vld [tilespmem:s19+$0xFFFFFF80]  }
0xf0: {  	v62 =	vld [tilespmem:s19+$0xFFFFFFA0]  }
0xf1: {  	v5 =	vld [tilespmem:s19+$0xFFFFFFB0]  }
0xf2: {  	v4 =	vld [tilespmem:s19+$0xFFFFFFD0]  }
0xf3: {  	v11 =	vld [tilespmem:s19+$0xFFFFFF90];
	v6 =	vmul.f32 v6, v7  }
0xf4: {  	v63 =	vld [tilespmem:s19+$0xFFFFFFE0];
	v8 =	vmul.f32 v8, v7  }
0xf5: {  	v12 =	vld [tilespmem:s19+$0xFFFFFFC0];
	v9 =	vmul.f32 v62, v7;
	[tilespmem:s19+$0xFFFFFFF0] =	vst v6  }
0xf6: {  	v5 =	vmul.f32 v5, v7;
	[tilespmem:s19+$0xFFFFFF80] =	vst v8  }
0xf7: {  	s23 =	simm.s32 $0x1;
	v4 =	vmul.f32 v4, v7;
	[tilespmem:s19+$0xFFFFFFA0] =	vst v9  }
0xf8: {  	v6 =	vmul.f32 v11, v7;
	[tilespmem:s19+$0xFFFFFFB0] =	vst v5;
	v8 =	vmov s23  }
0xf9: {  	v2 =	vld [tilespmem:s19+$0x0];
	v5 =	vmul.f32 v63, v7;
	[tilespmem:s19+$0xFFFFFFD0] =	vst v4  }
0xfa: {  	v3 =	vld [tilespmem:s19+$0x10];
	v4 =	vmul.f32 v12, v7;
	[tilespmem:s19+$0xFFFFFF90] =	vst v6  }
0xfb: {  	[tilespmem:s19+$0xFFFFFFE0] =	vst v5;
	v6 =	vld [tilespmem:s19+$0x30]  }
0xfc: {  	[tilespmem:s19+$0xFFFFFFC0] =	vst v4;
	v5 =	vld [tilespmem:s19+$0x70]  }
0xfd: {  	s6 =	simm.s32 $0x4480;
	s23 =	simm.s32 $0x2;
	v4 =	vld.idx.msk [tilespmem:v8+s18+$0x0], $0xffff  }
.LBB2_7:
0xfe: {  	p1 =	sne.s32 s23, $0x3E  }
0xff: {  	v7 =	vld [tilespmem:s19+$0x20];
	s6 =	sadd.s32 $0x100, s6;
	s7 =	smov.u32 s23;
	s23 =	sadd.s32 $0x2, s23  }
0x100: {  	v8 =	vld [tilespmem:s19+$0x40]  }
0x101: {  	v9 =	vld [tilespmem:s19+$0x50]  }
0x102: {  	v10 =	vld [tilespmem:s19+$0x60];
	_ =	sdelay $0x1  }
0x103: {  	v2 =	vmul.f32 v2, v4;
	v3 =	vmul.f32 v3, v4  }
0x104: {  	v6 =	vmul.f32 v6, v4;
	v7 =	vmul.f32 v7, v4  }
0x105: {  	v11 =	vmov s7;
	v8 =	vmul.f32 v8, v4;
	[tilespmem:s19+$0x0] =	vst v2;
	v9 =	vmul.f32 v9, v4  }
0x106: {  	v11 =	vand.u32 $0xFFFFFFFE, v11;
	v2 =	vld [tilespmem:s6+$0x0];
	[tilespmem:s19+$0x30] =	vst v6;
	v6 =	vmul.f32 v10, v4;
	v4 =	vmul.f32 v5, v4  }
0x107: {  	v5 =	vbroadcast v11, $0x0;
	[tilespmem:s19+$0x10] =	vst v3  }
0x108: {  	[tilespmem:s19+$0x70] =	vst v4  }
0x109: {  	v4 =	vld [tilespmem:s6+$0xFFFFFFD0];
	[tilespmem:s19+$0x20] =	vst v7  }
0x10a: {  	v7 =	vld [tilespmem:s6+$0xFFFFFFB0];
	[tilespmem:s19+$0x60] =	vst v6  }
0x10b: {  	v6 =	vld [tilespmem:s6+$0xFFFFFFE0];
	[tilespmem:s19+$0x40] =	vst v8  }
0x10c: {  	v8 =	vld [tilespmem:s6+$0xFFFFFFF0];
	[tilespmem:s19+$0x50] =	vst v9;
	s19 =	smov.u32 s6  }
0x10d: {  	v5 =	vld.idx.msk [tilespmem:v5+s18+$0x0], $0xffff  }
0x10e: {  	v9 =	vld [tilespmem:s6+$0xFFFFFF80]  }
0x10f: {  	v10 =	vld [tilespmem:s6+$0xFFFFFFA0]  }
0x110: {  	v11 =	vld [tilespmem:s6+$0xFFFFFF90]  }
0x111: {  	v12 =	vld [tilespmem:s6+$0xFFFFFFC0]  }
0x112: {  	v3 =	vld [tilespmem:s6+$0x10]  }
0x113: {  	v8 =	vmul.f32 v8, v5;
	v9 =	vmul.f32 v9, v5  }
0x114: {  	v6 =	vmul.f32 v6, v5;
	v10 =	vmul.f32 v10, v5  }
0x115: {  	v7 =	vmul.f32 v7, v5;
	v11 =	vmul.f32 v11, v5;
	[tilespmem:s6+$0xFFFFFFF0] =	vst v8  }
0x116: {  	v4 =	vmul.f32 v4, v5;
	[tilespmem:s6+$0xFFFFFF80] =	vst v9;
	v8 =	vmul.f32 v12, v5  }
0x117: {  	s7 =	sadd.s32 $0x1, s7;
	[tilespmem:s6+$0xFFFFFFA0] =	vst v10  }
0x118: {  	[tilespmem:s6+$0xFFFFFFB0] =	vst v7;
	v7 =	vmov s7  }
.Ltmp2:
0x119: {  	[tilespmem:s6+$0xFFFFFFD0] =	vst v4;
	(pc) =	sbr.rel @p1 .LBB2_7-.Ltmp2, $4  }
0x11a: {  	[tilespmem:s6+$0xFFFFFF90] =	vst v11  }
0x11b: {  	[tilespmem:s6+$0xFFFFFFE0] =	vst v6;
	v6 =	vld [tilespmem:s6+$0x30]  }
0x11c: {  	[tilespmem:s6+$0xFFFFFFC0] =	vst v8;
	v5 =	vld [tilespmem:s6+$0x70]  }
0x11d: {  	v4 =	vld.idx.msk [tilespmem:v7+s18+$0x0], $0xffff  }
0x11e: {  	_ =	sdelay $0x2  }
0x11f: {  	v7 =	vld [tilespmem:s19+$0x20]  }
0x120: {  	v8 =	vld [tilespmem:s19+$0x60];
	v2 =	vmul.f32 v2, v4  }
0x121: {  	v9 =	vld [tilespmem:s19+$0x40];
	v6 =	vmul.f32 v6, v4  }
0x122: {  	v10 =	vld [tilespmem:s19+$0x50];
	v3 =	vmul.f32 v3, v4;
	[tilespmem:s19+$0x0] =	vst v2  }
0x123: {  	[tilespmem:s19+$0x30] =	vst v6;
	v2 =	vmul.f32 v5, v4  }
0x124: {  	v5 =	vmul.f32 v7, v4;
	[tilespmem:s19+$0x10] =	vst v3  }
0x125: {  	v3 =	vmul.f32 v8, v4;
	[tilespmem:s19+$0x70] =	vst v2  }
0x126: {  	v2 =	vmul.f32 v9, v4;
	[tilespmem:s19+$0x20] =	vst v5  }
0x127: {  	v4 =	vmul.f32 v10, v4;
	[tilespmem:s19+$0x60] =	vst v3  }
0x128: {  	[tilespmem:s19+$0x40] =	vst v2  }
0x129: {  	s5 =	sadd.s32 $0x80, s5;
	s9 =	sor.u32 $0x3, s3;
	[tilespmem:s19+$0x50] =	vst v4  }
0x12a: {  	[spmem:s1] =	stream.indirect.scatter.add.f32 [tilespmem:s11], [sflag:$0x6], $0x80, s5, s0, $0xb8;
	[tilespmem:$0x1E700] =	vst v63  }
0x12b: {  	s5 =	sshll.u32 s9, $0x7  }
0x12c: {  	s19 =	sand.u32 $0x780, s5  }
0x12d: {  	v2 =	vld [tilespmem:s19+$0x0];
	_ =	sdelay $0x4  }
0x12e: {  	v2 =	vadd.s32 v0, v2  }
0x12f: {  	[tilespmem:$0x2180] =	vst v2  }
0x130: {  	v2 =	vld [tilespmem:s19+$0x1800];
	_ =	sdelay $0x4  }
0x131: {  	[tilespmem:$0x2380] =	vst v2  }
0x132: {  	v2 =	vld [tilespmem:s19+$0x10];
	_ =	sdelay $0x4  }
0x133: {  	v2 =	vadd.s32 v0, v2  }
0x134: {  	[tilespmem:$0x2190] =	vst v2  }
0x135: {  	v2 =	vld [tilespmem:s19+$0x1810];
	_ =	sdelay $0x4  }
0x136: {  	[tilespmem:$0x2390] =	vst v2  }
0x137: {  	v2 =	vld [tilespmem:s19+$0x20];
	_ =	sdelay $0x4  }
0x138: {  	v2 =	vadd.s32 v0, v2  }
0x139: {  	[tilespmem:$0x21A0] =	vst v2  }
0x13a: {  	v2 =	vld [tilespmem:s19+$0x1820];
	_ =	sdelay $0x4  }
0x13b: {  	[tilespmem:$0x23A0] =	vst v2  }
0x13c: {  	v2 =	vld [tilespmem:s19+$0x30];
	_ =	sdelay $0x4  }
0x13d: {  	v2 =	vadd.s32 v0, v2  }
0x13e: {  	[tilespmem:$0x21B0] =	vst v2  }
0x13f: {  	v2 =	vld [tilespmem:s19+$0x1830];
	_ =	sdelay $0x4  }
0x140: {  	s10 =	simm.s32 $0x0;
	s5 =	simm.s32 @!p0 $0x8;
	[tilespmem:$0x23B0] =	vst v2  }
0x141: {  	v2 =	vmov s10;
	_ =	swait.ge @!p0 [sflag:s5], $0x2000  }
0x142: {  	v2 =	vand.u32 $0xFFFFFFFE, v2;
	[sflag:s5] =	ssyncset.done @!p0 $0x0  }
0x143: {  	s6 =	simm.s32 $0x2180;
	v3 =	vbroadcast v2, $0x0;
	[sflag:s5] =	ssyncadd.s32 @!p0 $0xFFFFE000  }
0x144: {  	[tilespmem:s20], [sflag:$0x4] =	stream.indirect.gather [hbm4b:s8+s0], $0x80, s6, s0, $0xb8;
	[tilespmem:$0x1E700] =	vst v63  }
0x145: {  	_ =	swait.ge [sflag:s21], $0x2000  }
0x146: {  	[sflag:s21] =	ssyncset.done $0x0  }
0x147: {  	s5 =	simm.s32 $0x6480;
	[sflag:s21] =	ssyncadd.s32 $0xFFFFE000  }
0x148: {  	v6 =	vld [tilespmem:s5+$0xFFFFFFF0]  }
0x149: {  	v7 =	vld.idx.msk [tilespmem:v3+s22+$0x0], $0xffff  }
0x14a: {  	v8 =	vld [tilespmem:s5+$0xFFFFFF80]  }
0x14b: {  	v62 =	vld [tilespmem:s5+$0xFFFFFFA0]  }
0x14c: {  	v5 =	vld [tilespmem:s5+$0xFFFFFFB0]  }
0x14d: {  	v4 =	vld [tilespmem:s5+$0xFFFFFFD0]  }
0x14e: {  	v11 =	vld [tilespmem:s5+$0xFFFFFF90];
	v6 =	vmul.f32 v6, v7  }
0x14f: {  	v63 =	vld [tilespmem:s5+$0xFFFFFFE0];
	v8 =	vmul.f32 v8, v7  }
0x150: {  	v12 =	vld [tilespmem:s5+$0xFFFFFFC0];
	v9 =	vmul.f32 v62, v7;
	[tilespmem:s5+$0xFFFFFFF0] =	vst v6  }
0x151: {  	v5 =	vmul.f32 v5, v7;
	[tilespmem:s5+$0xFFFFFF80] =	vst v8  }
0x152: {  	s23 =	simm.s32 $0x1;
	v4 =	vmul.f32 v4, v7;
	[tilespmem:s5+$0xFFFFFFA0] =	vst v9  }
0x153: {  	v6 =	vmul.f32 v11, v7;
	[tilespmem:s5+$0xFFFFFFB0] =	vst v5;
	v8 =	vmov s23  }
0x154: {  	v2 =	vld [tilespmem:s5+$0x0];
	v5 =	vmul.f32 v63, v7;
	[tilespmem:s5+$0xFFFFFFD0] =	vst v4  }
0x155: {  	v3 =	vld [tilespmem:s5+$0x10];
	v4 =	vmul.f32 v12, v7;
	[tilespmem:s5+$0xFFFFFF90] =	vst v6  }
0x156: {  	[tilespmem:s5+$0xFFFFFFE0] =	vst v5;
	v6 =	vld [tilespmem:s5+$0x30]  }
0x157: {  	[tilespmem:s5+$0xFFFFFFC0] =	vst v4;
	v5 =	vld [tilespmem:s5+$0x70]  }
0x158: {  	s6 =	simm.s32 $0x6480;
	s23 =	simm.s32 $0x2;
	v4 =	vld.idx.msk [tilespmem:v8+s22+$0x0], $0xffff  }
.LBB2_9:
0x159: {  	p0 =	sne.s32 s23, $0x3E  }
0x15a: {  	v7 =	vld [tilespmem:s5+$0x20];
	s6 =	sadd.s32 $0x100, s6;
	s7 =	smov.u32 s23;
	s23 =	sadd.s32 $0x2, s23  }
0x15b: {  	v8 =	vld [tilespmem:s5+$0x40]  }
0x15c: {  	v9 =	vld [tilespmem:s5+$0x50]  }
0x15d: {  	v10 =	vld [tilespmem:s5+$0x60];
	_ =	sdelay $0x1  }
0x15e: {  	v2 =	vmul.f32 v2, v4;
	v3 =	vmul.f32 v3, v4  }
0x15f: {  	v6 =	vmul.f32 v6, v4;
	v7 =	vmul.f32 v7, v4  }
0x160: {  	v11 =	vmov s7;
	v8 =	vmul.f32 v8, v4;
	[tilespmem:s5+$0x0] =	vst v2;
	v9 =	vmul.f32 v9, v4  }
0x161: {  	v11 =	vand.u32 $0xFFFFFFFE, v11;
	v2 =	vld [tilespmem:s6+$0x0];
	[tilespmem:s5+$0x30] =	vst v6;
	v6 =	vmul.f32 v10, v4;
	v4 =	vmul.f32 v5, v4  }
0x162: {  	v5 =	vbroadcast v11, $0x0;
	[tilespmem:s5+$0x10] =	vst v3  }
0x163: {  	[tilespmem:s5+$0x70] =	vst v4  }
0x164: {  	v4 =	vld [tilespmem:s6+$0xFFFFFFD0];
	[tilespmem:s5+$0x20] =	vst v7  }
0x165: {  	v7 =	vld [tilespmem:s6+$0xFFFFFFB0];
	[tilespmem:s5+$0x60] =	vst v6  }
0x166: {  	v6 =	vld [tilespmem:s6+$0xFFFFFFE0];
	[tilespmem:s5+$0x40] =	vst v8  }
0x167: {  	v8 =	vld [tilespmem:s6+$0xFFFFFFF0];
	[tilespmem:s5+$0x50] =	vst v9;
	s5 =	smov.u32 s6  }
0x168: {  	v5 =	vld.idx.msk [tilespmem:v5+s22+$0x0], $0xffff  }
0x169: {  	v9 =	vld [tilespmem:s6+$0xFFFFFF80]  }
0x16a: {  	v10 =	vld [tilespmem:s6+$0xFFFFFFA0]  }
0x16b: {  	v11 =	vld [tilespmem:s6+$0xFFFFFF90]  }
0x16c: {  	v12 =	vld [tilespmem:s6+$0xFFFFFFC0]  }
0x16d: {  	v3 =	vld [tilespmem:s6+$0x10]  }
0x16e: {  	v8 =	vmul.f32 v8, v5;
	v9 =	vmul.f32 v9, v5  }
0x16f: {  	v6 =	vmul.f32 v6, v5;
	v10 =	vmul.f32 v10, v5  }
0x170: {  	v7 =	vmul.f32 v7, v5;
	v11 =	vmul.f32 v11, v5;
	[tilespmem:s6+$0xFFFFFFF0] =	vst v8  }
0x171: {  	v4 =	vmul.f32 v4, v5;
	[tilespmem:s6+$0xFFFFFF80] =	vst v9;
	v8 =	vmul.f32 v12, v5  }
0x172: {  	s7 =	sadd.s32 $0x1, s7;
	[tilespmem:s6+$0xFFFFFFA0] =	vst v10  }
0x173: {  	[tilespmem:s6+$0xFFFFFFB0] =	vst v7;
	v7 =	vmov s7  }
.Ltmp3:
0x174: {  	[tilespmem:s6+$0xFFFFFFD0] =	vst v4;
	(pc) =	sbr.rel @p0 .LBB2_9-.Ltmp3, $4  }
0x175: {  	[tilespmem:s6+$0xFFFFFF90] =	vst v11  }
0x176: {  	[tilespmem:s6+$0xFFFFFFE0] =	vst v6;
	v6 =	vld [tilespmem:s6+$0x30]  }
0x177: {  	[tilespmem:s6+$0xFFFFFFC0] =	vst v8;
	v5 =	vld [tilespmem:s6+$0x70]  }
0x178: {  	v4 =	vld.idx.msk [tilespmem:v7+s22+$0x0], $0xffff  }
0x179: {  	_ =	sdelay $0x2  }
0x17a: {  	v7 =	vld [tilespmem:s5+$0x20]  }
0x17b: {  	v8 =	vld [tilespmem:s5+$0x60];
	v2 =	vmul.f32 v2, v4  }
0x17c: {  	v9 =	vld [tilespmem:s5+$0x40];
	v6 =	vmul.f32 v6, v4  }
0x17d: {  	v10 =	vld [tilespmem:s5+$0x50];
	v3 =	vmul.f32 v3, v4;
	[tilespmem:s5+$0x0] =	vst v2  }
0x17e: {  	[tilespmem:s5+$0x30] =	vst v6;
	v2 =	vmul.f32 v5, v4  }
0x17f: {  	v5 =	vmul.f32 v7, v4;
	[tilespmem:s5+$0x10] =	vst v3  }
0x180: {  	v3 =	vmul.f32 v8, v4;
	[tilespmem:s5+$0x70] =	vst v2  }
0x181: {  	v2 =	vmul.f32 v9, v4;
	[tilespmem:s5+$0x20] =	vst v5  }
0x182: {  	v4 =	vmul.f32 v10, v4;
	[tilespmem:s5+$0x60] =	vst v3  }
0x183: {  	[tilespmem:s5+$0x40] =	vst v2  }
0x184: {  	s4 =	sadd.s32 s4, s15;
	[tilespmem:s5+$0x50] =	vst v4  }
0x185: {  	[spmem:s1] =	stream.indirect.scatter.add.f32 [tilespmem:s16], [sflag:$0x7], $0x80, s4, s0, $0xb8;
	[tilespmem:$0x1E700] =	vst v63  }
0x186: {  	p0 =	seq.s32 s28, $0x27;
	s4 =	sadd.s32 $0x4, s3  }
0x187: {  	s5 =	sand.u32 @!p0 $0xC, s4  }
0x188: {  	p1 =	sne.s32 @!p0 s5, $0x0  }
0x189: {  	p1 =	por p1, p0  }
0x18a: {  	s6 =	rddreg [dreg:$0x19];
	s4 =	sshll.u32 @!p1 s4, $0x7  }
0x18b: {  	s6 =	sadd.s32 @!p1 s6, s4  }
0x18c: {  	s7 =	rddreg [dreg:$0x5];
	s6 =	sshrl.u32 @!p1 s6, $0x3  }
0x18d: {  	s23 =	simm.s32 @!p1 $0x0;
	s7 =	sadd.s32 @!p1 s7, s6  }
0x18e: {  	[tilespmem:s23], [sflag:$0x9] =	stream.linear.gather @!p1 [hbm4b:s7+s23], $0x800, $0x38;
	[tilespmem:$0x1E700] =	vst v63  }
0x18f: {  	s7 =	simm.s32 @!p1 $0x9  }
0x190: {  	_ =	swait.ge @!p1 [sflag:s7], $0x800  }
0x191: {  	[sflag:s7] =	ssyncset.done @!p1 $0x0;
	s9 =	rddreg [dreg:$0x7]  }
0x192: {  	s10 =	simm.s32 @!p1 $0x1800;
	[sflag:s7] =	ssyncadd.s32 @!p1 $0xFFFFF800;
	s9 =	sadd.s32 @!p1 s9, s6  }
0x193: {  	[tilespmem:s10], [sflag:$0x9] =	stream.linear.gather @!p1 [hbm4b:s9+s23], $0x800, $0x38;
	[tilespmem:$0x1E700] =	vst v63  }
0x194: {  	_ =	swait.ge @!p1 [sflag:s7], $0x800  }
0x195: {  	s4 =	sand.u32 @!p1 $0x800, s4;
	[sflag:s7] =	ssyncset.done @!p1 $0x0  }
0x196: {  	s4 =	sadd.s32 @!p1 $0x800, s4;
	s6 =	sadd.s32 @!p1 s29, s6;
	[sflag:s7] =	ssyncadd.s32 @!p1 $0xFFFFF800  }
0x197: {  	[tilespmem:s4], [sflag:$0x9] =	stream.linear.gather @!p1 [hbm4b:s6+s23], $0x800, $0x38;
	[tilespmem:$0x1E700] =	vst v63  }
0x198: {  	_ =	swait.ge @!p1 [sflag:s7], $0x800  }
0x199: {  	[sflag:s7] =	ssyncset.done @!p1 $0x0  }
0x19a: {  	s4 =	sshll.u32 @!p0 s5, $0x7;
	[sflag:s7] =	ssyncadd.s32 @!p1 $0xFFFFF800  }
0x19b: {  	v2 =	vld @!p0 [tilespmem:s4+$0x0];
	_ =	sdelay $0x4  }
0x19c: {  	v2 =	vadd.s32 @!p0 v0, v2  }
0x19d: {  	[tilespmem:$0x2000] =	vst @!p0 v2  }
0x19e: {  	v2 =	vld @!p0 [tilespmem:s4+$0x1800];
	_ =	sdelay $0x4  }
0x19f: {  	[tilespmem:$0x2200] =	vst @!p0 v2  }
0x1a0: {  	v2 =	vld @!p0 [tilespmem:s4+$0x10];
	_ =	sdelay $0x4  }
0x1a1: {  	v2 =	vadd.s32 @!p0 v0, v2  }
0x1a2: {  	[tilespmem:$0x2010] =	vst @!p0 v2  }
0x1a3: {  	v2 =	vld @!p0 [tilespmem:s4+$0x1810];
	_ =	sdelay $0x4  }
0x1a4: {  	[tilespmem:$0x2210] =	vst @!p0 v2  }
0x1a5: {  	v2 =	vld @!p0 [tilespmem:s4+$0x20];
	_ =	sdelay $0x4  }
0x1a6: {  	v2 =	vadd.s32 @!p0 v0, v2  }
0x1a7: {  	[tilespmem:$0x2020] =	vst @!p0 v2  }
0x1a8: {  	v2 =	vld @!p0 [tilespmem:s4+$0x1820];
	_ =	sdelay $0x4  }
0x1a9: {  	[tilespmem:$0x2220] =	vst @!p0 v2  }
0x1aa: {  	v2 =	vld @!p0 [tilespmem:s4+$0x30];
	_ =	sdelay $0x4  }
0x1ab: {  	v2 =	vadd.s32 @!p0 v0, v2  }
0x1ac: {  	[tilespmem:$0x2030] =	vst @!p0 v2  }
0x1ad: {  	v2 =	vld @!p0 [tilespmem:s4+$0x1830];
	_ =	sdelay $0x4  }
0x1ae: {  	s3 =	sadd.s32 @!p0 $0xFFFFFF64, s3;
	s10 =	simm.s32 $0x0;
	s4 =	simm.s32 @!p0 $0x5;
	[tilespmem:$0x2230] =	vst @!p0 v2  }
0x1af: {  	s5 =	simm.s32 @!p0 $0x2000;
	p1 =	sgt.u32 @!p0 s3, $0x7FFFFF5F;
	_ =	swait.ge @!p0 [sflag:s4], $0x2000  }
0x1b0: {  	s6 =	simm.s32 @!p0 $0x2400;
	p2 =	por p0, !p1;
	[sflag:s4] =	ssyncset.done @!p0 $0x0  }
0x1b1: {  	s3 =	simm.s32 @p2 $0x5;
	[sflag:s4] =	ssyncadd.s32 @!p0 $0xFFFFE000;
	s4 =	simm.s32 @!p0 $0x40  }
0x1b2: {  	v2 =	vmov s10;
	[tilespmem:s6], [sflag:$0x1] =	stream.indirect.gather @!p0 [hbm4b:s8+s4], $0x80, s5, s4, $0xb8;
	[tilespmem:$0x1E700] =	vst v63  }
0x1b3: {  	v2 =	vand.u32 $0xFFFFFFFE, v2;
	_ =	swait.ge @p2 [sflag:s3], $0x2000  }
0x1b4: {  	v3 =	vbroadcast v2, $0x0;
	[sflag:s3] =	ssyncset.done @p2 $0x0  }
0x1b5: {  	[sflag:s3] =	ssyncadd.s32 @p2 $0xFFFFE000  }
0x1b6: {  	_ =	swait.ge [sflag:s25], $0x2000  }
0x1b7: {  	[sflag:s25] =	ssyncset.done $0x0  }
0x1b8: {  	s3 =	simm.s32 $0x8480;
	[sflag:s25] =	ssyncadd.s32 $0xFFFFE000  }
0x1b9: {  	v6 =	vld [tilespmem:s3+$0xFFFFFFF0]  }
0x1ba: {  	v7 =	vld.idx.msk [tilespmem:v3+s26+$0x0], $0xffff  }
0x1bb: {  	v8 =	vld [tilespmem:s3+$0xFFFFFF80]  }
0x1bc: {  	v62 =	vld [tilespmem:s3+$0xFFFFFFA0]  }
0x1bd: {  	v5 =	vld [tilespmem:s3+$0xFFFFFFB0]  }
0x1be: {  	v4 =	vld [tilespmem:s3+$0xFFFFFFD0]  }
0x1bf: {  	v11 =	vld [tilespmem:s3+$0xFFFFFF90];
	v6 =	vmul.f32 v6, v7  }
0x1c0: {  	v63 =	vld [tilespmem:s3+$0xFFFFFFE0];
	v8 =	vmul.f32 v8, v7  }
0x1c1: {  	v12 =	vld [tilespmem:s3+$0xFFFFFFC0];
	v9 =	vmul.f32 v62, v7;
	[tilespmem:s3+$0xFFFFFFF0] =	vst v6  }
0x1c2: {  	v5 =	vmul.f32 v5, v7;
	[tilespmem:s3+$0xFFFFFF80] =	vst v8  }
0x1c3: {  	s23 =	simm.s32 $0x1;
	v4 =	vmul.f32 v4, v7;
	[tilespmem:s3+$0xFFFFFFA0] =	vst v9  }
0x1c4: {  	v6 =	vmul.f32 v11, v7;
	[tilespmem:s3+$0xFFFFFFB0] =	vst v5;
	v8 =	vmov s23  }
0x1c5: {  	v2 =	vld [tilespmem:s3+$0x0];
	v5 =	vmul.f32 v63, v7;
	[tilespmem:s3+$0xFFFFFFD0] =	vst v4  }
0x1c6: {  	v3 =	vld [tilespmem:s3+$0x10];
	v4 =	vmul.f32 v12, v7;
	[tilespmem:s3+$0xFFFFFF90] =	vst v6  }
0x1c7: {  	[tilespmem:s3+$0xFFFFFFE0] =	vst v5;
	v6 =	vld [tilespmem:s3+$0x30]  }
0x1c8: {  	p1 =	por @!p0 $0x0, $0x0;
	[tilespmem:s3+$0xFFFFFFC0] =	vst v4;
	v5 =	vld [tilespmem:s3+$0x70]  }
0x1c9: {  	p1 =	por @p2 $0x1, $0x1;
	s4 =	simm.s32 $0x2;
	s5 =	simm.s32 $0x8480;
	v4 =	vld.idx.msk [tilespmem:v8+s26+$0x0], $0xffff  }
.LBB2_11:
0x1ca: {  	p2 =	sne.s32 s4, $0x3E  }
0x1cb: {  	v7 =	vld [tilespmem:s3+$0x20];
	s5 =	sadd.s32 $0x100, s5;
	s6 =	smov.u32 s4;
	s4 =	sadd.s32 $0x2, s4  }
0x1cc: {  	v8 =	vld [tilespmem:s3+$0x40]  }
0x1cd: {  	v9 =	vld [tilespmem:s3+$0x50]  }
0x1ce: {  	v10 =	vld [tilespmem:s3+$0x60];
	_ =	sdelay $0x1  }
0x1cf: {  	v2 =	vmul.f32 v2, v4;
	v3 =	vmul.f32 v3, v4  }
0x1d0: {  	v6 =	vmul.f32 v6, v4;
	v7 =	vmul.f32 v7, v4  }
0x1d1: {  	v11 =	vmov s6;
	v8 =	vmul.f32 v8, v4;
	[tilespmem:s3+$0x0] =	vst v2;
	v9 =	vmul.f32 v9, v4  }
0x1d2: {  	v11 =	vand.u32 $0xFFFFFFFE, v11;
	v2 =	vld [tilespmem:s5+$0x0];
	[tilespmem:s3+$0x30] =	vst v6;
	v6 =	vmul.f32 v10, v4;
	v4 =	vmul.f32 v5, v4  }
0x1d3: {  	v5 =	vbroadcast v11, $0x0;
	[tilespmem:s3+$0x10] =	vst v3  }
0x1d4: {  	[tilespmem:s3+$0x70] =	vst v4  }
0x1d5: {  	v4 =	vld [tilespmem:s5+$0xFFFFFFD0];
	[tilespmem:s3+$0x20] =	vst v7  }
0x1d6: {  	v7 =	vld [tilespmem:s5+$0xFFFFFFB0];
	[tilespmem:s3+$0x60] =	vst v6  }
0x1d7: {  	v6 =	vld [tilespmem:s5+$0xFFFFFFE0];
	[tilespmem:s3+$0x40] =	vst v8  }
0x1d8: {  	v8 =	vld [tilespmem:s5+$0xFFFFFFF0];
	[tilespmem:s3+$0x50] =	vst v9;
	s3 =	smov.u32 s5  }
0x1d9: {  	v5 =	vld.idx.msk [tilespmem:v5+s26+$0x0], $0xffff  }
0x1da: {  	v9 =	vld [tilespmem:s5+$0xFFFFFF80]  }
0x1db: {  	v10 =	vld [tilespmem:s5+$0xFFFFFFA0]  }
0x1dc: {  	v11 =	vld [tilespmem:s5+$0xFFFFFF90]  }
0x1dd: {  	v12 =	vld [tilespmem:s5+$0xFFFFFFC0]  }
0x1de: {  	v3 =	vld [tilespmem:s5+$0x10]  }
0x1df: {  	v8 =	vmul.f32 v8, v5;
	v9 =	vmul.f32 v9, v5  }
0x1e0: {  	v6 =	vmul.f32 v6, v5;
	v10 =	vmul.f32 v10, v5  }
0x1e1: {  	v7 =	vmul.f32 v7, v5;
	v11 =	vmul.f32 v11, v5;
	[tilespmem:s5+$0xFFFFFFF0] =	vst v8  }
0x1e2: {  	v4 =	vmul.f32 v4, v5;
	[tilespmem:s5+$0xFFFFFF80] =	vst v9;
	v8 =	vmul.f32 v12, v5  }
0x1e3: {  	s6 =	sadd.s32 $0x1, s6;
	[tilespmem:s5+$0xFFFFFFA0] =	vst v10  }
0x1e4: {  	[tilespmem:s5+$0xFFFFFFB0] =	vst v7;
	v7 =	vmov s6  }
.Ltmp4:
0x1e5: {  	[tilespmem:s5+$0xFFFFFFD0] =	vst v4;
	(pc) =	sbr.rel @p2 .LBB2_11-.Ltmp4, $4  }
0x1e6: {  	[tilespmem:s5+$0xFFFFFF90] =	vst v11  }
0x1e7: {  	[tilespmem:s5+$0xFFFFFFE0] =	vst v6;
	v6 =	vld [tilespmem:s5+$0x30]  }
0x1e8: {  	[tilespmem:s5+$0xFFFFFFC0] =	vst v8;
	v5 =	vld [tilespmem:s5+$0x70]  }
0x1e9: {  	v4 =	vld.idx.msk [tilespmem:v7+s26+$0x0], $0xffff  }
0x1ea: {  	_ =	sdelay $0x1  }
0x1eb: {  	v7 =	vld [tilespmem:s3+$0x20]  }
0x1ec: {  	v10 =	vld [tilespmem:s3+$0x50]  }
0x1ed: {  	v2 =	vmul.f32 v2, v4  }
0x1ee: {  	v8 =	vld [tilespmem:s3+$0x60];
	v6 =	vmul.f32 v6, v4  }
0x1ef: {  	v9 =	vld [tilespmem:s3+$0x40];
	v3 =	vmul.f32 v3, v4;
	[tilespmem:s3+$0x0] =	vst v2  }
0x1f0: {  	v62 =	vmul.f32 v7, v4;
	[tilespmem:s3+$0x30] =	vst v6  }
0x1f1: {  	v63 =	vmul.f32 v10, v4;
	[tilespmem:s3+$0x10] =	vst v3  }
0x1f2: {  	v2 =	vmul.f32 v5, v4;
	[tilespmem:s3+$0x20] =	vst v62  }
0x1f3: {  	v3 =	vmul.f32 v8, v4;
	[tilespmem:s3+$0x50] =	vst v63  }
0x1f4: {  	[tilespmem:s3+$0x70] =	vst v2;
	v2 =	vmul.f32 v9, v4  }
0x1f5: {  	[tilespmem:s3+$0x60] =	vst v3  }
0x1f6: {  	s23 =	sadd.s32 s19, s15;
	[tilespmem:s3+$0x40] =	vst v2;
	s3 =	sshll.u32 @!p0 s28, $0x9  }
0x1f7: {  	[spmem:s1] =	stream.indirect.scatter.add.f32 [tilespmem:s20], [sflag:$0x8], $0x80, s23, s0, $0xb8;
	[tilespmem:$0x1E700] =	vst v63  }
0x1f8: {  	s3 =	sadd.s32 @!p0 $0x280, s3  }
0x1f9: {  	s3 =	sand.u32 @!p0 $0x680, s3  }
0x1fa: {  	v2 =	vld @!p0 [tilespmem:s3+$0x0];
	_ =	sdelay $0x4  }
0x1fb: {  	v2 =	vadd.s32 @!p0 v0, v2  }
0x1fc: {  	[tilespmem:$0x2080] =	vst @!p0 v2  }
0x1fd: {  	v2 =	vld @!p0 [tilespmem:s3+$0x1800];
	_ =	sdelay $0x4  }
0x1fe: {  	[tilespmem:$0x2280] =	vst @!p0 v2  }
0x1ff: {  	v2 =	vld @!p0 [tilespmem:s3+$0x10];
	_ =	sdelay $0x4  }
0x200: {  	v2 =	vadd.s32 @!p0 v0, v2  }
0x201: {  	[tilespmem:$0x2090] =	vst @!p0 v2  }
0x202: {  	v2 =	vld @!p0 [tilespmem:s3+$0x1810];
	_ =	sdelay $0x4  }
0x203: {  	[tilespmem:$0x2290] =	vst @!p0 v2  }
0x204: {  	v2 =	vld @!p0 [tilespmem:s3+$0x20];
	_ =	sdelay $0x4  }
0x205: {  	v2 =	vadd.s32 @!p0 v0, v2  }
0x206: {  	[tilespmem:$0x20A0] =	vst @!p0 v2  }
0x207: {  	v2 =	vld @!p0 [tilespmem:s3+$0x1820];
	_ =	sdelay $0x4  }
0x208: {  	[tilespmem:$0x22A0] =	vst @!p0 v2  }
0x209: {  	v2 =	vld @!p0 [tilespmem:s3+$0x30];
	_ =	sdelay $0x4  }
0x20a: {  	v2 =	vadd.s32 @!p0 v0, v2  }
0x20b: {  	[tilespmem:$0x20B0] =	vst @!p0 v2  }
0x20c: {  	v2 =	vld @!p0 [tilespmem:s3+$0x1830];
	_ =	sdelay $0x4  }
0x20d: {  	s3 =	simm.s32 @!p0 $0x6;
	[tilespmem:$0x22B0] =	vst @!p0 v2  }
0x20e: {  	_ =	swait.ge @!p0 [sflag:s3], $0x2000  }
0x20f: {  	s4 =	simm.s32 @!p0 $0x2080;
	s5 =	simm.s32 @!p0 $0x4400;
	[sflag:s3] =	ssyncset.done @!p0 $0x0  }
0x210: {  	s28 =	sadd.s32 $0x1, s28;
	[sflag:s3] =	ssyncadd.s32 @!p0 $0xFFFFE000;
	s3 =	simm.s32 @!p0 $0x40  }
0x211: {  	[tilespmem:s5], [sflag:$0x2] =	stream.indirect.gather @!p0 [hbm4b:s8+s3], $0x80, s4, s3, $0xb8;
	[tilespmem:$0x1E700] =	vst v63  }
0x212: {  	p0 =	sne.s32 s28, $0x28  }
.Ltmp5:
0x213: {  	_ = 	snop;
	(pc) =	sbr.rel @p0 .LBB2_4-.Ltmp5, $4  }
0x214: {  	s3 =	simm.s32 @p1 $0x6  }
0x215: {  	_ =	swait.ge @p1 [sflag:s3], $0x2000  }
0x216: {  	[sflag:s3] =	ssyncset.done @p1 $0x0  }
0x217: {  	[sflag:s3] =	ssyncadd.s32 @p1 $0xFFFFE000  }
0x218: {  	s3 =	simm.s32 $0x7  }
0x219: {  	_ =	swait.ge [sflag:s3], $0x2000  }
0x21a: {  	[sflag:s3] =	ssyncset.done $0x0  }
0x21b: {  	s23 =	simm.s32 $0x8;
	[sflag:s3] =	ssyncadd.s32 $0xFFFFE000  }
0x21c: {  	_ =	swait.ge [sflag:s23], $0x2000  }
0x21d: {  	[sflag:s23] =	ssyncset.done $0x0  }
0x21e: {  	s13 =	simm.s32 $0x0;
	[sflag:s23] =	ssyncadd.s32 $0xFFFFE000  }
0x21f: {  	s28 =	simm.s32 $0x0;
	s15 =	simm.s32 $0x0;
	[bflag:$0x0] =	sbarrier.arrive $0xFFFF  }
.LBB2_14:
0x220: {  	s3 =	sshll.u32 s15, $0x6;
	s4 =	rddreg [dreg:$0x4]  }
0x221: {  	s3 =	sadd.s32 s4, s3  }
0x222: {  	s19 =	sshll.u32 s3, $0x7  }
0x223: {  	s23 =	sand.u32 $0x3FFFFF80, s19  }
0x224: {  	s4 =	sadd.s32 s23, s1  }
0x225: {  	[tilespmem:s2], [sflag:$0x9] =	stream.linear.gather [spmem:s4], $0x2000, $0x38;
	[tilespmem:$0x1E700] =	vst v63  }
0x226: {  	s3 =	sadd.s32 s24, s3;
	_ =	swait.ge [sflag:s31], $0x2000  }
0x227: {  	s3 =	sshll.u32 s3, $0x4;
	[sflag:s31] =	ssyncset.done $0x0  }
0x228: {  	s3 =	sadd.s32 s8, s3;
	[sflag:s31] =	ssyncadd.s32 $0xFFFFE000  }
0x229: {  	[tilespmem:s11], [sflag:$0x9] =	stream.linear.gather [hbm4b:s3+s13], $0x2000, $0x38;
	[tilespmem:$0x1E700] =	vst v63  }
0x22a: {  	_ =	swait.ge [sflag:s31], $0x2000  }
0x22b: {  	v2 =	vmov s28;
	[sflag:s31] =	ssyncset.done $0x0  }
0x22c: {  	s23 =	simm.s32 $0x0;
	[sflag:s31] =	ssyncadd.s32 $0xFFFFE000  }
0x22d: {  	v3 =	vld [tilespmem:s23+$0x2400]  }
0x22e: {  	v4 =	vld [tilespmem:s23+$0x4400];
	_ =	sdelay $0x1  }
0x22f: {  	v5 =	vld.idx.msk [tilespmem:v2+s30+$0x0], $0xffff;
	_ =	sdelay $0x1  }
0x230: {  	v2 =	vld [tilespmem:$0xA400]  }
0x231: {  	v3 =	vadd.f32 v4, v3;
	_ =	sdelay $0x1  }
0x232: {  	v3 =	vmul.f32 v3, v5;
	_ =	sdelay $0x1  }
0x233: {  	v2 =	vadd.f32 v3, v2;
	_ =	sdelay $0x1  }
0x234: {  	v2 =	vsub.f32 $0.0e+00, v2;
	_ =	sdelay $0x1  }
0x235: {  	v2 =	vmul.f32 $1.442695020e+00, v2;
	_ =	sdelay $0x1  }
0x236: {  	(erf) = vpow2.f32 v2;
	_ =	sdelay $0x8  }
0x237: {  	v2 =	vpop (erf)  }
0x238: {  	v2 =	vadd.f32 $1.000000000e+00, v2;
	_ =	sdelay $0x1  }
0x239: {  	(erf) = vrcp.f32 v2;
	_ =	sdelay $0x5  }
0x23a: {  	v3 =	vld [tilespmem:s23+$0x2410]  }
0x23b: {  	v2 =	vld [tilespmem:s23+$0x4410];
	_ =	sdelay $0x1  }
0x23c: {  	v4 =	vpop (erf)  }
0x23d: {  	[tilespmem:s23+$0x2400] =	vst v4  }
0x23e: {  	v4 =	vld [tilespmem:$0xA410]  }
0x23f: {  	v2 =	vadd.f32 v2, v3;
	_ =	sdelay $0x1  }
0x240: {  	v2 =	vmul.f32 v2, v5;
	_ =	sdelay $0x1  }
0x241: {  	v2 =	vadd.f32 v2, v4;
	_ =	sdelay $0x1  }
0x242: {  	v2 =	vsub.f32 $0.0e+00, v2;
	_ =	sdelay $0x1  }
0x243: {  	v2 =	vmul.f32 $1.442695020e+00, v2;
	_ =	sdelay $0x1  }
0x244: {  	(erf) = vpow2.f32 v2;
	_ =	sdelay $0x8  }
0x245: {  	v2 =	vpop (erf)  }
0x246: {  	v2 =	vadd.f32 $1.000000000e+00, v2;
	_ =	sdelay $0x1  }
0x247: {  	(erf) = vrcp.f32 v2;
	_ =	sdelay $0x5  }
0x248: {  	v6 =	vld [tilespmem:s23+$0x2420]  }
0x249: {  	v4 =	vld [tilespmem:s23+$0x4420]  }
0x24a: {  	s3 =	simm.s32 $0x80  }
0x24b: {  	v3 =	vld [tilespmem:s3+$0x4400];
	v7 =	vpop (erf)  }
0x24c: {  	v2 =	vld [tilespmem:s3+$0x2400];
	[tilespmem:s23+$0x2410] =	vst v7  }
0x24d: {  	v7 =	vld [tilespmem:$0xA420]  }
0x24e: {  	v4 =	vadd.f32 v4, v6;
	_ =	sdelay $0x1  }
0x24f: {  	v4 =	vmul.f32 v4, v5;
	_ =	sdelay $0x1  }
0x250: {  	v4 =	vadd.f32 v4, v7;
	_ =	sdelay $0x1  }
0x251: {  	v4 =	vsub.f32 $0.0e+00, v4;
	_ =	sdelay $0x1  }
0x252: {  	v4 =	vmul.f32 $1.442695020e+00, v4;
	_ =	sdelay $0x1  }
0x253: {  	(erf) = vpow2.f32 v4;
	_ =	sdelay $0x8  }
0x254: {  	v4 =	vpop (erf)  }
0x255: {  	v4 =	vadd.f32 $1.000000000e+00, v4;
	_ =	sdelay $0x1  }
0x256: {  	(erf) = vrcp.f32 v4;
	_ =	sdelay $0x5  }
0x257: {  	v6 =	vld [tilespmem:s23+$0x2430]  }
0x258: {  	v4 =	vld [tilespmem:s23+$0x4430];
	_ =	sdelay $0x1  }
0x259: {  	v7 =	vpop (erf)  }
0x25a: {  	[tilespmem:s23+$0x2420] =	vst v7  }
0x25b: {  	v7 =	vld [tilespmem:$0xA430]  }
0x25c: {  	v4 =	vadd.f32 v4, v6;
	_ =	sdelay $0x1  }
0x25d: {  	v4 =	vmul.f32 v4, v5;
	_ =	sdelay $0x1  }
0x25e: {  	v4 =	vadd.f32 v4, v7;
	_ =	sdelay $0x1  }
0x25f: {  	v4 =	vsub.f32 $0.0e+00, v4;
	_ =	sdelay $0x1  }
0x260: {  	v4 =	vmul.f32 $1.442695020e+00, v4;
	_ =	sdelay $0x1  }
0x261: {  	(erf) = vpow2.f32 v4;
	_ =	sdelay $0x8  }
0x262: {  	v4 =	vpop (erf)  }
0x263: {  	v4 =	vadd.f32 $1.000000000e+00, v4;
	_ =	sdelay $0x1  }
0x264: {  	(erf) = vrcp.f32 v4;
	_ =	sdelay $0x5  }
0x265: {  	v6 =	vld [tilespmem:s23+$0x2440]  }
0x266: {  	v4 =	vld [tilespmem:s23+$0x4440];
	_ =	sdelay $0x1  }
0x267: {  	v7 =	vpop (erf)  }
0x268: {  	[tilespmem:s23+$0x2430] =	vst v7  }
0x269: {  	v7 =	vld [tilespmem:$0xA440]  }
0x26a: {  	v4 =	vadd.f32 v4, v6;
	_ =	sdelay $0x1  }
0x26b: {  	v4 =	vmul.f32 v4, v5;
	_ =	sdelay $0x1  }
0x26c: {  	v4 =	vadd.f32 v4, v7;
	_ =	sdelay $0x1  }
0x26d: {  	v4 =	vsub.f32 $0.0e+00, v4;
	_ =	sdelay $0x1  }
0x26e: {  	v4 =	vmul.f32 $1.442695020e+00, v4;
	_ =	sdelay $0x1  }
0x26f: {  	(erf) = vpow2.f32 v4;
	_ =	sdelay $0x8  }
0x270: {  	v4 =	vpop (erf)  }
0x271: {  	v4 =	vadd.f32 $1.000000000e+00, v4;
	_ =	sdelay $0x1  }
0x272: {  	(erf) = vrcp.f32 v4;
	_ =	sdelay $0x5  }
0x273: {  	v6 =	vld [tilespmem:s23+$0x2450]  }
0x274: {  	v4 =	vld [tilespmem:s23+$0x4450];
	_ =	sdelay $0x1  }
0x275: {  	v7 =	vpop (erf)  }
0x276: {  	[tilespmem:s23+$0x2440] =	vst v7  }
0x277: {  	v7 =	vld [tilespmem:$0xA450]  }
0x278: {  	v4 =	vadd.f32 v4, v6;
	_ =	sdelay $0x1  }
0x279: {  	v4 =	vmul.f32 v4, v5;
	_ =	sdelay $0x1  }
0x27a: {  	v4 =	vadd.f32 v4, v7;
	_ =	sdelay $0x1  }
0x27b: {  	v4 =	vsub.f32 $0.0e+00, v4;
	_ =	sdelay $0x1  }
0x27c: {  	v4 =	vmul.f32 $1.442695020e+00, v4;
	_ =	sdelay $0x1  }
0x27d: {  	(erf) = vpow2.f32 v4;
	_ =	sdelay $0x8  }
0x27e: {  	v4 =	vpop (erf)  }
0x27f: {  	v4 =	vadd.f32 $1.000000000e+00, v4;
	_ =	sdelay $0x1  }
0x280: {  	(erf) = vrcp.f32 v4;
	_ =	sdelay $0x5  }
0x281: {  	v6 =	vld [tilespmem:s23+$0x2460]  }
0x282: {  	v4 =	vld [tilespmem:s23+$0x4460];
	_ =	sdelay $0x1  }
0x283: {  	v7 =	vpop (erf)  }
0x284: {  	[tilespmem:s23+$0x2450] =	vst v7  }
0x285: {  	v7 =	vld [tilespmem:$0xA460]  }
0x286: {  	v4 =	vadd.f32 v4, v6;
	_ =	sdelay $0x1  }
0x287: {  	v4 =	vmul.f32 v4, v5;
	_ =	sdelay $0x1  }
0x288: {  	v4 =	vadd.f32 v4, v7;
	_ =	sdelay $0x1  }
0x289: {  	v4 =	vsub.f32 $0.0e+00, v4;
	_ =	sdelay $0x1  }
0x28a: {  	v4 =	vmul.f32 $1.442695020e+00, v4;
	_ =	sdelay $0x1  }
0x28b: {  	(erf) = vpow2.f32 v4;
	_ =	sdelay $0x8  }
0x28c: {  	v4 =	vpop (erf)  }
0x28d: {  	v4 =	vadd.f32 $1.000000000e+00, v4;
	_ =	sdelay $0x1  }
0x28e: {  	(erf) = vrcp.f32 v4;
	_ =	sdelay $0x5  }
0x28f: {  	v6 =	vld [tilespmem:s23+$0x2470]  }
0x290: {  	v4 =	vld [tilespmem:s23+$0x4470];
	_ =	sdelay $0x1  }
0x291: {  	v7 =	vpop (erf)  }
0x292: {  	[tilespmem:s23+$0x2460] =	vst v7  }
0x293: {  	v7 =	vld [tilespmem:$0xA470]  }
0x294: {  	v4 =	vadd.f32 v4, v6;
	_ =	sdelay $0x1  }
0x295: {  	v4 =	vmul.f32 v4, v5;
	_ =	sdelay $0x1  }
0x296: {  	v4 =	vadd.f32 v4, v7;
	_ =	sdelay $0x1  }
0x297: {  	v4 =	vsub.f32 $0.0e+00, v4;
	_ =	sdelay $0x1  }
0x298: {  	v4 =	vmul.f32 $1.442695020e+00, v4;
	_ =	sdelay $0x1  }
0x299: {  	(erf) = vpow2.f32 v4;
	_ =	sdelay $0x8  }
0x29a: {  	v4 =	vpop (erf)  }
0x29b: {  	v4 =	vadd.f32 $1.000000000e+00, v4;
	_ =	sdelay $0x1  }
0x29c: {  	(erf) = vrcp.f32 v4;
	_ =	sdelay $0x4  }
0x29d: {  	s4 =	sadd.s32 $0x1, s28  }
0x29e: {  	v4 =	vmov s4;
	_ =	sdelay $0x2  }
0x29f: {  	s5 =	simm.s32 $0x400;
	v5 =	vpop (erf)  }
.LBB2_15:
0x2a0: {  	p0 =	sne.s32 s5, $0x7E00;
	[tilespmem:s23+$0x2470] =	vst v5;
	s6 =	smov.u32 s5;
	s5 =	sadd.s32 $0x200, s5  }
0x2a1: {  	s23 =	smov.u32 s3;
	v4 =	vld.idx.msk [tilespmem:v4+s30+$0x0], $0xffff;
	_ =	sdelay $0x2  }
0x2a2: {  	v5 =	vld [tilespmem:$0xA400]  }
0x2a3: {  	v2 =	vadd.f32 v3, v2;
	_ =	sdelay $0x1  }
0x2a4: {  	v2 =	vmul.f32 v2, v4;
	_ =	sdelay $0x1  }
0x2a5: {  	v2 =	vadd.f32 v2, v5;
	_ =	sdelay $0x1  }
0x2a6: {  	v2 =	vsub.f32 $0.0e+00, v2;
	_ =	sdelay $0x1  }
0x2a7: {  	v2 =	vmul.f32 $1.442695020e+00, v2;
	_ =	sdelay $0x1  }
0x2a8: {  	(erf) = vpow2.f32 v2;
	_ =	sdelay $0x8  }
0x2a9: {  	v2 =	vpop (erf)  }
0x2aa: {  	v2 =	vadd.f32 $1.000000000e+00, v2;
	_ =	sdelay $0x1  }
0x2ab: {  	(erf) = vrcp.f32 v2;
	_ =	sdelay $0x5  }
0x2ac: {  	v3 =	vld [tilespmem:s23+$0x4410]  }
0x2ad: {  	v5 =	vld [tilespmem:s23+$0x2410];
	_ =	sdelay $0x1  }
0x2ae: {  	v2 =	vpop (erf)  }
0x2af: {  	[tilespmem:s23+$0x2400] =	vst v2  }
0x2b0: {  	s3 =	sshra.s32 s6, $0x2;
	v6 =	vld [tilespmem:$0xA410]  }
0x2b1: {  	v2 =	vld [tilespmem:s3+$0x2400];
	v5 =	vadd.f32 v3, v5  }
0x2b2: {  	v3 =	vld [tilespmem:s3+$0x4400]  }
0x2b3: {  	v5 =	vmul.f32 v5, v4;
	_ =	sdelay $0x1  }
0x2b4: {  	v5 =	vadd.f32 v5, v6;
	_ =	sdelay $0x1  }
0x2b5: {  	v5 =	vsub.f32 $0.0e+00, v5;
	_ =	sdelay $0x1  }
0x2b6: {  	v5 =	vmul.f32 $1.442695020e+00, v5;
	_ =	sdelay $0x1  }
0x2b7: {  	(erf) = vpow2.f32 v5;
	_ =	sdelay $0x8  }
0x2b8: {  	v5 =	vpop (erf)  }
0x2b9: {  	v5 =	vadd.f32 $1.000000000e+00, v5;
	_ =	sdelay $0x1  }
0x2ba: {  	(erf) = vrcp.f32 v5;
	_ =	sdelay $0x5  }
0x2bb: {  	v5 =	vld [tilespmem:s23+$0x4420]  }
0x2bc: {  	v6 =	vld [tilespmem:s23+$0x2420];
	_ =	sdelay $0x1  }
0x2bd: {  	v7 =	vpop (erf)  }
0x2be: {  	[tilespmem:s23+$0x2410] =	vst v7  }
0x2bf: {  	v7 =	vld [tilespmem:$0xA420]  }
0x2c0: {  	v5 =	vadd.f32 v5, v6;
	_ =	sdelay $0x1  }
0x2c1: {  	v5 =	vmul.f32 v5, v4;
	_ =	sdelay $0x1  }
0x2c2: {  	v5 =	vadd.f32 v5, v7;
	_ =	sdelay $0x1  }
0x2c3: {  	v5 =	vsub.f32 $0.0e+00, v5;
	_ =	sdelay $0x1  }
0x2c4: {  	v5 =	vmul.f32 $1.442695020e+00, v5;
	_ =	sdelay $0x1  }
0x2c5: {  	(erf) = vpow2.f32 v5;
	_ =	sdelay $0x8  }
0x2c6: {  	v5 =	vpop (erf)  }
0x2c7: {  	v5 =	vadd.f32 $1.000000000e+00, v5;
	_ =	sdelay $0x1  }
0x2c8: {  	(erf) = vrcp.f32 v5;
	_ =	sdelay $0x5  }
0x2c9: {  	v5 =	vld [tilespmem:s23+$0x4430]  }
0x2ca: {  	v6 =	vld [tilespmem:s23+$0x2430];
	_ =	sdelay $0x1  }
0x2cb: {  	v7 =	vpop (erf)  }
0x2cc: {  	[tilespmem:s23+$0x2420] =	vst v7  }
0x2cd: {  	v7 =	vld [tilespmem:$0xA430]  }
0x2ce: {  	v5 =	vadd.f32 v5, v6;
	_ =	sdelay $0x1  }
0x2cf: {  	v5 =	vmul.f32 v5, v4;
	_ =	sdelay $0x1  }
0x2d0: {  	v5 =	vadd.f32 v5, v7;
	_ =	sdelay $0x1  }
0x2d1: {  	v5 =	vsub.f32 $0.0e+00, v5;
	_ =	sdelay $0x1  }
0x2d2: {  	v5 =	vmul.f32 $1.442695020e+00, v5;
	_ =	sdelay $0x1  }
0x2d3: {  	(erf) = vpow2.f32 v5;
	_ =	sdelay $0x8  }
0x2d4: {  	v5 =	vpop (erf)  }
0x2d5: {  	v5 =	vadd.f32 $1.000000000e+00, v5;
	_ =	sdelay $0x1  }
0x2d6: {  	(erf) = vrcp.f32 v5;
	_ =	sdelay $0x5  }
0x2d7: {  	v5 =	vld [tilespmem:s23+$0x4440]  }
0x2d8: {  	v6 =	vld [tilespmem:s23+$0x2440];
	_ =	sdelay $0x1  }
0x2d9: {  	v7 =	vpop (erf)  }
0x2da: {  	[tilespmem:s23+$0x2430] =	vst v7  }
0x2db: {  	v7 =	vld [tilespmem:$0xA440]  }
0x2dc: {  	v5 =	vadd.f32 v5, v6;
	_ =	sdelay $0x1  }
0x2dd: {  	v5 =	vmul.f32 v5, v4;
	_ =	sdelay $0x1  }
0x2de: {  	v5 =	vadd.f32 v5, v7;
	_ =	sdelay $0x1  }
0x2df: {  	v5 =	vsub.f32 $0.0e+00, v5;
	_ =	sdelay $0x1  }
0x2e0: {  	v5 =	vmul.f32 $1.442695020e+00, v5;
	_ =	sdelay $0x1  }
0x2e1: {  	(erf) = vpow2.f32 v5;
	_ =	sdelay $0x8  }
0x2e2: {  	v5 =	vpop (erf)  }
0x2e3: {  	v5 =	vadd.f32 $1.000000000e+00, v5;
	_ =	sdelay $0x1  }
0x2e4: {  	(erf) = vrcp.f32 v5;
	_ =	sdelay $0x5  }
0x2e5: {  	v5 =	vld [tilespmem:s23+$0x4450]  }
0x2e6: {  	v6 =	vld [tilespmem:s23+$0x2450];
	_ =	sdelay $0x1  }
0x2e7: {  	v7 =	vpop (erf)  }
0x2e8: {  	[tilespmem:s23+$0x2440] =	vst v7  }
0x2e9: {  	v7 =	vld [tilespmem:$0xA450]  }
0x2ea: {  	v5 =	vadd.f32 v5, v6;
	_ =	sdelay $0x1  }
0x2eb: {  	v5 =	vmul.f32 v5, v4;
	_ =	sdelay $0x1  }
0x2ec: {  	v5 =	vadd.f32 v5, v7;
	_ =	sdelay $0x1  }
0x2ed: {  	v5 =	vsub.f32 $0.0e+00, v5;
	_ =	sdelay $0x1  }
0x2ee: {  	v5 =	vmul.f32 $1.442695020e+00, v5;
	_ =	sdelay $0x1  }
0x2ef: {  	(erf) = vpow2.f32 v5;
	_ =	sdelay $0x8  }
0x2f0: {  	v5 =	vpop (erf)  }
0x2f1: {  	v5 =	vadd.f32 $1.000000000e+00, v5;
	_ =	sdelay $0x1  }
0x2f2: {  	(erf) = vrcp.f32 v5;
	_ =	sdelay $0x5  }
0x2f3: {  	v5 =	vld [tilespmem:s23+$0x4460]  }
0x2f4: {  	v6 =	vld [tilespmem:s23+$0x2460];
	_ =	sdelay $0x1  }
0x2f5: {  	v7 =	vpop (erf)  }
0x2f6: {  	[tilespmem:s23+$0x2450] =	vst v7  }
0x2f7: {  	v7 =	vld [tilespmem:$0xA460]  }
0x2f8: {  	v5 =	vadd.f32 v5, v6;
	_ =	sdelay $0x1  }
0x2f9: {  	v5 =	vmul.f32 v5, v4;
	_ =	sdelay $0x1  }
0x2fa: {  	v5 =	vadd.f32 v5, v7;
	_ =	sdelay $0x1  }
0x2fb: {  	v5 =	vsub.f32 $0.0e+00, v5;
	_ =	sdelay $0x1  }
0x2fc: {  	v5 =	vmul.f32 $1.442695020e+00, v5;
	_ =	sdelay $0x1  }
0x2fd: {  	(erf) = vpow2.f32 v5;
	_ =	sdelay $0x8  }
0x2fe: {  	v5 =	vpop (erf)  }
0x2ff: {  	v5 =	vadd.f32 $1.000000000e+00, v5;
	_ =	sdelay $0x1  }
0x300: {  	(erf) = vrcp.f32 v5;
	_ =	sdelay $0x5  }
0x301: {  	v5 =	vld [tilespmem:s23+$0x4470]  }
0x302: {  	v6 =	vld [tilespmem:s23+$0x2470];
	_ =	sdelay $0x1  }
0x303: {  	v7 =	vpop (erf)  }
0x304: {  	[tilespmem:s23+$0x2460] =	vst v7  }
0x305: {  	v7 =	vld [tilespmem:$0xA470]  }
0x306: {  	v5 =	vadd.f32 v5, v6;
	_ =	sdelay $0x1  }
0x307: {  	v4 =	vmul.f32 v5, v4;
	_ =	sdelay $0x1  }
0x308: {  	v4 =	vadd.f32 v4, v7;
	_ =	sdelay $0x1  }
0x309: {  	v4 =	vsub.f32 $0.0e+00, v4;
	_ =	sdelay $0x1  }
0x30a: {  	v4 =	vmul.f32 $1.442695020e+00, v4;
	_ =	sdelay $0x1  }
0x30b: {  	(erf) = vpow2.f32 v4;
	_ =	sdelay $0x8  }
0x30c: {  	v4 =	vpop (erf)  }
0x30d: {  	v4 =	vadd.f32 $1.000000000e+00, v4;
	_ =	sdelay $0x1  }
0x30e: {  	(erf) = vrcp.f32 v4;
	_ =	sdelay $0x4  }
.Ltmp6:
0x30f: {  	s4 =	sadd.s32 $0x1, s4;
	(pc) =	sbr.rel @p0 .LBB2_15-.Ltmp6, $2  }
0x310: {  	v4 =	vmov s4;
	_ =	sdelay $0x2  }
0x311: {  	v5 =	vpop (erf)  }
0x312: {  	_ =	sdelay $0x2  }
0x313: {  	[tilespmem:s23+$0x2470] =	vst v5  }
0x314: {  	v4 =	vld.idx.msk [tilespmem:v4+s30+$0x0], $0xffff;
	_ =	sdelay $0x1  }
0x315: {  	v5 =	vld [tilespmem:$0xA400]  }
0x316: {  	v2 =	vadd.f32 v3, v2;
	_ =	sdelay $0x1  }
0x317: {  	v2 =	vmul.f32 v2, v4;
	_ =	sdelay $0x1  }
0x318: {  	v2 =	vadd.f32 v2, v5;
	_ =	sdelay $0x1  }
0x319: {  	v2 =	vsub.f32 $0.0e+00, v2;
	_ =	sdelay $0x1  }
0x31a: {  	v2 =	vmul.f32 $1.442695020e+00, v2;
	_ =	sdelay $0x1  }
0x31b: {  	(erf) = vpow2.f32 v2;
	_ =	sdelay $0x8  }
0x31c: {  	v2 =	vpop (erf)  }
0x31d: {  	v2 =	vadd.f32 $1.000000000e+00, v2;
	_ =	sdelay $0x1  }
0x31e: {  	(erf) = vrcp.f32 v2;
	_ =	sdelay $0x5  }
0x31f: {  	v3 =	vld [tilespmem:s3+$0x2410]  }
0x320: {  	v2 =	vld [tilespmem:s3+$0x4410];
	_ =	sdelay $0x1  }
0x321: {  	v57 =	vpop (erf)  }
0x322: {  	[tilespmem:s3+$0x2400] =	vst v57  }
0x323: {  	v5 =	vld [tilespmem:$0xA410]  }
0x324: {  	v2 =	vadd.f32 v2, v3;
	_ =	sdelay $0x1  }
0x325: {  	v2 =	vmul.f32 v2, v4;
	_ =	sdelay $0x1  }
0x326: {  	v2 =	vadd.f32 v2, v5;
	_ =	sdelay $0x1  }
0x327: {  	v2 =	vsub.f32 $0.0e+00, v2;
	_ =	sdelay $0x1  }
0x328: {  	v2 =	vmul.f32 $1.442695020e+00, v2;
	_ =	sdelay $0x1  }
0x329: {  	(erf) = vpow2.f32 v2;
	_ =	sdelay $0x8  }
0x32a: {  	v2 =	vpop (erf)  }
0x32b: {  	v2 =	vadd.f32 $1.000000000e+00, v2;
	_ =	sdelay $0x1  }
0x32c: {  	(erf) = vrcp.f32 v2;
	_ =	sdelay $0x5  }
0x32d: {  	v3 =	vld [tilespmem:s3+$0x2420]  }
0x32e: {  	v2 =	vld [tilespmem:s3+$0x4420];
	_ =	sdelay $0x1  }
0x32f: {  	v58 =	vpop (erf)  }
0x330: {  	[tilespmem:s3+$0x2410] =	vst v58  }
0x331: {  	v5 =	vld [tilespmem:$0xA420]  }
0x332: {  	v2 =	vadd.f32 v2, v3;
	_ =	sdelay $0x1  }
0x333: {  	v2 =	vmul.f32 v2, v4;
	_ =	sdelay $0x1  }
0x334: {  	v2 =	vadd.f32 v2, v5;
	_ =	sdelay $0x1  }
0x335: {  	v2 =	vsub.f32 $0.0e+00, v2;
	_ =	sdelay $0x1  }
0x336: {  	v2 =	vmul.f32 $1.442695020e+00, v2;
	_ =	sdelay $0x1  }
0x337: {  	(erf) = vpow2.f32 v2;
	_ =	sdelay $0x8  }
0x338: {  	v2 =	vpop (erf)  }
0x339: {  	v2 =	vadd.f32 $1.000000000e+00, v2;
	_ =	sdelay $0x1  }
0x33a: {  	(erf) = vrcp.f32 v2;
	_ =	sdelay $0x5  }
0x33b: {  	v3 =	vld [tilespmem:s3+$0x2430]  }
0x33c: {  	v2 =	vld [tilespmem:s3+$0x4430];
	_ =	sdelay $0x1  }
0x33d: {  	v59 =	vpop (erf)  }
0x33e: {  	[tilespmem:s3+$0x2420] =	vst v59  }
0x33f: {  	v5 =	vld [tilespmem:$0xA430]  }
0x340: {  	v2 =	vadd.f32 v2, v3;
	_ =	sdelay $0x1  }
0x341: {  	v2 =	vmul.f32 v2, v4;
	_ =	sdelay $0x1  }
0x342: {  	v2 =	vadd.f32 v2, v5;
	_ =	sdelay $0x1  }
0x343: {  	v2 =	vsub.f32 $0.0e+00, v2;
	_ =	sdelay $0x1  }
0x344: {  	v2 =	vmul.f32 $1.442695020e+00, v2;
	_ =	sdelay $0x1  }
0x345: {  	(erf) = vpow2.f32 v2;
	_ =	sdelay $0x8  }
0x346: {  	v2 =	vpop (erf)  }
0x347: {  	v2 =	vadd.f32 $1.000000000e+00, v2;
	_ =	sdelay $0x1  }
0x348: {  	(erf) = vrcp.f32 v2;
	_ =	sdelay $0x5  }
0x349: {  	v3 =	vld [tilespmem:s3+$0x2440]  }
0x34a: {  	v2 =	vld [tilespmem:s3+$0x4440];
	_ =	sdelay $0x1  }
0x34b: {  	v60 =	vpop (erf)  }
0x34c: {  	[tilespmem:s3+$0x2430] =	vst v60  }
0x34d: {  	v5 =	vld [tilespmem:$0xA440]  }
0x34e: {  	v2 =	vadd.f32 v2, v3;
	_ =	sdelay $0x1  }
0x34f: {  	v2 =	vmul.f32 v2, v4;
	_ =	sdelay $0x1  }
0x350: {  	v2 =	vadd.f32 v2, v5;
	_ =	sdelay $0x1  }
0x351: {  	v2 =	vsub.f32 $0.0e+00, v2;
	_ =	sdelay $0x1  }
0x352: {  	v2 =	vmul.f32 $1.442695020e+00, v2;
	_ =	sdelay $0x1  }
0x353: {  	(erf) = vpow2.f32 v2;
	_ =	sdelay $0x8  }
0x354: {  	v2 =	vpop (erf)  }
0x355: {  	v2 =	vadd.f32 $1.000000000e+00, v2;
	_ =	sdelay $0x1  }
0x356: {  	(erf) = vrcp.f32 v2;
	_ =	sdelay $0x5  }
0x357: {  	v3 =	vld [tilespmem:s3+$0x2450]  }
0x358: {  	v2 =	vld [tilespmem:s3+$0x4450];
	_ =	sdelay $0x1  }
0x359: {  	v61 =	vpop (erf)  }
0x35a: {  	[tilespmem:s3+$0x2440] =	vst v61  }
0x35b: {  	v5 =	vld [tilespmem:$0xA450]  }
0x35c: {  	v2 =	vadd.f32 v2, v3;
	_ =	sdelay $0x1  }
0x35d: {  	v2 =	vmul.f32 v2, v4;
	_ =	sdelay $0x1  }
0x35e: {  	v2 =	vadd.f32 v2, v5;
	_ =	sdelay $0x1  }
0x35f: {  	v2 =	vsub.f32 $0.0e+00, v2;
	_ =	sdelay $0x1  }
0x360: {  	v2 =	vmul.f32 $1.442695020e+00, v2;
	_ =	sdelay $0x1  }
0x361: {  	(erf) = vpow2.f32 v2;
	_ =	sdelay $0x8  }
0x362: {  	v2 =	vpop (erf)  }
0x363: {  	v2 =	vadd.f32 $1.000000000e+00, v2;
	_ =	sdelay $0x1  }
0x364: {  	(erf) = vrcp.f32 v2;
	_ =	sdelay $0x5  }
0x365: {  	v3 =	vld [tilespmem:s3+$0x2460]  }
0x366: {  	v2 =	vld [tilespmem:s3+$0x4460];
	_ =	sdelay $0x1  }
0x367: {  	v62 =	vpop (erf)  }
0x368: {  	[tilespmem:s3+$0x2450] =	vst v62  }
0x369: {  	v5 =	vld [tilespmem:$0xA460]  }
0x36a: {  	v2 =	vadd.f32 v2, v3;
	_ =	sdelay $0x1  }
0x36b: {  	v2 =	vmul.f32 v2, v4;
	_ =	sdelay $0x1  }
0x36c: {  	v2 =	vadd.f32 v2, v5;
	_ =	sdelay $0x1  }
0x36d: {  	v2 =	vsub.f32 $0.0e+00, v2;
	_ =	sdelay $0x1  }
0x36e: {  	v2 =	vmul.f32 $1.442695020e+00, v2;
	_ =	sdelay $0x1  }
0x36f: {  	(erf) = vpow2.f32 v2;
	_ =	sdelay $0x8  }
0x370: {  	v2 =	vpop (erf)  }
0x371: {  	v2 =	vadd.f32 $1.000000000e+00, v2;
	_ =	sdelay $0x1  }
0x372: {  	(erf) = vrcp.f32 v2;
	_ =	sdelay $0x5  }
0x373: {  	v3 =	vld [tilespmem:s3+$0x2470]  }
0x374: {  	v2 =	vld [tilespmem:s3+$0x4470];
	_ =	sdelay $0x1  }
0x375: {  	v63 =	vpop (erf)  }
0x376: {  	[tilespmem:s3+$0x2460] =	vst v63  }
0x377: {  	v5 =	vld [tilespmem:$0xA470]  }
0x378: {  	v2 =	vadd.f32 v2, v3;
	_ =	sdelay $0x1  }
0x379: {  	v2 =	vmul.f32 v2, v4;
	_ =	sdelay $0x1  }
0x37a: {  	v2 =	vadd.f32 v2, v5;
	_ =	sdelay $0x1  }
0x37b: {  	v2 =	vsub.f32 $0.0e+00, v2;
	_ =	sdelay $0x1  }
0x37c: {  	v2 =	vmul.f32 $1.442695020e+00, v2;
	_ =	sdelay $0x1  }
0x37d: {  	(erf) = vpow2.f32 v2;
	_ =	sdelay $0x8  }
0x37e: {  	v2 =	vpop (erf)  }
0x37f: {  	v2 =	vadd.f32 $1.000000000e+00, v2;
	_ =	sdelay $0x1  }
0x380: {  	(erf) = vrcp.f32 v2;
	_ =	sdelay $0x6  }
0x381: {  	s4 =	rddreg [dreg:$0x15]  }
0x382: {  	s15 =	sadd.s32 $0x1, s15;
	s4 =	sadd.s32 s4, s19  }
0x383: {  	s19 =	rddreg [dreg:$0x6];
	p0 =	sne.s32 s15, $0xA;
	s4 =	sshrl.u32 s4, $0x3;
	v2 =	vpop (erf)  }
.Ltmp7:
0x384: {  	s23 =	simm.s32 $0x0;
	[tilespmem:s3+$0x2470] =	vst v2;
	s3 =	sadd.s32 s19, s4;
	(pc) =	sbr.rel @p0 .LBB2_14-.Ltmp7, $4  }
0x385: {  	[hbm4b:s3+s23] =	stream.linear.scatter [tilespmem:s2], [sflag:$0x9], $0x2000, $0x38;
	[tilespmem:$0x1E700] =	vst v63  }
0x386: {  	_ =	swait.ge [sflag:s31], $0x2000  }
0x387: {  	[sflag:s31] =	ssyncset.done $0x0  }
0x388: {  	s28 =	sadd.s32 $0x40, s28;
	[sflag:s31] =	ssyncadd.s32 $0xFFFFE000  }
0x389: {  	s4 =	rddreg [dreg:$0x1a]  }
0x38a: {  	s3 =	rddreg [dreg:$0x16];
	s4 =	sadd.s32 $0x1, s4  }
0x38b: {  	p0 =	sne.s32 s4, s3  }
.Ltmp8:
0x38c: {  	_ = 	snop;
	(pc) =	sbr.rel @p0 .LBB2_1-.Ltmp8, $1  }
0x38d: {  	_ =	sdelay $0x3  }
0x38e: {  	_ =	sfence.sel $0x180000  }
0x38f: {  	[bflag:$0x0] =	sbarrier.arrive $0xFFFF  }
0x390: {  	_ =	strace $0x9000004A  }
0x391: {  	s0 =	stileid.u32;
	[bflag:$0x2] =	sbarrier.arrive $0xFFFF  }
0x392: {  	p0 =	sne.s32 s0, $0x0;
	s0 =	rddreg [dreg:$0x3]  }
0x393: {  	s0 =	sadd.s32 @!p0 $0x100000, s0  }
0x394: {  	[sflag:s0] =	ssyncadd.tile.s32 @!p0 $0x1;
	_ =	shalt  }
.Lfunc_end2:
_tile_overlayer_lowered:
.L_overlay_start_2:
0x395: {  	(tag) =	ssettag $0x2  }
0x396: {  	s0 =	rddreg [dreg:$0x0];
	s2 =	stileid.u32  }
0x397: {  	s1 =	rddreg [dreg:$0x1];
	p0 =	sne.s32 s2, $0x0  }
0x398: {  	s3 =	rddreg [dreg:$0x2];
	[bflag:$0x3] =	sbarrier.arrive $0xFFFF;
	s2 =	simm.s32 @!p0 $0x1C09  }
0x399: {  	[timem:s3], [sflag:s2] =	dma.local @!p0 [hbm:s0], s1  }
0x39a: {  	s0 =	simm.s32 @!p0 $0x9  }
0x39b: {  	_ =	swait.ge @!p0 [sflag:s0], s1  }
0x39c: {  	s1 =	ssub.s32 @!p0 $0x0, s1;
	[sflag:s0] =	ssyncset.done @!p0 $0x0  }
0x39d: {  	[sflag:s0] =	ssyncadd.s32 @!p0 s1  }
0x39e: {  	[bflag:$0x3] =	sbarrier.arrive $0xFFFF  }
0x39f: {  	_ =	shalt  }

// kernel: kernel.14.cloned.1.call-start
scs
__scs_entry_jumppad:
0x0: {  	(pc) =	sbr.rel $0x88, $3  }
0x1: {  	(tag) =	ssettag $0x0;
	lr =	simm.s32 $0x1  }
0x2: {  	[smem:$0x3F9A] =	sst lr;
	_ =	strace $0xD0000000  }
0x3: {  	_ = 	snop  }
0x4: {  	_ = 	snop  }
0x5: {  	_ = 	snop  }
0x6: {  	_ = 	snop  }
0x7: {  	_ = 	snop  }
__scs_overlays_trampoline_lowered:
0x8: {  	[smem:$0x3FA9] =	sst s0  }
0x9: {  	[smem:$0x3FAA] =	sst s1  }
0xa: {  	[smem:$0x3FAB] =	sst s2  }
0xb: {  	[smem:$0x3FAC] =	sst s3  }
0xc: {  	[smem:$0x3FAD] =	sst s4  }
0xd: {  	[smem:$0x3FAE] =	sst s5  }
0xe: {  	[smem:$0x3FAF] =	sst s6  }
0xf: {  	[smem:$0x3FB0] =	sst s7  }
0x10: {  	[smem:$0x3FB1] =	sst s8  }
0x11: {  	[smem:$0x3FB2] =	sst s9;
	s0 =	simm.s32 @!p0 $0x0  }
0x12: {  	s1 =	sld [smem:$0x3F98];
	s0 =	simm.s32 @p0 $0x1  }
0x13: {  	[smem:$0x3FB3] =	sst s0;
	s0 =	simm.s32 @!p1 $0x0  }
0x14: {  	s2 =	sld [smem:$0x3F97];
	s0 =	simm.s32 @p1 $0x1  }
0x15: {  	[smem:$0x3FB4] =	sst s0;
	s0 =	simm.s32 @!p2 $0x0  }
0x16: {  	s3 =	sld [smem:$0x3FDB];
	s0 =	simm.s32 @p2 $0x1  }
0x17: {  	s4 =	simm.s32 $0x1BF5;
	[smem:$0x3FB6] =	sst s0  }
0x18: {  	s0 =	sld [smem:$0x3F99];
	_ =	swait.ge [sflag:s4], $0x0  }
0x19: {  	s7 =	sld [smem:$0x3F9A]  }
0x1a: {  	s8 =	sadd.s32 $0xFFFFE003, lr  }
0x1b: {  	s9 =	sadd.s32 $0xFFFFFEF7, lr;
	s5 =	simm.s32 $0xFFFFFFFF;
	p2 =	slt.u32 s8, $0xFFFFF086  }
0x1c: {  	p1 =	slt.u32 s9, $0xF7A;
	s5 =	simm.s32 @!p2 $0x0  }
0x1d: {  	s5 =	simm.s32 @p1 $0x1;
	p0 =	seq.s32 s7, s2  }
0x1e: {  	s7 =	smul.u32 @!p0 $0xF7A, s2;
	p2 =	seq.s32 @!p0 s5, $0x0  }
0x1f: {  	s9 =	smul.u32 $0xF7A, s1;
	s8 =	simm.s32 @!p0 $0x1BF5;
	p2 =	por !p2, p0  }
0x20: {  	[sflag:s8] =	ssyncset.s32 @!p0 $0xFFFFF086;
	s6 =	sadd.s32 @!p0 s3, s7;
	s7 =	simm.s32 @!p0 $0x108  }
0x21: {  	s3 =	sadd.s32 s3, s9;
	s6 =	sadd.s32 @!p0 $0x88, s6;
	s7 =	simm.s32 @p2 $0x1082  }
0x22: {  	[simem:s7], [sflag:s8] =	dma.local @!p0 [hbm:s6], $0xF7A  }
0x23: {  	s9 =	sor.u32 $0xD0000000, s2;
	s6 =	simm.s32 $0x108;
	_ =	swait.ge @!p0 [sflag:s8], $0x0  }
0x24: {  	s3 =	sadd.s32 $0x88, s3;
	s6 =	simm.s32 @!p1 $0x1082;
	[sflag:s4] =	ssyncset.s32 $0xFFFFF086  }
0x25: {  	[simem:s6], [sflag:s4] =	dma.local [hbm:s3], $0xF7A  }
0x26: {  	[smem:$0x3F9A] =	sst s1;
	(tag) =	ssettag s2;
	_ =	strace s9  }
0x27: {  	s1 =	sld [smem:$0x3FAA]  }
0x28: {  	s2 =	sld [smem:$0x3FAB]  }
0x29: {  	s4 =	sld [smem:$0x3FAD]  }
0x2a: {  	p0 =	seq.s32 s5, $0x0;
	s5 =	sld [smem:$0x3FAE]  }
0x2b: {  	s6 =	sld [smem:$0x3FAF]  }
0x2c: {  	s7 =	sld [smem:$0x3FB0]  }
0x2d: {  	s3 =	simm.s32 $0x108;
	s8 =	sld [smem:$0x3FB1]  }
0x2e: {  	s3 =	simm.s32 @!p0 $0x1082;
	s9 =	sld [smem:$0x3FB2]  }
0x2f: {  	lr =	sadd.s32 s0, s3;
	s0 =	sld [smem:$0x3FA9]  }
0x30: {  	s3 =	sld [smem:$0x3FAC]  }
0x31: {  	[smem:$0x3FB5] =	sst s10  }
0x32: {  	s10 =	sld [smem:$0x3FB3];
	_ =	sdelay $0x3  }
0x33: {  	p0 =	seq.s32 s10, $0x1;
	s10 =	sld [smem:$0x3FB5];
	_ =	sdelay $0x3  }
0x34: {  	[smem:$0x3FB5] =	sst s10  }
0x35: {  	s10 =	sld [smem:$0x3FB4];
	_ =	sdelay $0x3  }
0x36: {  	p1 =	seq.s32 s10, $0x1;
	s10 =	sld [smem:$0x3FB5];
	_ =	sdelay $0x3  }
0x37: {  	[smem:$0x3FB5] =	sst s10  }
0x38: {  	s10 =	sld [smem:$0x3FB6]  }
0x39: {  	_ = 	snop;
	(pc) =	sbr.ind lr, $3  }
0x3a: {  	_ = 	snop  }
0x3b: {  	_ = 	snop  }
0x3c: {  	p2 =	seq.s32 s10, $0x1;
	s10 =	sld [smem:$0x3FB5]  }
0x3d: {  	_ =	shalt  }
0x3e: {  	_ =	shalt  }
0x3f: {  	_ =	shalt  }
0x40: {  	_ =	shalt  }
0x41: {  	_ =	shalt  }
0x42: {  	_ =	shalt  }
0x43: {  	_ =	shalt  }
0x44: {  	_ =	shalt  }
0x45: {  	_ =	shalt  }
0x46: {  	_ =	shalt  }
0x47: {  	_ =	shalt  }
0x48: {  	_ =	shalt  }
0x49: {  	_ =	shalt  }
0x4a: {  	_ =	shalt  }
0x4b: {  	_ =	shalt  }
0x4c: {  	_ =	shalt  }
0x4d: {  	_ =	shalt  }
0x4e: {  	_ =	shalt  }
0x4f: {  	_ =	shalt  }
0x50: {  	_ =	shalt  }
0x51: {  	_ =	shalt  }
0x52: {  	_ =	shalt  }
0x53: {  	_ =	shalt  }
0x54: {  	_ =	shalt  }
0x55: {  	_ =	shalt  }
0x56: {  	_ =	shalt  }
0x57: {  	_ =	shalt  }
0x58: {  	_ =	shalt  }
0x59: {  	_ =	shalt  }
0x5a: {  	_ =	shalt  }
0x5b: {  	_ =	shalt  }
0x5c: {  	_ =	shalt  }
0x5d: {  	_ =	shalt  }
0x5e: {  	_ =	shalt  }
0x5f: {  	_ =	shalt  }
0x60: {  	_ =	shalt  }
0x61: {  	_ =	shalt  }
0x62: {  	_ =	shalt  }
0x63: {  	_ =	shalt  }
0x64: {  	_ =	shalt  }
0x65: {  	_ =	shalt  }
0x66: {  	_ =	shalt  }
0x67: {  	_ =	shalt  }
0x68: {  	_ =	shalt  }
0x69: {  	_ =	shalt  }
0x6a: {  	_ =	shalt  }
0x6b: {  	_ =	shalt  }
0x6c: {  	_ =	shalt  }
0x6d: {  	_ =	shalt  }
0x6e: {  	_ =	shalt  }
0x6f: {  	_ =	shalt  }
0x70: {  	_ =	shalt  }
0x71: {  	_ =	shalt  }
0x72: {  	_ =	shalt  }
0x73: {  	_ =	shalt  }
0x74: {  	_ =	shalt  }
0x75: {  	_ =	shalt  }
0x76: {  	_ =	shalt  }
0x77: {  	_ =	shalt  }
0x78: {  	_ =	shalt  }
0x79: {  	_ =	shalt  }
0x7a: {  	_ =	shalt  }
0x7b: {  	_ =	shalt  }
0x7c: {  	_ =	shalt  }
0x7d: {  	_ =	shalt  }
0x7e: {  	_ =	shalt  }
0x7f: {  	_ =	shalt  }
0x80: {  	_ =	shalt  }
0x81: {  	_ =	shalt  }
0x82: {  	_ =	shalt  }
0x83: {  	_ =	shalt  }
0x84: {  	_ =	shalt  }
0x85: {  	_ =	shalt  }
0x86: {  	_ =	shalt  }
0x87: {  	_ =	shalt  }
.Lfunc_end0:
.L_simem_size_0:
called_computation.2_lowered:
.L_overlay_start_0:
0x88: {  	s2 =	sld [smem:$0x3FD9]  }
0x89: {  	s3 =	sld [smem:$0x3FFE];
	_ =	sdelay $0x1  }
0x8a: {  	s1 =	srdreg.scid  }
0x8b: {  	s0 =	sand.u32 $0x1, s1  }
0x8c: {  	s17 =	sshll.u32 s0, $0xA;
	s2 =	sadd.s32 s3, s2  }
0x8d: {  	s2 =	sadd.s32 s2, s17  }
0x8e: {  	[smem:$0x3FC1] =	sst s2  }
0x8f: {  	_ = 	snop  }
0x90: {  	s2 =	sld [smem:$0x3FC4];
	(tm) =	ssettm $0x1  }
0x91: {  	s18 =	sld [smem:$0x3FFB];
	_ =	sdelay $0x3  }
0x92: {  	_ =	strace s18  }
0x93: {  	s3 =	sld [smem:$0x3FFC];
	_ =	sdelay $0x3  }
0x94: {  	_ =	strace s3  }
0x95: {  	s3 =	sld [smem:$0x3FFD];
	_ =	sdelay $0x3  }
0x96: {  	_ =	strace s3  }
0x97: {  	_ =	strace $0x8FFFFFFF  }
0x98: {  	s19 =	sld [smem:$0x3FDB];
	_ =	sdelay $0x1  }
0x99: {  	s4 =	simm.s32 $_scs_section_size  }
0x9a: {  	s5 =	simm.s32 $_size__tile_overlayer_lowered;
	s6 =	simm.s32 $_tile_overlayer_lowered  }
0x9b: {  	s22 =	simm.s32 $0x1BFF;
	s21 =	sshll.u32 s6, $0x1;
	s3 =	sadd.s32 s4, s19  }
0x9c: {  	s7 =	simm.s32 $0x0;
	s20 =	sshll.u32 s5, $0x1;
	s5 =	sadd.s32 s21, s3  }
0x9d: {  	[timem:s7], [sflag:s22] =	dma.local [hbm:s5], s20  }
0x9e: {  	_ =	swait.ge [sflag:s22], s20  }
0x9f: {  	s4 =	ssub.s32 $0x0, s20;
	[sflag:s22] =	ssyncset.done $0x0  }
0xa0: {  	[sflag:s22] =	ssyncadd.s32 s4;
	_ =	sdelay $0x1  }
0xa1: {  	s23 =	simm.s32 $0x1B8B  }
0xa2: {  	_ =	swait.ge [sflag:s23], $0x1  }
0xa3: {  	[sflag:s23] =	ssyncset.done $0x0  }
0xa4: {  	s25 =	simm.s32 $0x1B8E;
	s24 =	sld [smem:$0x3FFE];
	[sflag:s23] =	ssyncadd.s32 $0xFFFFFFFF  }
0xa5: {  	s26 =	simm.s32 $execute0_lowered;
	[smem:$0x3FD2] =	sst s25  }
0xa6: {  	s5 =	sshll.u32 s26, $0x1;
	_ =	strace $0x8000004C;
	[dreg:$0x1] =	wrdreg $0xFFFFFFFF  }
0xa7: {  	s28 =	simm.s32 $_size_execute0_lowered;
	s3 =	sadd.s32 s3, s5;
	[dreg:$0x0] =	wrdreg $0x0  }
0xa8: {  	s5 =	sshll.u32 s28, $0x1;
	[dreg:$0x2] =	wrdreg s3  }
0xa9: {  	[dreg:$0x3] =	wrdreg s5  }
0xaa: {  	[dreg:$0x4] =	wrdreg $0xC0  }
0xab: {  	_ =	task [dreg:s7], $0x5FFFF  }
0xac: {  	[dreg:$0x1] =	wrdreg $0xFFFFFFFF  }
0xad: {  	[dreg:$0x0] =	wrdreg $0x60  }
0xae: {  	[dreg:$0x2] =	wrdreg s24  }
0xaf: {  	[dreg:$0x3] =	wrdreg s2  }
0xb0: {  	[dreg:$0x4] =	wrdreg $0xEF000  }
0xb1: {  	[dreg:$0x5] =	wrdreg $0xEC800  }
0xb2: {  	[dreg:$0x6] =	wrdreg $0x9  }
0xb3: {  	_ =	task.clear_ibuf [dreg:s7], $0x7FFFF;
	_ =	strace $0x9000004C  }
0xb4: {  	s29 =	simm.s32 $0x9;
	_ =	strace $0x8000004E  }
0xb5: {  	_ =	swait.ge [sflag:s29], $0x1  }
0xb6: {  	[sflag:s29] =	ssyncadd.s32 $0xFFFFFFFF  }
0xb7: {  	_ =	strace $0x9000004E  }
0xb8: {  	_ =	sfence  }
0xb9: {  	s30 =	sld [smem:$0x0];
	_ =	sdelay $0x2  }
0xba: {  	s31 =	sshll.u32 s1, $0xD;
	s1 =	sshrl.u32 s1, $0x2  }
0xbb: {  	s3 =	sand.u32 $0x4000, s31;
	s1 =	sadd.s32 s1, s30  }
0xbc: {  	s0 =	sor.u32 s3, s0;
	s1 =	sshll.u32 s1, $0x11  }
0xbd: {  	s0 =	sor.u32 s1, s0  }
0xbe: {  	s0 =	sadd.s32 $0x8F2B, s0  }
0xbf: {  	[sflag:s0] =	ssyncadd.remote.s32 $0x1  }
0xc0: {  	_ =	sfence.sel $0xFFFF  }
0xc1: {  	[dreg:$0x0] =	wrdreg $0xFFFFFFFF;
	(pc) =	sbr.abs _section_cstart, $3  }
0xc2: {  	[dreg:$0x1] =	wrdreg $0xFFFFFFFF  }
0xc3: {  	_ =	task.clear_ibuf [dreg:s7], $0x2FFFF;
	_ =	strace $0x9FFFFFFF  }
0xc4: {  	(tm) =	ssettm $0x7FFFFFFF  }
0xc5: {  	_ =	shalt  }
tec
execute0_lowered:
.L_overlay_start_1:
0x0: {  	(tag) =	ssettag $0x1  }
0x1: {  	s0 =	rddreg [dreg:$0x0]  }
0x2: {  	s11 =	rddreg [dreg:$0x1]  }
0x3: {  	s3 =	rddreg [dreg:$0x2]  }
0x4: {  	s12 =	rddreg [dreg:$0x3]  }
0x5: {  	s5 =	simm.s32 $0x0;
	s6 =	stileid.u32;
	s1 =	srdreg.scid  }
0x6: {  	s30 =	simm.s32 $0x4100;
	s31 =	simm.s32 $0x2000;
	s28 =	simm.s32 $0x0  }
0x7: {  	[smem:$0x7FF] =	sst s5;
	s2 =	smul.u32 $0x500, s6;
	s1 =	sand.u32 $0x1, s1  }
0x8: {  	s6 =	smul.u32 $0x280, s6;
	s7 =	sadd.s32 $0x7EC00, s0;
	s22 =	sadd.s32 $0x10, s11  }
0x9: {  	s14 =	sadd.s32 $0xA6C00, s0;
	_ =	strace $0x8000004D;
	s4 =	sshll.u32 s1, $0x7  }
0xa: {  	s9 =	ssub.s32 $0x2, s1;
	[dreg:$0x5] =	wrdreg s22;
	s26 =	smul.u32 $0x5000, s1  }
0xb: {  	s22 =	simm.s32 $0x4000;
	p0 =	sne.s32 s1, $0x0;
	s1 =	simm.s32 $0x80  }
0xc: {  	s8 =	sadd.s32 s2, s0;
	s2 =	sor.u32 s4, s2;
	s21 =	sshrl.u32 s6, $0x3  }
0xd: {  	s10 =	sshrl.u32 s9, $0x1;
	s13 =	sadd.s32 s6, s3;
	s15 =	sadd.s32 s6, s12  }
0xe: {  	s2 =	sshrl.u32 s2, $0x3;
	s4 =	sadd.s32 s21, s0;
	s24 =	sadd.s32 $0xB600, s8  }
0xf: {  	s9 =	ssub.s32 s9, s10;
	s25 =	sadd.s32 $0x6600, s8;
	[dreg:$0x7] =	wrdreg s24  }
0x10: {  	s8 =	sadd.s32 $0x1600, s8;
	s29 =	sshrl.u32 s26, $0x2;
	[dreg:$0x8] =	wrdreg s25  }
0x11: {  	s2 =	sadd.s32 s2, s0;
	s23 =	sadd.s32 $0x10600, s4;
	[dreg:$0x9] =	wrdreg s8  }
0x12: {  	s17 =	sadd.s32 $0x11600, s4;
	s18 =	smax.u32 s9, $0x1;
	s19 =	sadd.s32 $0x9880, s29  }
0x13: {  	s20 =	sadd.s32 $0x70C0, s29;
	s21 =	sor.u32 $0xC0C0, s29;
	s24 =	simm.s32 $0x4080  }
0x14: {  	v0 =	vlaneseq.u32;
	s25 =	simm.s32 $0x4380;
	s4 =	simm.s32 $0x1;
	[dreg:$0x6] =	wrdreg s23  }
0x15: {  	v1 =	vimm.f32 $0.0e+00;
	v2 =	vmul.u32 $0x80, v0;
	s16 =	sadd.s32 $0x10C00, s2;
	s23 =	simm.s32 $0x2;
	s2 =	simm.s32 $0x4880  }
.LBB2_1:
0x16: {  	s0 =	rddreg [dreg:$0x1]  }
0x17: {  	[tilespmem:s22], [sflag:$0x2] =	stream.linear.gather [hbm4b:s0+s5], $0x80, $0x38;
	[tilespmem:$0xF180] =	vst v63  }
0x18: {  	_ =	swait.ge [sflag:s23], $0x80  }
0x19: {  	[sflag:s23] =	ssyncset.done $0x0  }
0x1a: {  	s26 =	rddreg [dreg:$0x5];
	[sflag:s23] =	ssyncadd.s32 $0xFFFFFF80  }
0x1b: {  	[tilespmem:s24], [sflag:$0x2] =	stream.linear.gather [hbm4b:s26+s5], $0x80, $0x38;
	[tilespmem:$0xF180] =	vst v63  }
0x1c: {  	_ =	swait.ge [sflag:s23], $0x80  }
0x1d: {  	[sflag:s23] =	ssyncset.done $0x0  }
0x1e: {  	s8 =	rddreg [dreg:$0x6];
	[sflag:s23] =	ssyncadd.s32 $0xFFFFFF80  }
0x1f: {  	[tilespmem:s25], [sflag:$0x2] =	stream.linear.gather [hbm4b:s8+s5], $0x280, $0x38;
	[tilespmem:$0xF180] =	vst v63  }
0x20: {  	_ =	swait.ge [sflag:s23], $0x280  }
0x21: {  	[sflag:s23] =	ssyncset.done $0x0  }
0x22: {  	s8 =	simm.s32 $0x7080;
	s9 =	rddreg [dreg:$0x7];
	[sflag:s23] =	ssyncadd.s32 $0xFFFFFD80  }
0x23: {  	[tilespmem:s8], [sflag:$0x2] =	stream.linear.gather [hbm4b:s9+s5], $0x2800, $0x38;
	[tilespmem:$0xF180] =	vst v63  }
0x24: {  	_ =	swait.ge [sflag:s23], $0x2800  }
0x25: {  	[sflag:s23] =	ssyncset.done $0x0  }
0x26: {  	s11 =	simm.s32 $0x9880;
	s10 =	rddreg [dreg:$0x8];
	[sflag:s23] =	ssyncadd.s32 $0xFFFFD800  }
0x27: {  	[tilespmem:s11], [sflag:$0x2] =	stream.linear.gather [hbm4b:s10+s5], $0x2800, $0x38;
	[tilespmem:$0xF180] =	vst v63  }
0x28: {  	_ =	swait.ge [sflag:s23], $0x2800  }
0x29: {  	[sflag:s23] =	ssyncset.done $0x0  }
0x2a: {  	s26 =	simm.s32 $0xC080;
	s12 =	rddreg [dreg:$0x9];
	[sflag:s23] =	ssyncadd.s32 $0xFFFFD800  }
0x2b: {  	[tilespmem:s26], [sflag:$0x2] =	stream.linear.gather [hbm4b:s12+s5], $0x2800, $0x38;
	[tilespmem:$0xF180] =	vst v63  }
0x2c: {  	_ =	swait.ge [sflag:s23], $0x2800  }
0x2d: {  	[sflag:s23] =	ssyncset.done $0x0  }
0x2e: {  	[sflag:s23] =	ssyncadd.s32 $0xFFFFD800  }
0x2f: {  	[tilespmem:$0x4100] =	vst v1  }
0x30: {  	[tilespmem:$0x4110] =	vst v1  }
0x31: {  	[tilespmem:$0x4120] =	vst v1  }
0x32: {  	[tilespmem:$0x4130] =	vst v1  }
0x33: {  	[tilespmem:$0x4140] =	vst v1  }
0x34: {  	[tilespmem:$0x4150] =	vst v1  }
0x35: {  	[tilespmem:$0x4160] =	vst v1  }
0x36: {  	[tilespmem:$0x4170] =	vst v1  }
0x37: {  	[tilespmem:$0x4180] =	vst v1  }
0x38: {  	[tilespmem:$0x4190] =	vst v1  }
0x39: {  	[tilespmem:$0x41A0] =	vst v1  }
0x3a: {  	[tilespmem:$0x41B0] =	vst v1  }
0x3b: {  	[tilespmem:$0x41C0] =	vst v1  }
0x3c: {  	[tilespmem:$0x41D0] =	vst v1  }
0x3d: {  	[tilespmem:$0x41E0] =	vst v1  }
0x3e: {  	[tilespmem:$0x41F0] =	vst v1  }
0x3f: {  	[tilespmem:$0x4200] =	vst v1  }
0x40: {  	[tilespmem:$0x4210] =	vst v1  }
0x41: {  	[tilespmem:$0x4220] =	vst v1  }
0x42: {  	[tilespmem:$0x4230] =	vst v1  }
0x43: {  	[tilespmem:$0x4240] =	vst v1  }
0x44: {  	[tilespmem:$0x4250] =	vst v1  }
0x45: {  	[tilespmem:$0x4260] =	vst v1  }
0x46: {  	[tilespmem:$0x4270] =	vst v1  }
0x47: {  	[tilespmem:$0x4280] =	vst v1  }
0x48: {  	[tilespmem:$0x4290] =	vst v1  }
0x49: {  	[tilespmem:$0x42A0] =	vst v1  }
0x4a: {  	[tilespmem:$0x42B0] =	vst v1  }
0x4b: {  	[tilespmem:$0x42C0] =	vst v1  }
0x4c: {  	[tilespmem:$0x42D0] =	vst v1  }
0x4d: {  	[tilespmem:$0x42E0] =	vst v1  }
0x4e: {  	[tilespmem:$0x42F0] =	vst v1  }
0x4f: {  	[tilespmem:$0x4300] =	vst v1  }
0x50: {  	[tilespmem:$0x4310] =	vst v1  }
0x51: {  	[tilespmem:$0x4320] =	vst v1  }
0x52: {  	[tilespmem:$0x4330] =	vst v1  }
0x53: {  	[tilespmem:$0x4340] =	vst v1  }
0x54: {  	[tilespmem:$0x4350] =	vst v1  }
0x55: {  	[tilespmem:$0x4360] =	vst v1  }
0x56: {  	[tilespmem:$0x4370] =	vst v1  }
0x57: {  	[spmem:s13] =	stream.linear.scatter [tilespmem:s30], [sflag:$0x2], $0x280, $0x38;
	[tilespmem:$0xF180] =	vst v63  }
0x58: {  	_ =	swait.ge [sflag:s23], $0x280  }
0x59: {  	[sflag:s23] =	ssyncset.done $0x0  }
0x5a: {  	s29 =	simm.s32 $0x0;
	[sflag:s23] =	ssyncadd.s32 $0xFFFFFD80  }
.LBB2_2:
0x5b: {  	s0 =	sshll.u32 s29, $0x6  }
0x5c: {  	s8 =	sadd.s32 s6, s0  }
0x5d: {  	s8 =	sshll.u32 s8, $0x4  }
0x5e: {  	s26 =	simm.s32 $0x0;
	s9 =	sadd.s32 s7, s8  }
0x5f: {  	[tilespmem:s26], [sflag:$0x2] =	stream.linear.gather [hbm4b:s9+s26], $0x2000, $0x38;
	[tilespmem:$0xF180] =	vst v63  }
0x60: {  	_ =	swait.ge [sflag:s23], $0x2000  }
0x61: {  	[sflag:s23] =	ssyncset.done $0x0  }
0x62: {  	s8 =	sadd.s32 s8, s14;
	[sflag:s23] =	ssyncadd.s32 $0xFFFFE000  }
0x63: {  	[tilespmem:s31], [sflag:$0x2] =	stream.linear.gather [hbm4b:s8+s26], $0x2000, $0x38;
	[tilespmem:$0xF180] =	vst v63  }
0x64: {  	_ =	swait.ge [sflag:s23], $0x2000  }
0x65: {  	[sflag:s23] =	ssyncset.done $0x0  }
0x66: {  	s8 =	simm.s32 $0x0;
	[sflag:s23] =	ssyncadd.s32 $0xFFFFE000  }
.LBB2_3:
0x67: {  	s9 =	sshll.u32 s8, $0x4  }
0x68: {  	v3 =	vmov s9  }
0x69: {  	v5 =	vmov s26;
	v3 =	vshll.u32 v3, $0x7  }
0x6a: {  	v3 =	vor.u32 v2, v3  }
0x6b: {  	s10 =	simm.s32 $0x1;
	v4 =	vor.u32 s26, v3  }
0x6c: {  	v8 =	vmov s10;
	_ =	sdelay $0x1  }
0x6d: {  	v9 =	vld.idx.msk [tilespmem:v5+s22+$0x0], $0xffff  }
0x6e: {  	v6 =	vor.u32 s10, v3;
	v5 =	vld.idx.msk [tilespmem:v5+s24+$0x0], $0xffff  }
0x6f: {  	s12 =	simm.s32 $0x2;
	v7 =	vld.idx.msk [tilespmem:v4+s5+$0x0], $0xffff  }
0x70: {  	v11 =	vor.u32 s12, v3;
	v17 =	vld.idx.msk [tilespmem:v8+s22+$0x0], $0xffff  }
0x71: {  	v12 =	vld.idx.msk [tilespmem:v8+s24+$0x0], $0xffff  }
0x72: {  	v10 =	vld.idx.msk [tilespmem:v4+s31+$0x0], $0xffff  }
0x73: {  	v14 =	vmov s12;
	v16 =	vld.idx.msk [tilespmem:v6+s5+$0x0], $0xffff  }
0x74: {  	s11 =	simm.s32 $0x3;
	v4 =	vld.idx.msk [tilespmem:v6+s31+$0x0], $0xffff;
	v6 =	vmul.f32 v9, v7  }
0x75: {  	v8 =	vor.u32 s11, v3;
	v7 =	vld.idx.msk [tilespmem:v11+s5+$0x0], $0xffff;
	v9 =	vimm.f32 $0.0e+00  }
0x76: {  	v9 =	vadd.f32 v6, v9;
	v6 =	vld.idx.msk [tilespmem:v11+s31+$0x0], $0xffff;
	v11 =	vmov s11  }
0x77: {  	v10 =	vmul.f32 v5, v10  }
0x78: {  	s10 =	simm.s32 $0x4;
	v13 =	vld.idx.msk [tilespmem:v14+s22+$0x0], $0xffff  }
0x79: {  	v14 =	vld.idx.msk [tilespmem:v14+s24+$0x0], $0xffff;
	v5 =	vor.u32 s10, v3;
	v16 =	vmul.f32 v17, v16;
	v15 =	vadd.f32 v10, v9  }
0x7a: {  	s11 =	simm.s32 $0x8;
	v9 =	vmov s10;
	v10 =	vld.idx.msk [tilespmem:v8+s5+$0x0], $0xffff  }
.LBB2_4:
0x7b: {  	p1 =	sne.s32 s11, $0x7C;
	v15 =	vadd.f32 v16, v15;
	v4 =	vmul.f32 v12, v4;
	v12 =	vld.idx.msk [tilespmem:v11+s22+$0x0], $0xffff  }
0x7c: {  	s12 =	sadd.s32 $0x1, s10;
	v8 =	vld.idx.msk [tilespmem:v8+s31+$0x0], $0xffff  }
0x7d: {  	v16 =	vor.u32 s12, v3;
	v7 =	vmul.f32 v13, v7;
	v4 =	vadd.f32 v4, v15;
	v11 =	vld.idx.msk [tilespmem:v11+s24+$0x0], $0xffff  }
0x7e: {  	v15 =	vmov s12;
	v13 =	vld.idx.msk [tilespmem:v5+s5+$0x0], $0xffff  }
0x7f: {  	v6 =	vmul.f32 v14, v6;
	v17 =	vld.idx.msk [tilespmem:v9+s22+$0x0], $0xffff;
	v4 =	vadd.f32 v7, v4  }
0x80: {  	s12 =	sadd.s32 $0x2, s10;
	v5 =	vld.idx.msk [tilespmem:v5+s31+$0x0], $0xffff  }
0x81: {  	v14 =	vor.u32 s12, v3;
	v9 =	vld.idx.msk [tilespmem:v9+s24+$0x0], $0xffff;
	v4 =	vadd.f32 v6, v4;
	v6 =	vmul.f32 v12, v10  }
0x82: {  	v18 =	vmov s12;
	v10 =	vld.idx.msk [tilespmem:v16+s5+$0x0], $0xffff  }
0x83: {  	v7 =	vmul.f32 v11, v8;
	v19 =	vld.idx.msk [tilespmem:v15+s22+$0x0], $0xffff;
	v6 =	vadd.f32 v6, v4  }
0x84: {  	s12 =	sadd.s32 $0x3, s10;
	s10 =	smov.u32 s11;
	v4 =	vld.idx.msk [tilespmem:v16+s31+$0x0], $0xffff  }
0x85: {  	v8 =	vor.u32 s12, v3;
	v13 =	vmul.f32 v17, v13;
	v12 =	vld.idx.msk [tilespmem:v15+s24+$0x0], $0xffff;
	v6 =	vadd.f32 v7, v6  }
.Ltmp0:
0x86: {  	v11 =	vmov s12;
	v7 =	vld.idx.msk [tilespmem:v14+s5+$0x0], $0xffff;
	(pc) =	sbr.rel @p1 .LBB2_4-.Ltmp0, $4  }
0x87: {  	v9 =	vmul.f32 v9, v5;
	v15 =	vadd.f32 v13, v6;
	v13 =	vld.idx.msk [tilespmem:v18+s22+$0x0], $0xffff  }
0x88: {  	v6 =	vld.idx.msk [tilespmem:v14+s31+$0x0], $0xffff  }
0x89: {  	v5 =	vor.u32 s11, v3;
	v16 =	vmul.f32 v19, v10;
	v15 =	vadd.f32 v9, v15;
	v14 =	vld.idx.msk [tilespmem:v18+s24+$0x0], $0xffff  }
0x8a: {  	s11 =	sadd.s32 $0x4, s11;
	v9 =	vmov s10;
	v10 =	vld.idx.msk [tilespmem:v8+s5+$0x0], $0xffff  }
0x8b: {  	_ =	sdelay $0x2  }
0x8c: {  	v15 =	vadd.f32 v16, v15;
	v4 =	vmul.f32 v12, v4  }
0x8d: {  	v33 =	vld.idx.msk [tilespmem:v11+s22+$0x0], $0xffff  }
0x8e: {  	s11 =	sadd.s32 $0x1, s10;
	v8 =	vld.idx.msk [tilespmem:v8+s31+$0x0], $0xffff;
	v7 =	vmul.f32 v13, v7;
	v4 =	vadd.f32 v4, v15  }
0x8f: {  	v35 =	vld.idx.msk [tilespmem:v11+s24+$0x0], $0xffff;
	v34 =	vor.u32 s11, v3  }
0x90: {  	v36 =	vld.idx.msk [tilespmem:v5+s5+$0x0], $0xffff;
	v37 =	vmov s11;
	v6 =	vmul.f32 v14, v6;
	v4 =	vadd.f32 v7, v4  }
0x91: {  	v38 =	vld.idx.msk [tilespmem:v9+s22+$0x0], $0xffff  }
0x92: {  	v39 =	vld.idx.msk [tilespmem:v5+s31+$0x0], $0xffff;
	s12 =	sadd.s32 $0x2, s10;
	v40 =	vmul.f32 v33, v10;
	v4 =	vadd.f32 v6, v4  }
0x93: {  	v41 =	vld.idx.msk [tilespmem:v9+s24+$0x0], $0xffff;
	v42 =	vor.u32 s12, v3  }
0x94: {  	v44 =	vmov s12;
	v45 =	vmul.f32 v35, v8;
	v43 =	vld.idx.msk [tilespmem:v34+s5+$0x0], $0xffff;
	v4 =	vadd.f32 v40, v4  }
0x95: {  	v46 =	vld.idx.msk [tilespmem:v37+s22+$0x0], $0xffff  }
0x96: {  	s12 =	sadd.s32 $0x3, s10;
	v7 =	vmul.f32 v38, v36;
	v47 =	vld.idx.msk [tilespmem:v34+s31+$0x0], $0xffff;
	v4 =	vadd.f32 v45, v4  }
0x97: {  	v3 =	vor.u32 s12, v3;
	v48 =	vld.idx.msk [tilespmem:v37+s24+$0x0], $0xffff  }
0x98: {  	v50 =	vmov s12;
	v5 =	vmul.f32 v41, v39;
	v49 =	vld.idx.msk [tilespmem:v42+s5+$0x0], $0xffff;
	v4 =	vadd.f32 v7, v4  }
0x99: {  	v51 =	vld.idx.msk [tilespmem:v44+s22+$0x0], $0xffff  }
0x9a: {  	v52 =	vld.idx.msk [tilespmem:v42+s31+$0x0], $0xffff;
	v53 =	vmul.f32 v46, v43;
	v4 =	vadd.f32 v5, v4  }
0x9b: {  	v54 =	vld.idx.msk [tilespmem:v44+s24+$0x0], $0xffff  }
0x9c: {  	v55 =	vld.idx.msk [tilespmem:v3+s5+$0x0], $0xffff;
	v56 =	vmul.f32 v48, v47;
	v4 =	vadd.f32 v53, v4  }
0x9d: {  	s9 =	sor.u32 s0, s9;
	v57 =	vld.idx.msk [tilespmem:v50+s22+$0x0], $0xffff  }
0x9e: {  	v59 =	vor.u32 s9, v0;
	v3 =	vld.idx.msk [tilespmem:v3+s31+$0x0], $0xffff;
	v58 =	vmul.f32 v51, v49;
	v4 =	vadd.f32 v56, v4  }
0x9f: {  	v60 =	vld.idx.msk [tilespmem:v50+s24+$0x0], $0xffff  }
0xa0: {  	v61 =	vmul.f32 v54, v52;
	v4 =	vadd.f32 v58, v4;
	_ =	sdelay $0x1  }
0xa1: {  	v62 =	vmul.f32 v57, v55;
	v4 =	vadd.f32 v61, v4  }
0xa2: {  	v63 =	vld.idx.msk [tilespmem:v59+s25+$0x0], $0xffff  }
0xa3: {  	s8 =	sadd.s32 $0x1, s8;
	v3 =	vmul.f32 v60, v3;
	v4 =	vadd.f32 v62, v4  }
0xa4: {  	p1 =	sne.s32 s8, $0x4  }
.Ltmp1:
0xa5: {  	v3 =	vadd.f32 v3, v4;
	(pc) =	sbr.rel @p1 .LBB2_3-.Ltmp1, $3  }
0xa6: {  	_ = 	snop  }
0xa7: {  	v3 =	vmul.f32 v63, v3;
	_ =	sdelay $0x1  }
0xa8: {  	[tilespmem:s9+$0x4600] =	vst v3  }
0xa9: {  	s29 =	sadd.s32 $0x1, s29  }
0xaa: {  	p1 =	sne.s32 s29, $0xA  }
.Ltmp2:
0xab: {  	_ = 	snop;
	(pc) =	sbr.rel @p1 .LBB2_2-.Ltmp2, $1  }
0xac: {  	_ =	sdelay $0x3  }
0xad: {  	s0 =	simm.s32 $0x4600  }
0xae: {  	[spmem:s15] =	stream.linear.scatter [tilespmem:s0], [sflag:$0x2], $0x280, $0x38;
	[tilespmem:$0xF180] =	vst v63  }
0xaf: {  	_ =	swait.ge [sflag:s23], $0x280  }
0xb0: {  	[sflag:s23] =	ssyncset.done $0x0  }
0xb1: {  	[sflag:s23] =	ssyncadd.s32 $0xFFFFFD80  }
0xb2: {  	[bflag:$0x0] =	sbarrier.arrive $0xFFFF  }
0xb3: {  	s29 =	rddreg [dreg:$0x3]  }
0xb4: {  	[tilespmem:s2], [sflag:$0x2] =	stream.linear.gather [spmem:s29], $0x2800, $0x38;
	[tilespmem:$0xF180] =	vst v63  }
0xb5: {  	s8 =	smov.u32 s21;
	_ =	swait.ge [sflag:s23], $0x2800  }
0xb6: {  	s9 =	smov.u32 s20;
	s10 =	smov.u32 s19;
	[sflag:s23] =	ssyncset.done $0x0  }
0xb7: {  	s11 =	simm.s32 $0x0;
	s0 =	simm.s32 $0x0;
	[sflag:s23] =	ssyncadd.s32 $0xFFFFD800  }
.LBB2_8:
0xb8: {  	p1 =	slt.u32 s11, $0x8  }
0xb9: {  	s12 =	simm.s32 @!p1 $0x1  }
0xba: {  	_ =	swait.ge @!p1 [sflag:s12], $0x80  }
0xbb: {  	[sflag:s12] =	ssyncset.done @!p1 $0x0  }
0xbc: {  	[sflag:s12] =	ssyncadd.s32 @!p1 $0xFFFFFF80  }
0xbd: {  	v3 =	vld [tilespmem:s9+$0xFFFFFFC0];
	_ =	sdelay $0x6  }
0xbe: {  	v4 =	vld [tilespmem:s8+$0xFFFFFFC0]  }
0xbf: {  	v3 =	vld.idx.msk [tilespmem:v3+s2+$0x0], $0xffff;
	_ =	sdelay $0x4  }
0xc0: {  	v3 =	vmul.f32 v3, v4  }
0xc1: {  	s29 =	sand.u32 $0x380, s0  }
0xc2: {  	[tilespmem:s29+$0xE880] =	vst v3  }
0xc3: {  	v3 =	vld [tilespmem:s9+$0xFFFFFFD0];
	_ =	sdelay $0x6  }
0xc4: {  	v57 =	vld [tilespmem:s8+$0xFFFFFFD0]  }
0xc5: {  	v3 =	vld.idx.msk [tilespmem:v3+s2+$0x0], $0xffff;
	_ =	sdelay $0x4  }
0xc6: {  	v3 =	vmul.f32 v3, v57;
	_ =	sdelay $0x1  }
0xc7: {  	[tilespmem:s29+$0xE890] =	vst v3  }
0xc8: {  	v3 =	vld [tilespmem:s9+$0xFFFFFFE0];
	_ =	sdelay $0x6  }
0xc9: {  	v58 =	vld [tilespmem:s8+$0xFFFFFFE0]  }
0xca: {  	v3 =	vld.idx.msk [tilespmem:v3+s2+$0x0], $0xffff;
	_ =	sdelay $0x4  }
0xcb: {  	v3 =	vmul.f32 v3, v58;
	_ =	sdelay $0x1  }
0xcc: {  	[tilespmem:s29+$0xE8A0] =	vst v3  }
0xcd: {  	v3 =	vld [tilespmem:s9+$0xFFFFFFF0];
	_ =	sdelay $0x6  }
0xce: {  	v59 =	vld [tilespmem:s8+$0xFFFFFFF0]  }
0xcf: {  	v3 =	vld.idx.msk [tilespmem:v3+s2+$0x0], $0xffff;
	_ =	sdelay $0x4  }
0xd0: {  	v3 =	vmul.f32 v3, v59;
	_ =	sdelay $0x1  }
0xd1: {  	[tilespmem:s29+$0xE8B0] =	vst v3  }
0xd2: {  	v3 =	vld [tilespmem:s9+$0x0];
	_ =	sdelay $0x6  }
0xd3: {  	v60 =	vld [tilespmem:s8+$0x0]  }
0xd4: {  	v3 =	vld.idx.msk [tilespmem:v3+s2+$0x0], $0xffff;
	_ =	sdelay $0x4  }
0xd5: {  	v3 =	vmul.f32 v3, v60;
	_ =	sdelay $0x1  }
0xd6: {  	[tilespmem:s29+$0xE8C0] =	vst v3  }
0xd7: {  	v3 =	vld [tilespmem:s9+$0x10];
	_ =	sdelay $0x6  }
0xd8: {  	v61 =	vld [tilespmem:s8+$0x10]  }
0xd9: {  	v3 =	vld.idx.msk [tilespmem:v3+s2+$0x0], $0xffff;
	_ =	sdelay $0x4  }
0xda: {  	v3 =	vmul.f32 v3, v61;
	_ =	sdelay $0x1  }
0xdb: {  	[tilespmem:s29+$0xE8D0] =	vst v3  }
0xdc: {  	v3 =	vld [tilespmem:s9+$0x20];
	_ =	sdelay $0x6  }
0xdd: {  	v62 =	vld [tilespmem:s8+$0x20]  }
0xde: {  	v3 =	vld.idx.msk [tilespmem:v3+s2+$0x0], $0xffff;
	_ =	sdelay $0x4  }
0xdf: {  	v3 =	vmul.f32 v3, v62;
	_ =	sdelay $0x1  }
0xe0: {  	[tilespmem:s29+$0xE8E0] =	vst v3  }
0xe1: {  	v3 =	vld [tilespmem:s9+$0x30];
	_ =	sdelay $0x6  }
0xe2: {  	v63 =	vld [tilespmem:s8+$0x30]  }
0xe3: {  	v3 =	vld.idx.msk [tilespmem:v3+s2+$0x0], $0xffff;
	_ =	sdelay $0x2  }
0xe4: {  	s11 =	sadd.s32 $0x1, s11  }
0xe5: {  	p1 =	sne.s32 s11, $0x28  }
.Ltmp3:
0xe6: {  	v3 =	vmul.f32 v3, v63;
	(pc) =	sbr.rel @p1 .LBB2_8-.Ltmp3, $4  }
0xe7: {  	_ = 	snop  }
0xe8: {  	s0 =	sadd.s32 $0x80, s0;
	s26 =	sadd.s32 $0xE880, s29;
	[tilespmem:s29+$0xE8F0] =	vst v3  }
0xe9: {  	[spmem:s3] =	stream.indirect.scatter.add.f32 [tilespmem:s26], [sflag:$0x1], $0x1, s10, s1, $0xb8;
	[tilespmem:$0xF180] =	vst v63  }
0xea: {  	s9 =	sadd.s32 $0x80, s9;
	s8 =	sadd.s32 $0x80, s8;
	s10 =	sadd.s32 $0x80, s10  }
0xeb: {  	_ =	swait.ge [sflag:s4], $0x80  }
0xec: {  	[sflag:s4] =	ssyncset.done $0x0  }
0xed: {  	[sflag:s4] =	ssyncadd.s32 $0xFFFFFF80  }
0xee: {  	_ =	swait.ge [sflag:s4], $0x80  }
0xef: {  	[sflag:s4] =	ssyncset.done $0x0  }
0xf0: {  	[sflag:s4] =	ssyncadd.s32 $0xFFFFFF80  }
0xf1: {  	_ =	swait.ge [sflag:s4], $0x80  }
0xf2: {  	[sflag:s4] =	ssyncset.done $0x0  }
0xf3: {  	[sflag:s4] =	ssyncadd.s32 $0xFFFFFF80  }
0xf4: {  	_ =	swait.ge [sflag:s4], $0x80  }
0xf5: {  	[sflag:s4] =	ssyncset.done $0x0  }
0xf6: {  	[sflag:s4] =	ssyncadd.s32 $0xFFFFFF80  }
0xf7: {  	_ =	swait.ge [sflag:s4], $0x80  }
0xf8: {  	[sflag:s4] =	ssyncset.done $0x0  }
0xf9: {  	[sflag:s4] =	ssyncadd.s32 $0xFFFFFF80  }
0xfa: {  	_ =	swait.ge [sflag:s4], $0x80  }
0xfb: {  	[sflag:s4] =	ssyncset.done $0x0  }
0xfc: {  	[sflag:s4] =	ssyncadd.s32 $0xFFFFFF80  }
0xfd: {  	_ =	swait.ge [sflag:s4], $0x80  }
0xfe: {  	[sflag:s4] =	ssyncset.done $0x0  }
0xff: {  	[sflag:s4] =	ssyncadd.s32 $0xFFFFFF80  }
0x100: {  	_ =	swait.ge [sflag:s4], $0x80  }
0x101: {  	[sflag:s4] =	ssyncset.done $0x0  }
0x102: {  	[sflag:s4] =	ssyncadd.s32 $0xFFFFFF80  }
0x103: {  	[bflag:$0x0] =	sbarrier.arrive $0xFFFF  }
0x104: {  	[tilespmem:s30], [sflag:$0x2] =	stream.linear.gather [spmem:s13], $0x280, $0x38;
	[tilespmem:$0xF180] =	vst v63  }
0x105: {  	_ =	swait.ge [sflag:s23], $0x280  }
0x106: {  	[sflag:s23] =	ssyncset.done $0x0  }
0x107: {  	s0 =	simm.s32 $0x100;
	[sflag:s23] =	ssyncadd.s32 $0xFFFFFD80  }
0x108: {  	[hbm4b:s16+s1] =	stream.strided.scatter [tilespmem:s30], [sflag:$0x2], $0x280, s0, s1, $0x38;
	[tilespmem:$0xF180] =	vst v63  }
0x109: {  	_ =	swait.ge [sflag:s23], $0x280  }
0x10a: {  	s8 =	simm.s32 @!p0 $0x4600;
	s28 =	sadd.s32 $0x1, s28;
	[sflag:s23] =	ssyncset.done $0x0  }
0x10b: {  	p1 =	sne.s32 s28, s18;
	s0 =	simm.s32 @!p0 $0x0;
	[sflag:s23] =	ssyncadd.s32 $0xFFFFFD80  }
0x10c: {  	[hbm4b:s17+s0] =	stream.linear.scatter @!p0 [tilespmem:s8], [sflag:$0x2], $0x280, $0x38;
	[tilespmem:$0xF180] =	vst v63  }
.Ltmp4:
0x10d: {  	_ = 	snop;
	(pc) =	sbr.rel @p1 .LBB2_1-.Ltmp4, $4  }
0x10e: {  	s0 =	simm.s32 @!p0 $0x2  }
0x10f: {  	_ =	swait.ge @!p0 [sflag:s0], $0x280  }
0x110: {  	[sflag:s0] =	ssyncset.done @!p0 $0x0  }
0x111: {  	[sflag:s0] =	ssyncadd.s32 @!p0 $0xFFFFFD80  }
0x112: {  	_ =	sfence.sel $0x180000  }
0x113: {  	[bflag:$0x0] =	sbarrier.arrive $0xFFFF  }
0x114: {  	_ =	strace $0x9000004D  }
0x115: {  	s0 =	stileid.u32;
	[bflag:$0x2] =	sbarrier.arrive $0xFFFF  }
0x116: {  	p0 =	sne.s32 s0, $0x0;
	s0 =	rddreg [dreg:$0x4]  }
0x117: {  	s0 =	sadd.s32 @!p0 $0x100000, s0  }
0x118: {  	[sflag:s0] =	ssyncadd.tile.s32 @!p0 $0x1;
	_ =	shalt  }
.Lfunc_end2:
_tile_overlayer_lowered:
.L_overlay_start_2:
0x119: {  	(tag) =	ssettag $0x2  }
0x11a: {  	s0 =	rddreg [dreg:$0x0];
	s2 =	stileid.u32  }
0x11b: {  	s1 =	rddreg [dreg:$0x1];
	p0 =	sne.s32 s2, $0x0  }
0x11c: {  	s3 =	rddreg [dreg:$0x2];
	[bflag:$0x3] =	sbarrier.arrive $0xFFFF;
	s2 =	simm.s32 @!p0 $0x1C02  }
0x11d: {  	[timem:s3], [sflag:s2] =	dma.local @!p0 [hbm:s0], s1  }
0x11e: {  	s0 =	simm.s32 @!p0 $0x2  }
0x11f: {  	_ =	swait.ge @!p0 [sflag:s0], s1  }
0x120: {  	s1 =	ssub.s32 @!p0 $0x0, s1;
	[sflag:s0] =	ssyncset.done @!p0 $0x0  }
0x121: {  	[sflag:s0] =	ssyncadd.s32 @!p0 s1  }
0x122: {  	[bflag:$0x3] =	sbarrier.arrive $0xFFFF  }
0x123: {  	_ =	shalt  }

// kernel: kernel.8.cloned.1.call-start
scs
__scs_entry_jumppad:
0x0: {  	(pc) =	sbr.rel $0x88, $3  }
0x1: {  	(tag) =	ssettag $0x0;
	lr =	simm.s32 $0x1  }
0x2: {  	[smem:$0x3F9A] =	sst lr;
	_ =	strace $0xD0000000  }
0x3: {  	_ = 	snop  }
0x4: {  	_ = 	snop  }
0x5: {  	_ = 	snop  }
0x6: {  	_ = 	snop  }
0x7: {  	_ = 	snop  }
__scs_overlays_trampoline_lowered:
0x8: {  	[smem:$0x3FA9] =	sst s0  }
0x9: {  	[smem:$0x3FAA] =	sst s1  }
0xa: {  	[smem:$0x3FAB] =	sst s2  }
0xb: {  	[smem:$0x3FAC] =	sst s3  }
0xc: {  	[smem:$0x3FAD] =	sst s4  }
0xd: {  	[smem:$0x3FAE] =	sst s5  }
0xe: {  	[smem:$0x3FAF] =	sst s6  }
0xf: {  	[smem:$0x3FB0] =	sst s7  }
0x10: {  	[smem:$0x3FB1] =	sst s8  }
0x11: {  	[smem:$0x3FB2] =	sst s9;
	s0 =	simm.s32 @!p0 $0x0  }
0x12: {  	s1 =	sld [smem:$0x3F98];
	s0 =	simm.s32 @p0 $0x1  }
0x13: {  	[smem:$0x3FB3] =	sst s0;
	s0 =	simm.s32 @!p1 $0x0  }
0x14: {  	s2 =	sld [smem:$0x3F97];
	s0 =	simm.s32 @p1 $0x1  }
0x15: {  	[smem:$0x3FB4] =	sst s0;
	s0 =	simm.s32 @!p2 $0x0  }
0x16: {  	s3 =	sld [smem:$0x3FDB];
	s0 =	simm.s32 @p2 $0x1  }
0x17: {  	s4 =	simm.s32 $0x1BF5;
	[smem:$0x3FB6] =	sst s0  }
0x18: {  	s0 =	sld [smem:$0x3F99];
	_ =	swait.ge [sflag:s4], $0x0  }
0x19: {  	s7 =	sld [smem:$0x3F9A]  }
0x1a: {  	s8 =	sadd.s32 $0xFFFFE003, lr  }
0x1b: {  	s9 =	sadd.s32 $0xFFFFFEF7, lr;
	s5 =	simm.s32 $0xFFFFFFFF;
	p2 =	slt.u32 s8, $0xFFFFF086  }
0x1c: {  	p1 =	slt.u32 s9, $0xF7A;
	s5 =	simm.s32 @!p2 $0x0  }
0x1d: {  	s5 =	simm.s32 @p1 $0x1;
	p0 =	seq.s32 s7, s2  }
0x1e: {  	s7 =	smul.u32 @!p0 $0xF7A, s2;
	p2 =	seq.s32 @!p0 s5, $0x0  }
0x1f: {  	s9 =	smul.u32 $0xF7A, s1;
	s8 =	simm.s32 @!p0 $0x1BF5;
	p2 =	por !p2, p0  }
0x20: {  	[sflag:s8] =	ssyncset.s32 @!p0 $0xFFFFF086;
	s6 =	sadd.s32 @!p0 s3, s7;
	s7 =	simm.s32 @!p0 $0x108  }
0x21: {  	s3 =	sadd.s32 s3, s9;
	s6 =	sadd.s32 @!p0 $0x88, s6;
	s7 =	simm.s32 @p2 $0x1082  }
0x22: {  	[simem:s7], [sflag:s8] =	dma.local @!p0 [hbm:s6], $0xF7A  }
0x23: {  	s9 =	sor.u32 $0xD0000000, s2;
	s6 =	simm.s32 $0x108;
	_ =	swait.ge @!p0 [sflag:s8], $0x0  }
0x24: {  	s3 =	sadd.s32 $0x88, s3;
	s6 =	simm.s32 @!p1 $0x1082;
	[sflag:s4] =	ssyncset.s32 $0xFFFFF086  }
0x25: {  	[simem:s6], [sflag:s4] =	dma.local [hbm:s3], $0xF7A  }
0x26: {  	[smem:$0x3F9A] =	sst s1;
	(tag) =	ssettag s2;
	_ =	strace s9  }
0x27: {  	s1 =	sld [smem:$0x3FAA]  }
0x28: {  	s2 =	sld [smem:$0x3FAB]  }
0x29: {  	s4 =	sld [smem:$0x3FAD]  }
0x2a: {  	p0 =	seq.s32 s5, $0x0;
	s5 =	sld [smem:$0x3FAE]  }
0x2b: {  	s6 =	sld [smem:$0x3FAF]  }
0x2c: {  	s7 =	sld [smem:$0x3FB0]  }
0x2d: {  	s3 =	simm.s32 $0x108;
	s8 =	sld [smem:$0x3FB1]  }
0x2e: {  	s3 =	simm.s32 @!p0 $0x1082;
	s9 =	sld [smem:$0x3FB2]  }
0x2f: {  	lr =	sadd.s32 s0, s3;
	s0 =	sld [smem:$0x3FA9]  }
0x30: {  	s3 =	sld [smem:$0x3FAC]  }
0x31: {  	[smem:$0x3FB5] =	sst s10  }
0x32: {  	s10 =	sld [smem:$0x3FB3];
	_ =	sdelay $0x3  }
0x33: {  	p0 =	seq.s32 s10, $0x1;
	s10 =	sld [smem:$0x3FB5];
	_ =	sdelay $0x3  }
0x34: {  	[smem:$0x3FB5] =	sst s10  }
0x35: {  	s10 =	sld [smem:$0x3FB4];
	_ =	sdelay $0x3  }
0x36: {  	p1 =	seq.s32 s10, $0x1;
	s10 =	sld [smem:$0x3FB5];
	_ =	sdelay $0x3  }
0x37: {  	[smem:$0x3FB5] =	sst s10  }
0x38: {  	s10 =	sld [smem:$0x3FB6]  }
0x39: {  	_ = 	snop;
	(pc) =	sbr.ind lr, $3  }
0x3a: {  	_ = 	snop  }
0x3b: {  	_ = 	snop  }
0x3c: {  	p2 =	seq.s32 s10, $0x1;
	s10 =	sld [smem:$0x3FB5]  }
0x3d: {  	_ =	shalt  }
0x3e: {  	_ =	shalt  }
0x3f: {  	_ =	shalt  }
0x40: {  	_ =	shalt  }
0x41: {  	_ =	shalt  }
0x42: {  	_ =	shalt  }
0x43: {  	_ =	shalt  }
0x44: {  	_ =	shalt  }
0x45: {  	_ =	shalt  }
0x46: {  	_ =	shalt  }
0x47: {  	_ =	shalt  }
0x48: {  	_ =	shalt  }
0x49: {  	_ =	shalt  }
0x4a: {  	_ =	shalt  }
0x4b: {  	_ =	shalt  }
0x4c: {  	_ =	shalt  }
0x4d: {  	_ =	shalt  }
0x4e: {  	_ =	shalt  }
0x4f: {  	_ =	shalt  }
0x50: {  	_ =	shalt  }
0x51: {  	_ =	shalt  }
0x52: {  	_ =	shalt  }
0x53: {  	_ =	shalt  }
0x54: {  	_ =	shalt  }
0x55: {  	_ =	shalt  }
0x56: {  	_ =	shalt  }
0x57: {  	_ =	shalt  }
0x58: {  	_ =	shalt  }
0x59: {  	_ =	shalt  }
0x5a: {  	_ =	shalt  }
0x5b: {  	_ =	shalt  }
0x5c: {  	_ =	shalt  }
0x5d: {  	_ =	shalt  }
0x5e: {  	_ =	shalt  }
0x5f: {  	_ =	shalt  }
0x60: {  	_ =	shalt  }
0x61: {  	_ =	shalt  }
0x62: {  	_ =	shalt  }
0x63: {  	_ =	shalt  }
0x64: {  	_ =	shalt  }
0x65: {  	_ =	shalt  }
0x66: {  	_ =	shalt  }
0x67: {  	_ =	shalt  }
0x68: {  	_ =	shalt  }
0x69: {  	_ =	shalt  }
0x6a: {  	_ =	shalt  }
0x6b: {  	_ =	shalt  }
0x6c: {  	_ =	shalt  }
0x6d: {  	_ =	shalt  }
0x6e: {  	_ =	shalt  }
0x6f: {  	_ =	shalt  }
0x70: {  	_ =	shalt  }
0x71: {  	_ =	shalt  }
0x72: {  	_ =	shalt  }
0x73: {  	_ =	shalt  }
0x74: {  	_ =	shalt  }
0x75: {  	_ =	shalt  }
0x76: {  	_ =	shalt  }
0x77: {  	_ =	shalt  }
0x78: {  	_ =	shalt  }
0x79: {  	_ =	shalt  }
0x7a: {  	_ =	shalt  }
0x7b: {  	_ =	shalt  }
0x7c: {  	_ =	shalt  }
0x7d: {  	_ =	shalt  }
0x7e: {  	_ =	shalt  }
0x7f: {  	_ =	shalt  }
0x80: {  	_ =	shalt  }
0x81: {  	_ =	shalt  }
0x82: {  	_ =	shalt  }
0x83: {  	_ =	shalt  }
0x84: {  	_ =	shalt  }
0x85: {  	_ =	shalt  }
0x86: {  	_ =	shalt  }
0x87: {  	_ =	shalt  }
.Lfunc_end0:
.L_simem_size_0:
called_computation_lowered:
.L_overlay_start_0:
0x88: {  	s0 =	sld [smem:$0x3FD9]  }
0x89: {  	s1 =	sld [smem:$0x3FFE];
	_ =	sdelay $0x3  }
0x8a: {  	s0 =	sadd.s32 s1, s0  }
0x8b: {  	[smem:$0x3FC1] =	sst s0  }
0x8c: {  	_ = 	snop  }
0x8d: {  	(tm) =	ssettm $0x1  }
0x8e: {  	s15 =	sld [smem:$0x3FFB];
	_ =	sdelay $0x3  }
0x8f: {  	_ =	strace s15  }
0x90: {  	s0 =	sld [smem:$0x3FFC];
	_ =	sdelay $0x3  }
0x91: {  	_ =	strace s0  }
0x92: {  	s0 =	sld [smem:$0x3FFD];
	_ =	sdelay $0x3  }
0x93: {  	_ =	strace s0  }
0x94: {  	_ =	strace $0x8FFFFFFF  }
0x95: {  	s16 =	sld [smem:$0x3FDB];
	_ =	sdelay $0x1  }
0x96: {  	s17 =	simm.s32 $_scs_section_size  }
0x97: {  	s2 =	simm.s32 $_size__tile_overlayer_lowered;
	s3 =	simm.s32 $_tile_overlayer_lowered  }
0x98: {  	s20 =	simm.s32 $0x1BFF;
	s19 =	sshll.u32 s3, $0x1;
	s0 =	sadd.s32 s17, s16  }
0x99: {  	s4 =	simm.s32 $0x0;
	s18 =	sshll.u32 s2, $0x1;
	s2 =	sadd.s32 s19, s0  }
0x9a: {  	[timem:s4], [sflag:s20] =	dma.local [hbm:s2], s18  }
0x9b: {  	_ =	swait.ge [sflag:s20], s18  }
0x9c: {  	s1 =	ssub.s32 $0x0, s18;
	[sflag:s20] =	ssyncset.done $0x0  }
0x9d: {  	[sflag:s20] =	ssyncadd.s32 s1;
	_ =	sdelay $0x1  }
0x9e: {  	s21 =	simm.s32 $0x1B8B  }
0x9f: {  	_ =	swait.ge [sflag:s21], $0x1  }
0xa0: {  	[sflag:s21] =	ssyncset.done $0x0  }
0xa1: {  	s23 =	simm.s32 $0x1B8E;
	s22 =	sld [smem:$0x3FFE];
	[sflag:s21] =	ssyncadd.s32 $0xFFFFFFFF  }
0xa2: {  	s24 =	simm.s32 $execute0_lowered;
	[smem:$0x3FD2] =	sst s23  }
0xa3: {  	s2 =	sshll.u32 s24, $0x1;
	_ =	strace $0x80000046;
	[dreg:$0x1] =	wrdreg $0xFFFFFFFF  }
0xa4: {  	s25 =	simm.s32 $_size_execute0_lowered;
	s0 =	sadd.s32 s0, s2;
	[dreg:$0x0] =	wrdreg $0x0  }
0xa5: {  	s2 =	sshll.u32 s25, $0x1;
	[dreg:$0x2] =	wrdreg s0  }
0xa6: {  	[dreg:$0x3] =	wrdreg s2  }
0xa7: {  	[dreg:$0x4] =	wrdreg $0xC0  }
0xa8: {  	_ =	task [dreg:s4], $0x5FFFF  }
0xa9: {  	[dreg:$0x1] =	wrdreg $0xFFFFFFFF  }
0xaa: {  	[dreg:$0x0] =	wrdreg $0x60  }
0xab: {  	[dreg:$0x2] =	wrdreg s22  }
0xac: {  	[dreg:$0x3] =	wrdreg $0x52800  }
0xad: {  	[dreg:$0x4] =	wrdreg $0x9  }
0xae: {  	_ =	task.clear_ibuf [dreg:s4], $0x5FFFF;
	_ =	strace $0x90000046  }
0xaf: {  	s26 =	simm.s32 $0x9;
	_ =	strace $0x80000048  }
0xb0: {  	_ =	swait.ge [sflag:s26], $0x1  }
0xb1: {  	[sflag:s26] =	ssyncadd.s32 $0xFFFFFFFF  }
0xb2: {  	_ =	strace $0x90000048  }
0xb3: {  	_ =	sfence  }
0xb4: {  	s28 =	sld [smem:$0x0];
	_ =	sdelay $0x1  }
0xb5: {  	s29 =	srdreg.scid  }
0xb6: {  	s30 =	sshll.u32 s29, $0xD;
	s31 =	sshrl.u32 s29, $0x2  }
0xb7: {  	s1 =	sand.u32 $0x1, s29;
	s2 =	sand.u32 $0x4000, s30;
	s0 =	sadd.s32 s31, s28  }
0xb8: {  	s1 =	sor.u32 s2, s1;
	s0 =	sshll.u32 s0, $0x11  }
0xb9: {  	s0 =	sor.u32 s0, s1  }
0xba: {  	s0 =	sadd.s32 $0x8F2B, s0  }
0xbb: {  	[sflag:s0] =	ssyncadd.remote.s32 $0x1  }
0xbc: {  	_ =	sfence.sel $0xFFFF  }
0xbd: {  	[dreg:$0x0] =	wrdreg $0xFFFFFFFF;
	(pc) =	sbr.abs _section_cstart, $3  }
0xbe: {  	[dreg:$0x1] =	wrdreg $0xFFFFFFFF  }
0xbf: {  	_ =	task.clear_ibuf [dreg:s4], $0x2FFFF;
	_ =	strace $0x9FFFFFFF  }
0xc0: {  	(tm) =	ssettm $0x7FFFFFFF  }
0xc1: {  	_ =	shalt  }
tec
execute0_lowered:
.L_overlay_start_1:
0x0: {  	(tag) =	ssettag $0x1  }
0x1: {  	s5 =	rddreg [dreg:$0x0]  }
0x2: {  	s2 =	rddreg [dreg:$0x1];
	s6 =	simm.s32 $0x0  }
0x3: {  	v0 =	vimm.f32 $0.0e+00;
	[smem:$0x7FF] =	sst s6  }
0x4: {  	s0 =	rddreg [dreg:$0x2];
	_ =	strace $0x80000047;
	[tilespmem:$0x5000] =	vst v0  }
0x5: {  	[tilespmem:$0x5010] =	vst v0  }
0x6: {  	[tilespmem:$0x5020] =	vst v0  }
0x7: {  	[tilespmem:$0x5030] =	vst v0  }
0x8: {  	[tilespmem:$0x5040] =	vst v0  }
0x9: {  	[tilespmem:$0x5050] =	vst v0  }
0xa: {  	[tilespmem:$0x5060] =	vst v0  }
0xb: {  	[tilespmem:$0x5070] =	vst v0  }
0xc: {  	[tilespmem:$0x5080] =	vst v0  }
0xd: {  	[tilespmem:$0x5090] =	vst v0  }
0xe: {  	[tilespmem:$0x50A0] =	vst v0  }
0xf: {  	[tilespmem:$0x50B0] =	vst v0  }
0x10: {  	[tilespmem:$0x50C0] =	vst v0  }
0x11: {  	[tilespmem:$0x50D0] =	vst v0  }
0x12: {  	[tilespmem:$0x50E0] =	vst v0  }
0x13: {  	[tilespmem:$0x50F0] =	vst v0  }
0x14: {  	[tilespmem:$0x5100] =	vst v0  }
0x15: {  	[tilespmem:$0x5110] =	vst v0  }
0x16: {  	[tilespmem:$0x5120] =	vst v0  }
0x17: {  	[tilespmem:$0x5130] =	vst v0  }
0x18: {  	[tilespmem:$0x5140] =	vst v0  }
0x19: {  	[tilespmem:$0x5150] =	vst v0  }
0x1a: {  	[tilespmem:$0x5160] =	vst v0  }
0x1b: {  	[tilespmem:$0x5170] =	vst v0  }
0x1c: {  	[tilespmem:$0x5180] =	vst v0  }
0x1d: {  	[tilespmem:$0x5190] =	vst v0  }
0x1e: {  	[tilespmem:$0x51A0] =	vst v0  }
0x1f: {  	[tilespmem:$0x51B0] =	vst v0  }
0x20: {  	[tilespmem:$0x51C0] =	vst v0  }
0x21: {  	[tilespmem:$0x51D0] =	vst v0  }
0x22: {  	[tilespmem:$0x51E0] =	vst v0  }
0x23: {  	[tilespmem:$0x51F0] =	vst v0  }
0x24: {  	[tilespmem:$0x5200] =	vst v0  }
0x25: {  	[tilespmem:$0x5210] =	vst v0  }
0x26: {  	[tilespmem:$0x5220] =	vst v0  }
0x27: {  	[tilespmem:$0x5230] =	vst v0  }
0x28: {  	s1 =	stileid.u32;
	[tilespmem:$0x5240] =	vst v0  }
0x29: {  	s3 =	smul.u32 $0x280, s1;
	[tilespmem:$0x5250] =	vst v0  }
0x2a: {  	s7 =	simm.s32 $0x5000;
	[tilespmem:$0x5260] =	vst v0  }
0x2b: {  	s8 =	simm.s32 $0x2;
	s30 =	smul.u32 $0x500, s1;
	[tilespmem:$0x5270] =	vst v0;
	s4 =	sadd.s32 s3, s2  }
0x2c: {  	[spmem:s4] =	stream.linear.scatter [tilespmem:s7], [sflag:$0x2], $0x280, $0x38;
	[tilespmem:$0x5500] =	vst v63  }
0x2d: {  	_ =	swait.ge [sflag:s8], $0x280  }
0x2e: {  	s7 =	sadd.s32 s30, s5;
	[sflag:s8] =	ssyncset.done $0x0  }
0x2f: {  	s9 =	sadd.s32 $0x6600, s7;
	[sflag:s8] =	ssyncadd.s32 $0xFFFFFD80  }
0x30: {  	[tilespmem:s6], [sflag:$0x2] =	stream.linear.gather [hbm4b:s9+s6], $0x2800, $0x38;
	[tilespmem:$0x5500] =	vst v63  }
0x31: {  	_ =	swait.ge [sflag:s8], $0x2800  }
0x32: {  	[sflag:s8] =	ssyncset.done $0x0  }
0x33: {  	s31 =	sadd.s32 $0x1600, s7;
	s7 =	simm.s32 $0x2800;
	[sflag:s8] =	ssyncadd.s32 $0xFFFFD800  }
0x34: {  	[tilespmem:s7], [sflag:$0x2] =	stream.linear.gather [hbm4b:s31+s6], $0x2800, $0x38;
	[tilespmem:$0x5500] =	vst v63  }
0x35: {  	_ =	swait.ge [sflag:s8], $0x2800  }
0x36: {  	[sflag:s8] =	ssyncset.done $0x0  }
0x37: {  	p0 =	por $0x1, $0x1;
	[sflag:s8] =	ssyncadd.s32 $0xFFFFD800  }
0x38: {  	s10 =	simm.s32 @!p0 $0x1;
	s8 =	simm.s32 $0x80;
	[bflag:$0x0] =	sbarrier.arrive $0xFFFF  }
0x39: {  	[spmem:s2] =	stream.indirect.scatter.add.f32 [tilespmem:s7], [sflag:$0x1], $0x1, s6, s8, $0xb8;
	[tilespmem:$0x5500] =	vst v63  }
0x3a: {  	s5 =	sadd.s32 $0x10600, s5;
	_ =	swait.ge @!p0 [sflag:s10], $0x80  }
0x3b: {  	s9 =	simm.s32 $0x80;
	s6 =	simm.s32 $0x1;
	[sflag:s10] =	ssyncset.done @!p0 $0x0  }
.LBB2_1:
0x3c: {  	[sflag:s10] =	ssyncadd.s32 @!p0 $0xFFFFFF80  }
0x3d: {  	s7 =	sadd.s32 $0x80, s7;
	s10 =	smov.u32 s6;
	s6 =	sadd.s32 $0x1, s6  }
0x3e: {  	p1 =	sne.s32 s6, $0x50  }
0x3f: {  	[spmem:s2] =	stream.indirect.scatter.add.f32 [tilespmem:s7], [sflag:$0x1], $0x1, s9, s8, $0xb8;
	[tilespmem:$0x5500] =	vst v63  }
.Ltmp0:
0x40: {  	_ = 	snop;
	(pc) =	sbr.rel @p1 .LBB2_1-.Ltmp0, $4  }
0x41: {  	p0 =	slt.u32 s10, $0x8  }
0x42: {  	s10 =	simm.s32 @!p0 $0x1  }
0x43: {  	_ =	swait.ge @!p0 [sflag:s10], $0x80  }
0x44: {  	s9 =	sadd.s32 $0x80, s9;
	[sflag:s10] =	ssyncset.done @!p0 $0x0  }
0x45: {  	[sflag:s10] =	ssyncadd.s32 @!p0 $0xFFFFFF80;
	s2 =	simm.s32 $0x1  }
0x46: {  	_ =	swait.ge [sflag:s2], $0x80  }
0x47: {  	[sflag:s2] =	ssyncset.done $0x0  }
0x48: {  	[sflag:s2] =	ssyncadd.s32 $0xFFFFFF80  }
0x49: {  	_ =	swait.ge [sflag:s2], $0x80  }
0x4a: {  	[sflag:s2] =	ssyncset.done $0x0  }
0x4b: {  	[sflag:s2] =	ssyncadd.s32 $0xFFFFFF80  }
0x4c: {  	_ =	swait.ge [sflag:s2], $0x80  }
0x4d: {  	[sflag:s2] =	ssyncset.done $0x0  }
0x4e: {  	[sflag:s2] =	ssyncadd.s32 $0xFFFFFF80  }
0x4f: {  	_ =	swait.ge [sflag:s2], $0x80  }
0x50: {  	[sflag:s2] =	ssyncset.done $0x0  }
0x51: {  	[sflag:s2] =	ssyncadd.s32 $0xFFFFFF80  }
0x52: {  	_ =	swait.ge [sflag:s2], $0x80  }
0x53: {  	[sflag:s2] =	ssyncset.done $0x0  }
0x54: {  	[sflag:s2] =	ssyncadd.s32 $0xFFFFFF80  }
0x55: {  	_ =	swait.ge [sflag:s2], $0x80  }
0x56: {  	[sflag:s2] =	ssyncset.done $0x0  }
0x57: {  	[sflag:s2] =	ssyncadd.s32 $0xFFFFFF80  }
0x58: {  	_ =	swait.ge [sflag:s2], $0x80  }
0x59: {  	[sflag:s2] =	ssyncset.done $0x0  }
0x5a: {  	[sflag:s2] =	ssyncadd.s32 $0xFFFFFF80  }
0x5b: {  	_ =	swait.ge [sflag:s2], $0x80  }
0x5c: {  	[sflag:s2] =	ssyncset.done $0x0  }
0x5d: {  	[sflag:s2] =	ssyncadd.s32 $0xFFFFFF80  }
0x5e: {  	s29 =	simm.s32 $0x5000;
	s30 =	simm.s32 $0x2;
	[bflag:$0x0] =	sbarrier.arrive $0xFFFF  }
0x5f: {  	[tilespmem:s29], [sflag:$0x2] =	stream.linear.gather [spmem:s4], $0x280, $0x38;
	[tilespmem:$0x5500] =	vst v63  }
0x60: {  	_ =	swait.ge [sflag:s30], $0x280  }
0x61: {  	s3 =	sshrl.u32 s3, $0x3;
	[sflag:s30] =	ssyncset.done $0x0  }
0x62: {  	s31 =	simm.s32 $0x0;
	s3 =	sadd.s32 s5, s3;
	[sflag:s30] =	ssyncadd.s32 $0xFFFFFD80  }
0x63: {  	[hbm4b:s3+s31] =	stream.linear.scatter [tilespmem:s29], [sflag:$0x2], $0x280, $0x38;
	[tilespmem:$0x5500] =	vst v63  }
0x64: {  	_ =	swait.ge [sflag:s30], $0x280  }
0x65: {  	[sflag:s30] =	ssyncset.done $0x0  }
0x66: {  	[sflag:s30] =	ssyncadd.s32 $0xFFFFFD80  }
0x67: {  	_ =	sfence.sel $0x180000  }
0x68: {  	[bflag:$0x0] =	sbarrier.arrive $0xFFFF  }
0x69: {  	p0 =	sne.s32 s1, $0x0;
	_ =	strace $0x90000047  }
0x6a: {  	s0 =	sadd.s32 @!p0 $0x100000, s0;
	[bflag:$0x2] =	sbarrier.arrive $0xFFFF  }
0x6b: {  	[sflag:s0] =	ssyncadd.tile.s32 @!p0 $0x1;
	_ =	shalt  }
.Lfunc_end2:
_tile_overlayer_lowered:
.L_overlay_start_2:
0x6c: {  	(tag) =	ssettag $0x2  }
0x6d: {  	s0 =	rddreg [dreg:$0x0];
	s2 =	stileid.u32  }
0x6e: {  	s1 =	rddreg [dreg:$0x1];
	p0 =	sne.s32 s2, $0x0  }
0x6f: {  	s3 =	rddreg [dreg:$0x2];
	[bflag:$0x3] =	sbarrier.arrive $0xFFFF;
	s2 =	simm.s32 @!p0 $0x1C02  }
0x70: {  	[timem:s3], [sflag:s2] =	dma.local @!p0 [hbm:s0], s1  }
0x71: {  	s0 =	simm.s32 @!p0 $0x2  }
0x72: {  	_ =	swait.ge @!p0 [sflag:s0], s1  }
0x73: {  	s1 =	ssub.s32 @!p0 $0x0, s1;
	[sflag:s0] =	ssyncset.done @!p0 $0x0  }
0x74: {  	[sflag:s0] =	ssyncadd.s32 @!p0 s1  }
0x75: {  	[bflag:$0x3] =	sbarrier.arrive $0xFFFF  }
0x76: {  	_ =	shalt  }

</sc_bundles>
